<compile_context>
chip_gen: v7x
topology: tpu7x:2x2x1
jax: 0.10.2.dev20260603
libtpu: 0.0.44.dev20260713+nightly
codegen_flags: <defaults>
</compile_context>

<pallas_src>
import functools

import jax
import jax.numpy as jnp
from jax import lax
from jax.experimental import pallas as pl
from jax.experimental.pallas import tpu as pltpu
from jax.experimental.pallas import tpu_sc as plsc

N = 10000
E = 160000
F_IN = 256
H = 64
C = 10
G = 64

NC = 2
NS = 16
CHUNK = 128
CH0 = 60
CH1 = 20
NCHT = NS * (CH0 + CH1)
SMAX = max(CH0, CH1)
SROWS = NCHT + SMAX
E_PAD = NCHT * CHUNK
N_DUMP = N
N_TAB = N + 16
N_ACC = 10240
RPT = N_ACC // NS
DW = 16

_EPS = 1e-5


def _bn(h, g, be):
    m = jnp.mean(h, axis=0, keepdims=True)
    v = jnp.mean((h - m) ** 2, axis=0, keepdims=True)
    return g * (h - m) * lax.rsqrt(v + _EPS) + be


def _mm(a, b):
    return jnp.dot(a, b, preferred_element_type=jnp.float32)



def _zpad():
    return jnp.zeros((N_TAB - N, H), jnp.float32)


def _tc_in_body(x_ref, w_ref, b_ref, g_ref, be_ref, o_ref):
    h0 = jnp.maximum(_mm(x_ref[...], w_ref[...]) + b_ref[...], 0.0)
    o_ref[...] = jnp.concatenate(
        [_bn(h0, g_ref[...], be_ref[...]), _zpad()], axis=0)


def _combine(h_ref, acc_ref, deg_ref, wb_ref, bb_ref, gb_ref, beb_ref):
    h = h_ref[0:N, :]
    s = acc_ref[0, :N, :] + acc_ref[1, :N, :]
    degc = deg_ref[0, :N, 0:1] + deg_ref[1, :N, 0:1]
    pre = _mm(degc * h, wb_ref[0:H, :]) + _mm(s, wb_ref[H:, :]) + bb_ref[...]
    return _bn(jnp.maximum(pre, 0.0), gb_ref[...], beb_ref[...])


def _tc_mid_body(h_ref, acc_ref, deg_ref, wb_ref, bb_ref, gb_ref, beb_ref,
                 wn_ref, bn_ref, gn_ref, ben_ref, o_ref):
    out1 = _combine(h_ref, acc_ref, deg_ref, wb_ref, bb_ref, gb_ref, beb_ref)
    r = jnp.maximum(out1, 0.0)
    h0 = jnp.maximum(_mm(r, wn_ref[...]) + bn_ref[...], 0.0)
    o_ref[...] = jnp.concatenate(
        [_bn(h0, gn_ref[...], ben_ref[...]), _zpad()], axis=0)


def _tc_tail_body(h_ref, acc_ref, deg_ref, wb_ref, bb_ref, gb_ref, beb_ref,
                  batch_ref, wc1_ref, bc1_ref, gc_ref, bec_ref,
                  wc2_ref, bc2_ref, o_ref):
    hf = _combine(h_ref, acc_ref, deg_ref, wb_ref, bb_ref, gb_ref, beb_ref)
    bt = batch_ref[0:1, :]
    gid = lax.broadcasted_iota(jnp.int32, (G, N), 0)
    onehot = (gid == bt).astype(jnp.float32)
    sums = _mm(onehot, hf)
    counts = jnp.sum(onehot, axis=1, keepdims=True)
    pooled = sums / jnp.maximum(counts, 1.0)
    z = _bn(jnp.maximum(_mm(pooled, wc1_ref[...]) + bc1_ref[...], 0.0),
            gc_ref[...], bec_ref[...])
    logits = _mm(z, wc2_ref[...]) + bc2_ref[...]
    mx = jnp.max(logits, axis=1, keepdims=True)
    lse = jnp.log(jnp.sum(jnp.exp(logits - mx), axis=1, keepdims=True)) + mx
    o_ref[...] = logits - lse


_tc_in = pl.pallas_call(
    _tc_in_body, out_shape=jax.ShapeDtypeStruct((N_TAB, H), jnp.float32))
_tc_mid = pl.pallas_call(
    _tc_mid_body, out_shape=jax.ShapeDtypeStruct((N_TAB, H), jnp.float32))
_tc_tail = pl.pallas_call(
    _tc_tail_body, out_shape=jax.ShapeDtypeStruct((G, C), jnp.float32))



def _sc_spmm_body(with_deg, *refs):
    if with_deg:
        (h_hbm, ei_hbm,
         acc_out, deg_out, idx_s, idx_d, r_a, r_b, r_c, r_d, acc_sh,
         ga, gb_, gc_, gd, sa, sb, sc_, sd, ones_v, deg_sh) = refs
    else:
        (h_hbm, ei_hbm,
         acc_out, idx_s, idx_d, r_a, r_b, r_c, r_d, acc_sh,
         ga, gb_, gc_, gd, sa, sb, sc_, sd) = refs
    rows = [r_a, r_b, r_c, r_d]
    gsem = [ga, gb_, gc_, gd]
    ssem = [sa, sb, sc_, sd]

    c = lax.axis_index("c")
    s = lax.axis_index("s")
    r0 = pl.multiple_of(s * RPT, 8)
    nch = jnp.where(c == 0, CH0, CH1)
    q0 = jnp.where(c == 0, s * CH0, NS * CH0 + s * CH1)

    pltpu.async_copy(ei_hbm.at[0, pl.ds(q0, SMAX), :], idx_s, ga)
    pltpu.async_copy(ei_hbm.at[1, pl.ds(q0, SMAX), :], idx_d, gb_)

    zv = jnp.zeros((16,), jnp.float32)

    def fill(r, carry):
        for col in range(H // 16):
            rows[0][r, pl.ds(col * 16, 16)] = zv
        if with_deg:
            ones_v[r, pl.ds(0, 16)] = zv + 1.0
        return carry

    lax.fori_loop(0, CHUNK, fill, 0)
    for k in range(RPT // CHUNK):
        pltpu.sync_copy(rows[0], acc_sh.at[pl.ds(r0 + k * CHUNK, CHUNK), :])
        if with_deg:
            pltpu.sync_copy(rows[0].at[:, 0:DW],
                            deg_sh.at[pl.ds(r0 + k * CHUNK, CHUNK), :])

    pltpu.make_async_copy(ei_hbm.at[0, pl.ds(q0, SMAX), :], idx_s, ga).wait()
    pltpu.make_async_copy(ei_hbm.at[1, pl.ds(q0, SMAX), :], idx_d, gb_).wait()
    plsc.subcore_barrier()

    def gather(i, b):
        pltpu.async_copy(h_hbm.at[idx_s.at[i]], rows[b], gsem[b])

    def gather_wait(i, b):
        pltpu.make_async_copy(h_hbm.at[idx_s.at[i]], rows[b], gsem[b]).wait()

    def scatter(i, b):
        pltpu.async_copy(rows[b], acc_sh.at[idx_d.at[i]], ssem[b], add=True)
        if with_deg:
            pltpu.sync_copy(ones_v, deg_sh.at[idx_d.at[i]], add=True)

    def scatter_wait(i, b):
        pltpu.make_async_copy(rows[b], acc_sh.at[idx_d.at[i]], ssem[b]).wait()

    gather(0, 0)
    gather(1, 1)

    def quad(j, carry):
        for b in range(4):
            i = 4 * j + b
            gather_wait(i, b)
            scatter(i, b)
            b2 = (b + 2) % 4

            @pl.when(i < nch - 2)
            def _(i=i, b2=b2):
                @pl.when(i >= 2)
                def _():
                    scatter_wait(i - 2, b2)
                gather(i + 2, b2)
        return carry

    lax.fori_loop(0, nch // 4, quad, 0)
    for b in range(4):
        scatter_wait(nch - 4 + b, b)
    plsc.subcore_barrier()

    pltpu.sync_copy(acc_sh.at[pl.ds(r0, RPT), :],
                    acc_out.at[c, pl.ds(r0, RPT), :])
    if with_deg:
        pltpu.sync_copy(deg_sh.at[pl.ds(r0, RPT), :],
                        deg_out.at[c, pl.ds(r0, RPT), :])


_SC_MESH = plsc.VectorSubcoreMesh(core_axis_name="c", subcore_axis_name="s")
_SC_PARAMS = pltpu.CompilerParams(use_tc_tiling_on_sc=False)

_sc_spmm_deg = pl.kernel(
    functools.partial(_sc_spmm_body, True),
    out_type=(jax.ShapeDtypeStruct((NC, N_ACC, H), jnp.float32),
              jax.ShapeDtypeStruct((NC, N_ACC, DW), jnp.float32)),
    mesh=_SC_MESH,
    compiler_params=_SC_PARAMS,
    scratch_types=(
        [pltpu.VMEM((SMAX, CHUNK), jnp.int32)] * 2
        + [pltpu.VMEM((CHUNK, H), jnp.float32)] * 4
        + [pltpu.VMEM_SHARED((N_ACC, H), jnp.float32)]
        + [pltpu.SemaphoreType.DMA] * 8
        + [pltpu.VMEM((CHUNK, DW), jnp.float32),
           pltpu.VMEM_SHARED((N_ACC, DW), jnp.float32)]
    ),
)

_sc_spmm = pl.kernel(
    functools.partial(_sc_spmm_body, False),
    out_type=jax.ShapeDtypeStruct((NC, N_ACC, H), jnp.float32),
    mesh=_SC_MESH,
    compiler_params=_SC_PARAMS,
    scratch_types=(
        [pltpu.VMEM((SMAX, CHUNK), jnp.int32)] * 2
        + [pltpu.VMEM((CHUNK, H), jnp.float32)] * 4
        + [pltpu.VMEM_SHARED((N_ACC, H), jnp.float32)]
        + [pltpu.SemaphoreType.DMA] * 8
    ),
)



def kernel(x, edge_index, batch,
           W1a, b1a, g1a, be1a, W1b, b1b, g1b, be1b,
           W2a, b2a, g2a, be2a, W2b, b2b, g2b, be2b,
           W3a, b3a, g3a, be3a, W3b, b3b, g3b, be3b,
           Wc1, bc1, gc, bec, Wc2, bc2):
    pad = SROWS * CHUNK - E
    ei3 = jnp.pad(edge_index, ((0, 0), (0, pad)),
                  constant_values=N_DUMP).reshape(2, SROWS, CHUNK)
    batch2 = batch.reshape(1, N)

    def row(v):
        return v.reshape(1, -1)

    h1 = _tc_in(x, W1a, row(b1a), row(g1a), row(be1a))
    acc1, deg = _sc_spmm_deg(h1, ei3)
    h2 = _tc_mid(h1, acc1, deg, W1b, row(b1b), row(g1b), row(be1b),
                 W2a, row(b2a), row(g2a), row(be2a))
    acc2 = _sc_spmm(h2, ei3)
    h3 = _tc_mid(h2, acc2, deg, W2b, row(b2b), row(g2b), row(be2b),
                 W3a, row(b3a), row(g3a), row(be3a))
    acc3 = _sc_spmm(h3, ei3)
    return _tc_tail(h3, acc3, deg, W3b, row(b3b), row(g3b), row(be3b),
                    batch2, Wc1, row(bc1), row(gc), row(bec),
                    Wc2, row(bc2))

# --- scband reference (transcript-rebuilt; emitter-appended) ---
"""Pipeline reference for scband-net-22436909154957 (READ-ONLY COPY).

The authoritative reference and input builder live on the scoring server;
editing this copy changes nothing except your own understanding.
"""

import jax, jax.numpy as jnp
import numpy as np

N = 10000
E = 160000
F_IN = 256
H = 64
C = 10
G = 64


def _lin(k, fan_in, fan_out):
    return jax.random.normal(k, (fan_in, fan_out), dtype=jnp.float32) * (1.0 / np.sqrt(fan_in))


def setup_inputs(seed: int = 0):
    key = jax.random.key(seed)
    ks = jax.random.split(key, 40)
    inp = {}
    inp['x'] = jax.random.normal(ks[0], (N, F_IN), dtype=jnp.float32)
    inp['edge_index'] = jax.random.randint(ks[1], (2, E), 0, N, dtype=jnp.int32)
    inp['batch'] = jnp.sort(jax.random.randint(ks[2], (N,), 0, G, dtype=jnp.int32))
    # conv1: mlp1 (F_IN->H), mlp2 (2H->H); conv2/conv3: mlp1 (H->H), mlp2 (2H->H)
    ins = [F_IN, H, H]
    i = 3
    for li, fin in enumerate(ins, start=1):
        inp[f'W{li}a'] = _lin(ks[i], fin, H); i += 1
        inp[f'b{li}a'] = jnp.zeros((H,), dtype=jnp.float32)
        inp[f'g{li}a'] = jnp.ones((H,), dtype=jnp.float32)
        inp[f'be{li}a'] = jnp.zeros((H,), dtype=jnp.float32)
        inp[f'W{li}b'] = _lin(ks[i], 2 * H, H); i += 1
        inp[f'b{li}b'] = jnp.zeros((H,), dtype=jnp.float32)
        inp[f'g{li}b'] = jnp.ones((H,), dtype=jnp.float32)
        inp[f'be{li}b'] = jnp.zeros((H,), dtype=jnp.float32)
    inp['Wc1'] = _lin(ks[i], H, H); i += 1
    inp['bc1'] = jnp.zeros((H,), dtype=jnp.float32)
    inp['gc'] = jnp.ones((H,), dtype=jnp.float32)
    inp['bec'] = jnp.zeros((H,), dtype=jnp.float32)
    inp['Wc2'] = _lin(ks[i], H, C); i += 1
    inp['bc2'] = jnp.zeros((C,), dtype=jnp.float32)
    return inp


def _bn(h, g, b):
    m = jnp.mean(h, axis=0)
    v = jnp.var(h, axis=0)
    return g * (h - m) / jnp.sqrt(v + 1e-5) + b


def _mlp(h, W, b, g, be):
    return _bn(jax.nn.relu(h @ W + b), g, be)


def _conv(x, src, dst, Wa, ba, ga, bea, Wb, bb, gb, beb):
    h = _mlp(x, Wa, ba, ga, bea)
    # PyG source_to_target: x_j = h[src], x_i = h[dst]; message = cat([x_i, x_j])
    m = jnp.concatenate([h[dst], h[src]], axis=1)
    aggr = jax.ops.segment_sum(m, dst, num_segments=N)
    return _mlp(aggr, Wb, bb, gb, beb)


def reference(x, edge_index, batch,
              W1a, b1a, g1a, be1a, W1b, b1b, g1b, be1b,
              W2a, b2a, g2a, be2a, W2b, b2b, g2b, be2b,
              W3a, b3a, g3a, be3a, W3b, b3b, g3b, be3b,
              Wc1, bc1, gc, bec, Wc2, bc2):
    src = edge_index[0]
    dst = edge_index[1]
    h = _conv(x, src, dst, W1a, b1a, g1a, be1a, W1b, b1b, g1b, be1b)
    h = jax.nn.relu(h)
    h = _conv(h, src, dst, W2a, b2a, g2a, be2a, W2b, b2b, g2b, be2b)
    h = jax.nn.relu(h)
    h = _conv(h, src, dst, W3a, b3a, g3a, be3a, W3b, b3b, g3b, be3b)
    # global mean pool
    sums = jax.ops.segment_sum(h, batch, num_segments=G)
    counts = jax.ops.segment_sum(jnp.ones((N,), dtype=jnp.float32), batch, num_segments=G)
    pooled = sums / jnp.maximum(counts, 1.0)[:, None]
    z = _bn(jax.nn.relu(pooled @ Wc1 + bc1), gc, bec)
    logits = z @ Wc2 + bc2
    return jax.nn.log_softmax(logits, axis=1)

if __name__ == "__main__":
    import jax
    _d = setup_inputs()
    print(jax.jit(kernel)(*tuple(_d.values())))

</pallas_src>

<mosaic_0001>
#map = affine_map<(d0, d1) -> (0, 0)>
#map1 = affine_map<(d0, d1) -> (0, 0, 0)>
module attributes {stable_mosaic.version = 14 : i64} {
  func.func @_sc_spmm_body(%arg0: i32, %arg1: i32, %arg2: memref<10016x64xf32, #tpu.memory_space<hbm>>, %arg3: memref<2x1340x128xi32, #tpu.memory_space<hbm>>, %arg4: memref<2x10240x64xf32, #tpu.memory_space<hbm>>, %arg5: memref<2x10240x16xf32, #tpu.memory_space<hbm>>, %arg6: memref<60x128xi32, #tpu.memory_space<vmem>>, %arg7: memref<60x128xi32, #tpu.memory_space<vmem>>, %arg8: memref<128x64xf32, #tpu.memory_space<vmem>>, %arg9: memref<128x64xf32, #tpu.memory_space<vmem>>, %arg10: memref<128x64xf32, #tpu.memory_space<vmem>>, %arg11: memref<128x64xf32, #tpu.memory_space<vmem>>, %arg12: memref<10240x64xf32, #tpu.memory_space<vmem_shared>>, %arg13: memref<!tpu.dma_semaphore, #tpu.memory_space<semaphore_mem>>, %arg14: memref<!tpu.dma_semaphore, #tpu.memory_space<semaphore_mem>>, %arg15: memref<!tpu.dma_semaphore, #tpu.memory_space<semaphore_mem>>, %arg16: memref<!tpu.dma_semaphore, #tpu.memory_space<semaphore_mem>>, %arg17: memref<!tpu.dma_semaphore, #tpu.memory_space<semaphore_mem>>, %arg18: memref<!tpu.dma_semaphore, #tpu.memory_space<semaphore_mem>>, %arg19: memref<!tpu.dma_semaphore, #tpu.memory_space<semaphore_mem>>, %arg20: memref<!tpu.dma_semaphore, #tpu.memory_space<semaphore_mem>>, %arg21: memref<128x16xf32, #tpu.memory_space<vmem>>, %arg22: memref<10240x16xf32, #tpu.memory_space<vmem_shared>>) attributes {dimension_semantics = [#tpu.dimension_semantics<core_parallel>, #tpu.dimension_semantics<subcore_parallel>], iteration_bounds = array<i64: 2, 16>, scalar_prefetch = 0 : i64, scratch_operands = 17 : i64, tpu.core_type = #tpu.core_type<sc_vector_subcore>, window_params = [{transform_indices = #map}, {transform_indices = #map1}, {transform_indices = #map1}, {transform_indices = #map1}]} {
    %mul3A = arith.constant 640 : i32
    %mul3A_0 = arith.muli %arg1, %mul3A : i32
    %multiple_of3A = tpu.assume_multiple %mul3A_0, 8 : i32
    %eq3A = arith.constant 0 : i32
    %eq3A_1 = arith.cmpi eq, %arg0, %eq3A : i32
    %jit3A = arith.constant 60 : i32
    %jit3A_2 = arith.constant 20 : i32
    %select_n3A = arith.select %eq3A_1, %jit3A, %jit3A_2 : i32
    %eq3A_3 = arith.constant 0 : i32
    %eq3A_4 = arith.cmpi eq, %arg0, %eq3A_3 : i32
    %mul3A_5 = arith.constant 60 : i32
    %mul3A_6 = arith.muli %arg1, %mul3A_5 : i32
    %mul3A_7 = arith.constant 20 : i32
    %mul3A_8 = arith.muli %arg1, %mul3A_7 : i32
    %add3A = arith.constant 960 : i32
    %add3A_9 = arith.addi %add3A, %mul3A_8 : i32
    %select_n3A_10 = arith.select %eq3A_4, %mul3A_6, %add3A_9 : i32
    %dma_start3A = arith.constant 0 : i32
    %dma_start3A_11 = arith.constant 0 : i32
    %dma_start3A_12 = tpu.memref_slice %arg3[%dma_start3A, %select_n3A_10, %dma_start3A_11] : memref<2x1340x128xi32, #tpu.memory_space<hbm>> -> memref<1x60x128xi32, #tpu.memory_space<hbm>>
    %dma_start3A_13 = tpu.memref_squeeze %dma_start3A_12 : memref<1x60x128xi32, #tpu.memory_space<hbm>> -> memref<60x128xi32, #tpu.memory_space<hbm>>
    %dma_start3A_14 = arith.constant 0 : i32
    %dma_start3A_15 = tpu.memref_slice %arg3[%dma_start3A, %select_n3A_10, %dma_start3A_14] : memref<2x1340x128xi32, #tpu.memory_space<hbm>> -> memref<1x60x128xi32, #tpu.memory_space<hbm>>
    %dma_start3A_16 = tpu.memref_squeeze %dma_start3A_15 : memref<1x60x128xi32, #tpu.memory_space<hbm>> -> memref<60x128xi32, #tpu.memory_space<hbm>>
    tpu.enqueue_dma source(%dma_start3A_16 : memref<60x128xi32, #tpu.memory_space<hbm>>) target(%arg6 : memref<60x128xi32, #tpu.memory_space<vmem>>) target_semaphore(%arg13 : memref<!tpu.dma_semaphore, #tpu.memory_space<semaphore_mem>>)
    %dma_start3A_17 = arith.constant 1 : i32
    %dma_start3A_18 = arith.constant 0 : i32
    %dma_start3A_19 = tpu.memref_slice %arg3[%dma_start3A_17, %select_n3A_10, %dma_start3A_18] : memref<2x1340x128xi32, #tpu.memory_space<hbm>> -> memref<1x60x128xi32, #tpu.memory_space<hbm>>
    %dma_start3A_20 = tpu.memref_squeeze %dma_start3A_19 : memref<1x60x128xi32, #tpu.memory_space<hbm>> -> memref<60x128xi32, #tpu.memory_space<hbm>>
    %dma_start3A_21 = arith.constant 0 : i32
    %dma_start3A_22 = tpu.memref_slice %arg3[%dma_start3A_17, %select_n3A_10, %dma_start3A_21] : memref<2x1340x128xi32, #tpu.memory_space<hbm>> -> memref<1x60x128xi32, #tpu.memory_space<hbm>>
    %dma_start3A_23 = tpu.memref_squeeze %dma_start3A_22 : memref<1x60x128xi32, #tpu.memory_space<hbm>> -> memref<60x128xi32, #tpu.memory_space<hbm>>
    tpu.enqueue_dma source(%dma_start3A_23 : memref<60x128xi32, #tpu.memory_space<hbm>>) target(%arg7 : memref<60x128xi32, #tpu.memory_space<vmem>>) target_semaphore(%arg14 : memref<!tpu.dma_semaphore, #tpu.memory_space<semaphore_mem>>)
    %broadcast_in_dim3A = arith.constant 0.000000e+00 : f32
    %broadcast_in_dim3A_24 = vector.broadcast %broadcast_in_dim3A : f32 to vector<16xf32>
    %scan3A = arith.constant 0 : i32
    %scan3A_25 = arith.constant 0 : i32
    %scan3A_26 = arith.constant 128 : i32
    %scan3A_27 = arith.addi %scan3A_25, %scan3A_26 : i32
    %scan3A_28 = arith.constant 1 : i32
    scf.for %scan3A_145 = %scan3A_25 to %scan3A_27 step %scan3A_28  : i32 {
      %swap3A = arith.index_cast %scan3A_145 : i32 to index
      %swap3A_146 = arith.constant 0 : index
      %swap3A_147 = tpu.vector_load %arg8[%swap3A, %swap3A_146] {strides = array<i32>} : memref<128x64xf32, #tpu.memory_space<vmem>>, vector<1x16xf32>,
      %swap3A_148 = vector.shape_cast %swap3A_147 : vector<1x16xf32> to vector<16xf32>
      %swap3A_149 = vector.shape_cast %broadcast_in_dim3A_24 : vector<16xf32> to vector<1x16xf32>
      tpu.vector_store %arg8[%swap3A, %swap3A_146], %swap3A_149 {strides = array<i32>} : memref<128x64xf32, #tpu.memory_space<vmem>>, vector<1x16xf32>,
      %swap3A_150 = arith.index_cast %scan3A_145 : i32 to index
      %swap3A_151 = arith.constant 16 : index
      %swap3A_152 = tpu.vector_load %arg8[%swap3A_150, %swap3A_151] {strides = array<i32>} : memref<128x64xf32, #tpu.memory_space<vmem>>, vector<1x16xf32>,
      %swap3A_153 = vector.shape_cast %swap3A_152 : vector<1x16xf32> to vector<16xf32>
      %swap3A_154 = vector.shape_cast %broadcast_in_dim3A_24 : vector<16xf32> to vector<1x16xf32>
      tpu.vector_store %arg8[%swap3A_150, %swap3A_151], %swap3A_154 {strides = array<i32>} : memref<128x64xf32, #tpu.memory_space<vmem>>, vector<1x16xf32>,
      %swap3A_155 = arith.index_cast %scan3A_145 : i32 to index
      %swap3A_156 = arith.constant 32 : index
      %swap3A_157 = tpu.vector_load %arg8[%swap3A_155, %swap3A_156] {strides = array<i32>} : memref<128x64xf32, #tpu.memory_space<vmem>>, vector<1x16xf32>,
      %swap3A_158 = vector.shape_cast %swap3A_157 : vector<1x16xf32> to vector<16xf32>
      %swap3A_159 = vector.shape_cast %broadcast_in_dim3A_24 : vector<16xf32> to vector<1x16xf32>
      tpu.vector_store %arg8[%swap3A_155, %swap3A_156], %swap3A_159 {strides = array<i32>} : memref<128x64xf32, #tpu.memory_space<vmem>>, vector<1x16xf32>,
      %swap3A_160 = arith.index_cast %scan3A_145 : i32 to index
      %swap3A_161 = arith.constant 48 : index
      %swap3A_162 = tpu.vector_load %arg8[%swap3A_160, %swap3A_161] {strides = array<i32>} : memref<128x64xf32, #tpu.memory_space<vmem>>, vector<1x16xf32>,
      %swap3A_163 = vector.shape_cast %swap3A_162 : vector<1x16xf32> to vector<16xf32>
      %swap3A_164 = vector.shape_cast %broadcast_in_dim3A_24 : vector<16xf32> to vector<1x16xf32>
      tpu.vector_store %arg8[%swap3A_160, %swap3A_161], %swap3A_164 {strides = array<i32>} : memref<128x64xf32, #tpu.memory_space<vmem>>, vector<1x16xf32>,
      %add3A_165 = arith.constant 1.000000e+00 : f32
      %add3A_166 = vector.broadcast %add3A_165 : f32 to vector<16xf32>
      %add3A_167 = arith.addf %broadcast_in_dim3A_24, %add3A_166 : vector<16xf32>
      %swap3A_168 = arith.index_cast %scan3A_145 : i32 to index
      %swap3A_169 = arith.constant 0 : index
      %swap3A_170 = tpu.vector_load %arg21[%swap3A_168, %swap3A_169] {strides = array<i32>} : memref<128x16xf32, #tpu.memory_space<vmem>>, vector<1x16xf32>,
      %swap3A_171 = vector.shape_cast %swap3A_170 : vector<1x16xf32> to vector<16xf32>
      %swap3A_172 = vector.shape_cast %add3A_167 : vector<16xf32> to vector<1x16xf32>
      tpu.vector_store %arg21[%swap3A_168, %swap3A_169], %swap3A_172 {strides = array<i32>} : memref<128x16xf32, #tpu.memory_space<vmem>>, vector<1x16xf32>,
    }
    %scan3A_29 = arith.constant 128 : i32
    %add3A_30 = arith.constant 0 : i32
    %add3A_31 = arith.addi %multiple_of3A, %add3A_30 : i32
    "tpu.region"() ({
      %run_scoped3A = tpu.sem_alloc : memref<!tpu.dma_semaphore, #tpu.memory_space<semaphore_mem>>
      %dma_start3A_145 = arith.constant 0 : i32
      %dma_start3A_146 = tpu.memref_slice %arg12[%add3A_31, %dma_start3A_145] : memref<10240x64xf32, #tpu.memory_space<vmem_shared>> -> memref<128x64xf32, #tpu.memory_space<vmem_shared>>
      %dma_start3A_147 = arith.constant 0 : i32
      %dma_start3A_148 = tpu.memref_slice %arg12[%add3A_31, %dma_start3A_147] : memref<10240x64xf32, #tpu.memory_space<vmem_shared>> -> memref<128x64xf32, #tpu.memory_space<vmem_shared>>
      tpu.enqueue_dma source(%arg8 : memref<128x64xf32, #tpu.memory_space<vmem>>) target(%dma_start3A_148 : memref<128x64xf32, #tpu.memory_space<vmem_shared>>) target_semaphore(%run_scoped3A : memref<!tpu.dma_semaphore, #tpu.memory_space<semaphore_mem>>)
      %dma_wait3A_149 = arith.constant 0 : i32
      %dma_wait3A_150 = tpu.memref_slice %arg12[%add3A_31, %dma_wait3A_149] : memref<10240x64xf32, #tpu.memory_space<vmem_shared>> -> memref<128x64xf32, #tpu.memory_space<vmem_shared>>
      %dma_wait3A_151 = arith.constant 0 : i32
      %dma_wait3A_152 = tpu.memref_slice %arg12[%add3A_31, %dma_wait3A_151] : memref<10240x64xf32, #tpu.memory_space<vmem_shared>> -> memref<128x64xf32, #tpu.memory_space<vmem_shared>>
      tpu.wait_dma2 semaphore(%run_scoped3A : memref<!tpu.dma_semaphore, #tpu.memory_space<semaphore_mem>>) src(%arg8 : memref<128x64xf32, #tpu.memory_space<vmem>>) dst(%dma_wait3A_152 : memref<128x64xf32, #tpu.memory_space<vmem_shared>>)
      tpu.yield
    }) : () -> ()
    %add3A_32 = arith.constant 0 : i32
    %add3A_33 = arith.addi %multiple_of3A, %add3A_32 : i32
    "tpu.region"() ({
      %run_scoped3A = tpu.sem_alloc : memref<!tpu.dma_semaphore, #tpu.memory_space<semaphore_mem>>
      %dma_start3A_145 = arith.constant 0 : i32
      %dma_start3A_146 = arith.constant 0 : i32
      %dma_start3A_147 = tpu.memref_slice %arg8[%dma_start3A_145, %dma_start3A_146] : memref<128x64xf32, #tpu.memory_space<vmem>> -> memref<128x16xf32, #tpu.memory_space<vmem>>
      %dma_start3A_148 = arith.constant 0 : i32
      %dma_start3A_149 = tpu.memref_slice %arg22[%add3A_33, %dma_start3A_148] : memref<10240x16xf32, #tpu.memory_space<vmem_shared>> -> memref<128x16xf32, #tpu.memory_space<vmem_shared>>
      %dma_start3A_150 = arith.constant 0 : i32
      %dma_start3A_151 = tpu.memref_slice %arg22[%add3A_33, %dma_start3A_150] : memref<10240x16xf32, #tpu.memory_space<vmem_shared>> -> memref<128x16xf32, #tpu.memory_space<vmem_shared>>
      %dma_start3A_152 = arith.constant 0 : i32
      %dma_start3A_153 = arith.constant 0 : i32
      %dma_start3A_154 = tpu.memref_slice %arg8[%dma_start3A_152, %dma_start3A_153] : memref<128x64xf32, #tpu.memory_space<vmem>> -> memref<128x16xf32, #tpu.memory_space<vmem>>
      tpu.enqueue_dma source(%dma_start3A_154 : memref<128x16xf32, #tpu.memory_space<vmem>>) target(%dma_start3A_151 : memref<128x16xf32, #tpu.memory_space<vmem_shared>>) target_semaphore(%run_scoped3A : memref<!tpu.dma_semaphore, #tpu.memory_space<semaphore_mem>>)
      %dma_wait3A_155 = arith.constant 0 : i32
      %dma_wait3A_156 = arith.constant 0 : i32
      %dma_wait3A_157 = tpu.memref_slice %arg8[%dma_wait3A_155, %dma_wait3A_156] : memref<128x64xf32, #tpu.memory_space<vmem>> -> memref<128x16xf32, #tpu.memory_space<vmem>>
      %dma_wait3A_158 = arith.constant 0 : i32
      %dma_wait3A_159 = tpu.memref_slice %arg22[%add3A_33, %dma_wait3A_158] : memref<10240x16xf32, #tpu.memory_space<vmem_shared>> -> memref<128x16xf32, #tpu.memory_space<vmem_shared>>
      %dma_wait3A_160 = arith.constant 0 : i32
      %dma_wait3A_161 = tpu.memref_slice %arg22[%add3A_33, %dma_wait3A_160] : memref<10240x16xf32, #tpu.memory_space<vmem_shared>> -> memref<128x16xf32, #tpu.memory_space<vmem_shared>>
      %dma_wait3A_162 = arith.constant 0 : i32
      %dma_wait3A_163 = arith.constant 0 : i32
      %dma_wait3A_164 = tpu.memref_slice %arg8[%dma_wait3A_162, %dma_wait3A_163] : memref<128x64xf32, #tpu.memory_space<vmem>> -> memref<128x16xf32, #tpu.memory_space<vmem>>
      tpu.wait_dma2 semaphore(%run_scoped3A : memref<!tpu.dma_semaphore, #tpu.memory_space<semaphore_mem>>) src(%dma_wait3A_164 : memref<128x16xf32, #tpu.memory_space<vmem>>) dst(%dma_wait3A_161 : memref<128x16xf32, #tpu.memory_space<vmem_shared>>)
      tpu.yield
    }) : () -> ()
    %add3A_34 = arith.constant 128 : i32
    %add3A_35 = arith.addi %multiple_of3A, %add3A_34 : i32
    "tpu.region"() ({
      %run_scoped3A = tpu.sem_alloc : memref<!tpu.dma_semaphore, #tpu.memory_space<semaphore_mem>>
      %dma_start3A_145 = arith.constant 0 : i32
      %dma_start3A_146 = tpu.memref_slice %arg12[%add3A_35, %dma_start3A_145] : memref<10240x64xf32, #tpu.memory_space<vmem_shared>> -> memref<128x64xf32, #tpu.memory_space<vmem_shared>>
      %dma_start3A_147 = arith.constant 0 : i32
      %dma_start3A_148 = tpu.memref_slice %arg12[%add3A_35, %dma_start3A_147] : memref<10240x64xf32, #tpu.memory_space<vmem_shared>> -> memref<128x64xf32, #tpu.memory_space<vmem_shared>>
      tpu.enqueue_dma source(%arg8 : memref<128x64xf32, #tpu.memory_space<vmem>>) target(%dma_start3A_148 : memref<128x64xf32, #tpu.memory_space<vmem_shared>>) target_semaphore(%run_scoped3A : memref<!tpu.dma_semaphore, #tpu.memory_space<semaphore_mem>>)
      %dma_wait3A_149 = arith.constant 0 : i32
      %dma_wait3A_150 = tpu.memref_slice %arg12[%add3A_35, %dma_wait3A_149] : memref<10240x64xf32, #tpu.memory_space<vmem_shared>> -> memref<128x64xf32, #tpu.memory_space<vmem_shared>>
      %dma_wait3A_151 = arith.constant 0 : i32
      %dma_wait3A_152 = tpu.memref_slice %arg12[%add3A_35, %dma_wait3A_151] : memref<10240x64xf32, #tpu.memory_space<vmem_shared>> -> memref<128x64xf32, #tpu.memory_space<vmem_shared>>
      tpu.wait_dma2 semaphore(%run_scoped3A : memref<!tpu.dma_semaphore, #tpu.memory_space<semaphore_mem>>) src(%arg8 : memref<128x64xf32, #tpu.memory_space<vmem>>) dst(%dma_wait3A_152 : memref<128x64xf32, #tpu.memory_space<vmem_shared>>)
      tpu.yield
    }) : () -> ()
    %add3A_36 = arith.constant 128 : i32
    %add3A_37 = arith.addi %multiple_of3A, %add3A_36 : i32
    "tpu.region"() ({
      %run_scoped3A = tpu.sem_alloc : memref<!tpu.dma_semaphore, #tpu.memory_space<semaphore_mem>>
      %dma_start3A_145 = arith.constant 0 : i32
      %dma_start3A_146 = arith.constant 0 : i32
      %dma_start3A_147 = tpu.memref_slice %arg8[%dma_start3A_145, %dma_start3A_146] : memref<128x64xf32, #tpu.memory_space<vmem>> -> memref<128x16xf32, #tpu.memory_space<vmem>>
      %dma_start3A_148 = arith.constant 0 : i32
      %dma_start3A_149 = tpu.memref_slice %arg22[%add3A_37, %dma_start3A_148] : memref<10240x16xf32, #tpu.memory_space<vmem_shared>> -> memref<128x16xf32, #tpu.memory_space<vmem_shared>>
      %dma_start3A_150 = arith.constant 0 : i32
      %dma_start3A_151 = tpu.memref_slice %arg22[%add3A_37, %dma_start3A_150] : memref<10240x16xf32, #tpu.memory_space<vmem_shared>> -> memref<128x16xf32, #tpu.memory_space<vmem_shared>>
      %dma_start3A_152 = arith.constant 0 : i32
      %dma_start3A_153 = arith.constant 0 : i32
      %dma_start3A_154 = tpu.memref_slice %arg8[%dma_start3A_152, %dma_start3A_153] : memref<128x64xf32, #tpu.memory_space<vmem>> -> memref<128x16xf32, #tpu.memory_space<vmem>>
      tpu.enqueue_dma source(%dma_start3A_154 : memref<128x16xf32, #tpu.memory_space<vmem>>) target(%dma_start3A_151 : memref<128x16xf32, #tpu.memory_space<vmem_shared>>) target_semaphore(%run_scoped3A : memref<!tpu.dma_semaphore, #tpu.memory_space<semaphore_mem>>)
      %dma_wait3A_155 = arith.constant 0 : i32
      %dma_wait3A_156 = arith.constant 0 : i32
      %dma_wait3A_157 = tpu.memref_slice %arg8[%dma_wait3A_155, %dma_wait3A_156] : memref<128x64xf32, #tpu.memory_space<vmem>> -> memref<128x16xf32, #tpu.memory_space<vmem>>
      %dma_wait3A_158 = arith.constant 0 : i32
      %dma_wait3A_159 = tpu.memref_slice %arg22[%add3A_37, %dma_wait3A_158] : memref<10240x16xf32, #tpu.memory_space<vmem_shared>> -> memref<128x16xf32, #tpu.memory_space<vmem_shared>>
      %dma_wait3A_160 = arith.constant 0 : i32
      %dma_wait3A_161 = tpu.memref_slice %arg22[%add3A_37, %dma_wait3A_160] : memref<10240x16xf32, #tpu.memory_space<vmem_shared>> -> memref<128x16xf32, #tpu.memory_space<vmem_shared>>
      %dma_wait3A_162 = arith.constant 0 : i32
      %dma_wait3A_163 = arith.constant 0 : i32
      %dma_wait3A_164 = tpu.memref_slice %arg8[%dma_wait3A_162, %dma_wait3A_163] : memref<128x64xf32, #tpu.memory_space<vmem>> -> memref<128x16xf32, #tpu.memory_space<vmem>>
      tpu.wait_dma2 semaphore(%run_scoped3A : memref<!tpu.dma_semaphore, #tpu.memory_space<semaphore_mem>>) src(%dma_wait3A_164 : memref<128x16xf32, #tpu.memory_space<vmem>>) dst(%dma_wait3A_161 : memref<128x16xf32, #tpu.memory_space<vmem_shared>>)
      tpu.yield
    }) : () -> ()
    %add3A_38 = arith.constant 256 : i32
    %add3A_39 = arith.addi %multiple_of3A, %add3A_38 : i32
    "tpu.region"() ({
      %run_scoped3A = tpu.sem_alloc : memref<!tpu.dma_semaphore, #tpu.memory_space<semaphore_mem>>
      %dma_start3A_145 = arith.constant 0 : i32
      %dma_start3A_146 = tpu.memref_slice %arg12[%add3A_39, %dma_start3A_145] : memref<10240x64xf32, #tpu.memory_space<vmem_shared>> -> memref<128x64xf32, #tpu.memory_space<vmem_shared>>
      %dma_start3A_147 = arith.constant 0 : i32
      %dma_start3A_148 = tpu.memref_slice %arg12[%add3A_39, %dma_start3A_147] : memref<10240x64xf32, #tpu.memory_space<vmem_shared>> -> memref<128x64xf32, #tpu.memory_space<vmem_shared>>
      tpu.enqueue_dma source(%arg8 : memref<128x64xf32, #tpu.memory_space<vmem>>) target(%dma_start3A_148 : memref<128x64xf32, #tpu.memory_space<vmem_shared>>) target_semaphore(%run_scoped3A : memref<!tpu.dma_semaphore, #tpu.memory_space<semaphore_mem>>)
      %dma_wait3A_149 = arith.constant 0 : i32
      %dma_wait3A_150 = tpu.memref_slice %arg12[%add3A_39, %dma_wait3A_149] : memref<10240x64xf32, #tpu.memory_space<vmem_shared>> -> memref<128x64xf32, #tpu.memory_space<vmem_shared>>
      %dma_wait3A_151 = arith.constant 0 : i32
      %dma_wait3A_152 = tpu.memref_slice %arg12[%add3A_39, %dma_wait3A_151] : memref<10240x64xf32, #tpu.memory_space<vmem_shared>> -> memref<128x64xf32, #tpu.memory_space<vmem_shared>>
      tpu.wait_dma2 semaphore(%run_scoped3A : memref<!tpu.dma_semaphore, #tpu.memory_space<semaphore_mem>>) src(%arg8 : memref<128x64xf32, #tpu.memory_space<vmem>>) dst(%dma_wait3A_152 : memref<128x64xf32, #tpu.memory_space<vmem_shared>>)
      tpu.yield
    }) : () -> ()
    %add3A_40 = arith.constant 256 : i32
    %add3A_41 = arith.addi %multiple_of3A, %add3A_40 : i32
    "tpu.region"() ({
      %run_scoped3A = tpu.sem_alloc : memref<!tpu.dma_semaphore, #tpu.memory_space<semaphore_mem>>
      %dma_start3A_145 = arith.constant 0 : i32
      %dma_start3A_146 = arith.constant 0 : i32
      %dma_start3A_147 = tpu.memref_slice %arg8[%dma_start3A_145, %dma_start3A_146] : memref<128x64xf32, #tpu.memory_space<vmem>> -> memref<128x16xf32, #tpu.memory_space<vmem>>
      %dma_start3A_148 = arith.constant 0 : i32
      %dma_start3A_149 = tpu.memref_slice %arg22[%add3A_41, %dma_start3A_148] : memref<10240x16xf32, #tpu.memory_space<vmem_shared>> -> memref<128x16xf32, #tpu.memory_space<vmem_shared>>
      %dma_start3A_150 = arith.constant 0 : i32
      %dma_start3A_151 = tpu.memref_slice %arg22[%add3A_41, %dma_start3A_150] : memref<10240x16xf32, #tpu.memory_space<vmem_shared>> -> memref<128x16xf32, #tpu.memory_space<vmem_shared>>
      %dma_start3A_152 = arith.constant 0 : i32
      %dma_start3A_153 = arith.constant 0 : i32
      %dma_start3A_154 = tpu.memref_slice %arg8[%dma_start3A_152, %dma_start3A_153] : memref<128x64xf32, #tpu.memory_space<vmem>> -> memref<128x16xf32, #tpu.memory_space<vmem>>
      tpu.enqueue_dma source(%dma_start3A_154 : memref<128x16xf32, #tpu.memory_space<vmem>>) target(%dma_start3A_151 : memref<128x16xf32, #tpu.memory_space<vmem_shared>>) target_semaphore(%run_scoped3A : memref<!tpu.dma_semaphore, #tpu.memory_space<semaphore_mem>>)
      %dma_wait3A_155 = arith.constant 0 : i32
      %dma_wait3A_156 = arith.constant 0 : i32
      %dma_wait3A_157 = tpu.memref_slice %arg8[%dma_wait3A_155, %dma_wait3A_156] : memref<128x64xf32, #tpu.memory_space<vmem>> -> memref<128x16xf32, #tpu.memory_space<vmem>>
      %dma_wait3A_158 = arith.constant 0 : i32
      %dma_wait3A_159 = tpu.memref_slice %arg22[%add3A_41, %dma_wait3A_158] : memref<10240x16xf32, #tpu.memory_space<vmem_shared>> -> memref<128x16xf32, #tpu.memory_space<vmem_shared>>
      %dma_wait3A_160 = arith.constant 0 : i32
      %dma_wait3A_161 = tpu.memref_slice %arg22[%add3A_41, %dma_wait3A_160] : memref<10240x16xf32, #tpu.memory_space<vmem_shared>> -> memref<128x16xf32, #tpu.memory_space<vmem_shared>>
      %dma_wait3A_162 = arith.constant 0 : i32
      %dma_wait3A_163 = arith.constant 0 : i32
      %dma_wait3A_164 = tpu.memref_slice %arg8[%dma_wait3A_162, %dma_wait3A_163] : memref<128x64xf32, #tpu.memory_space<vmem>> -> memref<128x16xf32, #tpu.memory_space<vmem>>
      tpu.wait_dma2 semaphore(%run_scoped3A : memref<!tpu.dma_semaphore, #tpu.memory_space<semaphore_mem>>) src(%dma_wait3A_164 : memref<128x16xf32, #tpu.memory_space<vmem>>) dst(%dma_wait3A_161 : memref<128x16xf32, #tpu.memory_space<vmem_shared>>)
      tpu.yield
    }) : () -> ()
    %add3A_42 = arith.constant 384 : i32
    %add3A_43 = arith.addi %multiple_of3A, %add3A_42 : i32
    "tpu.region"() ({
      %run_scoped3A = tpu.sem_alloc : memref<!tpu.dma_semaphore, #tpu.memory_space<semaphore_mem>>
      %dma_start3A_145 = arith.constant 0 : i32
      %dma_start3A_146 = tpu.memref_slice %arg12[%add3A_43, %dma_start3A_145] : memref<10240x64xf32, #tpu.memory_space<vmem_shared>> -> memref<128x64xf32, #tpu.memory_space<vmem_shared>>
      %dma_start3A_147 = arith.constant 0 : i32
      %dma_start3A_148 = tpu.memref_slice %arg12[%add3A_43, %dma_start3A_147] : memref<10240x64xf32, #tpu.memory_space<vmem_shared>> -> memref<128x64xf32, #tpu.memory_space<vmem_shared>>
      tpu.enqueue_dma source(%arg8 : memref<128x64xf32, #tpu.memory_space<vmem>>) target(%dma_start3A_148 : memref<128x64xf32, #tpu.memory_space<vmem_shared>>) target_semaphore(%run_scoped3A : memref<!tpu.dma_semaphore, #tpu.memory_space<semaphore_mem>>)
      %dma_wait3A_149 = arith.constant 0 : i32
      %dma_wait3A_150 = tpu.memref_slice %arg12[%add3A_43, %dma_wait3A_149] : memref<10240x64xf32, #tpu.memory_space<vmem_shared>> -> memref<128x64xf32, #tpu.memory_space<vmem_shared>>
      %dma_wait3A_151 = arith.constant 0 : i32
      %dma_wait3A_152 = tpu.memref_slice %arg12[%add3A_43, %dma_wait3A_151] : memref<10240x64xf32, #tpu.memory_space<vmem_shared>> -> memref<128x64xf32, #tpu.memory_space<vmem_shared>>
      tpu.wait_dma2 semaphore(%run_scoped3A : memref<!tpu.dma_semaphore, #tpu.memory_space<semaphore_mem>>) src(%arg8 : memref<128x64xf32, #tpu.memory_space<vmem>>) dst(%dma_wait3A_152 : memref<128x64xf32, #tpu.memory_space<vmem_shared>>)
      tpu.yield
    }) : () -> ()
    %add3A_44 = arith.constant 384 : i32
    %add3A_45 = arith.addi %multiple_of3A, %add3A_44 : i32
    "tpu.region"() ({
      %run_scoped3A = tpu.sem_alloc : memref<!tpu.dma_semaphore, #tpu.memory_space<semaphore_mem>>
      %dma_start3A_145 = arith.constant 0 : i32
      %dma_start3A_146 = arith.constant 0 : i32
      %dma_start3A_147 = tpu.memref_slice %arg8[%dma_start3A_145, %dma_start3A_146] : memref<128x64xf32, #tpu.memory_space<vmem>> -> memref<128x16xf32, #tpu.memory_space<vmem>>
      %dma_start3A_148 = arith.constant 0 : i32
      %dma_start3A_149 = tpu.memref_slice %arg22[%add3A_45, %dma_start3A_148] : memref<10240x16xf32, #tpu.memory_space<vmem_shared>> -> memref<128x16xf32, #tpu.memory_space<vmem_shared>>
      %dma_start3A_150 = arith.constant 0 : i32
      %dma_start3A_151 = tpu.memref_slice %arg22[%add3A_45, %dma_start3A_150] : memref<10240x16xf32, #tpu.memory_space<vmem_shared>> -> memref<128x16xf32, #tpu.memory_space<vmem_shared>>
      %dma_start3A_152 = arith.constant 0 : i32
      %dma_start3A_153 = arith.constant 0 : i32
      %dma_start3A_154 = tpu.memref_slice %arg8[%dma_start3A_152, %dma_start3A_153] : memref<128x64xf32, #tpu.memory_space<vmem>> -> memref<128x16xf32, #tpu.memory_space<vmem>>
      tpu.enqueue_dma source(%dma_start3A_154 : memref<128x16xf32, #tpu.memory_space<vmem>>) target(%dma_start3A_151 : memref<128x16xf32, #tpu.memory_space<vmem_shared>>) target_semaphore(%run_scoped3A : memref<!tpu.dma_semaphore, #tpu.memory_space<semaphore_mem>>)
      %dma_wait3A_155 = arith.constant 0 : i32
      %dma_wait3A_156 = arith.constant 0 : i32
      %dma_wait3A_157 = tpu.memref_slice %arg8[%dma_wait3A_155, %dma_wait3A_156] : memref<128x64xf32, #tpu.memory_space<vmem>> -> memref<128x16xf32, #tpu.memory_space<vmem>>
      %dma_wait3A_158 = arith.constant 0 : i32
      %dma_wait3A_159 = tpu.memref_slice %arg22[%add3A_45, %dma_wait3A_158] : memref<10240x16xf32, #tpu.memory_space<vmem_shared>> -> memref<128x16xf32, #tpu.memory_space<vmem_shared>>
      %dma_wait3A_160 = arith.constant 0 : i32
      %dma_wait3A_161 = tpu.memref_slice %arg22[%add3A_45, %dma_wait3A_160] : memref<10240x16xf32, #tpu.memory_space<vmem_shared>> -> memref<128x16xf32, #tpu.memory_space<vmem_shared>>
      %dma_wait3A_162 = arith.constant 0 : i32
      %dma_wait3A_163 = arith.constant 0 : i32
      %dma_wait3A_164 = tpu.memref_slice %arg8[%dma_wait3A_162, %dma_wait3A_163] : memref<128x64xf32, #tpu.memory_space<vmem>> -> memref<128x16xf32, #tpu.memory_space<vmem>>
      tpu.wait_dma2 semaphore(%run_scoped3A : memref<!tpu.dma_semaphore, #tpu.memory_space<semaphore_mem>>) src(%dma_wait3A_164 : memref<128x16xf32, #tpu.memory_space<vmem>>) dst(%dma_wait3A_161 : memref<128x16xf32, #tpu.memory_space<vmem_shared>>)
      tpu.yield
    }) : () -> ()
    %add3A_46 = arith.constant 512 : i32
    %add3A_47 = arith.addi %multiple_of3A, %add3A_46 : i32
    "tpu.region"() ({
      %run_scoped3A = tpu.sem_alloc : memref<!tpu.dma_semaphore, #tpu.memory_space<semaphore_mem>>
      %dma_start3A_145 = arith.constant 0 : i32
      %dma_start3A_146 = tpu.memref_slice %arg12[%add3A_47, %dma_start3A_145] : memref<10240x64xf32, #tpu.memory_space<vmem_shared>> -> memref<128x64xf32, #tpu.memory_space<vmem_shared>>
      %dma_start3A_147 = arith.constant 0 : i32
      %dma_start3A_148 = tpu.memref_slice %arg12[%add3A_47, %dma_start3A_147] : memref<10240x64xf32, #tpu.memory_space<vmem_shared>> -> memref<128x64xf32, #tpu.memory_space<vmem_shared>>
      tpu.enqueue_dma source(%arg8 : memref<128x64xf32, #tpu.memory_space<vmem>>) target(%dma_start3A_148 : memref<128x64xf32, #tpu.memory_space<vmem_shared>>) target_semaphore(%run_scoped3A : memref<!tpu.dma_semaphore, #tpu.memory_space<semaphore_mem>>)
      %dma_wait3A_149 = arith.constant 0 : i32
      %dma_wait3A_150 = tpu.memref_slice %arg12[%add3A_47, %dma_wait3A_149] : memref<10240x64xf32, #tpu.memory_space<vmem_shared>> -> memref<128x64xf32, #tpu.memory_space<vmem_shared>>
      %dma_wait3A_151 = arith.constant 0 : i32
      %dma_wait3A_152 = tpu.memref_slice %arg12[%add3A_47, %dma_wait3A_151] : memref<10240x64xf32, #tpu.memory_space<vmem_shared>> -> memref<128x64xf32, #tpu.memory_space<vmem_shared>>
      tpu.wait_dma2 semaphore(%run_scoped3A : memref<!tpu.dma_semaphore, #tpu.memory_space<semaphore_mem>>) src(%arg8 : memref<128x64xf32, #tpu.memory_space<vmem>>) dst(%dma_wait3A_152 : memref<128x64xf32, #tpu.memory_space<vmem_shared>>)
      tpu.yield
    }) : () -> ()
    %add3A_48 = arith.constant 512 : i32
    %add3A_49 = arith.addi %multiple_of3A, %add3A_48 : i32
    "tpu.region"() ({
      %run_scoped3A = tpu.sem_alloc : memref<!tpu.dma_semaphore, #tpu.memory_space<semaphore_mem>>
      %dma_start3A_145 = arith.constant 0 : i32
      %dma_start3A_146 = arith.constant 0 : i32
      %dma_start3A_147 = tpu.memref_slice %arg8[%dma_start3A_145, %dma_start3A_146] : memref<128x64xf32, #tpu.memory_space<vmem>> -> memref<128x16xf32, #tpu.memory_space<vmem>>
      %dma_start3A_148 = arith.constant 0 : i32
      %dma_start3A_149 = tpu.memref_slice %arg22[%add3A_49, %dma_start3A_148] : memref<10240x16xf32, #tpu.memory_space<vmem_shared>> -> memref<128x16xf32, #tpu.memory_space<vmem_shared>>
      %dma_start3A_150 = arith.constant 0 : i32
      %dma_start3A_151 = tpu.memref_slice %arg22[%add3A_49, %dma_start3A_150] : memref<10240x16xf32, #tpu.memory_space<vmem_shared>> -> memref<128x16xf32, #tpu.memory_space<vmem_shared>>
      %dma_start3A_152 = arith.constant 0 : i32
      %dma_start3A_153 = arith.constant 0 : i32
      %dma_start3A_154 = tpu.memref_slice %arg8[%dma_start3A_152, %dma_start3A_153] : memref<128x64xf32, #tpu.memory_space<vmem>> -> memref<128x16xf32, #tpu.memory_space<vmem>>
      tpu.enqueue_dma source(%dma_start3A_154 : memref<128x16xf32, #tpu.memory_space<vmem>>) target(%dma_start3A_151 : memref<128x16xf32, #tpu.memory_space<vmem_shared>>) target_semaphore(%run_scoped3A : memref<!tpu.dma_semaphore, #tpu.memory_space<semaphore_mem>>)
      %dma_wait3A_155 = arith.constant 0 : i32
      %dma_wait3A_156 = arith.constant 0 : i32
      %dma_wait3A_157 = tpu.memref_slice %arg8[%dma_wait3A_155, %dma_wait3A_156] : memref<128x64xf32, #tpu.memory_space<vmem>> -> memref<128x16xf32, #tpu.memory_space<vmem>>
      %dma_wait3A_158 = arith.constant 0 : i32
      %dma_wait3A_159 = tpu.memref_slice %arg22[%add3A_49, %dma_wait3A_158] : memref<10240x16xf32, #tpu.memory_space<vmem_shared>> -> memref<128x16xf32, #tpu.memory_space<vmem_shared>>
      %dma_wait3A_160 = arith.constant 0 : i32
      %dma_wait3A_161 = tpu.memref_slice %arg22[%add3A_49, %dma_wait3A_160] : memref<10240x16xf32, #tpu.memory_space<vmem_shared>> -> memref<128x16xf32, #tpu.memory_space<vmem_shared>>
      %dma_wait3A_162 = arith.constant 0 : i32
      %dma_wait3A_163 = arith.constant 0 : i32
      %dma_wait3A_164 = tpu.memref_slice %arg8[%dma_wait3A_162, %dma_wait3A_163] : memref<128x64xf32, #tpu.memory_space<vmem>> -> memref<128x16xf32, #tpu.memory_space<vmem>>
      tpu.wait_dma2 semaphore(%run_scoped3A : memref<!tpu.dma_semaphore, #tpu.memory_space<semaphore_mem>>) src(%dma_wait3A_164 : memref<128x16xf32, #tpu.memory_space<vmem>>) dst(%dma_wait3A_161 : memref<128x16xf32, #tpu.memory_space<vmem_shared>>)
      tpu.yield
    }) : () -> ()
    %dma_wait3A = arith.constant 0 : i32
    %dma_wait3A_50 = arith.constant 0 : i32
    %dma_wait3A_51 = tpu.memref_slice %arg3[%dma_wait3A, %select_n3A_10, %dma_wait3A_50] : memref<2x1340x128xi32, #tpu.memory_space<hbm>> -> memref<1x60x128xi32, #tpu.memory_space<hbm>>
    %dma_wait3A_52 = tpu.memref_squeeze %dma_wait3A_51 : memref<1x60x128xi32, #tpu.memory_space<hbm>> -> memref<60x128xi32, #tpu.memory_space<hbm>>
    %dma_wait3A_53 = arith.constant 0 : i32
    %dma_wait3A_54 = tpu.memref_slice %arg3[%dma_wait3A, %select_n3A_10, %dma_wait3A_53] : memref<2x1340x128xi32, #tpu.memory_space<hbm>> -> memref<1x60x128xi32, #tpu.memory_space<hbm>>
    %dma_wait3A_55 = tpu.memref_squeeze %dma_wait3A_54 : memref<1x60x128xi32, #tpu.memory_space<hbm>> -> memref<60x128xi32, #tpu.memory_space<hbm>>
    tpu.wait_dma2 semaphore(%arg13 : memref<!tpu.dma_semaphore, #tpu.memory_space<semaphore_mem>>) src(%dma_wait3A_55 : memref<60x128xi32, #tpu.memory_space<hbm>>) dst(%arg6 : memref<60x128xi32, #tpu.memory_space<vmem>>)
    %dma_wait3A_56 = arith.constant 1 : i32
    %dma_wait3A_57 = arith.constant 0 : i32
    %dma_wait3A_58 = tpu.memref_slice %arg3[%dma_wait3A_56, %select_n3A_10, %dma_wait3A_57] : memref<2x1340x128xi32, #tpu.memory_space<hbm>> -> memref<1x60x128xi32, #tpu.memory_space<hbm>>
    %dma_wait3A_59 = tpu.memref_squeeze %dma_wait3A_58 : memref<1x60x128xi32, #tpu.memory_space<hbm>> -> memref<60x128xi32, #tpu.memory_space<hbm>>
    %dma_wait3A_60 = arith.constant 0 : i32
    %dma_wait3A_61 = tpu.memref_slice %arg3[%dma_wait3A_56, %select_n3A_10, %dma_wait3A_60] : memref<2x1340x128xi32, #tpu.memory_space<hbm>> -> memref<1x60x128xi32, #tpu.memory_space<hbm>>
    %dma_wait3A_62 = tpu.memref_squeeze %dma_wait3A_61 : memref<1x60x128xi32, #tpu.memory_space<hbm>> -> memref<60x128xi32, #tpu.memory_space<hbm>>
    tpu.wait_dma2 semaphore(%arg14 : memref<!tpu.dma_semaphore, #tpu.memory_space<semaphore_mem>>) src(%dma_wait3A_62 : memref<60x128xi32, #tpu.memory_space<hbm>>) dst(%arg7 : memref<60x128xi32, #tpu.memory_space<vmem>>)
    %barrier3A = arith.constant 0 : index
    tpu.barrier barrier_id(%barrier3A)
    %dma_start3A_63 = arith.constant 0 : i32
    %dma_start3A_64 = arith.constant 0 : i32
    %dma_start3A_65 = tpu.memref_slice %arg6[%dma_start3A_63, %dma_start3A_64] : memref<60x128xi32, #tpu.memory_space<vmem>> -> memref<1x128xi32, #tpu.memory_space<vmem>>
    %dma_start3A_66 = tpu.memref_squeeze %dma_start3A_65 : memref<1x128xi32, #tpu.memory_space<vmem>> -> memref<128xi32, #tpu.memory_space<vmem>>
    %dma_start3A_67 = arith.constant 0 : i32
    %dma_start3A_68 = arith.constant 0 : i32
    %dma_start3A_69 = tpu.memref_slice %arg2[%dma_start3A_67, %dma_start3A_68] : memref<10016x64xf32, #tpu.memory_space<hbm>> -> memref<10016x64xf32, #tpu.memory_space<hbm>>
    tpu.enqueue_indirect_dma source(%dma_start3A_69 : memref<10016x64xf32, #tpu.memory_space<hbm>>) target(%arg8 : memref<128x64xf32, #tpu.memory_space<vmem>>) offsets(%dma_start3A_66 : memref<128xi32, #tpu.memory_space<vmem>>) semaphore(%arg13 : memref<!tpu.dma_semaphore, #tpu.memory_space<semaphore_mem>>)
    %dma_start3A_70 = arith.constant 1 : i32
    %dma_start3A_71 = arith.constant 0 : i32
    %dma_start3A_72 = tpu.memref_slice %arg6[%dma_start3A_70, %dma_start3A_71] : memref<60x128xi32, #tpu.memory_space<vmem>> -> memref<1x128xi32, #tpu.memory_space<vmem>>
    %dma_start3A_73 = tpu.memref_squeeze %dma_start3A_72 : memref<1x128xi32, #tpu.memory_space<vmem>> -> memref<128xi32, #tpu.memory_space<vmem>>
    %dma_start3A_74 = arith.constant 0 : i32
    %dma_start3A_75 = arith.constant 0 : i32
    %dma_start3A_76 = tpu.memref_slice %arg2[%dma_start3A_74, %dma_start3A_75] : memref<10016x64xf32, #tpu.memory_space<hbm>> -> memref<10016x64xf32, #tpu.memory_space<hbm>>
    tpu.enqueue_indirect_dma source(%dma_start3A_76 : memref<10016x64xf32, #tpu.memory_space<hbm>>) target(%arg9 : memref<128x64xf32, #tpu.memory_space<vmem>>) offsets(%dma_start3A_73 : memref<128xi32, #tpu.memory_space<vmem>>) semaphore(%arg14 : memref<!tpu.dma_semaphore, #tpu.memory_space<semaphore_mem>>)
    %jit3A_77 = arith.constant 4 : i32
    %div3A = arith.divsi %select_n3A, %jit3A_77 : i32
    %sign3A = arith.constant 0 : i32
    %sign3A_78 = arith.cmpi sgt, %select_n3A, %sign3A : i32
    %sign3A_79 = arith.extui %sign3A_78 : i1 to i32
    %sign3A_80 = arith.constant 0 : i32
    %sign3A_81 = arith.cmpi slt, %select_n3A, %sign3A_80 : i32
    %sign3A_82 = arith.extui %sign3A_81 : i1 to i32
    %sign3A_83 = arith.subi %sign3A_79, %sign3A_82 : i32
    %sign3A_84 = arith.constant 0 : i32
    %sign3A_85 = arith.cmpi sgt, %jit3A_77, %sign3A_84 : i32
    %sign3A_86 = arith.extui %sign3A_85 : i1 to i32
    %sign3A_87 = arith.constant 0 : i32
    %sign3A_88 = arith.cmpi slt, %jit3A_77, %sign3A_87 : i32
    %sign3A_89 = arith.extui %sign3A_88 : i1 to i32
    %sign3A_90 = arith.subi %sign3A_86, %sign3A_89 : i32
    %ne3A = arith.cmpi ne, %sign3A_83, %sign3A_90 : i32
    %rem3A = arith.remsi %select_n3A, %jit3A_77 : i32
    %ne3A_91 = arith.constant 0 : i32
    %ne3A_92 = arith.cmpi ne, %rem3A, %ne3A_91 : i32
    %and3A = arith.andi %ne3A, %ne3A_92 : i1
    %sub3A = arith.constant 1 : i32
    %sub3A_93 = arith.subi %div3A, %sub3A : i32
    %select_n3A_94 = arith.select %and3A, %sub3A_93, %div3A : i32
    %while3A = arith.constant 0 : i32
    %while3A_95 = arith.constant 0 : i32
    %while3A_96 = arith.subi %select_n3A_94, %while3A_95 : i32
    %while3A_97 = arith.addi %while3A_95, %while3A_96 : i32
    %while3A_98 = arith.constant 1 : i32
    %while3A_99 = arith.divsi %while3A_96, %while3A_98 : i32
    %while3A_100 = arith.muli %while3A_99, %while3A_98 : i32
    %while3A_101 = arith.addi %while3A_95, %while3A_100 : i32
    %while3A_102 = arith.constant 1 : i32
    scf.for %while3A_145 = %while3A_95 to %while3A_101 step %while3A_102  : i32 {
      %mul3A_146 = arith.constant 4 : i32
      %mul3A_147 = arith.muli %mul3A_146, %while3A_145 : i32
      %add3A_148 = arith.constant 0 : i32
      %add3A_149 = arith.addi %mul3A_147, %add3A_148 : i32
      %dma_wait3A_150 = arith.constant 0 : i32
      %dma_wait3A_151 = tpu.memref_slice %arg6[%add3A_149, %dma_wait3A_150] : memref<60x128xi32, #tpu.memory_space<vmem>> -> memref<1x128xi32, #tpu.memory_space<vmem>>
      %dma_wait3A_152 = tpu.memref_squeeze %dma_wait3A_151 : memref<1x128xi32, #tpu.memory_space<vmem>> -> memref<128xi32, #tpu.memory_space<vmem>>
      %dma_wait3A_153 = arith.constant 0 : i32
      %dma_wait3A_154 = arith.constant 0 : i32
      %dma_wait3A_155 = tpu.memref_slice %arg2[%dma_wait3A_153, %dma_wait3A_154] : memref<10016x64xf32, #tpu.memory_space<hbm>> -> memref<10016x64xf32, #tpu.memory_space<hbm>>
      tpu.wait_indirect_dma semaphore(%arg13 : memref<!tpu.dma_semaphore, #tpu.memory_space<semaphore_mem>>) src(%dma_wait3A_155 : memref<10016x64xf32, #tpu.memory_space<hbm>>) dst(%arg8 : memref<128x64xf32, #tpu.memory_space<vmem>>)
      %dma_start3A_156 = arith.constant 0 : i32
      %dma_start3A_157 = tpu.memref_slice %arg7[%add3A_149, %dma_start3A_156] : memref<60x128xi32, #tpu.memory_space<vmem>> -> memref<1x128xi32, #tpu.memory_space<vmem>>
      %dma_start3A_158 = tpu.memref_squeeze %dma_start3A_157 : memref<1x128xi32, #tpu.memory_space<vmem>> -> memref<128xi32, #tpu.memory_space<vmem>>
      %dma_start3A_159 = arith.constant 0 : i32
      %dma_start3A_160 = arith.constant 0 : i32
      %dma_start3A_161 = tpu.memref_slice %arg12[%dma_start3A_159, %dma_start3A_160] : memref<10240x64xf32, #tpu.memory_space<vmem_shared>> -> memref<10240x64xf32, #tpu.memory_space<vmem_shared>>
      tpu.enqueue_indirect_dma source(%arg8 : memref<128x64xf32, #tpu.memory_space<vmem>>) target(%dma_start3A_161 : memref<10240x64xf32, #tpu.memory_space<vmem_shared>>) offsets(%dma_start3A_158 : memref<128xi32, #tpu.memory_space<vmem>>) semaphore(%arg17 : memref<!tpu.dma_semaphore, #tpu.memory_space<semaphore_mem>>) {add = true}
      "tpu.region"() ({
        %run_scoped3A = tpu.sem_alloc : memref<!tpu.dma_semaphore, #tpu.memory_space<semaphore_mem>>
        %dma_start3A_231 = arith.constant 0 : i32
        %dma_start3A_232 = tpu.memref_slice %arg7[%add3A_149, %dma_start3A_231] : memref<60x128xi32, #tpu.memory_space<vmem>> -> memref<1x128xi32, #tpu.memory_space<vmem>>
        %dma_start3A_233 = tpu.memref_squeeze %dma_start3A_232 : memref<1x128xi32, #tpu.memory_space<vmem>> -> memref<128xi32, #tpu.memory_space<vmem>>
        %dma_start3A_234 = arith.constant 0 : i32
        %dma_start3A_235 = arith.constant 0 : i32
        %dma_start3A_236 = tpu.memref_slice %arg22[%dma_start3A_234, %dma_start3A_235] : memref<10240x16xf32, #tpu.memory_space<vmem_shared>> -> memref<10240x16xf32, #tpu.memory_space<vmem_shared>>
        tpu.enqueue_indirect_dma source(%arg21 : memref<128x16xf32, #tpu.memory_space<vmem>>) target(%dma_start3A_236 : memref<10240x16xf32, #tpu.memory_space<vmem_shared>>) offsets(%dma_start3A_233 : memref<128xi32, #tpu.memory_space<vmem>>) semaphore(%run_scoped3A : memref<!tpu.dma_semaphore, #tpu.memory_space<semaphore_mem>>) {add = true}
        %dma_wait3A_237 = arith.constant 0 : i32
        %dma_wait3A_238 = tpu.memref_slice %arg7[%add3A_149, %dma_wait3A_237] : memref<60x128xi32, #tpu.memory_space<vmem>> -> memref<1x128xi32, #tpu.memory_space<vmem>>
        %dma_wait3A_239 = tpu.memref_squeeze %dma_wait3A_238 : memref<1x128xi32, #tpu.memory_space<vmem>> -> memref<128xi32, #tpu.memory_space<vmem>>
        %dma_wait3A_240 = arith.constant 0 : i32
        %dma_wait3A_241 = arith.constant 0 : i32
        %dma_wait3A_242 = tpu.memref_slice %arg22[%dma_wait3A_240, %dma_wait3A_241] : memref<10240x16xf32, #tpu.memory_space<vmem_shared>> -> memref<10240x16xf32, #tpu.memory_space<vmem_shared>>
        tpu.wait_indirect_dma semaphore(%run_scoped3A : memref<!tpu.dma_semaphore, #tpu.memory_space<semaphore_mem>>) src(%arg21 : memref<128x16xf32, #tpu.memory_space<vmem>>) dst(%dma_wait3A_242 : memref<10240x16xf32, #tpu.memory_space<vmem_shared>>)
        tpu.yield
      }) : () -> ()
      %sub3A_162 = arith.constant 2 : i32
      %sub3A_163 = arith.subi %select_n3A, %sub3A_162 : i32
      %lt3A = arith.cmpi slt, %add3A_149, %sub3A_163 : i32
      %convert_element_type3A = arith.extui %lt3A : i1 to i32
      %cond3A = arith.constant 0 : i32
      %cond3A_164 = arith.cmpi ne, %convert_element_type3A, %cond3A : i32
      scf.if %cond3A_164 {
        %ge3A = arith.constant 2 : i32
        %ge3A_231 = arith.cmpi sge, %add3A_149, %ge3A : i32
        %convert_element_type3A_232 = arith.extui %ge3A_231 : i1 to i32
        %cond3A_233 = arith.constant 0 : i32
        %cond3A_234 = arith.cmpi ne, %convert_element_type3A_232, %cond3A_233 : i32
        scf.if %cond3A_234 {
          %sub3A_243 = arith.constant 2 : i32
          %sub3A_244 = arith.subi %add3A_149, %sub3A_243 : i32
          %dma_wait3A_245 = arith.constant 0 : i32
          %dma_wait3A_246 = tpu.memref_slice %arg7[%sub3A_244, %dma_wait3A_245] : memref<60x128xi32, #tpu.memory_space<vmem>> -> memref<1x128xi32, #tpu.memory_space<vmem>>
          %dma_wait3A_247 = tpu.memref_squeeze %dma_wait3A_246 : memref<1x128xi32, #tpu.memory_space<vmem>> -> memref<128xi32, #tpu.memory_space<vmem>>
          %dma_wait3A_248 = arith.constant 0 : i32
          %dma_wait3A_249 = arith.constant 0 : i32
          %dma_wait3A_250 = tpu.memref_slice %arg12[%dma_wait3A_248, %dma_wait3A_249] : memref<10240x64xf32, #tpu.memory_space<vmem_shared>> -> memref<10240x64xf32, #tpu.memory_space<vmem_shared>>
          tpu.wait_indirect_dma semaphore(%arg19 : memref<!tpu.dma_semaphore, #tpu.memory_space<semaphore_mem>>) src(%arg10 : memref<128x64xf32, #tpu.memory_space<vmem>>) dst(%dma_wait3A_250 : memref<10240x64xf32, #tpu.memory_space<vmem_shared>>)
        } else {
        }
        %add3A_235 = arith.constant 2 : i32
        %add3A_236 = arith.addi %add3A_149, %add3A_235 : i32
        %dma_start3A_237 = arith.constant 0 : i32
        %dma_start3A_238 = tpu.memref_slice %arg6[%add3A_236, %dma_start3A_237] : memref<60x128xi32, #tpu.memory_space<vmem>> -> memref<1x128xi32, #tpu.memory_space<vmem>>
        %dma_start3A_239 = tpu.memref_squeeze %dma_start3A_238 : memref<1x128xi32, #tpu.memory_space<vmem>> -> memref<128xi32, #tpu.memory_space<vmem>>
        %dma_start3A_240 = arith.constant 0 : i32
        %dma_start3A_241 = arith.constant 0 : i32
        %dma_start3A_242 = tpu.memref_slice %arg2[%dma_start3A_240, %dma_start3A_241] : memref<10016x64xf32, #tpu.memory_space<hbm>> -> memref<10016x64xf32, #tpu.memory_space<hbm>>
        tpu.enqueue_indirect_dma source(%dma_start3A_242 : memref<10016x64xf32, #tpu.memory_space<hbm>>) target(%arg10 : memref<128x64xf32, #tpu.memory_space<vmem>>) offsets(%dma_start3A_239 : memref<128xi32, #tpu.memory_space<vmem>>) semaphore(%arg15 : memref<!tpu.dma_semaphore, #tpu.memory_space<semaphore_mem>>)
      } else {
      }
      %mul3A_165 = arith.constant 4 : i32
      %mul3A_166 = arith.muli %mul3A_165, %while3A_145 : i32
      %add3A_167 = arith.constant 1 : i32
      %add3A_168 = arith.addi %mul3A_166, %add3A_167 : i32
      %dma_wait3A_169 = arith.constant 0 : i32
      %dma_wait3A_170 = tpu.memref_slice %arg6[%add3A_168, %dma_wait3A_169] : memref<60x128xi32, #tpu.memory_space<vmem>> -> memref<1x128xi32, #tpu.memory_space<vmem>>
      %dma_wait3A_171 = tpu.memref_squeeze %dma_wait3A_170 : memref<1x128xi32, #tpu.memory_space<vmem>> -> memref<128xi32, #tpu.memory_space<vmem>>
      %dma_wait3A_172 = arith.constant 0 : i32
      %dma_wait3A_173 = arith.constant 0 : i32
      %dma_wait3A_174 = tpu.memref_slice %arg2[%dma_wait3A_172, %dma_wait3A_173] : memref<10016x64xf32, #tpu.memory_space<hbm>> -> memref<10016x64xf32, #tpu.memory_space<hbm>>
      tpu.wait_indirect_dma semaphore(%arg14 : memref<!tpu.dma_semaphore, #tpu.memory_space<semaphore_mem>>) src(%dma_wait3A_174 : memref<10016x64xf32, #tpu.memory_space<hbm>>) dst(%arg9 : memref<128x64xf32, #tpu.memory_space<vmem>>)
      %dma_start3A_175 = arith.constant 0 : i32
      %dma_start3A_176 = tpu.memref_slice %arg7[%add3A_168, %dma_start3A_175] : memref<60x128xi32, #tpu.memory_space<vmem>> -> memref<1x128xi32, #tpu.memory_space<vmem>>
      %dma_start3A_177 = tpu.memref_squeeze %dma_start3A_176 : memref<1x128xi32, #tpu.memory_space<vmem>> -> memref<128xi32, #tpu.memory_space<vmem>>
      %dma_start3A_178 = arith.constant 0 : i32
      %dma_start3A_179 = arith.constant 0 : i32
      %dma_start3A_180 = tpu.memref_slice %arg12[%dma_start3A_178, %dma_start3A_179] : memref<10240x64xf32, #tpu.memory_space<vmem_shared>> -> memref<10240x64xf32, #tpu.memory_space<vmem_shared>>
      tpu.enqueue_indirect_dma source(%arg9 : memref<128x64xf32, #tpu.memory_space<vmem>>) target(%dma_start3A_180 : memref<10240x64xf32, #tpu.memory_space<vmem_shared>>) offsets(%dma_start3A_177 : memref<128xi32, #tpu.memory_space<vmem>>) semaphore(%arg18 : memref<!tpu.dma_semaphore, #tpu.memory_space<semaphore_mem>>) {add = true}
      "tpu.region"() ({
        %run_scoped3A = tpu.sem_alloc : memref<!tpu.dma_semaphore, #tpu.memory_space<semaphore_mem>>
        %dma_start3A_231 = arith.constant 0 : i32
        %dma_start3A_232 = tpu.memref_slice %arg7[%add3A_168, %dma_start3A_231] : memref<60x128xi32, #tpu.memory_space<vmem>> -> memref<1x128xi32, #tpu.memory_space<vmem>>
        %dma_start3A_233 = tpu.memref_squeeze %dma_start3A_232 : memref<1x128xi32, #tpu.memory_space<vmem>> -> memref<128xi32, #tpu.memory_space<vmem>>
        %dma_start3A_234 = arith.constant 0 : i32
        %dma_start3A_235 = arith.constant 0 : i32
        %dma_start3A_236 = tpu.memref_slice %arg22[%dma_start3A_234, %dma_start3A_235] : memref<10240x16xf32, #tpu.memory_space<vmem_shared>> -> memref<10240x16xf32, #tpu.memory_space<vmem_shared>>
        tpu.enqueue_indirect_dma source(%arg21 : memref<128x16xf32, #tpu.memory_space<vmem>>) target(%dma_start3A_236 : memref<10240x16xf32, #tpu.memory_space<vmem_shared>>) offsets(%dma_start3A_233 : memref<128xi32, #tpu.memory_space<vmem>>) semaphore(%run_scoped3A : memref<!tpu.dma_semaphore, #tpu.memory_space<semaphore_mem>>) {add = true}
        %dma_wait3A_237 = arith.constant 0 : i32
        %dma_wait3A_238 = tpu.memref_slice %arg7[%add3A_168, %dma_wait3A_237] : memref<60x128xi32, #tpu.memory_space<vmem>> -> memref<1x128xi32, #tpu.memory_space<vmem>>
        %dma_wait3A_239 = tpu.memref_squeeze %dma_wait3A_238 : memref<1x128xi32, #tpu.memory_space<vmem>> -> memref<128xi32, #tpu.memory_space<vmem>>
        %dma_wait3A_240 = arith.constant 0 : i32
        %dma_wait3A_241 = arith.constant 0 : i32
        %dma_wait3A_242 = tpu.memref_slice %arg22[%dma_wait3A_240, %dma_wait3A_241] : memref<10240x16xf32, #tpu.memory_space<vmem_shared>> -> memref<10240x16xf32, #tpu.memory_space<vmem_shared>>
        tpu.wait_indirect_dma semaphore(%run_scoped3A : memref<!tpu.dma_semaphore, #tpu.memory_space<semaphore_mem>>) src(%arg21 : memref<128x16xf32, #tpu.memory_space<vmem>>) dst(%dma_wait3A_242 : memref<10240x16xf32, #tpu.memory_space<vmem_shared>>)
        tpu.yield
      }) : () -> ()
      %sub3A_181 = arith.constant 2 : i32
      %sub3A_182 = arith.subi %select_n3A, %sub3A_181 : i32
      %lt3A_183 = arith.cmpi slt, %add3A_168, %sub3A_182 : i32
      %convert_element_type3A_184 = arith.extui %lt3A_183 : i1 to i32
      %cond3A_185 = arith.constant 0 : i32
      %cond3A_186 = arith.cmpi ne, %convert_element_type3A_184, %cond3A_185 : i32
      scf.if %cond3A_186 {
        %ge3A = arith.constant 2 : i32
        %ge3A_231 = arith.cmpi sge, %add3A_168, %ge3A : i32
        %convert_element_type3A_232 = arith.extui %ge3A_231 : i1 to i32
        %cond3A_233 = arith.constant 0 : i32
        %cond3A_234 = arith.cmpi ne, %convert_element_type3A_232, %cond3A_233 : i32
        scf.if %cond3A_234 {
          %sub3A_243 = arith.constant 2 : i32
          %sub3A_244 = arith.subi %add3A_168, %sub3A_243 : i32
          %dma_wait3A_245 = arith.constant 0 : i32
          %dma_wait3A_246 = tpu.memref_slice %arg7[%sub3A_244, %dma_wait3A_245] : memref<60x128xi32, #tpu.memory_space<vmem>> -> memref<1x128xi32, #tpu.memory_space<vmem>>
          %dma_wait3A_247 = tpu.memref_squeeze %dma_wait3A_246 : memref<1x128xi32, #tpu.memory_space<vmem>> -> memref<128xi32, #tpu.memory_space<vmem>>
          %dma_wait3A_248 = arith.constant 0 : i32
          %dma_wait3A_249 = arith.constant 0 : i32
          %dma_wait3A_250 = tpu.memref_slice %arg12[%dma_wait3A_248, %dma_wait3A_249] : memref<10240x64xf32, #tpu.memory_space<vmem_shared>> -> memref<10240x64xf32, #tpu.memory_space<vmem_shared>>
          tpu.wait_indirect_dma semaphore(%arg20 : memref<!tpu.dma_semaphore, #tpu.memory_space<semaphore_mem>>) src(%arg11 : memref<128x64xf32, #tpu.memory_space<vmem>>) dst(%dma_wait3A_250 : memref<10240x64xf32, #tpu.memory_space<vmem_shared>>)
        } else {
        }
        %add3A_235 = arith.constant 2 : i32
        %add3A_236 = arith.addi %add3A_168, %add3A_235 : i32
        %dma_start3A_237 = arith.constant 0 : i32
        %dma_start3A_238 = tpu.memref_slice %arg6[%add3A_236, %dma_start3A_237] : memref<60x128xi32, #tpu.memory_space<vmem>> -> memref<1x128xi32, #tpu.memory_space<vmem>>
        %dma_start3A_239 = tpu.memref_squeeze %dma_start3A_238 : memref<1x128xi32, #tpu.memory_space<vmem>> -> memref<128xi32, #tpu.memory_space<vmem>>
        %dma_start3A_240 = arith.constant 0 : i32
        %dma_start3A_241 = arith.constant 0 : i32
        %dma_start3A_242 = tpu.memref_slice %arg2[%dma_start3A_240, %dma_start3A_241] : memref<10016x64xf32, #tpu.memory_space<hbm>> -> memref<10016x64xf32, #tpu.memory_space<hbm>>
        tpu.enqueue_indirect_dma source(%dma_start3A_242 : memref<10016x64xf32, #tpu.memory_space<hbm>>) target(%arg11 : memref<128x64xf32, #tpu.memory_space<vmem>>) offsets(%dma_start3A_239 : memref<128xi32, #tpu.memory_space<vmem>>) semaphore(%arg16 : memref<!tpu.dma_semaphore, #tpu.memory_space<semaphore_mem>>)
      } else {
      }
      %mul3A_187 = arith.constant 4 : i32
      %mul3A_188 = arith.muli %mul3A_187, %while3A_145 : i32
      %add3A_189 = arith.constant 2 : i32
      %add3A_190 = arith.addi %mul3A_188, %add3A_189 : i32
      %dma_wait3A_191 = arith.constant 0 : i32
      %dma_wait3A_192 = tpu.memref_slice %arg6[%add3A_190, %dma_wait3A_191] : memref<60x128xi32, #tpu.memory_space<vmem>> -> memref<1x128xi32, #tpu.memory_space<vmem>>
      %dma_wait3A_193 = tpu.memref_squeeze %dma_wait3A_192 : memref<1x128xi32, #tpu.memory_space<vmem>> -> memref<128xi32, #tpu.memory_space<vmem>>
      %dma_wait3A_194 = arith.constant 0 : i32
      %dma_wait3A_195 = arith.constant 0 : i32
      %dma_wait3A_196 = tpu.memref_slice %arg2[%dma_wait3A_194, %dma_wait3A_195] : memref<10016x64xf32, #tpu.memory_space<hbm>> -> memref<10016x64xf32, #tpu.memory_space<hbm>>
      tpu.wait_indirect_dma semaphore(%arg15 : memref<!tpu.dma_semaphore, #tpu.memory_space<semaphore_mem>>) src(%dma_wait3A_196 : memref<10016x64xf32, #tpu.memory_space<hbm>>) dst(%arg10 : memref<128x64xf32, #tpu.memory_space<vmem>>)
      %dma_start3A_197 = arith.constant 0 : i32
      %dma_start3A_198 = tpu.memref_slice %arg7[%add3A_190, %dma_start3A_197] : memref<60x128xi32, #tpu.memory_space<vmem>> -> memref<1x128xi32, #tpu.memory_space<vmem>>
      %dma_start3A_199 = tpu.memref_squeeze %dma_start3A_198 : memref<1x128xi32, #tpu.memory_space<vmem>> -> memref<128xi32, #tpu.memory_space<vmem>>
      %dma_start3A_200 = arith.constant 0 : i32
      %dma_start3A_201 = arith.constant 0 : i32
      %dma_start3A_202 = tpu.memref_slice %arg12[%dma_start3A_200, %dma_start3A_201] : memref<10240x64xf32, #tpu.memory_space<vmem_shared>> -> memref<10240x64xf32, #tpu.memory_space<vmem_shared>>
      tpu.enqueue_indirect_dma source(%arg10 : memref<128x64xf32, #tpu.memory_space<vmem>>) target(%dma_start3A_202 : memref<10240x64xf32, #tpu.memory_space<vmem_shared>>) offsets(%dma_start3A_199 : memref<128xi32, #tpu.memory_space<vmem>>) semaphore(%arg19 : memref<!tpu.dma_semaphore, #tpu.memory_space<semaphore_mem>>) {add = true}
      "tpu.region"() ({
        %run_scoped3A = tpu.sem_alloc : memref<!tpu.dma_semaphore, #tpu.memory_space<semaphore_mem>>
        %dma_start3A_231 = arith.constant 0 : i32
        %dma_start3A_232 = tpu.memref_slice %arg7[%add3A_190, %dma_start3A_231] : memref<60x128xi32, #tpu.memory_space<vmem>> -> memref<1x128xi32, #tpu.memory_space<vmem>>
        %dma_start3A_233 = tpu.memref_squeeze %dma_start3A_232 : memref<1x128xi32, #tpu.memory_space<vmem>> -> memref<128xi32, #tpu.memory_space<vmem>>
        %dma_start3A_234 = arith.constant 0 : i32
        %dma_start3A_235 = arith.constant 0 : i32
        %dma_start3A_236 = tpu.memref_slice %arg22[%dma_start3A_234, %dma_start3A_235] : memref<10240x16xf32, #tpu.memory_space<vmem_shared>> -> memref<10240x16xf32, #tpu.memory_space<vmem_shared>>
        tpu.enqueue_indirect_dma source(%arg21 : memref<128x16xf32, #tpu.memory_space<vmem>>) target(%dma_start3A_236 : memref<10240x16xf32, #tpu.memory_space<vmem_shared>>) offsets(%dma_start3A_233 : memref<128xi32, #tpu.memory_space<vmem>>) semaphore(%run_scoped3A : memref<!tpu.dma_semaphore, #tpu.memory_space<semaphore_mem>>) {add = true}
        %dma_wait3A_237 = arith.constant 0 : i32
        %dma_wait3A_238 = tpu.memref_slice %arg7[%add3A_190, %dma_wait3A_237] : memref<60x128xi32, #tpu.memory_space<vmem>> -> memref<1x128xi32, #tpu.memory_space<vmem>>
        %dma_wait3A_239 = tpu.memref_squeeze %dma_wait3A_238 : memref<1x128xi32, #tpu.memory_space<vmem>> -> memref<128xi32, #tpu.memory_space<vmem>>
        %dma_wait3A_240 = arith.constant 0 : i32
        %dma_wait3A_241 = arith.constant 0 : i32
        %dma_wait3A_242 = tpu.memref_slice %arg22[%dma_wait3A_240, %dma_wait3A_241] : memref<10240x16xf32, #tpu.memory_space<vmem_shared>> -> memref<10240x16xf32, #tpu.memory_space<vmem_shared>>
        tpu.wait_indirect_dma semaphore(%run_scoped3A : memref<!tpu.dma_semaphore, #tpu.memory_space<semaphore_mem>>) src(%arg21 : memref<128x16xf32, #tpu.memory_space<vmem>>) dst(%dma_wait3A_242 : memref<10240x16xf32, #tpu.memory_space<vmem_shared>>)
        tpu.yield
      }) : () -> ()
      %sub3A_203 = arith.constant 2 : i32
      %sub3A_204 = arith.subi %select_n3A, %sub3A_203 : i32
      %lt3A_205 = arith.cmpi slt, %add3A_190, %sub3A_204 : i32
      %convert_element_type3A_206 = arith.extui %lt3A_205 : i1 to i32
      %cond3A_207 = arith.constant 0 : i32
      %cond3A_208 = arith.cmpi ne, %convert_element_type3A_206, %cond3A_207 : i32
      scf.if %cond3A_208 {
        %ge3A = arith.constant 2 : i32
        %ge3A_231 = arith.cmpi sge, %add3A_190, %ge3A : i32
        %convert_element_type3A_232 = arith.extui %ge3A_231 : i1 to i32
        %cond3A_233 = arith.constant 0 : i32
        %cond3A_234 = arith.cmpi ne, %convert_element_type3A_232, %cond3A_233 : i32
        scf.if %cond3A_234 {
          %sub3A_243 = arith.constant 2 : i32
          %sub3A_244 = arith.subi %add3A_190, %sub3A_243 : i32
          %dma_wait3A_245 = arith.constant 0 : i32
          %dma_wait3A_246 = tpu.memref_slice %arg7[%sub3A_244, %dma_wait3A_245] : memref<60x128xi32, #tpu.memory_space<vmem>> -> memref<1x128xi32, #tpu.memory_space<vmem>>
          %dma_wait3A_247 = tpu.memref_squeeze %dma_wait3A_246 : memref<1x128xi32, #tpu.memory_space<vmem>> -> memref<128xi32, #tpu.memory_space<vmem>>
          %dma_wait3A_248 = arith.constant 0 : i32
          %dma_wait3A_249 = arith.constant 0 : i32
          %dma_wait3A_250 = tpu.memref_slice %arg12[%dma_wait3A_248, %dma_wait3A_249] : memref<10240x64xf32, #tpu.memory_space<vmem_shared>> -> memref<10240x64xf32, #tpu.memory_space<vmem_shared>>
          tpu.wait_indirect_dma semaphore(%arg17 : memref<!tpu.dma_semaphore, #tpu.memory_space<semaphore_mem>>) src(%arg8 : memref<128x64xf32, #tpu.memory_space<vmem>>) dst(%dma_wait3A_250 : memref<10240x64xf32, #tpu.memory_space<vmem_shared>>)
        } else {
        }
        %add3A_235 = arith.constant 2 : i32
        %add3A_236 = arith.addi %add3A_190, %add3A_235 : i32
        %dma_start3A_237 = arith.constant 0 : i32
        %dma_start3A_238 = tpu.memref_slice %arg6[%add3A_236, %dma_start3A_237] : memref<60x128xi32, #tpu.memory_space<vmem>> -> memref<1x128xi32, #tpu.memory_space<vmem>>
        %dma_start3A_239 = tpu.memref_squeeze %dma_start3A_238 : memref<1x128xi32, #tpu.memory_space<vmem>> -> memref<128xi32, #tpu.memory_space<vmem>>
        %dma_start3A_240 = arith.constant 0 : i32
        %dma_start3A_241 = arith.constant 0 : i32
        %dma_start3A_242 = tpu.memref_slice %arg2[%dma_start3A_240, %dma_start3A_241] : memref<10016x64xf32, #tpu.memory_space<hbm>> -> memref<10016x64xf32, #tpu.memory_space<hbm>>
        tpu.enqueue_indirect_dma source(%dma_start3A_242 : memref<10016x64xf32, #tpu.memory_space<hbm>>) target(%arg8 : memref<128x64xf32, #tpu.memory_space<vmem>>) offsets(%dma_start3A_239 : memref<128xi32, #tpu.memory_space<vmem>>) semaphore(%arg13 : memref<!tpu.dma_semaphore, #tpu.memory_space<semaphore_mem>>)
      } else {
      }
      %mul3A_209 = arith.constant 4 : i32
      %mul3A_210 = arith.muli %mul3A_209, %while3A_145 : i32
      %add3A_211 = arith.constant 3 : i32
      %add3A_212 = arith.addi %mul3A_210, %add3A_211 : i32
      %dma_wait3A_213 = arith.constant 0 : i32
      %dma_wait3A_214 = tpu.memref_slice %arg6[%add3A_212, %dma_wait3A_213] : memref<60x128xi32, #tpu.memory_space<vmem>> -> memref<1x128xi32, #tpu.memory_space<vmem>>
      %dma_wait3A_215 = tpu.memref_squeeze %dma_wait3A_214 : memref<1x128xi32, #tpu.memory_space<vmem>> -> memref<128xi32, #tpu.memory_space<vmem>>
      %dma_wait3A_216 = arith.constant 0 : i32
      %dma_wait3A_217 = arith.constant 0 : i32
      %dma_wait3A_218 = tpu.memref_slice %arg2[%dma_wait3A_216, %dma_wait3A_217] : memref<10016x64xf32, #tpu.memory_space<hbm>> -> memref<10016x64xf32, #tpu.memory_space<hbm>>
      tpu.wait_indirect_dma semaphore(%arg16 : memref<!tpu.dma_semaphore, #tpu.memory_space<semaphore_mem>>) src(%dma_wait3A_218 : memref<10016x64xf32, #tpu.memory_space<hbm>>) dst(%arg11 : memref<128x64xf32, #tpu.memory_space<vmem>>)
      %dma_start3A_219 = arith.constant 0 : i32
      %dma_start3A_220 = tpu.memref_slice %arg7[%add3A_212, %dma_start3A_219] : memref<60x128xi32, #tpu.memory_space<vmem>> -> memref<1x128xi32, #tpu.memory_space<vmem>>
      %dma_start3A_221 = tpu.memref_squeeze %dma_start3A_220 : memref<1x128xi32, #tpu.memory_space<vmem>> -> memref<128xi32, #tpu.memory_space<vmem>>
      %dma_start3A_222 = arith.constant 0 : i32
      %dma_start3A_223 = arith.constant 0 : i32
      %dma_start3A_224 = tpu.memref_slice %arg12[%dma_start3A_222, %dma_start3A_223] : memref<10240x64xf32, #tpu.memory_space<vmem_shared>> -> memref<10240x64xf32, #tpu.memory_space<vmem_shared>>
      tpu.enqueue_indirect_dma source(%arg11 : memref<128x64xf32, #tpu.memory_space<vmem>>) target(%dma_start3A_224 : memref<10240x64xf32, #tpu.memory_space<vmem_shared>>) offsets(%dma_start3A_221 : memref<128xi32, #tpu.memory_space<vmem>>) semaphore(%arg20 : memref<!tpu.dma_semaphore, #tpu.memory_space<semaphore_mem>>) {add = true}
      "tpu.region"() ({
        %run_scoped3A = tpu.sem_alloc : memref<!tpu.dma_semaphore, #tpu.memory_space<semaphore_mem>>
        %dma_start3A_231 = arith.constant 0 : i32
        %dma_start3A_232 = tpu.memref_slice %arg7[%add3A_212, %dma_start3A_231] : memref<60x128xi32, #tpu.memory_space<vmem>> -> memref<1x128xi32, #tpu.memory_space<vmem>>
        %dma_start3A_233 = tpu.memref_squeeze %dma_start3A_232 : memref<1x128xi32, #tpu.memory_space<vmem>> -> memref<128xi32, #tpu.memory_space<vmem>>
        %dma_start3A_234 = arith.constant 0 : i32
        %dma_start3A_235 = arith.constant 0 : i32
        %dma_start3A_236 = tpu.memref_slice %arg22[%dma_start3A_234, %dma_start3A_235] : memref<10240x16xf32, #tpu.memory_space<vmem_shared>> -> memref<10240x16xf32, #tpu.memory_space<vmem_shared>>
        tpu.enqueue_indirect_dma source(%arg21 : memref<128x16xf32, #tpu.memory_space<vmem>>) target(%dma_start3A_236 : memref<10240x16xf32, #tpu.memory_space<vmem_shared>>) offsets(%dma_start3A_233 : memref<128xi32, #tpu.memory_space<vmem>>) semaphore(%run_scoped3A : memref<!tpu.dma_semaphore, #tpu.memory_space<semaphore_mem>>) {add = true}
        %dma_wait3A_237 = arith.constant 0 : i32
        %dma_wait3A_238 = tpu.memref_slice %arg7[%add3A_212, %dma_wait3A_237] : memref<60x128xi32, #tpu.memory_space<vmem>> -> memref<1x128xi32, #tpu.memory_space<vmem>>
        %dma_wait3A_239 = tpu.memref_squeeze %dma_wait3A_238 : memref<1x128xi32, #tpu.memory_space<vmem>> -> memref<128xi32, #tpu.memory_space<vmem>>
        %dma_wait3A_240 = arith.constant 0 : i32
        %dma_wait3A_241 = arith.constant 0 : i32
        %dma_wait3A_242 = tpu.memref_slice %arg22[%dma_wait3A_240, %dma_wait3A_241] : memref<10240x16xf32, #tpu.memory_space<vmem_shared>> -> memref<10240x16xf32, #tpu.memory_space<vmem_shared>>
        tpu.wait_indirect_dma semaphore(%run_scoped3A : memref<!tpu.dma_semaphore, #tpu.memory_space<semaphore_mem>>) src(%arg21 : memref<128x16xf32, #tpu.memory_space<vmem>>) dst(%dma_wait3A_242 : memref<10240x16xf32, #tpu.memory_space<vmem_shared>>)
        tpu.yield
      }) : () -> ()
      %sub3A_225 = arith.constant 2 : i32
      %sub3A_226 = arith.subi %select_n3A, %sub3A_225 : i32
      %lt3A_227 = arith.cmpi slt, %add3A_212, %sub3A_226 : i32
      %convert_element_type3A_228 = arith.extui %lt3A_227 : i1 to i32
      %cond3A_229 = arith.constant 0 : i32
      %cond3A_230 = arith.cmpi ne, %convert_element_type3A_228, %cond3A_229 : i32
      scf.if %cond3A_230 {
        %ge3A = arith.constant 2 : i32
        %ge3A_231 = arith.cmpi sge, %add3A_212, %ge3A : i32
        %convert_element_type3A_232 = arith.extui %ge3A_231 : i1 to i32
        %cond3A_233 = arith.constant 0 : i32
        %cond3A_234 = arith.cmpi ne, %convert_element_type3A_232, %cond3A_233 : i32
        scf.if %cond3A_234 {
          %sub3A_243 = arith.constant 2 : i32
          %sub3A_244 = arith.subi %add3A_212, %sub3A_243 : i32
          %dma_wait3A_245 = arith.constant 0 : i32
          %dma_wait3A_246 = tpu.memref_slice %arg7[%sub3A_244, %dma_wait3A_245] : memref<60x128xi32, #tpu.memory_space<vmem>> -> memref<1x128xi32, #tpu.memory_space<vmem>>
          %dma_wait3A_247 = tpu.memref_squeeze %dma_wait3A_246 : memref<1x128xi32, #tpu.memory_space<vmem>> -> memref<128xi32, #tpu.memory_space<vmem>>
          %dma_wait3A_248 = arith.constant 0 : i32
          %dma_wait3A_249 = arith.constant 0 : i32
          %dma_wait3A_250 = tpu.memref_slice %arg12[%dma_wait3A_248, %dma_wait3A_249] : memref<10240x64xf32, #tpu.memory_space<vmem_shared>> -> memref<10240x64xf32, #tpu.memory_space<vmem_shared>>
          tpu.wait_indirect_dma semaphore(%arg18 : memref<!tpu.dma_semaphore, #tpu.memory_space<semaphore_mem>>) src(%arg9 : memref<128x64xf32, #tpu.memory_space<vmem>>) dst(%dma_wait3A_250 : memref<10240x64xf32, #tpu.memory_space<vmem_shared>>)
        } else {
        }
        %add3A_235 = arith.constant 2 : i32
        %add3A_236 = arith.addi %add3A_212, %add3A_235 : i32
        %dma_start3A_237 = arith.constant 0 : i32
        %dma_start3A_238 = tpu.memref_slice %arg6[%add3A_236, %dma_start3A_237] : memref<60x128xi32, #tpu.memory_space<vmem>> -> memref<1x128xi32, #tpu.memory_space<vmem>>
        %dma_start3A_239 = tpu.memref_squeeze %dma_start3A_238 : memref<1x128xi32, #tpu.memory_space<vmem>> -> memref<128xi32, #tpu.memory_space<vmem>>
        %dma_start3A_240 = arith.constant 0 : i32
        %dma_start3A_241 = arith.constant 0 : i32
        %dma_start3A_242 = tpu.memref_slice %arg2[%dma_start3A_240, %dma_start3A_241] : memref<10016x64xf32, #tpu.memory_space<hbm>> -> memref<10016x64xf32, #tpu.memory_space<hbm>>
        tpu.enqueue_indirect_dma source(%dma_start3A_242 : memref<10016x64xf32, #tpu.memory_space<hbm>>) target(%arg9 : memref<128x64xf32, #tpu.memory_space<vmem>>) offsets(%dma_start3A_239 : memref<128xi32, #tpu.memory_space<vmem>>) semaphore(%arg14 : memref<!tpu.dma_semaphore, #tpu.memory_space<semaphore_mem>>)
      } else {
      }
    }
    %while3A_103 = arith.constant 1 : i32
    scf.for %while3A_145 = %while3A_101 to %while3A_97 step %while3A_103  : i32 {
      %mul3A_146 = arith.constant 4 : i32
      %mul3A_147 = arith.muli %mul3A_146, %while3A_145 : i32
      %add3A_148 = arith.constant 0 : i32
      %add3A_149 = arith.addi %mul3A_147, %add3A_148 : i32
      %dma_wait3A_150 = arith.constant 0 : i32
      %dma_wait3A_151 = tpu.memref_slice %arg6[%add3A_149, %dma_wait3A_150] : memref<60x128xi32, #tpu.memory_space<vmem>> -> memref<1x128xi32, #tpu.memory_space<vmem>>
      %dma_wait3A_152 = tpu.memref_squeeze %dma_wait3A_151 : memref<1x128xi32, #tpu.memory_space<vmem>> -> memref<128xi32, #tpu.memory_space<vmem>>
      %dma_wait3A_153 = arith.constant 0 : i32
      %dma_wait3A_154 = arith.constant 0 : i32
      %dma_wait3A_155 = tpu.memref_slice %arg2[%dma_wait3A_153, %dma_wait3A_154] : memref<10016x64xf32, #tpu.memory_space<hbm>> -> memref<10016x64xf32, #tpu.memory_space<hbm>>
      tpu.wait_indirect_dma semaphore(%arg13 : memref<!tpu.dma_semaphore, #tpu.memory_space<semaphore_mem>>) src(%dma_wait3A_155 : memref<10016x64xf32, #tpu.memory_space<hbm>>) dst(%arg8 : memref<128x64xf32, #tpu.memory_space<vmem>>)
      %dma_start3A_156 = arith.constant 0 : i32
      %dma_start3A_157 = tpu.memref_slice %arg7[%add3A_149, %dma_start3A_156] : memref<60x128xi32, #tpu.memory_space<vmem>> -> memref<1x128xi32, #tpu.memory_space<vmem>>
      %dma_start3A_158 = tpu.memref_squeeze %dma_start3A_157 : memref<1x128xi32, #tpu.memory_space<vmem>> -> memref<128xi32, #tpu.memory_space<vmem>>
      %dma_start3A_159 = arith.constant 0 : i32
      %dma_start3A_160 = arith.constant 0 : i32
      %dma_start3A_161 = tpu.memref_slice %arg12[%dma_start3A_159, %dma_start3A_160] : memref<10240x64xf32, #tpu.memory_space<vmem_shared>> -> memref<10240x64xf32, #tpu.memory_space<vmem_shared>>
      tpu.enqueue_indirect_dma source(%arg8 : memref<128x64xf32, #tpu.memory_space<vmem>>) target(%dma_start3A_161 : memref<10240x64xf32, #tpu.memory_space<vmem_shared>>) offsets(%dma_start3A_158 : memref<128xi32, #tpu.memory_space<vmem>>) semaphore(%arg17 : memref<!tpu.dma_semaphore, #tpu.memory_space<semaphore_mem>>) {add = true}
      "tpu.region"() ({
        %run_scoped3A = tpu.sem_alloc : memref<!tpu.dma_semaphore, #tpu.memory_space<semaphore_mem>>
        %dma_start3A_231 = arith.constant 0 : i32
        %dma_start3A_232 = tpu.memref_slice %arg7[%add3A_149, %dma_start3A_231] : memref<60x128xi32, #tpu.memory_space<vmem>> -> memref<1x128xi32, #tpu.memory_space<vmem>>
        %dma_start3A_233 = tpu.memref_squeeze %dma_start3A_232 : memref<1x128xi32, #tpu.memory_space<vmem>> -> memref<128xi32, #tpu.memory_space<vmem>>
        %dma_start3A_234 = arith.constant 0 : i32
        %dma_start3A_235 = arith.constant 0 : i32
        %dma_start3A_236 = tpu.memref_slice %arg22[%dma_start3A_234, %dma_start3A_235] : memref<10240x16xf32, #tpu.memory_space<vmem_shared>> -> memref<10240x16xf32, #tpu.memory_space<vmem_shared>>
        tpu.enqueue_indirect_dma source(%arg21 : memref<128x16xf32, #tpu.memory_space<vmem>>) target(%dma_start3A_236 : memref<10240x16xf32, #tpu.memory_space<vmem_shared>>) offsets(%dma_start3A_233 : memref<128xi32, #tpu.memory_space<vmem>>) semaphore(%run_scoped3A : memref<!tpu.dma_semaphore, #tpu.memory_space<semaphore_mem>>) {add = true}
        %dma_wait3A_237 = arith.constant 0 : i32
        %dma_wait3A_238 = tpu.memref_slice %arg7[%add3A_149, %dma_wait3A_237] : memref<60x128xi32, #tpu.memory_space<vmem>> -> memref<1x128xi32, #tpu.memory_space<vmem>>
        %dma_wait3A_239 = tpu.memref_squeeze %dma_wait3A_238 : memref<1x128xi32, #tpu.memory_space<vmem>> -> memref<128xi32, #tpu.memory_space<vmem>>
        %dma_wait3A_240 = arith.constant 0 : i32
        %dma_wait3A_241 = arith.constant 0 : i32
        %dma_wait3A_242 = tpu.memref_slice %arg22[%dma_wait3A_240, %dma_wait3A_241] : memref<10240x16xf32, #tpu.memory_space<vmem_shared>> -> memref<10240x16xf32, #tpu.memory_space<vmem_shared>>
        tpu.wait_indirect_dma semaphore(%run_scoped3A : memref<!tpu.dma_semaphore, #tpu.memory_space<semaphore_mem>>) src(%arg21 : memref<128x16xf32, #tpu.memory_space<vmem>>) dst(%dma_wait3A_242 : memref<10240x16xf32, #tpu.memory_space<vmem_shared>>)
        tpu.yield
      }) : () -> ()
      %sub3A_162 = arith.constant 2 : i32
      %sub3A_163 = arith.subi %select_n3A, %sub3A_162 : i32
      %lt3A = arith.cmpi slt, %add3A_149, %sub3A_163 : i32
      %convert_element_type3A = arith.extui %lt3A : i1 to i32
      %cond3A = arith.constant 0 : i32
      %cond3A_164 = arith.cmpi ne, %convert_element_type3A, %cond3A : i32
      scf.if %cond3A_164 {
        %ge3A = arith.constant 2 : i32
        %ge3A_231 = arith.cmpi sge, %add3A_149, %ge3A : i32
        %convert_element_type3A_232 = arith.extui %ge3A_231 : i1 to i32
        %cond3A_233 = arith.constant 0 : i32
        %cond3A_234 = arith.cmpi ne, %convert_element_type3A_232, %cond3A_233 : i32
        scf.if %cond3A_234 {
          %sub3A_243 = arith.constant 2 : i32
          %sub3A_244 = arith.subi %add3A_149, %sub3A_243 : i32
          %dma_wait3A_245 = arith.constant 0 : i32
          %dma_wait3A_246 = tpu.memref_slice %arg7[%sub3A_244, %dma_wait3A_245] : memref<60x128xi32, #tpu.memory_space<vmem>> -> memref<1x128xi32, #tpu.memory_space<vmem>>
          %dma_wait3A_247 = tpu.memref_squeeze %dma_wait3A_246 : memref<1x128xi32, #tpu.memory_space<vmem>> -> memref<128xi32, #tpu.memory_space<vmem>>
          %dma_wait3A_248 = arith.constant 0 : i32
          %dma_wait3A_249 = arith.constant 0 : i32
          %dma_wait3A_250 = tpu.memref_slice %arg12[%dma_wait3A_248, %dma_wait3A_249] : memref<10240x64xf32, #tpu.memory_space<vmem_shared>> -> memref<10240x64xf32, #tpu.memory_space<vmem_shared>>
          tpu.wait_indirect_dma semaphore(%arg19 : memref<!tpu.dma_semaphore, #tpu.memory_space<semaphore_mem>>) src(%arg10 : memref<128x64xf32, #tpu.memory_space<vmem>>) dst(%dma_wait3A_250 : memref<10240x64xf32, #tpu.memory_space<vmem_shared>>)
        } else {
        }
        %add3A_235 = arith.constant 2 : i32
        %add3A_236 = arith.addi %add3A_149, %add3A_235 : i32
        %dma_start3A_237 = arith.constant 0 : i32
        %dma_start3A_238 = tpu.memref_slice %arg6[%add3A_236, %dma_start3A_237] : memref<60x128xi32, #tpu.memory_space<vmem>> -> memref<1x128xi32, #tpu.memory_space<vmem>>
        %dma_start3A_239 = tpu.memref_squeeze %dma_start3A_238 : memref<1x128xi32, #tpu.memory_space<vmem>> -> memref<128xi32, #tpu.memory_space<vmem>>
        %dma_start3A_240 = arith.constant 0 : i32
        %dma_start3A_241 = arith.constant 0 : i32
        %dma_start3A_242 = tpu.memref_slice %arg2[%dma_start3A_240, %dma_start3A_241] : memref<10016x64xf32, #tpu.memory_space<hbm>> -> memref<10016x64xf32, #tpu.memory_space<hbm>>
        tpu.enqueue_indirect_dma source(%dma_start3A_242 : memref<10016x64xf32, #tpu.memory_space<hbm>>) target(%arg10 : memref<128x64xf32, #tpu.memory_space<vmem>>) offsets(%dma_start3A_239 : memref<128xi32, #tpu.memory_space<vmem>>) semaphore(%arg15 : memref<!tpu.dma_semaphore, #tpu.memory_space<semaphore_mem>>)
      } else {
      }
      %mul3A_165 = arith.constant 4 : i32
      %mul3A_166 = arith.muli %mul3A_165, %while3A_145 : i32
      %add3A_167 = arith.constant 1 : i32
      %add3A_168 = arith.addi %mul3A_166, %add3A_167 : i32
      %dma_wait3A_169 = arith.constant 0 : i32
      %dma_wait3A_170 = tpu.memref_slice %arg6[%add3A_168, %dma_wait3A_169] : memref<60x128xi32, #tpu.memory_space<vmem>> -> memref<1x128xi32, #tpu.memory_space<vmem>>
      %dma_wait3A_171 = tpu.memref_squeeze %dma_wait3A_170 : memref<1x128xi32, #tpu.memory_space<vmem>> -> memref<128xi32, #tpu.memory_space<vmem>>
      %dma_wait3A_172 = arith.constant 0 : i32
      %dma_wait3A_173 = arith.constant 0 : i32
      %dma_wait3A_174 = tpu.memref_slice %arg2[%dma_wait3A_172, %dma_wait3A_173] : memref<10016x64xf32, #tpu.memory_space<hbm>> -> memref<10016x64xf32, #tpu.memory_space<hbm>>
      tpu.wait_indirect_dma semaphore(%arg14 : memref<!tpu.dma_semaphore, #tpu.memory_space<semaphore_mem>>) src(%dma_wait3A_174 : memref<10016x64xf32, #tpu.memory_space<hbm>>) dst(%arg9 : memref<128x64xf32, #tpu.memory_space<vmem>>)
      %dma_start3A_175 = arith.constant 0 : i32
      %dma_start3A_176 = tpu.memref_slice %arg7[%add3A_168, %dma_start3A_175] : memref<60x128xi32, #tpu.memory_space<vmem>> -> memref<1x128xi32, #tpu.memory_space<vmem>>
      %dma_start3A_177 = tpu.memref_squeeze %dma_start3A_176 : memref<1x128xi32, #tpu.memory_space<vmem>> -> memref<128xi32, #tpu.memory_space<vmem>>
      %dma_start3A_178 = arith.constant 0 : i32
      %dma_start3A_179 = arith.constant 0 : i32
      %dma_start3A_180 = tpu.memref_slice %arg12[%dma_start3A_178, %dma_start3A_179] : memref<10240x64xf32, #tpu.memory_space<vmem_shared>> -> memref<10240x64xf32, #tpu.memory_space<vmem_shared>>
      tpu.enqueue_indirect_dma source(%arg9 : memref<128x64xf32, #tpu.memory_space<vmem>>) target(%dma_start3A_180 : memref<10240x64xf32, #tpu.memory_space<vmem_shared>>) offsets(%dma_start3A_177 : memref<128xi32, #tpu.memory_space<vmem>>) semaphore(%arg18 : memref<!tpu.dma_semaphore, #tpu.memory_space<semaphore_mem>>) {add = true}
      "tpu.region"() ({
        %run_scoped3A = tpu.sem_alloc : memref<!tpu.dma_semaphore, #tpu.memory_space<semaphore_mem>>
        %dma_start3A_231 = arith.constant 0 : i32
        %dma_start3A_232 = tpu.memref_slice %arg7[%add3A_168, %dma_start3A_231] : memref<60x128xi32, #tpu.memory_space<vmem>> -> memref<1x128xi32, #tpu.memory_space<vmem>>
        %dma_start3A_233 = tpu.memref_squeeze %dma_start3A_232 : memref<1x128xi32, #tpu.memory_space<vmem>> -> memref<128xi32, #tpu.memory_space<vmem>>
        %dma_start3A_234 = arith.constant 0 : i32
        %dma_start3A_235 = arith.constant 0 : i32
        %dma_start3A_236 = tpu.memref_slice %arg22[%dma_start3A_234, %dma_start3A_235] : memref<10240x16xf32, #tpu.memory_space<vmem_shared>> -> memref<10240x16xf32, #tpu.memory_space<vmem_shared>>
        tpu.enqueue_indirect_dma source(%arg21 : memref<128x16xf32, #tpu.memory_space<vmem>>) target(%dma_start3A_236 : memref<10240x16xf32, #tpu.memory_space<vmem_shared>>) offsets(%dma_start3A_233 : memref<128xi32, #tpu.memory_space<vmem>>) semaphore(%run_scoped3A : memref<!tpu.dma_semaphore, #tpu.memory_space<semaphore_mem>>) {add = true}
        %dma_wait3A_237 = arith.constant 0 : i32
        %dma_wait3A_238 = tpu.memref_slice %arg7[%add3A_168, %dma_wait3A_237] : memref<60x128xi32, #tpu.memory_space<vmem>> -> memref<1x128xi32, #tpu.memory_space<vmem>>
        %dma_wait3A_239 = tpu.memref_squeeze %dma_wait3A_238 : memref<1x128xi32, #tpu.memory_space<vmem>> -> memref<128xi32, #tpu.memory_space<vmem>>
        %dma_wait3A_240 = arith.constant 0 : i32
        %dma_wait3A_241 = arith.constant 0 : i32
        %dma_wait3A_242 = tpu.memref_slice %arg22[%dma_wait3A_240, %dma_wait3A_241] : memref<10240x16xf32, #tpu.memory_space<vmem_shared>> -> memref<10240x16xf32, #tpu.memory_space<vmem_shared>>
        tpu.wait_indirect_dma semaphore(%run_scoped3A : memref<!tpu.dma_semaphore, #tpu.memory_space<semaphore_mem>>) src(%arg21 : memref<128x16xf32, #tpu.memory_space<vmem>>) dst(%dma_wait3A_242 : memref<10240x16xf32, #tpu.memory_space<vmem_shared>>)
        tpu.yield
      }) : () -> ()
      %sub3A_181 = arith.constant 2 : i32
      %sub3A_182 = arith.subi %select_n3A, %sub3A_181 : i32
      %lt3A_183 = arith.cmpi slt, %add3A_168, %sub3A_182 : i32
      %convert_element_type3A_184 = arith.extui %lt3A_183 : i1 to i32
      %cond3A_185 = arith.constant 0 : i32
      %cond3A_186 = arith.cmpi ne, %convert_element_type3A_184, %cond3A_185 : i32
      scf.if %cond3A_186 {
        %ge3A = arith.constant 2 : i32
        %ge3A_231 = arith.cmpi sge, %add3A_168, %ge3A : i32
        %convert_element_type3A_232 = arith.extui %ge3A_231 : i1 to i32
        %cond3A_233 = arith.constant 0 : i32
        %cond3A_234 = arith.cmpi ne, %convert_element_type3A_232, %cond3A_233 : i32
        scf.if %cond3A_234 {
          %sub3A_243 = arith.constant 2 : i32
          %sub3A_244 = arith.subi %add3A_168, %sub3A_243 : i32
          %dma_wait3A_245 = arith.constant 0 : i32
          %dma_wait3A_246 = tpu.memref_slice %arg7[%sub3A_244, %dma_wait3A_245] : memref<60x128xi32, #tpu.memory_space<vmem>> -> memref<1x128xi32, #tpu.memory_space<vmem>>
          %dma_wait3A_247 = tpu.memref_squeeze %dma_wait3A_246 : memref<1x128xi32, #tpu.memory_space<vmem>> -> memref<128xi32, #tpu.memory_space<vmem>>
          %dma_wait3A_248 = arith.constant 0 : i32
          %dma_wait3A_249 = arith.constant 0 : i32
          %dma_wait3A_250 = tpu.memref_slice %arg12[%dma_wait3A_248, %dma_wait3A_249] : memref<10240x64xf32, #tpu.memory_space<vmem_shared>> -> memref<10240x64xf32, #tpu.memory_space<vmem_shared>>
          tpu.wait_indirect_dma semaphore(%arg20 : memref<!tpu.dma_semaphore, #tpu.memory_space<semaphore_mem>>) src(%arg11 : memref<128x64xf32, #tpu.memory_space<vmem>>) dst(%dma_wait3A_250 : memref<10240x64xf32, #tpu.memory_space<vmem_shared>>)
        } else {
        }
        %add3A_235 = arith.constant 2 : i32
        %add3A_236 = arith.addi %add3A_168, %add3A_235 : i32
        %dma_start3A_237 = arith.constant 0 : i32
        %dma_start3A_238 = tpu.memref_slice %arg6[%add3A_236, %dma_start3A_237] : memref<60x128xi32, #tpu.memory_space<vmem>> -> memref<1x128xi32, #tpu.memory_space<vmem>>
        %dma_start3A_239 = tpu.memref_squeeze %dma_start3A_238 : memref<1x128xi32, #tpu.memory_space<vmem>> -> memref<128xi32, #tpu.memory_space<vmem>>
        %dma_start3A_240 = arith.constant 0 : i32
        %dma_start3A_241 = arith.constant 0 : i32
        %dma_start3A_242 = tpu.memref_slice %arg2[%dma_start3A_240, %dma_start3A_241] : memref<10016x64xf32, #tpu.memory_space<hbm>> -> memref<10016x64xf32, #tpu.memory_space<hbm>>
        tpu.enqueue_indirect_dma source(%dma_start3A_242 : memref<10016x64xf32, #tpu.memory_space<hbm>>) target(%arg11 : memref<128x64xf32, #tpu.memory_space<vmem>>) offsets(%dma_start3A_239 : memref<128xi32, #tpu.memory_space<vmem>>) semaphore(%arg16 : memref<!tpu.dma_semaphore, #tpu.memory_space<semaphore_mem>>)
      } else {
      }
      %mul3A_187 = arith.constant 4 : i32
      %mul3A_188 = arith.muli %mul3A_187, %while3A_145 : i32
      %add3A_189 = arith.constant 2 : i32
      %add3A_190 = arith.addi %mul3A_188, %add3A_189 : i32
      %dma_wait3A_191 = arith.constant 0 : i32
      %dma_wait3A_192 = tpu.memref_slice %arg6[%add3A_190, %dma_wait3A_191] : memref<60x128xi32, #tpu.memory_space<vmem>> -> memref<1x128xi32, #tpu.memory_space<vmem>>
      %dma_wait3A_193 = tpu.memref_squeeze %dma_wait3A_192 : memref<1x128xi32, #tpu.memory_space<vmem>> -> memref<128xi32, #tpu.memory_space<vmem>>
      %dma_wait3A_194 = arith.constant 0 : i32
      %dma_wait3A_195 = arith.constant 0 : i32
      %dma_wait3A_196 = tpu.memref_slice %arg2[%dma_wait3A_194, %dma_wait3A_195] : memref<10016x64xf32, #tpu.memory_space<hbm>> -> memref<10016x64xf32, #tpu.memory_space<hbm>>
      tpu.wait_indirect_dma semaphore(%arg15 : memref<!tpu.dma_semaphore, #tpu.memory_space<semaphore_mem>>) src(%dma_wait3A_196 : memref<10016x64xf32, #tpu.memory_space<hbm>>) dst(%arg10 : memref<128x64xf32, #tpu.memory_space<vmem>>)
      %dma_start3A_197 = arith.constant 0 : i32
      %dma_start3A_198 = tpu.memref_slice %arg7[%add3A_190, %dma_start3A_197] : memref<60x128xi32, #tpu.memory_space<vmem>> -> memref<1x128xi32, #tpu.memory_space<vmem>>
      %dma_start3A_199 = tpu.memref_squeeze %dma_start3A_198 : memref<1x128xi32, #tpu.memory_space<vmem>> -> memref<128xi32, #tpu.memory_space<vmem>>
      %dma_start3A_200 = arith.constant 0 : i32
      %dma_start3A_201 = arith.constant 0 : i32
      %dma_start3A_202 = tpu.memref_slice %arg12[%dma_start3A_200, %dma_start3A_201] : memref<10240x64xf32, #tpu.memory_space<vmem_shared>> -> memref<10240x64xf32, #tpu.memory_space<vmem_shared>>
      tpu.enqueue_indirect_dma source(%arg10 : memref<128x64xf32, #tpu.memory_space<vmem>>) target(%dma_start3A_202 : memref<10240x64xf32, #tpu.memory_space<vmem_shared>>) offsets(%dma_start3A_199 : memref<128xi32, #tpu.memory_space<vmem>>) semaphore(%arg19 : memref<!tpu.dma_semaphore, #tpu.memory_space<semaphore_mem>>) {add = true}
      "tpu.region"() ({
        %run_scoped3A = tpu.sem_alloc : memref<!tpu.dma_semaphore, #tpu.memory_space<semaphore_mem>>
        %dma_start3A_231 = arith.constant 0 : i32
        %dma_start3A_232 = tpu.memref_slice %arg7[%add3A_190, %dma_start3A_231] : memref<60x128xi32, #tpu.memory_space<vmem>> -> memref<1x128xi32, #tpu.memory_space<vmem>>
        %dma_start3A_233 = tpu.memref_squeeze %dma_start3A_232 : memref<1x128xi32, #tpu.memory_space<vmem>> -> memref<128xi32, #tpu.memory_space<vmem>>
        %dma_start3A_234 = arith.constant 0 : i32
        %dma_start3A_235 = arith.constant 0 : i32
        %dma_start3A_236 = tpu.memref_slice %arg22[%dma_start3A_234, %dma_start3A_235] : memref<10240x16xf32, #tpu.memory_space<vmem_shared>> -> memref<10240x16xf32, #tpu.memory_space<vmem_shared>>
        tpu.enqueue_indirect_dma source(%arg21 : memref<128x16xf32, #tpu.memory_space<vmem>>) target(%dma_start3A_236 : memref<10240x16xf32, #tpu.memory_space<vmem_shared>>) offsets(%dma_start3A_233 : memref<128xi32, #tpu.memory_space<vmem>>) semaphore(%run_scoped3A : memref<!tpu.dma_semaphore, #tpu.memory_space<semaphore_mem>>) {add = true}
        %dma_wait3A_237 = arith.constant 0 : i32
        %dma_wait3A_238 = tpu.memref_slice %arg7[%add3A_190, %dma_wait3A_237] : memref<60x128xi32, #tpu.memory_space<vmem>> -> memref<1x128xi32, #tpu.memory_space<vmem>>
        %dma_wait3A_239 = tpu.memref_squeeze %dma_wait3A_238 : memref<1x128xi32, #tpu.memory_space<vmem>> -> memref<128xi32, #tpu.memory_space<vmem>>
        %dma_wait3A_240 = arith.constant 0 : i32
        %dma_wait3A_241 = arith.constant 0 : i32
        %dma_wait3A_242 = tpu.memref_slice %arg22[%dma_wait3A_240, %dma_wait3A_241] : memref<10240x16xf32, #tpu.memory_space<vmem_shared>> -> memref<10240x16xf32, #tpu.memory_space<vmem_shared>>
        tpu.wait_indirect_dma semaphore(%run_scoped3A : memref<!tpu.dma_semaphore, #tpu.memory_space<semaphore_mem>>) src(%arg21 : memref<128x16xf32, #tpu.memory_space<vmem>>) dst(%dma_wait3A_242 : memref<10240x16xf32, #tpu.memory_space<vmem_shared>>)
        tpu.yield
      }) : () -> ()
      %sub3A_203 = arith.constant 2 : i32
      %sub3A_204 = arith.subi %select_n3A, %sub3A_203 : i32
      %lt3A_205 = arith.cmpi slt, %add3A_190, %sub3A_204 : i32
      %convert_element_type3A_206 = arith.extui %lt3A_205 : i1 to i32
      %cond3A_207 = arith.constant 0 : i32
      %cond3A_208 = arith.cmpi ne, %convert_element_type3A_206, %cond3A_207 : i32
      scf.if %cond3A_208 {
        %ge3A = arith.constant 2 : i32
        %ge3A_231 = arith.cmpi sge, %add3A_190, %ge3A : i32
        %convert_element_type3A_232 = arith.extui %ge3A_231 : i1 to i32
        %cond3A_233 = arith.constant 0 : i32
        %cond3A_234 = arith.cmpi ne, %convert_element_type3A_232, %cond3A_233 : i32
        scf.if %cond3A_234 {
          %sub3A_243 = arith.constant 2 : i32
          %sub3A_244 = arith.subi %add3A_190, %sub3A_243 : i32
          %dma_wait3A_245 = arith.constant 0 : i32
          %dma_wait3A_246 = tpu.memref_slice %arg7[%sub3A_244, %dma_wait3A_245] : memref<60x128xi32, #tpu.memory_space<vmem>> -> memref<1x128xi32, #tpu.memory_space<vmem>>
          %dma_wait3A_247 = tpu.memref_squeeze %dma_wait3A_246 : memref<1x128xi32, #tpu.memory_space<vmem>> -> memref<128xi32, #tpu.memory_space<vmem>>
          %dma_wait3A_248 = arith.constant 0 : i32
          %dma_wait3A_249 = arith.constant 0 : i32
          %dma_wait3A_250 = tpu.memref_slice %arg12[%dma_wait3A_248, %dma_wait3A_249] : memref<10240x64xf32, #tpu.memory_space<vmem_shared>> -> memref<10240x64xf32, #tpu.memory_space<vmem_shared>>
          tpu.wait_indirect_dma semaphore(%arg17 : memref<!tpu.dma_semaphore, #tpu.memory_space<semaphore_mem>>) src(%arg8 : memref<128x64xf32, #tpu.memory_space<vmem>>) dst(%dma_wait3A_250 : memref<10240x64xf32, #tpu.memory_space<vmem_shared>>)
        } else {
        }
        %add3A_235 = arith.constant 2 : i32
        %add3A_236 = arith.addi %add3A_190, %add3A_235 : i32
        %dma_start3A_237 = arith.constant 0 : i32
        %dma_start3A_238 = tpu.memref_slice %arg6[%add3A_236, %dma_start3A_237] : memref<60x128xi32, #tpu.memory_space<vmem>> -> memref<1x128xi32, #tpu.memory_space<vmem>>
        %dma_start3A_239 = tpu.memref_squeeze %dma_start3A_238 : memref<1x128xi32, #tpu.memory_space<vmem>> -> memref<128xi32, #tpu.memory_space<vmem>>
        %dma_start3A_240 = arith.constant 0 : i32
        %dma_start3A_241 = arith.constant 0 : i32
        %dma_start3A_242 = tpu.memref_slice %arg2[%dma_start3A_240, %dma_start3A_241] : memref<10016x64xf32, #tpu.memory_space<hbm>> -> memref<10016x64xf32, #tpu.memory_space<hbm>>
        tpu.enqueue_indirect_dma source(%dma_start3A_242 : memref<10016x64xf32, #tpu.memory_space<hbm>>) target(%arg8 : memref<128x64xf32, #tpu.memory_space<vmem>>) offsets(%dma_start3A_239 : memref<128xi32, #tpu.memory_space<vmem>>) semaphore(%arg13 : memref<!tpu.dma_semaphore, #tpu.memory_space<semaphore_mem>>)
      } else {
      }
      %mul3A_209 = arith.constant 4 : i32
      %mul3A_210 = arith.muli %mul3A_209, %while3A_145 : i32
      %add3A_211 = arith.constant 3 : i32
      %add3A_212 = arith.addi %mul3A_210, %add3A_211 : i32
      %dma_wait3A_213 = arith.constant 0 : i32
      %dma_wait3A_214 = tpu.memref_slice %arg6[%add3A_212, %dma_wait3A_213] : memref<60x128xi32, #tpu.memory_space<vmem>> -> memref<1x128xi32, #tpu.memory_space<vmem>>
      %dma_wait3A_215 = tpu.memref_squeeze %dma_wait3A_214 : memref<1x128xi32, #tpu.memory_space<vmem>> -> memref<128xi32, #tpu.memory_space<vmem>>
      %dma_wait3A_216 = arith.constant 0 : i32
      %dma_wait3A_217 = arith.constant 0 : i32
      %dma_wait3A_218 = tpu.memref_slice %arg2[%dma_wait3A_216, %dma_wait3A_217] : memref<10016x64xf32, #tpu.memory_space<hbm>> -> memref<10016x64xf32, #tpu.memory_space<hbm>>
      tpu.wait_indirect_dma semaphore(%arg16 : memref<!tpu.dma_semaphore, #tpu.memory_space<semaphore_mem>>) src(%dma_wait3A_218 : memref<10016x64xf32, #tpu.memory_space<hbm>>) dst(%arg11 : memref<128x64xf32, #tpu.memory_space<vmem>>)
      %dma_start3A_219 = arith.constant 0 : i32
      %dma_start3A_220 = tpu.memref_slice %arg7[%add3A_212, %dma_start3A_219] : memref<60x128xi32, #tpu.memory_space<vmem>> -> memref<1x128xi32, #tpu.memory_space<vmem>>
      %dma_start3A_221 = tpu.memref_squeeze %dma_start3A_220 : memref<1x128xi32, #tpu.memory_space<vmem>> -> memref<128xi32, #tpu.memory_space<vmem>>
      %dma_start3A_222 = arith.constant 0 : i32
      %dma_start3A_223 = arith.constant 0 : i32
      %dma_start3A_224 = tpu.memref_slice %arg12[%dma_start3A_222, %dma_start3A_223] : memref<10240x64xf32, #tpu.memory_space<vmem_shared>> -> memref<10240x64xf32, #tpu.memory_space<vmem_shared>>
      tpu.enqueue_indirect_dma source(%arg11 : memref<128x64xf32, #tpu.memory_space<vmem>>) target(%dma_start3A_224 : memref<10240x64xf32, #tpu.memory_space<vmem_shared>>) offsets(%dma_start3A_221 : memref<128xi32, #tpu.memory_space<vmem>>) semaphore(%arg20 : memref<!tpu.dma_semaphore, #tpu.memory_space<semaphore_mem>>) {add = true}
      "tpu.region"() ({
        %run_scoped3A = tpu.sem_alloc : memref<!tpu.dma_semaphore, #tpu.memory_space<semaphore_mem>>
        %dma_start3A_231 = arith.constant 0 : i32
        %dma_start3A_232 = tpu.memref_slice %arg7[%add3A_212, %dma_start3A_231] : memref<60x128xi32, #tpu.memory_space<vmem>> -> memref<1x128xi32, #tpu.memory_space<vmem>>
        %dma_start3A_233 = tpu.memref_squeeze %dma_start3A_232 : memref<1x128xi32, #tpu.memory_space<vmem>> -> memref<128xi32, #tpu.memory_space<vmem>>
        %dma_start3A_234 = arith.constant 0 : i32
        %dma_start3A_235 = arith.constant 0 : i32
        %dma_start3A_236 = tpu.memref_slice %arg22[%dma_start3A_234, %dma_start3A_235] : memref<10240x16xf32, #tpu.memory_space<vmem_shared>> -> memref<10240x16xf32, #tpu.memory_space<vmem_shared>>
        tpu.enqueue_indirect_dma source(%arg21 : memref<128x16xf32, #tpu.memory_space<vmem>>) target(%dma_start3A_236 : memref<10240x16xf32, #tpu.memory_space<vmem_shared>>) offsets(%dma_start3A_233 : memref<128xi32, #tpu.memory_space<vmem>>) semaphore(%run_scoped3A : memref<!tpu.dma_semaphore, #tpu.memory_space<semaphore_mem>>) {add = true}
        %dma_wait3A_237 = arith.constant 0 : i32
        %dma_wait3A_238 = tpu.memref_slice %arg7[%add3A_212, %dma_wait3A_237] : memref<60x128xi32, #tpu.memory_space<vmem>> -> memref<1x128xi32, #tpu.memory_space<vmem>>
        %dma_wait3A_239 = tpu.memref_squeeze %dma_wait3A_238 : memref<1x128xi32, #tpu.memory_space<vmem>> -> memref<128xi32, #tpu.memory_space<vmem>>
        %dma_wait3A_240 = arith.constant 0 : i32
        %dma_wait3A_241 = arith.constant 0 : i32
        %dma_wait3A_242 = tpu.memref_slice %arg22[%dma_wait3A_240, %dma_wait3A_241] : memref<10240x16xf32, #tpu.memory_space<vmem_shared>> -> memref<10240x16xf32, #tpu.memory_space<vmem_shared>>
        tpu.wait_indirect_dma semaphore(%run_scoped3A : memref<!tpu.dma_semaphore, #tpu.memory_space<semaphore_mem>>) src(%arg21 : memref<128x16xf32, #tpu.memory_space<vmem>>) dst(%dma_wait3A_242 : memref<10240x16xf32, #tpu.memory_space<vmem_shared>>)
        tpu.yield
      }) : () -> ()
      %sub3A_225 = arith.constant 2 : i32
      %sub3A_226 = arith.subi %select_n3A, %sub3A_225 : i32
      %lt3A_227 = arith.cmpi slt, %add3A_212, %sub3A_226 : i32
      %convert_element_type3A_228 = arith.extui %lt3A_227 : i1 to i32
      %cond3A_229 = arith.constant 0 : i32
      %cond3A_230 = arith.cmpi ne, %convert_element_type3A_228, %cond3A_229 : i32
      scf.if %cond3A_230 {
        %ge3A = arith.constant 2 : i32
        %ge3A_231 = arith.cmpi sge, %add3A_212, %ge3A : i32
        %convert_element_type3A_232 = arith.extui %ge3A_231 : i1 to i32
        %cond3A_233 = arith.constant 0 : i32
        %cond3A_234 = arith.cmpi ne, %convert_element_type3A_232, %cond3A_233 : i32
        scf.if %cond3A_234 {
          %sub3A_243 = arith.constant 2 : i32
          %sub3A_244 = arith.subi %add3A_212, %sub3A_243 : i32
          %dma_wait3A_245 = arith.constant 0 : i32
          %dma_wait3A_246 = tpu.memref_slice %arg7[%sub3A_244, %dma_wait3A_245] : memref<60x128xi32, #tpu.memory_space<vmem>> -> memref<1x128xi32, #tpu.memory_space<vmem>>
          %dma_wait3A_247 = tpu.memref_squeeze %dma_wait3A_246 : memref<1x128xi32, #tpu.memory_space<vmem>> -> memref<128xi32, #tpu.memory_space<vmem>>
          %dma_wait3A_248 = arith.constant 0 : i32
          %dma_wait3A_249 = arith.constant 0 : i32
          %dma_wait3A_250 = tpu.memref_slice %arg12[%dma_wait3A_248, %dma_wait3A_249] : memref<10240x64xf32, #tpu.memory_space<vmem_shared>> -> memref<10240x64xf32, #tpu.memory_space<vmem_shared>>
          tpu.wait_indirect_dma semaphore(%arg18 : memref<!tpu.dma_semaphore, #tpu.memory_space<semaphore_mem>>) src(%arg9 : memref<128x64xf32, #tpu.memory_space<vmem>>) dst(%dma_wait3A_250 : memref<10240x64xf32, #tpu.memory_space<vmem_shared>>)
        } else {
        }
        %add3A_235 = arith.constant 2 : i32
        %add3A_236 = arith.addi %add3A_212, %add3A_235 : i32
        %dma_start3A_237 = arith.constant 0 : i32
        %dma_start3A_238 = tpu.memref_slice %arg6[%add3A_236, %dma_start3A_237] : memref<60x128xi32, #tpu.memory_space<vmem>> -> memref<1x128xi32, #tpu.memory_space<vmem>>
        %dma_start3A_239 = tpu.memref_squeeze %dma_start3A_238 : memref<1x128xi32, #tpu.memory_space<vmem>> -> memref<128xi32, #tpu.memory_space<vmem>>
        %dma_start3A_240 = arith.constant 0 : i32
        %dma_start3A_241 = arith.constant 0 : i32
        %dma_start3A_242 = tpu.memref_slice %arg2[%dma_start3A_240, %dma_start3A_241] : memref<10016x64xf32, #tpu.memory_space<hbm>> -> memref<10016x64xf32, #tpu.memory_space<hbm>>
        tpu.enqueue_indirect_dma source(%dma_start3A_242 : memref<10016x64xf32, #tpu.memory_space<hbm>>) target(%arg9 : memref<128x64xf32, #tpu.memory_space<vmem>>) offsets(%dma_start3A_239 : memref<128xi32, #tpu.memory_space<vmem>>) semaphore(%arg14 : memref<!tpu.dma_semaphore, #tpu.memory_space<semaphore_mem>>)
      } else {
      }
    }
    %sub3A_104 = arith.constant 4 : i32
    %sub3A_105 = arith.subi %select_n3A, %sub3A_104 : i32
    %add3A_106 = arith.constant 0 : i32
    %add3A_107 = arith.addi %sub3A_105, %add3A_106 : i32
    %dma_wait3A_108 = arith.constant 0 : i32
    %dma_wait3A_109 = tpu.memref_slice %arg7[%add3A_107, %dma_wait3A_108] : memref<60x128xi32, #tpu.memory_space<vmem>> -> memref<1x128xi32, #tpu.memory_space<vmem>>
    %dma_wait3A_110 = tpu.memref_squeeze %dma_wait3A_109 : memref<1x128xi32, #tpu.memory_space<vmem>> -> memref<128xi32, #tpu.memory_space<vmem>>
    %dma_wait3A_111 = arith.constant 0 : i32
    %dma_wait3A_112 = arith.constant 0 : i32
    %dma_wait3A_113 = tpu.memref_slice %arg12[%dma_wait3A_111, %dma_wait3A_112] : memref<10240x64xf32, #tpu.memory_space<vmem_shared>> -> memref<10240x64xf32, #tpu.memory_space<vmem_shared>>
    tpu.wait_indirect_dma semaphore(%arg17 : memref<!tpu.dma_semaphore, #tpu.memory_space<semaphore_mem>>) src(%arg8 : memref<128x64xf32, #tpu.memory_space<vmem>>) dst(%dma_wait3A_113 : memref<10240x64xf32, #tpu.memory_space<vmem_shared>>)
    %sub3A_114 = arith.constant 4 : i32
    %sub3A_115 = arith.subi %select_n3A, %sub3A_114 : i32
    %add3A_116 = arith.constant 1 : i32
    %add3A_117 = arith.addi %sub3A_115, %add3A_116 : i32
    %dma_wait3A_118 = arith.constant 0 : i32
    %dma_wait3A_119 = tpu.memref_slice %arg7[%add3A_117, %dma_wait3A_118] : memref<60x128xi32, #tpu.memory_space<vmem>> -> memref<1x128xi32, #tpu.memory_space<vmem>>
    %dma_wait3A_120 = tpu.memref_squeeze %dma_wait3A_119 : memref<1x128xi32, #tpu.memory_space<vmem>> -> memref<128xi32, #tpu.memory_space<vmem>>
    %dma_wait3A_121 = arith.constant 0 : i32
    %dma_wait3A_122 = arith.constant 0 : i32
    %dma_wait3A_123 = tpu.memref_slice %arg12[%dma_wait3A_121, %dma_wait3A_122] : memref<10240x64xf32, #tpu.memory_space<vmem_shared>> -> memref<10240x64xf32, #tpu.memory_space<vmem_shared>>
    tpu.wait_indirect_dma semaphore(%arg18 : memref<!tpu.dma_semaphore, #tpu.memory_space<semaphore_mem>>) src(%arg9 : memref<128x64xf32, #tpu.memory_space<vmem>>) dst(%dma_wait3A_123 : memref<10240x64xf32, #tpu.memory_space<vmem_shared>>)
    %sub3A_124 = arith.constant 4 : i32
    %sub3A_125 = arith.subi %select_n3A, %sub3A_124 : i32
    %add3A_126 = arith.constant 2 : i32
    %add3A_127 = arith.addi %sub3A_125, %add3A_126 : i32
    %dma_wait3A_128 = arith.constant 0 : i32
    %dma_wait3A_129 = tpu.memref_slice %arg7[%add3A_127, %dma_wait3A_128] : memref<60x128xi32, #tpu.memory_space<vmem>> -> memref<1x128xi32, #tpu.memory_space<vmem>>
    %dma_wait3A_130 = tpu.memref_squeeze %dma_wait3A_129 : memref<1x128xi32, #tpu.memory_space<vmem>> -> memref<128xi32, #tpu.memory_space<vmem>>
    %dma_wait3A_131 = arith.constant 0 : i32
    %dma_wait3A_132 = arith.constant 0 : i32
    %dma_wait3A_133 = tpu.memref_slice %arg12[%dma_wait3A_131, %dma_wait3A_132] : memref<10240x64xf32, #tpu.memory_space<vmem_shared>> -> memref<10240x64xf32, #tpu.memory_space<vmem_shared>>
    tpu.wait_indirect_dma semaphore(%arg19 : memref<!tpu.dma_semaphore, #tpu.memory_space<semaphore_mem>>) src(%arg10 : memref<128x64xf32, #tpu.memory_space<vmem>>) dst(%dma_wait3A_133 : memref<10240x64xf32, #tpu.memory_space<vmem_shared>>)
    %sub3A_134 = arith.constant 4 : i32
    %sub3A_135 = arith.subi %select_n3A, %sub3A_134 : i32
    %add3A_136 = arith.constant 3 : i32
    %add3A_137 = arith.addi %sub3A_135, %add3A_136 : i32
    %dma_wait3A_138 = arith.constant 0 : i32
    %dma_wait3A_139 = tpu.memref_slice %arg7[%add3A_137, %dma_wait3A_138] : memref<60x128xi32, #tpu.memory_space<vmem>> -> memref<1x128xi32, #tpu.memory_space<vmem>>
    %dma_wait3A_140 = tpu.memref_squeeze %dma_wait3A_139 : memref<1x128xi32, #tpu.memory_space<vmem>> -> memref<128xi32, #tpu.memory_space<vmem>>
    %dma_wait3A_141 = arith.constant 0 : i32
    %dma_wait3A_142 = arith.constant 0 : i32
    %dma_wait3A_143 = tpu.memref_slice %arg12[%dma_wait3A_141, %dma_wait3A_142] : memref<10240x64xf32, #tpu.memory_space<vmem_shared>> -> memref<10240x64xf32, #tpu.memory_space<vmem_shared>>
    tpu.wait_indirect_dma semaphore(%arg20 : memref<!tpu.dma_semaphore, #tpu.memory_space<semaphore_mem>>) src(%arg11 : memref<128x64xf32, #tpu.memory_space<vmem>>) dst(%dma_wait3A_143 : memref<10240x64xf32, #tpu.memory_space<vmem_shared>>)
    %barrier3A_144 = arith.constant 0 : index
    tpu.barrier barrier_id(%barrier3A_144)
    "tpu.region"() ({
      %run_scoped3A = tpu.sem_alloc : memref<!tpu.dma_semaphore, #tpu.memory_space<semaphore_mem>>
      %dma_start3A_145 = arith.constant 0 : i32
      %dma_start3A_146 = tpu.memref_slice %arg4[%arg0, %multiple_of3A, %dma_start3A_145] : memref<2x10240x64xf32, #tpu.memory_space<hbm>> -> memref<1x640x64xf32, #tpu.memory_space<hbm>>
      %dma_start3A_147 = tpu.memref_squeeze %dma_start3A_146 : memref<1x640x64xf32, #tpu.memory_space<hbm>> -> memref<640x64xf32, #tpu.memory_space<hbm>>
      %dma_start3A_148 = arith.constant 0 : i32
      %dma_start3A_149 = tpu.memref_slice %arg12[%multiple_of3A, %dma_start3A_148] : memref<10240x64xf32, #tpu.memory_space<vmem_shared>> -> memref<640x64xf32, #tpu.memory_space<vmem_shared>>
      tpu.enqueue_dma source(%dma_start3A_149 : memref<640x64xf32, #tpu.memory_space<vmem_shared>>) target(%dma_start3A_147 : memref<640x64xf32, #tpu.memory_space<hbm>>) target_semaphore(%run_scoped3A : memref<!tpu.dma_semaphore, #tpu.memory_space<semaphore_mem>>)
      %dma_wait3A_150 = arith.constant 0 : i32
      %dma_wait3A_151 = tpu.memref_slice %arg4[%arg0, %multiple_of3A, %dma_wait3A_150] : memref<2x10240x64xf32, #tpu.memory_space<hbm>> -> memref<1x640x64xf32, #tpu.memory_space<hbm>>
      %dma_wait3A_152 = tpu.memref_squeeze %dma_wait3A_151 : memref<1x640x64xf32, #tpu.memory_space<hbm>> -> memref<640x64xf32, #tpu.memory_space<hbm>>
      %dma_wait3A_153 = arith.constant 0 : i32
      %dma_wait3A_154 = tpu.memref_slice %arg12[%multiple_of3A, %dma_wait3A_153] : memref<10240x64xf32, #tpu.memory_space<vmem_shared>> -> memref<640x64xf32, #tpu.memory_space<vmem_shared>>
      tpu.wait_dma2 semaphore(%run_scoped3A : memref<!tpu.dma_semaphore, #tpu.memory_space<semaphore_mem>>) src(%dma_wait3A_154 : memref<640x64xf32, #tpu.memory_space<vmem_shared>>) dst(%dma_wait3A_152 : memref<640x64xf32, #tpu.memory_space<hbm>>)
      tpu.yield
    }) : () -> ()
    "tpu.region"() ({
      %run_scoped3A = tpu.sem_alloc : memref<!tpu.dma_semaphore, #tpu.memory_space<semaphore_mem>>
      %dma_start3A_145 = arith.constant 0 : i32
      %dma_start3A_146 = tpu.memref_slice %arg5[%arg0, %multiple_of3A, %dma_start3A_145] : memref<2x10240x16xf32, #tpu.memory_space<hbm>> -> memref<1x640x16xf32, #tpu.memory_space<hbm>>
      %dma_start3A_147 = tpu.memref_squeeze %dma_start3A_146 : memref<1x640x16xf32, #tpu.memory_space<hbm>> -> memref<640x16xf32, #tpu.memory_space<hbm>>
      %dma_start3A_148 = arith.constant 0 : i32
      %dma_start3A_149 = tpu.memref_slice %arg22[%multiple_of3A, %dma_start3A_148] : memref<10240x16xf32, #tpu.memory_space<vmem_shared>> -> memref<640x16xf32, #tpu.memory_space<vmem_shared>>
      tpu.enqueue_dma source(%dma_start3A_149 : memref<640x16xf32, #tpu.memory_space<vmem_shared>>) target(%dma_start3A_147 : memref<640x16xf32, #tpu.memory_space<hbm>>) target_semaphore(%run_scoped3A : memref<!tpu.dma_semaphore, #tpu.memory_space<semaphore_mem>>)
      %dma_wait3A_150 = arith.constant 0 : i32
      %dma_wait3A_151 = tpu.memref_slice %arg5[%arg0, %multiple_of3A, %dma_wait3A_150] : memref<2x10240x16xf32, #tpu.memory_space<hbm>> -> memref<1x640x16xf32, #tpu.memory_space<hbm>>
      %dma_wait3A_152 = tpu.memref_squeeze %dma_wait3A_151 : memref<1x640x16xf32, #tpu.memory_space<hbm>> -> memref<640x16xf32, #tpu.memory_space<hbm>>
      %dma_wait3A_153 = arith.constant 0 : i32
      %dma_wait3A_154 = tpu.memref_slice %arg22[%multiple_of3A, %dma_wait3A_153] : memref<10240x16xf32, #tpu.memory_space<vmem_shared>> -> memref<640x16xf32, #tpu.memory_space<vmem_shared>>
      tpu.wait_dma2 semaphore(%run_scoped3A : memref<!tpu.dma_semaphore, #tpu.memory_space<semaphore_mem>>) src(%dma_wait3A_154 : memref<640x16xf32, #tpu.memory_space<vmem_shared>>) dst(%dma_wait3A_152 : memref<640x16xf32, #tpu.memory_space<hbm>>)
      tpu.yield
    }) : () -> ()
    return
  }
}

#map = affine_map<(d0, d1) -> (0, 0)>
#map1 = affine_map<(d0, d1) -> (0, 0, 0)>
module attributes {stable_mosaic.version = 14 : i64} {
  func.func @_sc_spmm_body(%arg0: i32, %arg1: i32, %arg2: memref<10016x64xf32, #tpu.memory_space<hbm>>, %arg3: memref<2x1340x128xi32, #tpu.memory_space<hbm>>, %arg4: memref<2x10240x64xf32, #tpu.memory_space<hbm>>, %arg5: memref<60x128xi32, #tpu.memory_space<vmem>>, %arg6: memref<60x128xi32, #tpu.memory_space<vmem>>, %arg7: memref<128x64xf32, #tpu.memory_space<vmem>>, %arg8: memref<128x64xf32, #tpu.memory_space<vmem>>, %arg9: memref<128x64xf32, #tpu.memory_space<vmem>>, %arg10: memref<128x64xf32, #tpu.memory_space<vmem>>, %arg11: memref<10240x64xf32, #tpu.memory_space<vmem_shared>>, %arg12: memref<!tpu.dma_semaphore, #tpu.memory_space<semaphore_mem>>, %arg13: memref<!tpu.dma_semaphore, #tpu.memory_space<semaphore_mem>>, %arg14: memref<!tpu.dma_semaphore, #tpu.memory_space<semaphore_mem>>, %arg15: memref<!tpu.dma_semaphore, #tpu.memory_space<semaphore_mem>>, %arg16: memref<!tpu.dma_semaphore, #tpu.memory_space<semaphore_mem>>, %arg17: memref<!tpu.dma_semaphore, #tpu.memory_space<semaphore_mem>>, %arg18: memref<!tpu.dma_semaphore, #tpu.memory_space<semaphore_mem>>, %arg19: memref<!tpu.dma_semaphore, #tpu.memory_space<semaphore_mem>>) attributes {dimension_semantics = [#tpu.dimension_semantics<core_parallel>, #tpu.dimension_semantics<subcore_parallel>], iteration_bounds = array<i64: 2, 16>, scalar_prefetch = 0 : i64, scratch_operands = 15 : i64, tpu.core_type = #tpu.core_type<sc_vector_subcore>, window_params = [{transform_indices = #map}, {transform_indices = #map1}, {transform_indices = #map1}]} {
    %mul3A = arith.constant 640 : i32
    %mul3A_0 = arith.muli %arg1, %mul3A : i32
    %multiple_of3A = tpu.assume_multiple %mul3A_0, 8 : i32
    %eq3A = arith.constant 0 : i32
    %eq3A_1 = arith.cmpi eq, %arg0, %eq3A : i32
    %jit3A = arith.constant 60 : i32
    %jit3A_2 = arith.constant 20 : i32
    %select_n3A = arith.select %eq3A_1, %jit3A, %jit3A_2 : i32
    %eq3A_3 = arith.constant 0 : i32
    %eq3A_4 = arith.cmpi eq, %arg0, %eq3A_3 : i32
    %mul3A_5 = arith.constant 60 : i32
    %mul3A_6 = arith.muli %arg1, %mul3A_5 : i32
    %mul3A_7 = arith.constant 20 : i32
    %mul3A_8 = arith.muli %arg1, %mul3A_7 : i32
    %add3A = arith.constant 960 : i32
    %add3A_9 = arith.addi %add3A, %mul3A_8 : i32
    %select_n3A_10 = arith.select %eq3A_4, %mul3A_6, %add3A_9 : i32
    %dma_start3A = arith.constant 0 : i32
    %dma_start3A_11 = arith.constant 0 : i32
    %dma_start3A_12 = tpu.memref_slice %arg3[%dma_start3A, %select_n3A_10, %dma_start3A_11] : memref<2x1340x128xi32, #tpu.memory_space<hbm>> -> memref<1x60x128xi32, #tpu.memory_space<hbm>>
    %dma_start3A_13 = tpu.memref_squeeze %dma_start3A_12 : memref<1x60x128xi32, #tpu.memory_space<hbm>> -> memref<60x128xi32, #tpu.memory_space<hbm>>
    %dma_start3A_14 = arith.constant 0 : i32
    %dma_start3A_15 = tpu.memref_slice %arg3[%dma_start3A, %select_n3A_10, %dma_start3A_14] : memref<2x1340x128xi32, #tpu.memory_space<hbm>> -> memref<1x60x128xi32, #tpu.memory_space<hbm>>
    %dma_start3A_16 = tpu.memref_squeeze %dma_start3A_15 : memref<1x60x128xi32, #tpu.memory_space<hbm>> -> memref<60x128xi32, #tpu.memory_space<hbm>>
    tpu.enqueue_dma source(%dma_start3A_16 : memref<60x128xi32, #tpu.memory_space<hbm>>) target(%arg5 : memref<60x128xi32, #tpu.memory_space<vmem>>) target_semaphore(%arg12 : memref<!tpu.dma_semaphore, #tpu.memory_space<semaphore_mem>>)
    %dma_start3A_17 = arith.constant 1 : i32
    %dma_start3A_18 = arith.constant 0 : i32
    %dma_start3A_19 = tpu.memref_slice %arg3[%dma_start3A_17, %select_n3A_10, %dma_start3A_18] : memref<2x1340x128xi32, #tpu.memory_space<hbm>> -> memref<1x60x128xi32, #tpu.memory_space<hbm>>
    %dma_start3A_20 = tpu.memref_squeeze %dma_start3A_19 : memref<1x60x128xi32, #tpu.memory_space<hbm>> -> memref<60x128xi32, #tpu.memory_space<hbm>>
    %dma_start3A_21 = arith.constant 0 : i32
    %dma_start3A_22 = tpu.memref_slice %arg3[%dma_start3A_17, %select_n3A_10, %dma_start3A_21] : memref<2x1340x128xi32, #tpu.memory_space<hbm>> -> memref<1x60x128xi32, #tpu.memory_space<hbm>>
    %dma_start3A_23 = tpu.memref_squeeze %dma_start3A_22 : memref<1x60x128xi32, #tpu.memory_space<hbm>> -> memref<60x128xi32, #tpu.memory_space<hbm>>
    tpu.enqueue_dma source(%dma_start3A_23 : memref<60x128xi32, #tpu.memory_space<hbm>>) target(%arg6 : memref<60x128xi32, #tpu.memory_space<vmem>>) target_semaphore(%arg13 : memref<!tpu.dma_semaphore, #tpu.memory_space<semaphore_mem>>)
    %broadcast_in_dim3A = arith.constant 0.000000e+00 : f32
    %broadcast_in_dim3A_24 = vector.broadcast %broadcast_in_dim3A : f32 to vector<16xf32>
    %scan3A = arith.constant 0 : i32
    %scan3A_25 = arith.constant 0 : i32
    %scan3A_26 = arith.constant 128 : i32
    %scan3A_27 = arith.addi %scan3A_25, %scan3A_26 : i32
    %scan3A_28 = arith.constant 1 : i32
    scf.for %scan3A_135 = %scan3A_25 to %scan3A_27 step %scan3A_28  : i32 {
      %swap3A = arith.index_cast %scan3A_135 : i32 to index
      %swap3A_136 = arith.constant 0 : index
      %swap3A_137 = tpu.vector_load %arg7[%swap3A, %swap3A_136] {strides = array<i32>} : memref<128x64xf32, #tpu.memory_space<vmem>>, vector<1x16xf32>,
      %swap3A_138 = vector.shape_cast %swap3A_137 : vector<1x16xf32> to vector<16xf32>
      %swap3A_139 = vector.shape_cast %broadcast_in_dim3A_24 : vector<16xf32> to vector<1x16xf32>
      tpu.vector_store %arg7[%swap3A, %swap3A_136], %swap3A_139 {strides = array<i32>} : memref<128x64xf32, #tpu.memory_space<vmem>>, vector<1x16xf32>,
      %swap3A_140 = arith.index_cast %scan3A_135 : i32 to index
      %swap3A_141 = arith.constant 16 : index
      %swap3A_142 = tpu.vector_load %arg7[%swap3A_140, %swap3A_141] {strides = array<i32>} : memref<128x64xf32, #tpu.memory_space<vmem>>, vector<1x16xf32>,
      %swap3A_143 = vector.shape_cast %swap3A_142 : vector<1x16xf32> to vector<16xf32>
      %swap3A_144 = vector.shape_cast %broadcast_in_dim3A_24 : vector<16xf32> to vector<1x16xf32>
      tpu.vector_store %arg7[%swap3A_140, %swap3A_141], %swap3A_144 {strides = array<i32>} : memref<128x64xf32, #tpu.memory_space<vmem>>, vector<1x16xf32>,
      %swap3A_145 = arith.index_cast %scan3A_135 : i32 to index
      %swap3A_146 = arith.constant 32 : index
      %swap3A_147 = tpu.vector_load %arg7[%swap3A_145, %swap3A_146] {strides = array<i32>} : memref<128x64xf32, #tpu.memory_space<vmem>>, vector<1x16xf32>,
      %swap3A_148 = vector.shape_cast %swap3A_147 : vector<1x16xf32> to vector<16xf32>
      %swap3A_149 = vector.shape_cast %broadcast_in_dim3A_24 : vector<16xf32> to vector<1x16xf32>
      tpu.vector_store %arg7[%swap3A_145, %swap3A_146], %swap3A_149 {strides = array<i32>} : memref<128x64xf32, #tpu.memory_space<vmem>>, vector<1x16xf32>,
      %swap3A_150 = arith.index_cast %scan3A_135 : i32 to index
      %swap3A_151 = arith.constant 48 : index
      %swap3A_152 = tpu.vector_load %arg7[%swap3A_150, %swap3A_151] {strides = array<i32>} : memref<128x64xf32, #tpu.memory_space<vmem>>, vector<1x16xf32>,
      %swap3A_153 = vector.shape_cast %swap3A_152 : vector<1x16xf32> to vector<16xf32>
      %swap3A_154 = vector.shape_cast %broadcast_in_dim3A_24 : vector<16xf32> to vector<1x16xf32>
      tpu.vector_store %arg7[%swap3A_150, %swap3A_151], %swap3A_154 {strides = array<i32>} : memref<128x64xf32, #tpu.memory_space<vmem>>, vector<1x16xf32>,
    }
    %scan3A_29 = arith.constant 128 : i32
    %add3A_30 = arith.constant 0 : i32
    %add3A_31 = arith.addi %multiple_of3A, %add3A_30 : i32
    "tpu.region"() ({
      %run_scoped3A = tpu.sem_alloc : memref<!tpu.dma_semaphore, #tpu.memory_space<semaphore_mem>>
      %dma_start3A_135 = arith.constant 0 : i32
      %dma_start3A_136 = tpu.memref_slice %arg11[%add3A_31, %dma_start3A_135] : memref<10240x64xf32, #tpu.memory_space<vmem_shared>> -> memref<128x64xf32, #tpu.memory_space<vmem_shared>>
      %dma_start3A_137 = arith.constant 0 : i32
      %dma_start3A_138 = tpu.memref_slice %arg11[%add3A_31, %dma_start3A_137] : memref<10240x64xf32, #tpu.memory_space<vmem_shared>> -> memref<128x64xf32, #tpu.memory_space<vmem_shared>>
      tpu.enqueue_dma source(%arg7 : memref<128x64xf32, #tpu.memory_space<vmem>>) target(%dma_start3A_138 : memref<128x64xf32, #tpu.memory_space<vmem_shared>>) target_semaphore(%run_scoped3A : memref<!tpu.dma_semaphore, #tpu.memory_space<semaphore_mem>>)
      %dma_wait3A_139 = arith.constant 0 : i32
      %dma_wait3A_140 = tpu.memref_slice %arg11[%add3A_31, %dma_wait3A_139] : memref<10240x64xf32, #tpu.memory_space<vmem_shared>> -> memref<128x64xf32, #tpu.memory_space<vmem_shared>>
      %dma_wait3A_141 = arith.constant 0 : i32
      %dma_wait3A_142 = tpu.memref_slice %arg11[%add3A_31, %dma_wait3A_141] : memref<10240x64xf32, #tpu.memory_space<vmem_shared>> -> memref<128x64xf32, #tpu.memory_space<vmem_shared>>
      tpu.wait_dma2 semaphore(%run_scoped3A : memref<!tpu.dma_semaphore, #tpu.memory_space<semaphore_mem>>) src(%arg7 : memref<128x64xf32, #tpu.memory_space<vmem>>) dst(%dma_wait3A_142 : memref<128x64xf32, #tpu.memory_space<vmem_shared>>)
      tpu.yield
    }) : () -> ()
    %add3A_32 = arith.constant 128 : i32
    %add3A_33 = arith.addi %multiple_of3A, %add3A_32 : i32
    "tpu.region"() ({
      %run_scoped3A = tpu.sem_alloc : memref<!tpu.dma_semaphore, #tpu.memory_space<semaphore_mem>>
      %dma_start3A_135 = arith.constant 0 : i32
      %dma_start3A_136 = tpu.memref_slice %arg11[%add3A_33, %dma_start3A_135] : memref<10240x64xf32, #tpu.memory_space<vmem_shared>> -> memref<128x64xf32, #tpu.memory_space<vmem_shared>>
      %dma_start3A_137 = arith.constant 0 : i32
      %dma_start3A_138 = tpu.memref_slice %arg11[%add3A_33, %dma_start3A_137] : memref<10240x64xf32, #tpu.memory_space<vmem_shared>> -> memref<128x64xf32, #tpu.memory_space<vmem_shared>>
      tpu.enqueue_dma source(%arg7 : memref<128x64xf32, #tpu.memory_space<vmem>>) target(%dma_start3A_138 : memref<128x64xf32, #tpu.memory_space<vmem_shared>>) target_semaphore(%run_scoped3A : memref<!tpu.dma_semaphore, #tpu.memory_space<semaphore_mem>>)
      %dma_wait3A_139 = arith.constant 0 : i32
      %dma_wait3A_140 = tpu.memref_slice %arg11[%add3A_33, %dma_wait3A_139] : memref<10240x64xf32, #tpu.memory_space<vmem_shared>> -> memref<128x64xf32, #tpu.memory_space<vmem_shared>>
      %dma_wait3A_141 = arith.constant 0 : i32
      %dma_wait3A_142 = tpu.memref_slice %arg11[%add3A_33, %dma_wait3A_141] : memref<10240x64xf32, #tpu.memory_space<vmem_shared>> -> memref<128x64xf32, #tpu.memory_space<vmem_shared>>
      tpu.wait_dma2 semaphore(%run_scoped3A : memref<!tpu.dma_semaphore, #tpu.memory_space<semaphore_mem>>) src(%arg7 : memref<128x64xf32, #tpu.memory_space<vmem>>) dst(%dma_wait3A_142 : memref<128x64xf32, #tpu.memory_space<vmem_shared>>)
      tpu.yield
    }) : () -> ()
    %add3A_34 = arith.constant 256 : i32
    %add3A_35 = arith.addi %multiple_of3A, %add3A_34 : i32
    "tpu.region"() ({
      %run_scoped3A = tpu.sem_alloc : memref<!tpu.dma_semaphore, #tpu.memory_space<semaphore_mem>>
      %dma_start3A_135 = arith.constant 0 : i32
      %dma_start3A_136 = tpu.memref_slice %arg11[%add3A_35, %dma_start3A_135] : memref<10240x64xf32, #tpu.memory_space<vmem_shared>> -> memref<128x64xf32, #tpu.memory_space<vmem_shared>>
      %dma_start3A_137 = arith.constant 0 : i32
      %dma_start3A_138 = tpu.memref_slice %arg11[%add3A_35, %dma_start3A_137] : memref<10240x64xf32, #tpu.memory_space<vmem_shared>> -> memref<128x64xf32, #tpu.memory_space<vmem_shared>>
      tpu.enqueue_dma source(%arg7 : memref<128x64xf32, #tpu.memory_space<vmem>>) target(%dma_start3A_138 : memref<128x64xf32, #tpu.memory_space<vmem_shared>>) target_semaphore(%run_scoped3A : memref<!tpu.dma_semaphore, #tpu.memory_space<semaphore_mem>>)
      %dma_wait3A_139 = arith.constant 0 : i32
      %dma_wait3A_140 = tpu.memref_slice %arg11[%add3A_35, %dma_wait3A_139] : memref<10240x64xf32, #tpu.memory_space<vmem_shared>> -> memref<128x64xf32, #tpu.memory_space<vmem_shared>>
      %dma_wait3A_141 = arith.constant 0 : i32
      %dma_wait3A_142 = tpu.memref_slice %arg11[%add3A_35, %dma_wait3A_141] : memref<10240x64xf32, #tpu.memory_space<vmem_shared>> -> memref<128x64xf32, #tpu.memory_space<vmem_shared>>
      tpu.wait_dma2 semaphore(%run_scoped3A : memref<!tpu.dma_semaphore, #tpu.memory_space<semaphore_mem>>) src(%arg7 : memref<128x64xf32, #tpu.memory_space<vmem>>) dst(%dma_wait3A_142 : memref<128x64xf32, #tpu.memory_space<vmem_shared>>)
      tpu.yield
    }) : () -> ()
    %add3A_36 = arith.constant 384 : i32
    %add3A_37 = arith.addi %multiple_of3A, %add3A_36 : i32
    "tpu.region"() ({
      %run_scoped3A = tpu.sem_alloc : memref<!tpu.dma_semaphore, #tpu.memory_space<semaphore_mem>>
      %dma_start3A_135 = arith.constant 0 : i32
      %dma_start3A_136 = tpu.memref_slice %arg11[%add3A_37, %dma_start3A_135] : memref<10240x64xf32, #tpu.memory_space<vmem_shared>> -> memref<128x64xf32, #tpu.memory_space<vmem_shared>>
      %dma_start3A_137 = arith.constant 0 : i32
      %dma_start3A_138 = tpu.memref_slice %arg11[%add3A_37, %dma_start3A_137] : memref<10240x64xf32, #tpu.memory_space<vmem_shared>> -> memref<128x64xf32, #tpu.memory_space<vmem_shared>>
      tpu.enqueue_dma source(%arg7 : memref<128x64xf32, #tpu.memory_space<vmem>>) target(%dma_start3A_138 : memref<128x64xf32, #tpu.memory_space<vmem_shared>>) target_semaphore(%run_scoped3A : memref<!tpu.dma_semaphore, #tpu.memory_space<semaphore_mem>>)
      %dma_wait3A_139 = arith.constant 0 : i32
      %dma_wait3A_140 = tpu.memref_slice %arg11[%add3A_37, %dma_wait3A_139] : memref<10240x64xf32, #tpu.memory_space<vmem_shared>> -> memref<128x64xf32, #tpu.memory_space<vmem_shared>>
      %dma_wait3A_141 = arith.constant 0 : i32
      %dma_wait3A_142 = tpu.memref_slice %arg11[%add3A_37, %dma_wait3A_141] : memref<10240x64xf32, #tpu.memory_space<vmem_shared>> -> memref<128x64xf32, #tpu.memory_space<vmem_shared>>
      tpu.wait_dma2 semaphore(%run_scoped3A : memref<!tpu.dma_semaphore, #tpu.memory_space<semaphore_mem>>) src(%arg7 : memref<128x64xf32, #tpu.memory_space<vmem>>) dst(%dma_wait3A_142 : memref<128x64xf32, #tpu.memory_space<vmem_shared>>)
      tpu.yield
    }) : () -> ()
    %add3A_38 = arith.constant 512 : i32
    %add3A_39 = arith.addi %multiple_of3A, %add3A_38 : i32
    "tpu.region"() ({
      %run_scoped3A = tpu.sem_alloc : memref<!tpu.dma_semaphore, #tpu.memory_space<semaphore_mem>>
      %dma_start3A_135 = arith.constant 0 : i32
      %dma_start3A_136 = tpu.memref_slice %arg11[%add3A_39, %dma_start3A_135] : memref<10240x64xf32, #tpu.memory_space<vmem_shared>> -> memref<128x64xf32, #tpu.memory_space<vmem_shared>>
      %dma_start3A_137 = arith.constant 0 : i32
      %dma_start3A_138 = tpu.memref_slice %arg11[%add3A_39, %dma_start3A_137] : memref<10240x64xf32, #tpu.memory_space<vmem_shared>> -> memref<128x64xf32, #tpu.memory_space<vmem_shared>>
      tpu.enqueue_dma source(%arg7 : memref<128x64xf32, #tpu.memory_space<vmem>>) target(%dma_start3A_138 : memref<128x64xf32, #tpu.memory_space<vmem_shared>>) target_semaphore(%run_scoped3A : memref<!tpu.dma_semaphore, #tpu.memory_space<semaphore_mem>>)
      %dma_wait3A_139 = arith.constant 0 : i32
      %dma_wait3A_140 = tpu.memref_slice %arg11[%add3A_39, %dma_wait3A_139] : memref<10240x64xf32, #tpu.memory_space<vmem_shared>> -> memref<128x64xf32, #tpu.memory_space<vmem_shared>>
      %dma_wait3A_141 = arith.constant 0 : i32
      %dma_wait3A_142 = tpu.memref_slice %arg11[%add3A_39, %dma_wait3A_141] : memref<10240x64xf32, #tpu.memory_space<vmem_shared>> -> memref<128x64xf32, #tpu.memory_space<vmem_shared>>
      tpu.wait_dma2 semaphore(%run_scoped3A : memref<!tpu.dma_semaphore, #tpu.memory_space<semaphore_mem>>) src(%arg7 : memref<128x64xf32, #tpu.memory_space<vmem>>) dst(%dma_wait3A_142 : memref<128x64xf32, #tpu.memory_space<vmem_shared>>)
      tpu.yield
    }) : () -> ()
    %dma_wait3A = arith.constant 0 : i32
    %dma_wait3A_40 = arith.constant 0 : i32
    %dma_wait3A_41 = tpu.memref_slice %arg3[%dma_wait3A, %select_n3A_10, %dma_wait3A_40] : memref<2x1340x128xi32, #tpu.memory_space<hbm>> -> memref<1x60x128xi32, #tpu.memory_space<hbm>>
    %dma_wait3A_42 = tpu.memref_squeeze %dma_wait3A_41 : memref<1x60x128xi32, #tpu.memory_space<hbm>> -> memref<60x128xi32, #tpu.memory_space<hbm>>
    %dma_wait3A_43 = arith.constant 0 : i32
    %dma_wait3A_44 = tpu.memref_slice %arg3[%dma_wait3A, %select_n3A_10, %dma_wait3A_43] : memref<2x1340x128xi32, #tpu.memory_space<hbm>> -> memref<1x60x128xi32, #tpu.memory_space<hbm>>
    %dma_wait3A_45 = tpu.memref_squeeze %dma_wait3A_44 : memref<1x60x128xi32, #tpu.memory_space<hbm>> -> memref<60x128xi32, #tpu.memory_space<hbm>>
    tpu.wait_dma2 semaphore(%arg12 : memref<!tpu.dma_semaphore, #tpu.memory_space<semaphore_mem>>) src(%dma_wait3A_45 : memref<60x128xi32, #tpu.memory_space<hbm>>) dst(%arg5 : memref<60x128xi32, #tpu.memory_space<vmem>>)
    %dma_wait3A_46 = arith.constant 1 : i32
    %dma_wait3A_47 = arith.constant 0 : i32
    %dma_wait3A_48 = tpu.memref_slice %arg3[%dma_wait3A_46, %select_n3A_10, %dma_wait3A_47] : memref<2x1340x128xi32, #tpu.memory_space<hbm>> -> memref<1x60x128xi32, #tpu.memory_space<hbm>>
    %dma_wait3A_49 = tpu.memref_squeeze %dma_wait3A_48 : memref<1x60x128xi32, #tpu.memory_space<hbm>> -> memref<60x128xi32, #tpu.memory_space<hbm>>
    %dma_wait3A_50 = arith.constant 0 : i32
    %dma_wait3A_51 = tpu.memref_slice %arg3[%dma_wait3A_46, %select_n3A_10, %dma_wait3A_50] : memref<2x1340x128xi32, #tpu.memory_space<hbm>> -> memref<1x60x128xi32, #tpu.memory_space<hbm>>
    %dma_wait3A_52 = tpu.memref_squeeze %dma_wait3A_51 : memref<1x60x128xi32, #tpu.memory_space<hbm>> -> memref<60x128xi32, #tpu.memory_space<hbm>>
    tpu.wait_dma2 semaphore(%arg13 : memref<!tpu.dma_semaphore, #tpu.memory_space<semaphore_mem>>) src(%dma_wait3A_52 : memref<60x128xi32, #tpu.memory_space<hbm>>) dst(%arg6 : memref<60x128xi32, #tpu.memory_space<vmem>>)
    %barrier3A = arith.constant 0 : index
    tpu.barrier barrier_id(%barrier3A)
    %dma_start3A_53 = arith.constant 0 : i32
    %dma_start3A_54 = arith.constant 0 : i32
    %dma_start3A_55 = tpu.memref_slice %arg5[%dma_start3A_53, %dma_start3A_54] : memref<60x128xi32, #tpu.memory_space<vmem>> -> memref<1x128xi32, #tpu.memory_space<vmem>>
    %dma_start3A_56 = tpu.memref_squeeze %dma_start3A_55 : memref<1x128xi32, #tpu.memory_space<vmem>> -> memref<128xi32, #tpu.memory_space<vmem>>
    %dma_start3A_57 = arith.constant 0 : i32
    %dma_start3A_58 = arith.constant 0 : i32
    %dma_start3A_59 = tpu.memref_slice %arg2[%dma_start3A_57, %dma_start3A_58] : memref<10016x64xf32, #tpu.memory_space<hbm>> -> memref<10016x64xf32, #tpu.memory_space<hbm>>
    tpu.enqueue_indirect_dma source(%dma_start3A_59 : memref<10016x64xf32, #tpu.memory_space<hbm>>) target(%arg7 : memref<128x64xf32, #tpu.memory_space<vmem>>) offsets(%dma_start3A_56 : memref<128xi32, #tpu.memory_space<vmem>>) semaphore(%arg12 : memref<!tpu.dma_semaphore, #tpu.memory_space<semaphore_mem>>)
    %dma_start3A_60 = arith.constant 1 : i32
    %dma_start3A_61 = arith.constant 0 : i32
    %dma_start3A_62 = tpu.memref_slice %arg5[%dma_start3A_60, %dma_start3A_61] : memref<60x128xi32, #tpu.memory_space<vmem>> -> memref<1x128xi32, #tpu.memory_space<vmem>>
    %dma_start3A_63 = tpu.memref_squeeze %dma_start3A_62 : memref<1x128xi32, #tpu.memory_space<vmem>> -> memref<128xi32, #tpu.memory_space<vmem>>
    %dma_start3A_64 = arith.constant 0 : i32
    %dma_start3A_65 = arith.constant 0 : i32
    %dma_start3A_66 = tpu.memref_slice %arg2[%dma_start3A_64, %dma_start3A_65] : memref<10016x64xf32, #tpu.memory_space<hbm>> -> memref<10016x64xf32, #tpu.memory_space<hbm>>
    tpu.enqueue_indirect_dma source(%dma_start3A_66 : memref<10016x64xf32, #tpu.memory_space<hbm>>) target(%arg8 : memref<128x64xf32, #tpu.memory_space<vmem>>) offsets(%dma_start3A_63 : memref<128xi32, #tpu.memory_space<vmem>>) semaphore(%arg13 : memref<!tpu.dma_semaphore, #tpu.memory_space<semaphore_mem>>)
    %jit3A_67 = arith.constant 4 : i32
    %div3A = arith.divsi %select_n3A, %jit3A_67 : i32
    %sign3A = arith.constant 0 : i32
    %sign3A_68 = arith.cmpi sgt, %select_n3A, %sign3A : i32
    %sign3A_69 = arith.extui %sign3A_68 : i1 to i32
    %sign3A_70 = arith.constant 0 : i32
    %sign3A_71 = arith.cmpi slt, %select_n3A, %sign3A_70 : i32
    %sign3A_72 = arith.extui %sign3A_71 : i1 to i32
    %sign3A_73 = arith.subi %sign3A_69, %sign3A_72 : i32
    %sign3A_74 = arith.constant 0 : i32
    %sign3A_75 = arith.cmpi sgt, %jit3A_67, %sign3A_74 : i32
    %sign3A_76 = arith.extui %sign3A_75 : i1 to i32
    %sign3A_77 = arith.constant 0 : i32
    %sign3A_78 = arith.cmpi slt, %jit3A_67, %sign3A_77 : i32
    %sign3A_79 = arith.extui %sign3A_78 : i1 to i32
    %sign3A_80 = arith.subi %sign3A_76, %sign3A_79 : i32
    %ne3A = arith.cmpi ne, %sign3A_73, %sign3A_80 : i32
    %rem3A = arith.remsi %select_n3A, %jit3A_67 : i32
    %ne3A_81 = arith.constant 0 : i32
    %ne3A_82 = arith.cmpi ne, %rem3A, %ne3A_81 : i32
    %and3A = arith.andi %ne3A, %ne3A_82 : i1
    %sub3A = arith.constant 1 : i32
    %sub3A_83 = arith.subi %div3A, %sub3A : i32
    %select_n3A_84 = arith.select %and3A, %sub3A_83, %div3A : i32
    %while3A = arith.constant 0 : i32
    %while3A_85 = arith.constant 0 : i32
    %while3A_86 = arith.subi %select_n3A_84, %while3A_85 : i32
    %while3A_87 = arith.addi %while3A_85, %while3A_86 : i32
    %while3A_88 = arith.constant 1 : i32
    %while3A_89 = arith.divsi %while3A_86, %while3A_88 : i32
    %while3A_90 = arith.muli %while3A_89, %while3A_88 : i32
    %while3A_91 = arith.addi %while3A_85, %while3A_90 : i32
    %while3A_92 = arith.constant 1 : i32
    scf.for %while3A_135 = %while3A_85 to %while3A_91 step %while3A_92  : i32 {
      %mul3A_136 = arith.constant 4 : i32
      %mul3A_137 = arith.muli %mul3A_136, %while3A_135 : i32
      %add3A_138 = arith.constant 0 : i32
      %add3A_139 = arith.addi %mul3A_137, %add3A_138 : i32
      %dma_wait3A_140 = arith.constant 0 : i32
      %dma_wait3A_141 = tpu.memref_slice %arg5[%add3A_139, %dma_wait3A_140] : memref<60x128xi32, #tpu.memory_space<vmem>> -> memref<1x128xi32, #tpu.memory_space<vmem>>
      %dma_wait3A_142 = tpu.memref_squeeze %dma_wait3A_141 : memref<1x128xi32, #tpu.memory_space<vmem>> -> memref<128xi32, #tpu.memory_space<vmem>>
      %dma_wait3A_143 = arith.constant 0 : i32
      %dma_wait3A_144 = arith.constant 0 : i32
      %dma_wait3A_145 = tpu.memref_slice %arg2[%dma_wait3A_143, %dma_wait3A_144] : memref<10016x64xf32, #tpu.memory_space<hbm>> -> memref<10016x64xf32, #tpu.memory_space<hbm>>
      tpu.wait_indirect_dma semaphore(%arg12 : memref<!tpu.dma_semaphore, #tpu.memory_space<semaphore_mem>>) src(%dma_wait3A_145 : memref<10016x64xf32, #tpu.memory_space<hbm>>) dst(%arg7 : memref<128x64xf32, #tpu.memory_space<vmem>>)
      %dma_start3A_146 = arith.constant 0 : i32
      %dma_start3A_147 = tpu.memref_slice %arg6[%add3A_139, %dma_start3A_146] : memref<60x128xi32, #tpu.memory_space<vmem>> -> memref<1x128xi32, #tpu.memory_space<vmem>>
      %dma_start3A_148 = tpu.memref_squeeze %dma_start3A_147 : memref<1x128xi32, #tpu.memory_space<vmem>> -> memref<128xi32, #tpu.memory_space<vmem>>
      %dma_start3A_149 = arith.constant 0 : i32
      %dma_start3A_150 = arith.constant 0 : i32
      %dma_start3A_151 = tpu.memref_slice %arg11[%dma_start3A_149, %dma_start3A_150] : memref<10240x64xf32, #tpu.memory_space<vmem_shared>> -> memref<10240x64xf32, #tpu.memory_space<vmem_shared>>
      tpu.enqueue_indirect_dma source(%arg7 : memref<128x64xf32, #tpu.memory_space<vmem>>) target(%dma_start3A_151 : memref<10240x64xf32, #tpu.memory_space<vmem_shared>>) offsets(%dma_start3A_148 : memref<128xi32, #tpu.memory_space<vmem>>) semaphore(%arg16 : memref<!tpu.dma_semaphore, #tpu.memory_space<semaphore_mem>>) {add = true}
      %sub3A_152 = arith.constant 2 : i32
      %sub3A_153 = arith.subi %select_n3A, %sub3A_152 : i32
      %lt3A = arith.cmpi slt, %add3A_139, %sub3A_153 : i32
      %convert_element_type3A = arith.extui %lt3A : i1 to i32
      %cond3A = arith.constant 0 : i32
      %cond3A_154 = arith.cmpi ne, %convert_element_type3A, %cond3A : i32
      scf.if %cond3A_154 {
        %ge3A = arith.constant 2 : i32
        %ge3A_221 = arith.cmpi sge, %add3A_139, %ge3A : i32
        %convert_element_type3A_222 = arith.extui %ge3A_221 : i1 to i32
        %cond3A_223 = arith.constant 0 : i32
        %cond3A_224 = arith.cmpi ne, %convert_element_type3A_222, %cond3A_223 : i32
        scf.if %cond3A_224 {
          %sub3A_233 = arith.constant 2 : i32
          %sub3A_234 = arith.subi %add3A_139, %sub3A_233 : i32
          %dma_wait3A_235 = arith.constant 0 : i32
          %dma_wait3A_236 = tpu.memref_slice %arg6[%sub3A_234, %dma_wait3A_235] : memref<60x128xi32, #tpu.memory_space<vmem>> -> memref<1x128xi32, #tpu.memory_space<vmem>>
          %dma_wait3A_237 = tpu.memref_squeeze %dma_wait3A_236 : memref<1x128xi32, #tpu.memory_space<vmem>> -> memref<128xi32, #tpu.memory_space<vmem>>
          %dma_wait3A_238 = arith.constant 0 : i32
          %dma_wait3A_239 = arith.constant 0 : i32
          %dma_wait3A_240 = tpu.memref_slice %arg11[%dma_wait3A_238, %dma_wait3A_239] : memref<10240x64xf32, #tpu.memory_space<vmem_shared>> -> memref<10240x64xf32, #tpu.memory_space<vmem_shared>>
          tpu.wait_indirect_dma semaphore(%arg18 : memref<!tpu.dma_semaphore, #tpu.memory_space<semaphore_mem>>) src(%arg9 : memref<128x64xf32, #tpu.memory_space<vmem>>) dst(%dma_wait3A_240 : memref<10240x64xf32, #tpu.memory_space<vmem_shared>>)
        } else {
        }
        %add3A_225 = arith.constant 2 : i32
        %add3A_226 = arith.addi %add3A_139, %add3A_225 : i32
        %dma_start3A_227 = arith.constant 0 : i32
        %dma_start3A_228 = tpu.memref_slice %arg5[%add3A_226, %dma_start3A_227] : memref<60x128xi32, #tpu.memory_space<vmem>> -> memref<1x128xi32, #tpu.memory_space<vmem>>
        %dma_start3A_229 = tpu.memref_squeeze %dma_start3A_228 : memref<1x128xi32, #tpu.memory_space<vmem>> -> memref<128xi32, #tpu.memory_space<vmem>>
        %dma_start3A_230 = arith.constant 0 : i32
        %dma_start3A_231 = arith.constant 0 : i32
        %dma_start3A_232 = tpu.memref_slice %arg2[%dma_start3A_230, %dma_start3A_231] : memref<10016x64xf32, #tpu.memory_space<hbm>> -> memref<10016x64xf32, #tpu.memory_space<hbm>>
        tpu.enqueue_indirect_dma source(%dma_start3A_232 : memref<10016x64xf32, #tpu.memory_space<hbm>>) target(%arg9 : memref<128x64xf32, #tpu.memory_space<vmem>>) offsets(%dma_start3A_229 : memref<128xi32, #tpu.memory_space<vmem>>) semaphore(%arg14 : memref<!tpu.dma_semaphore, #tpu.memory_space<semaphore_mem>>)
      } else {
      }
      %mul3A_155 = arith.constant 4 : i32
      %mul3A_156 = arith.muli %mul3A_155, %while3A_135 : i32
      %add3A_157 = arith.constant 1 : i32
      %add3A_158 = arith.addi %mul3A_156, %add3A_157 : i32
      %dma_wait3A_159 = arith.constant 0 : i32
      %dma_wait3A_160 = tpu.memref_slice %arg5[%add3A_158, %dma_wait3A_159] : memref<60x128xi32, #tpu.memory_space<vmem>> -> memref<1x128xi32, #tpu.memory_space<vmem>>
      %dma_wait3A_161 = tpu.memref_squeeze %dma_wait3A_160 : memref<1x128xi32, #tpu.memory_space<vmem>> -> memref<128xi32, #tpu.memory_space<vmem>>
      %dma_wait3A_162 = arith.constant 0 : i32
      %dma_wait3A_163 = arith.constant 0 : i32
      %dma_wait3A_164 = tpu.memref_slice %arg2[%dma_wait3A_162, %dma_wait3A_163] : memref<10016x64xf32, #tpu.memory_space<hbm>> -> memref<10016x64xf32, #tpu.memory_space<hbm>>
      tpu.wait_indirect_dma semaphore(%arg13 : memref<!tpu.dma_semaphore, #tpu.memory_space<semaphore_mem>>) src(%dma_wait3A_164 : memref<10016x64xf32, #tpu.memory_space<hbm>>) dst(%arg8 : memref<128x64xf32, #tpu.memory_space<vmem>>)
      %dma_start3A_165 = arith.constant 0 : i32
      %dma_start3A_166 = tpu.memref_slice %arg6[%add3A_158, %dma_start3A_165] : memref<60x128xi32, #tpu.memory_space<vmem>> -> memref<1x128xi32, #tpu.memory_space<vmem>>
      %dma_start3A_167 = tpu.memref_squeeze %dma_start3A_166 : memref<1x128xi32, #tpu.memory_space<vmem>> -> memref<128xi32, #tpu.memory_space<vmem>>
      %dma_start3A_168 = arith.constant 0 : i32
      %dma_start3A_169 = arith.constant 0 : i32
      %dma_start3A_170 = tpu.memref_slice %arg11[%dma_start3A_168, %dma_start3A_169] : memref<10240x64xf32, #tpu.memory_space<vmem_shared>> -> memref<10240x64xf32, #tpu.memory_space<vmem_shared>>
      tpu.enqueue_indirect_dma source(%arg8 : memref<128x64xf32, #tpu.memory_space<vmem>>) target(%dma_start3A_170 : memref<10240x64xf32, #tpu.memory_space<vmem_shared>>) offsets(%dma_start3A_167 : memref<128xi32, #tpu.memory_space<vmem>>) semaphore(%arg17 : memref<!tpu.dma_semaphore, #tpu.memory_space<semaphore_mem>>) {add = true}
      %sub3A_171 = arith.constant 2 : i32
      %sub3A_172 = arith.subi %select_n3A, %sub3A_171 : i32
      %lt3A_173 = arith.cmpi slt, %add3A_158, %sub3A_172 : i32
      %convert_element_type3A_174 = arith.extui %lt3A_173 : i1 to i32
      %cond3A_175 = arith.constant 0 : i32
      %cond3A_176 = arith.cmpi ne, %convert_element_type3A_174, %cond3A_175 : i32
      scf.if %cond3A_176 {
        %ge3A = arith.constant 2 : i32
        %ge3A_221 = arith.cmpi sge, %add3A_158, %ge3A : i32
        %convert_element_type3A_222 = arith.extui %ge3A_221 : i1 to i32
        %cond3A_223 = arith.constant 0 : i32
        %cond3A_224 = arith.cmpi ne, %convert_element_type3A_222, %cond3A_223 : i32
        scf.if %cond3A_224 {
          %sub3A_233 = arith.constant 2 : i32
          %sub3A_234 = arith.subi %add3A_158, %sub3A_233 : i32
          %dma_wait3A_235 = arith.constant 0 : i32
          %dma_wait3A_236 = tpu.memref_slice %arg6[%sub3A_234, %dma_wait3A_235] : memref<60x128xi32, #tpu.memory_space<vmem>> -> memref<1x128xi32, #tpu.memory_space<vmem>>
          %dma_wait3A_237 = tpu.memref_squeeze %dma_wait3A_236 : memref<1x128xi32, #tpu.memory_space<vmem>> -> memref<128xi32, #tpu.memory_space<vmem>>
          %dma_wait3A_238 = arith.constant 0 : i32
          %dma_wait3A_239 = arith.constant 0 : i32
          %dma_wait3A_240 = tpu.memref_slice %arg11[%dma_wait3A_238, %dma_wait3A_239] : memref<10240x64xf32, #tpu.memory_space<vmem_shared>> -> memref<10240x64xf32, #tpu.memory_space<vmem_shared>>
          tpu.wait_indirect_dma semaphore(%arg19 : memref<!tpu.dma_semaphore, #tpu.memory_space<semaphore_mem>>) src(%arg10 : memref<128x64xf32, #tpu.memory_space<vmem>>) dst(%dma_wait3A_240 : memref<10240x64xf32, #tpu.memory_space<vmem_shared>>)
        } else {
        }
        %add3A_225 = arith.constant 2 : i32
        %add3A_226 = arith.addi %add3A_158, %add3A_225 : i32
        %dma_start3A_227 = arith.constant 0 : i32
        %dma_start3A_228 = tpu.memref_slice %arg5[%add3A_226, %dma_start3A_227] : memref<60x128xi32, #tpu.memory_space<vmem>> -> memref<1x128xi32, #tpu.memory_space<vmem>>
        %dma_start3A_229 = tpu.memref_squeeze %dma_start3A_228 : memref<1x128xi32, #tpu.memory_space<vmem>> -> memref<128xi32, #tpu.memory_space<vmem>>
        %dma_start3A_230 = arith.constant 0 : i32
        %dma_start3A_231 = arith.constant 0 : i32
        %dma_start3A_232 = tpu.memref_slice %arg2[%dma_start3A_230, %dma_start3A_231] : memref<10016x64xf32, #tpu.memory_space<hbm>> -> memref<10016x64xf32, #tpu.memory_space<hbm>>
        tpu.enqueue_indirect_dma source(%dma_start3A_232 : memref<10016x64xf32, #tpu.memory_space<hbm>>) target(%arg10 : memref<128x64xf32, #tpu.memory_space<vmem>>) offsets(%dma_start3A_229 : memref<128xi32, #tpu.memory_space<vmem>>) semaphore(%arg15 : memref<!tpu.dma_semaphore, #tpu.memory_space<semaphore_mem>>)
      } else {
      }
      %mul3A_177 = arith.constant 4 : i32
      %mul3A_178 = arith.muli %mul3A_177, %while3A_135 : i32
      %add3A_179 = arith.constant 2 : i32
      %add3A_180 = arith.addi %mul3A_178, %add3A_179 : i32
      %dma_wait3A_181 = arith.constant 0 : i32
      %dma_wait3A_182 = tpu.memref_slice %arg5[%add3A_180, %dma_wait3A_181] : memref<60x128xi32, #tpu.memory_space<vmem>> -> memref<1x128xi32, #tpu.memory_space<vmem>>
      %dma_wait3A_183 = tpu.memref_squeeze %dma_wait3A_182 : memref<1x128xi32, #tpu.memory_space<vmem>> -> memref<128xi32, #tpu.memory_space<vmem>>
      %dma_wait3A_184 = arith.constant 0 : i32
      %dma_wait3A_185 = arith.constant 0 : i32
      %dma_wait3A_186 = tpu.memref_slice %arg2[%dma_wait3A_184, %dma_wait3A_185] : memref<10016x64xf32, #tpu.memory_space<hbm>> -> memref<10016x64xf32, #tpu.memory_space<hbm>>
      tpu.wait_indirect_dma semaphore(%arg14 : memref<!tpu.dma_semaphore, #tpu.memory_space<semaphore_mem>>) src(%dma_wait3A_186 : memref<10016x64xf32, #tpu.memory_space<hbm>>) dst(%arg9 : memref<128x64xf32, #tpu.memory_space<vmem>>)
      %dma_start3A_187 = arith.constant 0 : i32
      %dma_start3A_188 = tpu.memref_slice %arg6[%add3A_180, %dma_start3A_187] : memref<60x128xi32, #tpu.memory_space<vmem>> -> memref<1x128xi32, #tpu.memory_space<vmem>>
      %dma_start3A_189 = tpu.memref_squeeze %dma_start3A_188 : memref<1x128xi32, #tpu.memory_space<vmem>> -> memref<128xi32, #tpu.memory_space<vmem>>
      %dma_start3A_190 = arith.constant 0 : i32
      %dma_start3A_191 = arith.constant 0 : i32
      %dma_start3A_192 = tpu.memref_slice %arg11[%dma_start3A_190, %dma_start3A_191] : memref<10240x64xf32, #tpu.memory_space<vmem_shared>> -> memref<10240x64xf32, #tpu.memory_space<vmem_shared>>
      tpu.enqueue_indirect_dma source(%arg9 : memref<128x64xf32, #tpu.memory_space<vmem>>) target(%dma_start3A_192 : memref<10240x64xf32, #tpu.memory_space<vmem_shared>>) offsets(%dma_start3A_189 : memref<128xi32, #tpu.memory_space<vmem>>) semaphore(%arg18 : memref<!tpu.dma_semaphore, #tpu.memory_space<semaphore_mem>>) {add = true}
      %sub3A_193 = arith.constant 2 : i32
      %sub3A_194 = arith.subi %select_n3A, %sub3A_193 : i32
      %lt3A_195 = arith.cmpi slt, %add3A_180, %sub3A_194 : i32
      %convert_element_type3A_196 = arith.extui %lt3A_195 : i1 to i32
      %cond3A_197 = arith.constant 0 : i32
      %cond3A_198 = arith.cmpi ne, %convert_element_type3A_196, %cond3A_197 : i32
      scf.if %cond3A_198 {
        %ge3A = arith.constant 2 : i32
        %ge3A_221 = arith.cmpi sge, %add3A_180, %ge3A : i32
        %convert_element_type3A_222 = arith.extui %ge3A_221 : i1 to i32
        %cond3A_223 = arith.constant 0 : i32
        %cond3A_224 = arith.cmpi ne, %convert_element_type3A_222, %cond3A_223 : i32
        scf.if %cond3A_224 {
          %sub3A_233 = arith.constant 2 : i32
          %sub3A_234 = arith.subi %add3A_180, %sub3A_233 : i32
          %dma_wait3A_235 = arith.constant 0 : i32
          %dma_wait3A_236 = tpu.memref_slice %arg6[%sub3A_234, %dma_wait3A_235] : memref<60x128xi32, #tpu.memory_space<vmem>> -> memref<1x128xi32, #tpu.memory_space<vmem>>
          %dma_wait3A_237 = tpu.memref_squeeze %dma_wait3A_236 : memref<1x128xi32, #tpu.memory_space<vmem>> -> memref<128xi32, #tpu.memory_space<vmem>>
          %dma_wait3A_238 = arith.constant 0 : i32
          %dma_wait3A_239 = arith.constant 0 : i32
          %dma_wait3A_240 = tpu.memref_slice %arg11[%dma_wait3A_238, %dma_wait3A_239] : memref<10240x64xf32, #tpu.memory_space<vmem_shared>> -> memref<10240x64xf32, #tpu.memory_space<vmem_shared>>
          tpu.wait_indirect_dma semaphore(%arg16 : memref<!tpu.dma_semaphore, #tpu.memory_space<semaphore_mem>>) src(%arg7 : memref<128x64xf32, #tpu.memory_space<vmem>>) dst(%dma_wait3A_240 : memref<10240x64xf32, #tpu.memory_space<vmem_shared>>)
        } else {
        }
        %add3A_225 = arith.constant 2 : i32
        %add3A_226 = arith.addi %add3A_180, %add3A_225 : i32
        %dma_start3A_227 = arith.constant 0 : i32
        %dma_start3A_228 = tpu.memref_slice %arg5[%add3A_226, %dma_start3A_227] : memref<60x128xi32, #tpu.memory_space<vmem>> -> memref<1x128xi32, #tpu.memory_space<vmem>>
        %dma_start3A_229 = tpu.memref_squeeze %dma_start3A_228 : memref<1x128xi32, #tpu.memory_space<vmem>> -> memref<128xi32, #tpu.memory_space<vmem>>
        %dma_start3A_230 = arith.constant 0 : i32
        %dma_start3A_231 = arith.constant 0 : i32
        %dma_start3A_232 = tpu.memref_slice %arg2[%dma_start3A_230, %dma_start3A_231] : memref<10016x64xf32, #tpu.memory_space<hbm>> -> memref<10016x64xf32, #tpu.memory_space<hbm>>
        tpu.enqueue_indirect_dma source(%dma_start3A_232 : memref<10016x64xf32, #tpu.memory_space<hbm>>) target(%arg7 : memref<128x64xf32, #tpu.memory_space<vmem>>) offsets(%dma_start3A_229 : memref<128xi32, #tpu.memory_space<vmem>>) semaphore(%arg12 : memref<!tpu.dma_semaphore, #tpu.memory_space<semaphore_mem>>)
      } else {
      }
      %mul3A_199 = arith.constant 4 : i32
      %mul3A_200 = arith.muli %mul3A_199, %while3A_135 : i32
      %add3A_201 = arith.constant 3 : i32
      %add3A_202 = arith.addi %mul3A_200, %add3A_201 : i32
      %dma_wait3A_203 = arith.constant 0 : i32
      %dma_wait3A_204 = tpu.memref_slice %arg5[%add3A_202, %dma_wait3A_203] : memref<60x128xi32, #tpu.memory_space<vmem>> -> memref<1x128xi32, #tpu.memory_space<vmem>>
      %dma_wait3A_205 = tpu.memref_squeeze %dma_wait3A_204 : memref<1x128xi32, #tpu.memory_space<vmem>> -> memref<128xi32, #tpu.memory_space<vmem>>
      %dma_wait3A_206 = arith.constant 0 : i32
      %dma_wait3A_207 = arith.constant 0 : i32
      %dma_wait3A_208 = tpu.memref_slice %arg2[%dma_wait3A_206, %dma_wait3A_207] : memref<10016x64xf32, #tpu.memory_space<hbm>> -> memref<10016x64xf32, #tpu.memory_space<hbm>>
      tpu.wait_indirect_dma semaphore(%arg15 : memref<!tpu.dma_semaphore, #tpu.memory_space<semaphore_mem>>) src(%dma_wait3A_208 : memref<10016x64xf32, #tpu.memory_space<hbm>>) dst(%arg10 : memref<128x64xf32, #tpu.memory_space<vmem>>)
      %dma_start3A_209 = arith.constant 0 : i32
      %dma_start3A_210 = tpu.memref_slice %arg6[%add3A_202, %dma_start3A_209] : memref<60x128xi32, #tpu.memory_space<vmem>> -> memref<1x128xi32, #tpu.memory_space<vmem>>
      %dma_start3A_211 = tpu.memref_squeeze %dma_start3A_210 : memref<1x128xi32, #tpu.memory_space<vmem>> -> memref<128xi32, #tpu.memory_space<vmem>>
      %dma_start3A_212 = arith.constant 0 : i32
      %dma_start3A_213 = arith.constant 0 : i32
      %dma_start3A_214 = tpu.memref_slice %arg11[%dma_start3A_212, %dma_start3A_213] : memref<10240x64xf32, #tpu.memory_space<vmem_shared>> -> memref<10240x64xf32, #tpu.memory_space<vmem_shared>>
      tpu.enqueue_indirect_dma source(%arg10 : memref<128x64xf32, #tpu.memory_space<vmem>>) target(%dma_start3A_214 : memref<10240x64xf32, #tpu.memory_space<vmem_shared>>) offsets(%dma_start3A_211 : memref<128xi32, #tpu.memory_space<vmem>>) semaphore(%arg19 : memref<!tpu.dma_semaphore, #tpu.memory_space<semaphore_mem>>) {add = true}
      %sub3A_215 = arith.constant 2 : i32
      %sub3A_216 = arith.subi %select_n3A, %sub3A_215 : i32
      %lt3A_217 = arith.cmpi slt, %add3A_202, %sub3A_216 : i32
      %convert_element_type3A_218 = arith.extui %lt3A_217 : i1 to i32
      %cond3A_219 = arith.constant 0 : i32
      %cond3A_220 = arith.cmpi ne, %convert_element_type3A_218, %cond3A_219 : i32
      scf.if %cond3A_220 {
        %ge3A = arith.constant 2 : i32
        %ge3A_221 = arith.cmpi sge, %add3A_202, %ge3A : i32
        %convert_element_type3A_222 = arith.extui %ge3A_221 : i1 to i32
        %cond3A_223 = arith.constant 0 : i32
        %cond3A_224 = arith.cmpi ne, %convert_element_type3A_222, %cond3A_223 : i32
        scf.if %cond3A_224 {
          %sub3A_233 = arith.constant 2 : i32
          %sub3A_234 = arith.subi %add3A_202, %sub3A_233 : i32
          %dma_wait3A_235 = arith.constant 0 : i32
          %dma_wait3A_236 = tpu.memref_slice %arg6[%sub3A_234, %dma_wait3A_235] : memref<60x128xi32, #tpu.memory_space<vmem>> -> memref<1x128xi32, #tpu.memory_space<vmem>>
          %dma_wait3A_237 = tpu.memref_squeeze %dma_wait3A_236 : memref<1x128xi32, #tpu.memory_space<vmem>> -> memref<128xi32, #tpu.memory_space<vmem>>
          %dma_wait3A_238 = arith.constant 0 : i32
          %dma_wait3A_239 = arith.constant 0 : i32
          %dma_wait3A_240 = tpu.memref_slice %arg11[%dma_wait3A_238, %dma_wait3A_239] : memref<10240x64xf32, #tpu.memory_space<vmem_shared>> -> memref<10240x64xf32, #tpu.memory_space<vmem_shared>>
          tpu.wait_indirect_dma semaphore(%arg17 : memref<!tpu.dma_semaphore, #tpu.memory_space<semaphore_mem>>) src(%arg8 : memref<128x64xf32, #tpu.memory_space<vmem>>) dst(%dma_wait3A_240 : memref<10240x64xf32, #tpu.memory_space<vmem_shared>>)
        } else {
        }
        %add3A_225 = arith.constant 2 : i32
        %add3A_226 = arith.addi %add3A_202, %add3A_225 : i32
        %dma_start3A_227 = arith.constant 0 : i32
        %dma_start3A_228 = tpu.memref_slice %arg5[%add3A_226, %dma_start3A_227] : memref<60x128xi32, #tpu.memory_space<vmem>> -> memref<1x128xi32, #tpu.memory_space<vmem>>
        %dma_start3A_229 = tpu.memref_squeeze %dma_start3A_228 : memref<1x128xi32, #tpu.memory_space<vmem>> -> memref<128xi32, #tpu.memory_space<vmem>>
        %dma_start3A_230 = arith.constant 0 : i32
        %dma_start3A_231 = arith.constant 0 : i32
        %dma_start3A_232 = tpu.memref_slice %arg2[%dma_start3A_230, %dma_start3A_231] : memref<10016x64xf32, #tpu.memory_space<hbm>> -> memref<10016x64xf32, #tpu.memory_space<hbm>>
        tpu.enqueue_indirect_dma source(%dma_start3A_232 : memref<10016x64xf32, #tpu.memory_space<hbm>>) target(%arg8 : memref<128x64xf32, #tpu.memory_space<vmem>>) offsets(%dma_start3A_229 : memref<128xi32, #tpu.memory_space<vmem>>) semaphore(%arg13 : memref<!tpu.dma_semaphore, #tpu.memory_space<semaphore_mem>>)
      } else {
      }
    }
    %while3A_93 = arith.constant 1 : i32
    scf.for %while3A_135 = %while3A_91 to %while3A_87 step %while3A_93  : i32 {
      %mul3A_136 = arith.constant 4 : i32
      %mul3A_137 = arith.muli %mul3A_136, %while3A_135 : i32
      %add3A_138 = arith.constant 0 : i32
      %add3A_139 = arith.addi %mul3A_137, %add3A_138 : i32
      %dma_wait3A_140 = arith.constant 0 : i32
      %dma_wait3A_141 = tpu.memref_slice %arg5[%add3A_139, %dma_wait3A_140] : memref<60x128xi32, #tpu.memory_space<vmem>> -> memref<1x128xi32, #tpu.memory_space<vmem>>
      %dma_wait3A_142 = tpu.memref_squeeze %dma_wait3A_141 : memref<1x128xi32, #tpu.memory_space<vmem>> -> memref<128xi32, #tpu.memory_space<vmem>>
      %dma_wait3A_143 = arith.constant 0 : i32
      %dma_wait3A_144 = arith.constant 0 : i32
      %dma_wait3A_145 = tpu.memref_slice %arg2[%dma_wait3A_143, %dma_wait3A_144] : memref<10016x64xf32, #tpu.memory_space<hbm>> -> memref<10016x64xf32, #tpu.memory_space<hbm>>
      tpu.wait_indirect_dma semaphore(%arg12 : memref<!tpu.dma_semaphore, #tpu.memory_space<semaphore_mem>>) src(%dma_wait3A_145 : memref<10016x64xf32, #tpu.memory_space<hbm>>) dst(%arg7 : memref<128x64xf32, #tpu.memory_space<vmem>>)
      %dma_start3A_146 = arith.constant 0 : i32
      %dma_start3A_147 = tpu.memref_slice %arg6[%add3A_139, %dma_start3A_146] : memref<60x128xi32, #tpu.memory_space<vmem>> -> memref<1x128xi32, #tpu.memory_space<vmem>>
      %dma_start3A_148 = tpu.memref_squeeze %dma_start3A_147 : memref<1x128xi32, #tpu.memory_space<vmem>> -> memref<128xi32, #tpu.memory_space<vmem>>
      %dma_start3A_149 = arith.constant 0 : i32
      %dma_start3A_150 = arith.constant 0 : i32
      %dma_start3A_151 = tpu.memref_slice %arg11[%dma_start3A_149, %dma_start3A_150] : memref<10240x64xf32, #tpu.memory_space<vmem_shared>> -> memref<10240x64xf32, #tpu.memory_space<vmem_shared>>
      tpu.enqueue_indirect_dma source(%arg7 : memref<128x64xf32, #tpu.memory_space<vmem>>) target(%dma_start3A_151 : memref<10240x64xf32, #tpu.memory_space<vmem_shared>>) offsets(%dma_start3A_148 : memref<128xi32, #tpu.memory_space<vmem>>) semaphore(%arg16 : memref<!tpu.dma_semaphore, #tpu.memory_space<semaphore_mem>>) {add = true}
      %sub3A_152 = arith.constant 2 : i32
      %sub3A_153 = arith.subi %select_n3A, %sub3A_152 : i32
      %lt3A = arith.cmpi slt, %add3A_139, %sub3A_153 : i32
      %convert_element_type3A = arith.extui %lt3A : i1 to i32
      %cond3A = arith.constant 0 : i32
      %cond3A_154 = arith.cmpi ne, %convert_element_type3A, %cond3A : i32
      scf.if %cond3A_154 {
        %ge3A = arith.constant 2 : i32
        %ge3A_221 = arith.cmpi sge, %add3A_139, %ge3A : i32
        %convert_element_type3A_222 = arith.extui %ge3A_221 : i1 to i32
        %cond3A_223 = arith.constant 0 : i32
        %cond3A_224 = arith.cmpi ne, %convert_element_type3A_222, %cond3A_223 : i32
        scf.if %cond3A_224 {
          %sub3A_233 = arith.constant 2 : i32
          %sub3A_234 = arith.subi %add3A_139, %sub3A_233 : i32
          %dma_wait3A_235 = arith.constant 0 : i32
          %dma_wait3A_236 = tpu.memref_slice %arg6[%sub3A_234, %dma_wait3A_235] : memref<60x128xi32, #tpu.memory_space<vmem>> -> memref<1x128xi32, #tpu.memory_space<vmem>>
          %dma_wait3A_237 = tpu.memref_squeeze %dma_wait3A_236 : memref<1x128xi32, #tpu.memory_space<vmem>> -> memref<128xi32, #tpu.memory_space<vmem>>
          %dma_wait3A_238 = arith.constant 0 : i32
          %dma_wait3A_239 = arith.constant 0 : i32
          %dma_wait3A_240 = tpu.memref_slice %arg11[%dma_wait3A_238, %dma_wait3A_239] : memref<10240x64xf32, #tpu.memory_space<vmem_shared>> -> memref<10240x64xf32, #tpu.memory_space<vmem_shared>>
          tpu.wait_indirect_dma semaphore(%arg18 : memref<!tpu.dma_semaphore, #tpu.memory_space<semaphore_mem>>) src(%arg9 : memref<128x64xf32, #tpu.memory_space<vmem>>) dst(%dma_wait3A_240 : memref<10240x64xf32, #tpu.memory_space<vmem_shared>>)
        } else {
        }
        %add3A_225 = arith.constant 2 : i32
        %add3A_226 = arith.addi %add3A_139, %add3A_225 : i32
        %dma_start3A_227 = arith.constant 0 : i32
        %dma_start3A_228 = tpu.memref_slice %arg5[%add3A_226, %dma_start3A_227] : memref<60x128xi32, #tpu.memory_space<vmem>> -> memref<1x128xi32, #tpu.memory_space<vmem>>
        %dma_start3A_229 = tpu.memref_squeeze %dma_start3A_228 : memref<1x128xi32, #tpu.memory_space<vmem>> -> memref<128xi32, #tpu.memory_space<vmem>>
        %dma_start3A_230 = arith.constant 0 : i32
        %dma_start3A_231 = arith.constant 0 : i32
        %dma_start3A_232 = tpu.memref_slice %arg2[%dma_start3A_230, %dma_start3A_231] : memref<10016x64xf32, #tpu.memory_space<hbm>> -> memref<10016x64xf32, #tpu.memory_space<hbm>>
        tpu.enqueue_indirect_dma source(%dma_start3A_232 : memref<10016x64xf32, #tpu.memory_space<hbm>>) target(%arg9 : memref<128x64xf32, #tpu.memory_space<vmem>>) offsets(%dma_start3A_229 : memref<128xi32, #tpu.memory_space<vmem>>) semaphore(%arg14 : memref<!tpu.dma_semaphore, #tpu.memory_space<semaphore_mem>>)
      } else {
      }
      %mul3A_155 = arith.constant 4 : i32
      %mul3A_156 = arith.muli %mul3A_155, %while3A_135 : i32
      %add3A_157 = arith.constant 1 : i32
      %add3A_158 = arith.addi %mul3A_156, %add3A_157 : i32
      %dma_wait3A_159 = arith.constant 0 : i32
      %dma_wait3A_160 = tpu.memref_slice %arg5[%add3A_158, %dma_wait3A_159] : memref<60x128xi32, #tpu.memory_space<vmem>> -> memref<1x128xi32, #tpu.memory_space<vmem>>
      %dma_wait3A_161 = tpu.memref_squeeze %dma_wait3A_160 : memref<1x128xi32, #tpu.memory_space<vmem>> -> memref<128xi32, #tpu.memory_space<vmem>>
      %dma_wait3A_162 = arith.constant 0 : i32
      %dma_wait3A_163 = arith.constant 0 : i32
      %dma_wait3A_164 = tpu.memref_slice %arg2[%dma_wait3A_162, %dma_wait3A_163] : memref<10016x64xf32, #tpu.memory_space<hbm>> -> memref<10016x64xf32, #tpu.memory_space<hbm>>
      tpu.wait_indirect_dma semaphore(%arg13 : memref<!tpu.dma_semaphore, #tpu.memory_space<semaphore_mem>>) src(%dma_wait3A_164 : memref<10016x64xf32, #tpu.memory_space<hbm>>) dst(%arg8 : memref<128x64xf32, #tpu.memory_space<vmem>>)
      %dma_start3A_165 = arith.constant 0 : i32
      %dma_start3A_166 = tpu.memref_slice %arg6[%add3A_158, %dma_start3A_165] : memref<60x128xi32, #tpu.memory_space<vmem>> -> memref<1x128xi32, #tpu.memory_space<vmem>>
      %dma_start3A_167 = tpu.memref_squeeze %dma_start3A_166 : memref<1x128xi32, #tpu.memory_space<vmem>> -> memref<128xi32, #tpu.memory_space<vmem>>
      %dma_start3A_168 = arith.constant 0 : i32
      %dma_start3A_169 = arith.constant 0 : i32
      %dma_start3A_170 = tpu.memref_slice %arg11[%dma_start3A_168, %dma_start3A_169] : memref<10240x64xf32, #tpu.memory_space<vmem_shared>> -> memref<10240x64xf32, #tpu.memory_space<vmem_shared>>
      tpu.enqueue_indirect_dma source(%arg8 : memref<128x64xf32, #tpu.memory_space<vmem>>) target(%dma_start3A_170 : memref<10240x64xf32, #tpu.memory_space<vmem_shared>>) offsets(%dma_start3A_167 : memref<128xi32, #tpu.memory_space<vmem>>) semaphore(%arg17 : memref<!tpu.dma_semaphore, #tpu.memory_space<semaphore_mem>>) {add = true}
      %sub3A_171 = arith.constant 2 : i32
      %sub3A_172 = arith.subi %select_n3A, %sub3A_171 : i32
      %lt3A_173 = arith.cmpi slt, %add3A_158, %sub3A_172 : i32
      %convert_element_type3A_174 = arith.extui %lt3A_173 : i1 to i32
      %cond3A_175 = arith.constant 0 : i32
      %cond3A_176 = arith.cmpi ne, %convert_element_type3A_174, %cond3A_175 : i32
      scf.if %cond3A_176 {
        %ge3A = arith.constant 2 : i32
        %ge3A_221 = arith.cmpi sge, %add3A_158, %ge3A : i32
        %convert_element_type3A_222 = arith.extui %ge3A_221 : i1 to i32
        %cond3A_223 = arith.constant 0 : i32
        %cond3A_224 = arith.cmpi ne, %convert_element_type3A_222, %cond3A_223 : i32
        scf.if %cond3A_224 {
          %sub3A_233 = arith.constant 2 : i32
          %sub3A_234 = arith.subi %add3A_158, %sub3A_233 : i32
          %dma_wait3A_235 = arith.constant 0 : i32
          %dma_wait3A_236 = tpu.memref_slice %arg6[%sub3A_234, %dma_wait3A_235] : memref<60x128xi32, #tpu.memory_space<vmem>> -> memref<1x128xi32, #tpu.memory_space<vmem>>
          %dma_wait3A_237 = tpu.memref_squeeze %dma_wait3A_236 : memref<1x128xi32, #tpu.memory_space<vmem>> -> memref<128xi32, #tpu.memory_space<vmem>>
          %dma_wait3A_238 = arith.constant 0 : i32
          %dma_wait3A_239 = arith.constant 0 : i32
          %dma_wait3A_240 = tpu.memref_slice %arg11[%dma_wait3A_238, %dma_wait3A_239] : memref<10240x64xf32, #tpu.memory_space<vmem_shared>> -> memref<10240x64xf32, #tpu.memory_space<vmem_shared>>
          tpu.wait_indirect_dma semaphore(%arg19 : memref<!tpu.dma_semaphore, #tpu.memory_space<semaphore_mem>>) src(%arg10 : memref<128x64xf32, #tpu.memory_space<vmem>>) dst(%dma_wait3A_240 : memref<10240x64xf32, #tpu.memory_space<vmem_shared>>)
        } else {
        }
        %add3A_225 = arith.constant 2 : i32
        %add3A_226 = arith.addi %add3A_158, %add3A_225 : i32
        %dma_start3A_227 = arith.constant 0 : i32
        %dma_start3A_228 = tpu.memref_slice %arg5[%add3A_226, %dma_start3A_227] : memref<60x128xi32, #tpu.memory_space<vmem>> -> memref<1x128xi32, #tpu.memory_space<vmem>>
        %dma_start3A_229 = tpu.memref_squeeze %dma_start3A_228 : memref<1x128xi32, #tpu.memory_space<vmem>> -> memref<128xi32, #tpu.memory_space<vmem>>
        %dma_start3A_230 = arith.constant 0 : i32
        %dma_start3A_231 = arith.constant 0 : i32
        %dma_start3A_232 = tpu.memref_slice %arg2[%dma_start3A_230, %dma_start3A_231] : memref<10016x64xf32, #tpu.memory_space<hbm>> -> memref<10016x64xf32, #tpu.memory_space<hbm>>
        tpu.enqueue_indirect_dma source(%dma_start3A_232 : memref<10016x64xf32, #tpu.memory_space<hbm>>) target(%arg10 : memref<128x64xf32, #tpu.memory_space<vmem>>) offsets(%dma_start3A_229 : memref<128xi32, #tpu.memory_space<vmem>>) semaphore(%arg15 : memref<!tpu.dma_semaphore, #tpu.memory_space<semaphore_mem>>)
      } else {
      }
      %mul3A_177 = arith.constant 4 : i32
      %mul3A_178 = arith.muli %mul3A_177, %while3A_135 : i32
      %add3A_179 = arith.constant 2 : i32
      %add3A_180 = arith.addi %mul3A_178, %add3A_179 : i32
      %dma_wait3A_181 = arith.constant 0 : i32
      %dma_wait3A_182 = tpu.memref_slice %arg5[%add3A_180, %dma_wait3A_181] : memref<60x128xi32, #tpu.memory_space<vmem>> -> memref<1x128xi32, #tpu.memory_space<vmem>>
      %dma_wait3A_183 = tpu.memref_squeeze %dma_wait3A_182 : memref<1x128xi32, #tpu.memory_space<vmem>> -> memref<128xi32, #tpu.memory_space<vmem>>
      %dma_wait3A_184 = arith.constant 0 : i32
      %dma_wait3A_185 = arith.constant 0 : i32
      %dma_wait3A_186 = tpu.memref_slice %arg2[%dma_wait3A_184, %dma_wait3A_185] : memref<10016x64xf32, #tpu.memory_space<hbm>> -> memref<10016x64xf32, #tpu.memory_space<hbm>>
      tpu.wait_indirect_dma semaphore(%arg14 : memref<!tpu.dma_semaphore, #tpu.memory_space<semaphore_mem>>) src(%dma_wait3A_186 : memref<10016x64xf32, #tpu.memory_space<hbm>>) dst(%arg9 : memref<128x64xf32, #tpu.memory_space<vmem>>)
      %dma_start3A_187 = arith.constant 0 : i32
      %dma_start3A_188 = tpu.memref_slice %arg6[%add3A_180, %dma_start3A_187] : memref<60x128xi32, #tpu.memory_space<vmem>> -> memref<1x128xi32, #tpu.memory_space<vmem>>
      %dma_start3A_189 = tpu.memref_squeeze %dma_start3A_188 : memref<1x128xi32, #tpu.memory_space<vmem>> -> memref<128xi32, #tpu.memory_space<vmem>>
      %dma_start3A_190 = arith.constant 0 : i32
      %dma_start3A_191 = arith.constant 0 : i32
      %dma_start3A_192 = tpu.memref_slice %arg11[%dma_start3A_190, %dma_start3A_191] : memref<10240x64xf32, #tpu.memory_space<vmem_shared>> -> memref<10240x64xf32, #tpu.memory_space<vmem_shared>>
      tpu.enqueue_indirect_dma source(%arg9 : memref<128x64xf32, #tpu.memory_space<vmem>>) target(%dma_start3A_192 : memref<10240x64xf32, #tpu.memory_space<vmem_shared>>) offsets(%dma_start3A_189 : memref<128xi32, #tpu.memory_space<vmem>>) semaphore(%arg18 : memref<!tpu.dma_semaphore, #tpu.memory_space<semaphore_mem>>) {add = true}
      %sub3A_193 = arith.constant 2 : i32
      %sub3A_194 = arith.subi %select_n3A, %sub3A_193 : i32
      %lt3A_195 = arith.cmpi slt, %add3A_180, %sub3A_194 : i32
      %convert_element_type3A_196 = arith.extui %lt3A_195 : i1 to i32
      %cond3A_197 = arith.constant 0 : i32
      %cond3A_198 = arith.cmpi ne, %convert_element_type3A_196, %cond3A_197 : i32
      scf.if %cond3A_198 {
        %ge3A = arith.constant 2 : i32
        %ge3A_221 = arith.cmpi sge, %add3A_180, %ge3A : i32
        %convert_element_type3A_222 = arith.extui %ge3A_221 : i1 to i32
        %cond3A_223 = arith.constant 0 : i32
        %cond3A_224 = arith.cmpi ne, %convert_element_type3A_222, %cond3A_223 : i32
        scf.if %cond3A_224 {
          %sub3A_233 = arith.constant 2 : i32
          %sub3A_234 = arith.subi %add3A_180, %sub3A_233 : i32
          %dma_wait3A_235 = arith.constant 0 : i32
          %dma_wait3A_236 = tpu.memref_slice %arg6[%sub3A_234, %dma_wait3A_235] : memref<60x128xi32, #tpu.memory_space<vmem>> -> memref<1x128xi32, #tpu.memory_space<vmem>>
          %dma_wait3A_237 = tpu.memref_squeeze %dma_wait3A_236 : memref<1x128xi32, #tpu.memory_space<vmem>> -> memref<128xi32, #tpu.memory_space<vmem>>
          %dma_wait3A_238 = arith.constant 0 : i32
          %dma_wait3A_239 = arith.constant 0 : i32
          %dma_wait3A_240 = tpu.memref_slice %arg11[%dma_wait3A_238, %dma_wait3A_239] : memref<10240x64xf32, #tpu.memory_space<vmem_shared>> -> memref<10240x64xf32, #tpu.memory_space<vmem_shared>>
          tpu.wait_indirect_dma semaphore(%arg16 : memref<!tpu.dma_semaphore, #tpu.memory_space<semaphore_mem>>) src(%arg7 : memref<128x64xf32, #tpu.memory_space<vmem>>) dst(%dma_wait3A_240 : memref<10240x64xf32, #tpu.memory_space<vmem_shared>>)
        } else {
        }
        %add3A_225 = arith.constant 2 : i32
        %add3A_226 = arith.addi %add3A_180, %add3A_225 : i32
        %dma_start3A_227 = arith.constant 0 : i32
        %dma_start3A_228 = tpu.memref_slice %arg5[%add3A_226, %dma_start3A_227] : memref<60x128xi32, #tpu.memory_space<vmem>> -> memref<1x128xi32, #tpu.memory_space<vmem>>
        %dma_start3A_229 = tpu.memref_squeeze %dma_start3A_228 : memref<1x128xi32, #tpu.memory_space<vmem>> -> memref<128xi32, #tpu.memory_space<vmem>>
        %dma_start3A_230 = arith.constant 0 : i32
        %dma_start3A_231 = arith.constant 0 : i32
        %dma_start3A_232 = tpu.memref_slice %arg2[%dma_start3A_230, %dma_start3A_231] : memref<10016x64xf32, #tpu.memory_space<hbm>> -> memref<10016x64xf32, #tpu.memory_space<hbm>>
        tpu.enqueue_indirect_dma source(%dma_start3A_232 : memref<10016x64xf32, #tpu.memory_space<hbm>>) target(%arg7 : memref<128x64xf32, #tpu.memory_space<vmem>>) offsets(%dma_start3A_229 : memref<128xi32, #tpu.memory_space<vmem>>) semaphore(%arg12 : memref<!tpu.dma_semaphore, #tpu.memory_space<semaphore_mem>>)
      } else {
      }
      %mul3A_199 = arith.constant 4 : i32
      %mul3A_200 = arith.muli %mul3A_199, %while3A_135 : i32
      %add3A_201 = arith.constant 3 : i32
      %add3A_202 = arith.addi %mul3A_200, %add3A_201 : i32
      %dma_wait3A_203 = arith.constant 0 : i32
      %dma_wait3A_204 = tpu.memref_slice %arg5[%add3A_202, %dma_wait3A_203] : memref<60x128xi32, #tpu.memory_space<vmem>> -> memref<1x128xi32, #tpu.memory_space<vmem>>
      %dma_wait3A_205 = tpu.memref_squeeze %dma_wait3A_204 : memref<1x128xi32, #tpu.memory_space<vmem>> -> memref<128xi32, #tpu.memory_space<vmem>>
      %dma_wait3A_206 = arith.constant 0 : i32
      %dma_wait3A_207 = arith.constant 0 : i32
      %dma_wait3A_208 = tpu.memref_slice %arg2[%dma_wait3A_206, %dma_wait3A_207] : memref<10016x64xf32, #tpu.memory_space<hbm>> -> memref<10016x64xf32, #tpu.memory_space<hbm>>
      tpu.wait_indirect_dma semaphore(%arg15 : memref<!tpu.dma_semaphore, #tpu.memory_space<semaphore_mem>>) src(%dma_wait3A_208 : memref<10016x64xf32, #tpu.memory_space<hbm>>) dst(%arg10 : memref<128x64xf32, #tpu.memory_space<vmem>>)
      %dma_start3A_209 = arith.constant 0 : i32
      %dma_start3A_210 = tpu.memref_slice %arg6[%add3A_202, %dma_start3A_209] : memref<60x128xi32, #tpu.memory_space<vmem>> -> memref<1x128xi32, #tpu.memory_space<vmem>>
      %dma_start3A_211 = tpu.memref_squeeze %dma_start3A_210 : memref<1x128xi32, #tpu.memory_space<vmem>> -> memref<128xi32, #tpu.memory_space<vmem>>
      %dma_start3A_212 = arith.constant 0 : i32
      %dma_start3A_213 = arith.constant 0 : i32
      %dma_start3A_214 = tpu.memref_slice %arg11[%dma_start3A_212, %dma_start3A_213] : memref<10240x64xf32, #tpu.memory_space<vmem_shared>> -> memref<10240x64xf32, #tpu.memory_space<vmem_shared>>
      tpu.enqueue_indirect_dma source(%arg10 : memref<128x64xf32, #tpu.memory_space<vmem>>) target(%dma_start3A_214 : memref<10240x64xf32, #tpu.memory_space<vmem_shared>>) offsets(%dma_start3A_211 : memref<128xi32, #tpu.memory_space<vmem>>) semaphore(%arg19 : memref<!tpu.dma_semaphore, #tpu.memory_space<semaphore_mem>>) {add = true}
      %sub3A_215 = arith.constant 2 : i32
      %sub3A_216 = arith.subi %select_n3A, %sub3A_215 : i32
      %lt3A_217 = arith.cmpi slt, %add3A_202, %sub3A_216 : i32
      %convert_element_type3A_218 = arith.extui %lt3A_217 : i1 to i32
      %cond3A_219 = arith.constant 0 : i32
      %cond3A_220 = arith.cmpi ne, %convert_element_type3A_218, %cond3A_219 : i32
      scf.if %cond3A_220 {
        %ge3A = arith.constant 2 : i32
        %ge3A_221 = arith.cmpi sge, %add3A_202, %ge3A : i32
        %convert_element_type3A_222 = arith.extui %ge3A_221 : i1 to i32
        %cond3A_223 = arith.constant 0 : i32
        %cond3A_224 = arith.cmpi ne, %convert_element_type3A_222, %cond3A_223 : i32
        scf.if %cond3A_224 {
          %sub3A_233 = arith.constant 2 : i32
          %sub3A_234 = arith.subi %add3A_202, %sub3A_233 : i32
          %dma_wait3A_235 = arith.constant 0 : i32
          %dma_wait3A_236 = tpu.memref_slice %arg6[%sub3A_234, %dma_wait3A_235] : memref<60x128xi32, #tpu.memory_space<vmem>> -> memref<1x128xi32, #tpu.memory_space<vmem>>
          %dma_wait3A_237 = tpu.memref_squeeze %dma_wait3A_236 : memref<1x128xi32, #tpu.memory_space<vmem>> -> memref<128xi32, #tpu.memory_space<vmem>>
          %dma_wait3A_238 = arith.constant 0 : i32
          %dma_wait3A_239 = arith.constant 0 : i32
          %dma_wait3A_240 = tpu.memref_slice %arg11[%dma_wait3A_238, %dma_wait3A_239] : memref<10240x64xf32, #tpu.memory_space<vmem_shared>> -> memref<10240x64xf32, #tpu.memory_space<vmem_shared>>
          tpu.wait_indirect_dma semaphore(%arg17 : memref<!tpu.dma_semaphore, #tpu.memory_space<semaphore_mem>>) src(%arg8 : memref<128x64xf32, #tpu.memory_space<vmem>>) dst(%dma_wait3A_240 : memref<10240x64xf32, #tpu.memory_space<vmem_shared>>)
        } else {
        }
        %add3A_225 = arith.constant 2 : i32
        %add3A_226 = arith.addi %add3A_202, %add3A_225 : i32
        %dma_start3A_227 = arith.constant 0 : i32
        %dma_start3A_228 = tpu.memref_slice %arg5[%add3A_226, %dma_start3A_227] : memref<60x128xi32, #tpu.memory_space<vmem>> -> memref<1x128xi32, #tpu.memory_space<vmem>>
        %dma_start3A_229 = tpu.memref_squeeze %dma_start3A_228 : memref<1x128xi32, #tpu.memory_space<vmem>> -> memref<128xi32, #tpu.memory_space<vmem>>
        %dma_start3A_230 = arith.constant 0 : i32
        %dma_start3A_231 = arith.constant 0 : i32
        %dma_start3A_232 = tpu.memref_slice %arg2[%dma_start3A_230, %dma_start3A_231] : memref<10016x64xf32, #tpu.memory_space<hbm>> -> memref<10016x64xf32, #tpu.memory_space<hbm>>
        tpu.enqueue_indirect_dma source(%dma_start3A_232 : memref<10016x64xf32, #tpu.memory_space<hbm>>) target(%arg8 : memref<128x64xf32, #tpu.memory_space<vmem>>) offsets(%dma_start3A_229 : memref<128xi32, #tpu.memory_space<vmem>>) semaphore(%arg13 : memref<!tpu.dma_semaphore, #tpu.memory_space<semaphore_mem>>)
      } else {
      }
    }
    %sub3A_94 = arith.constant 4 : i32
    %sub3A_95 = arith.subi %select_n3A, %sub3A_94 : i32
    %add3A_96 = arith.constant 0 : i32
    %add3A_97 = arith.addi %sub3A_95, %add3A_96 : i32
    %dma_wait3A_98 = arith.constant 0 : i32
    %dma_wait3A_99 = tpu.memref_slice %arg6[%add3A_97, %dma_wait3A_98] : memref<60x128xi32, #tpu.memory_space<vmem>> -> memref<1x128xi32, #tpu.memory_space<vmem>>
    %dma_wait3A_100 = tpu.memref_squeeze %dma_wait3A_99 : memref<1x128xi32, #tpu.memory_space<vmem>> -> memref<128xi32, #tpu.memory_space<vmem>>
    %dma_wait3A_101 = arith.constant 0 : i32
    %dma_wait3A_102 = arith.constant 0 : i32
    %dma_wait3A_103 = tpu.memref_slice %arg11[%dma_wait3A_101, %dma_wait3A_102] : memref<10240x64xf32, #tpu.memory_space<vmem_shared>> -> memref<10240x64xf32, #tpu.memory_space<vmem_shared>>
    tpu.wait_indirect_dma semaphore(%arg16 : memref<!tpu.dma_semaphore, #tpu.memory_space<semaphore_mem>>) src(%arg7 : memref<128x64xf32, #tpu.memory_space<vmem>>) dst(%dma_wait3A_103 : memref<10240x64xf32, #tpu.memory_space<vmem_shared>>)
    %sub3A_104 = arith.constant 4 : i32
    %sub3A_105 = arith.subi %select_n3A, %sub3A_104 : i32
    %add3A_106 = arith.constant 1 : i32
    %add3A_107 = arith.addi %sub3A_105, %add3A_106 : i32
    %dma_wait3A_108 = arith.constant 0 : i32
    %dma_wait3A_109 = tpu.memref_slice %arg6[%add3A_107, %dma_wait3A_108] : memref<60x128xi32, #tpu.memory_space<vmem>> -> memref<1x128xi32, #tpu.memory_space<vmem>>
    %dma_wait3A_110 = tpu.memref_squeeze %dma_wait3A_109 : memref<1x128xi32, #tpu.memory_space<vmem>> -> memref<128xi32, #tpu.memory_space<vmem>>
    %dma_wait3A_111 = arith.constant 0 : i32
    %dma_wait3A_112 = arith.constant 0 : i32
    %dma_wait3A_113 = tpu.memref_slice %arg11[%dma_wait3A_111, %dma_wait3A_112] : memref<10240x64xf32, #tpu.memory_space<vmem_shared>> -> memref<10240x64xf32, #tpu.memory_space<vmem_shared>>
    tpu.wait_indirect_dma semaphore(%arg17 : memref<!tpu.dma_semaphore, #tpu.memory_space<semaphore_mem>>) src(%arg8 : memref<128x64xf32, #tpu.memory_space<vmem>>) dst(%dma_wait3A_113 : memref<10240x64xf32, #tpu.memory_space<vmem_shared>>)
    %sub3A_114 = arith.constant 4 : i32
    %sub3A_115 = arith.subi %select_n3A, %sub3A_114 : i32
    %add3A_116 = arith.constant 2 : i32
    %add3A_117 = arith.addi %sub3A_115, %add3A_116 : i32
    %dma_wait3A_118 = arith.constant 0 : i32
    %dma_wait3A_119 = tpu.memref_slice %arg6[%add3A_117, %dma_wait3A_118] : memref<60x128xi32, #tpu.memory_space<vmem>> -> memref<1x128xi32, #tpu.memory_space<vmem>>
    %dma_wait3A_120 = tpu.memref_squeeze %dma_wait3A_119 : memref<1x128xi32, #tpu.memory_space<vmem>> -> memref<128xi32, #tpu.memory_space<vmem>>
    %dma_wait3A_121 = arith.constant 0 : i32
    %dma_wait3A_122 = arith.constant 0 : i32
    %dma_wait3A_123 = tpu.memref_slice %arg11[%dma_wait3A_121, %dma_wait3A_122] : memref<10240x64xf32, #tpu.memory_space<vmem_shared>> -> memref<10240x64xf32, #tpu.memory_space<vmem_shared>>
    tpu.wait_indirect_dma semaphore(%arg18 : memref<!tpu.dma_semaphore, #tpu.memory_space<semaphore_mem>>) src(%arg9 : memref<128x64xf32, #tpu.memory_space<vmem>>) dst(%dma_wait3A_123 : memref<10240x64xf32, #tpu.memory_space<vmem_shared>>)
    %sub3A_124 = arith.constant 4 : i32
    %sub3A_125 = arith.subi %select_n3A, %sub3A_124 : i32
    %add3A_126 = arith.constant 3 : i32
    %add3A_127 = arith.addi %sub3A_125, %add3A_126 : i32
    %dma_wait3A_128 = arith.constant 0 : i32
    %dma_wait3A_129 = tpu.memref_slice %arg6[%add3A_127, %dma_wait3A_128] : memref<60x128xi32, #tpu.memory_space<vmem>> -> memref<1x128xi32, #tpu.memory_space<vmem>>
    %dma_wait3A_130 = tpu.memref_squeeze %dma_wait3A_129 : memref<1x128xi32, #tpu.memory_space<vmem>> -> memref<128xi32, #tpu.memory_space<vmem>>
    %dma_wait3A_131 = arith.constant 0 : i32
    %dma_wait3A_132 = arith.constant 0 : i32
    %dma_wait3A_133 = tpu.memref_slice %arg11[%dma_wait3A_131, %dma_wait3A_132] : memref<10240x64xf32, #tpu.memory_space<vmem_shared>> -> memref<10240x64xf32, #tpu.memory_space<vmem_shared>>
    tpu.wait_indirect_dma semaphore(%arg19 : memref<!tpu.dma_semaphore, #tpu.memory_space<semaphore_mem>>) src(%arg10 : memref<128x64xf32, #tpu.memory_space<vmem>>) dst(%dma_wait3A_133 : memref<10240x64xf32, #tpu.memory_space<vmem_shared>>)
    %barrier3A_134 = arith.constant 0 : index
    tpu.barrier barrier_id(%barrier3A_134)
    "tpu.region"() ({
      %run_scoped3A = tpu.sem_alloc : memref<!tpu.dma_semaphore, #tpu.memory_space<semaphore_mem>>
      %dma_start3A_135 = arith.constant 0 : i32
      %dma_start3A_136 = tpu.memref_slice %arg4[%arg0, %multiple_of3A, %dma_start3A_135] : memref<2x10240x64xf32, #tpu.memory_space<hbm>> -> memref<1x640x64xf32, #tpu.memory_space<hbm>>
      %dma_start3A_137 = tpu.memref_squeeze %dma_start3A_136 : memref<1x640x64xf32, #tpu.memory_space<hbm>> -> memref<640x64xf32, #tpu.memory_space<hbm>>
      %dma_start3A_138 = arith.constant 0 : i32
      %dma_start3A_139 = tpu.memref_slice %arg11[%multiple_of3A, %dma_start3A_138] : memref<10240x64xf32, #tpu.memory_space<vmem_shared>> -> memref<640x64xf32, #tpu.memory_space<vmem_shared>>
      tpu.enqueue_dma source(%dma_start3A_139 : memref<640x64xf32, #tpu.memory_space<vmem_shared>>) target(%dma_start3A_137 : memref<640x64xf32, #tpu.memory_space<hbm>>) target_semaphore(%run_scoped3A : memref<!tpu.dma_semaphore, #tpu.memory_space<semaphore_mem>>)
      %dma_wait3A_140 = arith.constant 0 : i32
      %dma_wait3A_141 = tpu.memref_slice %arg4[%arg0, %multiple_of3A, %dma_wait3A_140] : memref<2x10240x64xf32, #tpu.memory_space<hbm>> -> memref<1x640x64xf32, #tpu.memory_space<hbm>>
      %dma_wait3A_142 = tpu.memref_squeeze %dma_wait3A_141 : memref<1x640x64xf32, #tpu.memory_space<hbm>> -> memref<640x64xf32, #tpu.memory_space<hbm>>
      %dma_wait3A_143 = arith.constant 0 : i32
      %dma_wait3A_144 = tpu.memref_slice %arg11[%multiple_of3A, %dma_wait3A_143] : memref<10240x64xf32, #tpu.memory_space<vmem_shared>> -> memref<640x64xf32, #tpu.memory_space<vmem_shared>>
      tpu.wait_dma2 semaphore(%run_scoped3A : memref<!tpu.dma_semaphore, #tpu.memory_space<semaphore_mem>>) src(%dma_wait3A_144 : memref<640x64xf32, #tpu.memory_space<vmem_shared>>) dst(%dma_wait3A_142 : memref<640x64xf32, #tpu.memory_space<hbm>>)
      tpu.yield
    }) : () -> ()
    return
  }
}

#map = affine_map<(d0, d1) -> (0, 0)>
#map1 = affine_map<(d0, d1) -> (0, 0, 0)>
module attributes {stable_mosaic.version = 14 : i64} {
  func.func @_sc_spmm_body(%arg0: i32, %arg1: i32, %arg2: memref<10016x64xf32, #tpu.memory_space<hbm>>, %arg3: memref<2x1340x128xi32, #tpu.memory_space<hbm>>, %arg4: memref<2x10240x64xf32, #tpu.memory_space<hbm>>, %arg5: memref<60x128xi32, #tpu.memory_space<vmem>>, %arg6: memref<60x128xi32, #tpu.memory_space<vmem>>, %arg7: memref<128x64xf32, #tpu.memory_space<vmem>>, %arg8: memref<128x64xf32, #tpu.memory_space<vmem>>, %arg9: memref<128x64xf32, #tpu.memory_space<vmem>>, %arg10: memref<128x64xf32, #tpu.memory_space<vmem>>, %arg11: memref<10240x64xf32, #tpu.memory_space<vmem_shared>>, %arg12: memref<!tpu.dma_semaphore, #tpu.memory_space<semaphore_mem>>, %arg13: memref<!tpu.dma_semaphore, #tpu.memory_space<semaphore_mem>>, %arg14: memref<!tpu.dma_semaphore, #tpu.memory_space<semaphore_mem>>, %arg15: memref<!tpu.dma_semaphore, #tpu.memory_space<semaphore_mem>>, %arg16: memref<!tpu.dma_semaphore, #tpu.memory_space<semaphore_mem>>, %arg17: memref<!tpu.dma_semaphore, #tpu.memory_space<semaphore_mem>>, %arg18: memref<!tpu.dma_semaphore, #tpu.memory_space<semaphore_mem>>, %arg19: memref<!tpu.dma_semaphore, #tpu.memory_space<semaphore_mem>>) attributes {dimension_semantics = [#tpu.dimension_semantics<core_parallel>, #tpu.dimension_semantics<subcore_parallel>], iteration_bounds = array<i64: 2, 16>, scalar_prefetch = 0 : i64, scratch_operands = 15 : i64, tpu.core_type = #tpu.core_type<sc_vector_subcore>, window_params = [{transform_indices = #map}, {transform_indices = #map1}, {transform_indices = #map1}]} {
    %mul3A = arith.constant 640 : i32
    %mul3A_0 = arith.muli %arg1, %mul3A : i32
    %multiple_of3A = tpu.assume_multiple %mul3A_0, 8 : i32
    %eq3A = arith.constant 0 : i32
    %eq3A_1 = arith.cmpi eq, %arg0, %eq3A : i32
    %jit3A = arith.constant 60 : i32
    %jit3A_2 = arith.constant 20 : i32
    %select_n3A = arith.select %eq3A_1, %jit3A, %jit3A_2 : i32
    %eq3A_3 = arith.constant 0 : i32
    %eq3A_4 = arith.cmpi eq, %arg0, %eq3A_3 : i32
    %mul3A_5 = arith.constant 60 : i32
    %mul3A_6 = arith.muli %arg1, %mul3A_5 : i32
    %mul3A_7 = arith.constant 20 : i32
    %mul3A_8 = arith.muli %arg1, %mul3A_7 : i32
    %add3A = arith.constant 960 : i32
    %add3A_9 = arith.addi %add3A, %mul3A_8 : i32
    %select_n3A_10 = arith.select %eq3A_4, %mul3A_6, %add3A_9 : i32
    %dma_start3A = arith.constant 0 : i32
    %dma_start3A_11 = arith.constant 0 : i32
    %dma_start3A_12 = tpu.memref_slice %arg3[%dma_start3A, %select_n3A_10, %dma_start3A_11] : memref<2x1340x128xi32, #tpu.memory_space<hbm>> -> memref<1x60x128xi32, #tpu.memory_space<hbm>>
    %dma_start3A_13 = tpu.memref_squeeze %dma_start3A_12 : memref<1x60x128xi32, #tpu.memory_space<hbm>> -> memref<60x128xi32, #tpu.memory_space<hbm>>
    %dma_start3A_14 = arith.constant 0 : i32
    %dma_start3A_15 = tpu.memref_slice %arg3[%dma_start3A, %select_n3A_10, %dma_start3A_14] : memref<2x1340x128xi32, #tpu.memory_space<hbm>> -> memref<1x60x128xi32, #tpu.memory_space<hbm>>
    %dma_start3A_16 = tpu.memref_squeeze %dma_start3A_15 : memref<1x60x128xi32, #tpu.memory_space<hbm>> -> memref<60x128xi32, #tpu.memory_space<hbm>>
    tpu.enqueue_dma source(%dma_start3A_16 : memref<60x128xi32, #tpu.memory_space<hbm>>) target(%arg5 : memref<60x128xi32, #tpu.memory_space<vmem>>) target_semaphore(%arg12 : memref<!tpu.dma_semaphore, #tpu.memory_space<semaphore_mem>>)
    %dma_start3A_17 = arith.constant 1 : i32
    %dma_start3A_18 = arith.constant 0 : i32
    %dma_start3A_19 = tpu.memref_slice %arg3[%dma_start3A_17, %select_n3A_10, %dma_start3A_18] : memref<2x1340x128xi32, #tpu.memory_space<hbm>> -> memref<1x60x128xi32, #tpu.memory_space<hbm>>
    %dma_start3A_20 = tpu.memref_squeeze %dma_start3A_19 : memref<1x60x128xi32, #tpu.memory_space<hbm>> -> memref<60x128xi32, #tpu.memory_space<hbm>>
    %dma_start3A_21 = arith.constant 0 : i32
    %dma_start3A_22 = tpu.memref_slice %arg3[%dma_start3A_17, %select_n3A_10, %dma_start3A_21] : memref<2x1340x128xi32, #tpu.memory_space<hbm>> -> memref<1x60x128xi32, #tpu.memory_space<hbm>>
    %dma_start3A_23 = tpu.memref_squeeze %dma_start3A_22 : memref<1x60x128xi32, #tpu.memory_space<hbm>> -> memref<60x128xi32, #tpu.memory_space<hbm>>
    tpu.enqueue_dma source(%dma_start3A_23 : memref<60x128xi32, #tpu.memory_space<hbm>>) target(%arg6 : memref<60x128xi32, #tpu.memory_space<vmem>>) target_semaphore(%arg13 : memref<!tpu.dma_semaphore, #tpu.memory_space<semaphore_mem>>)
    %broadcast_in_dim3A = arith.constant 0.000000e+00 : f32
    %broadcast_in_dim3A_24 = vector.broadcast %broadcast_in_dim3A : f32 to vector<16xf32>
    %scan3A = arith.constant 0 : i32
    %scan3A_25 = arith.constant 0 : i32
    %scan3A_26 = arith.constant 128 : i32
    %scan3A_27 = arith.addi %scan3A_25, %scan3A_26 : i32
    %scan3A_28 = arith.constant 1 : i32
    scf.for %scan3A_135 = %scan3A_25 to %scan3A_27 step %scan3A_28  : i32 {
      %swap3A = arith.index_cast %scan3A_135 : i32 to index
      %swap3A_136 = arith.constant 0 : index
      %swap3A_137 = tpu.vector_load %arg7[%swap3A, %swap3A_136] {strides = array<i32>} : memref<128x64xf32, #tpu.memory_space<vmem>>, vector<1x16xf32>,
      %swap3A_138 = vector.shape_cast %swap3A_137 : vector<1x16xf32> to vector<16xf32>
      %swap3A_139 = vector.shape_cast %broadcast_in_dim3A_24 : vector<16xf32> to vector<1x16xf32>
      tpu.vector_store %arg7[%swap3A, %swap3A_136], %swap3A_139 {strides = array<i32>} : memref<128x64xf32, #tpu.memory_space<vmem>>, vector<1x16xf32>,
      %swap3A_140 = arith.index_cast %scan3A_135 : i32 to index
      %swap3A_141 = arith.constant 16 : index
      %swap3A_142 = tpu.vector_load %arg7[%swap3A_140, %swap3A_141] {strides = array<i32>} : memref<128x64xf32, #tpu.memory_space<vmem>>, vector<1x16xf32>,
      %swap3A_143 = vector.shape_cast %swap3A_142 : vector<1x16xf32> to vector<16xf32>
      %swap3A_144 = vector.shape_cast %broadcast_in_dim3A_24 : vector<16xf32> to vector<1x16xf32>
      tpu.vector_store %arg7[%swap3A_140, %swap3A_141], %swap3A_144 {strides = array<i32>} : memref<128x64xf32, #tpu.memory_space<vmem>>, vector<1x16xf32>,
      %swap3A_145 = arith.index_cast %scan3A_135 : i32 to index
      %swap3A_146 = arith.constant 32 : index
      %swap3A_147 = tpu.vector_load %arg7[%swap3A_145, %swap3A_146] {strides = array<i32>} : memref<128x64xf32, #tpu.memory_space<vmem>>, vector<1x16xf32>,
      %swap3A_148 = vector.shape_cast %swap3A_147 : vector<1x16xf32> to vector<16xf32>
      %swap3A_149 = vector.shape_cast %broadcast_in_dim3A_24 : vector<16xf32> to vector<1x16xf32>
      tpu.vector_store %arg7[%swap3A_145, %swap3A_146], %swap3A_149 {strides = array<i32>} : memref<128x64xf32, #tpu.memory_space<vmem>>, vector<1x16xf32>,
      %swap3A_150 = arith.index_cast %scan3A_135 : i32 to index
      %swap3A_151 = arith.constant 48 : index
      %swap3A_152 = tpu.vector_load %arg7[%swap3A_150, %swap3A_151] {strides = array<i32>} : memref<128x64xf32, #tpu.memory_space<vmem>>, vector<1x16xf32>,
      %swap3A_153 = vector.shape_cast %swap3A_152 : vector<1x16xf32> to vector<16xf32>
      %swap3A_154 = vector.shape_cast %broadcast_in_dim3A_24 : vector<16xf32> to vector<1x16xf32>
      tpu.vector_store %arg7[%swap3A_150, %swap3A_151], %swap3A_154 {strides = array<i32>} : memref<128x64xf32, #tpu.memory_space<vmem>>, vector<1x16xf32>,
    }
    %scan3A_29 = arith.constant 128 : i32
    %add3A_30 = arith.constant 0 : i32
    %add3A_31 = arith.addi %multiple_of3A, %add3A_30 : i32
    "tpu.region"() ({
      %run_scoped3A = tpu.sem_alloc : memref<!tpu.dma_semaphore, #tpu.memory_space<semaphore_mem>>
      %dma_start3A_135 = arith.constant 0 : i32
      %dma_start3A_136 = tpu.memref_slice %arg11[%add3A_31, %dma_start3A_135] : memref<10240x64xf32, #tpu.memory_space<vmem_shared>> -> memref<128x64xf32, #tpu.memory_space<vmem_shared>>
      %dma_start3A_137 = arith.constant 0 : i32
      %dma_start3A_138 = tpu.memref_slice %arg11[%add3A_31, %dma_start3A_137] : memref<10240x64xf32, #tpu.memory_space<vmem_shared>> -> memref<128x64xf32, #tpu.memory_space<vmem_shared>>
      tpu.enqueue_dma source(%arg7 : memref<128x64xf32, #tpu.memory_space<vmem>>) target(%dma_start3A_138 : memref<128x64xf32, #tpu.memory_space<vmem_shared>>) target_semaphore(%run_scoped3A : memref<!tpu.dma_semaphore, #tpu.memory_space<semaphore_mem>>)
      %dma_wait3A_139 = arith.constant 0 : i32
      %dma_wait3A_140 = tpu.memref_slice %arg11[%add3A_31, %dma_wait3A_139] : memref<10240x64xf32, #tpu.memory_space<vmem_shared>> -> memref<128x64xf32, #tpu.memory_space<vmem_shared>>
      %dma_wait3A_141 = arith.constant 0 : i32
      %dma_wait3A_142 = tpu.memref_slice %arg11[%add3A_31, %dma_wait3A_141] : memref<10240x64xf32, #tpu.memory_space<vmem_shared>> -> memref<128x64xf32, #tpu.memory_space<vmem_shared>>
      tpu.wait_dma2 semaphore(%run_scoped3A : memref<!tpu.dma_semaphore, #tpu.memory_space<semaphore_mem>>) src(%arg7 : memref<128x64xf32, #tpu.memory_space<vmem>>) dst(%dma_wait3A_142 : memref<128x64xf32, #tpu.memory_space<vmem_shared>>)
      tpu.yield
    }) : () -> ()
    %add3A_32 = arith.constant 128 : i32
    %add3A_33 = arith.addi %multiple_of3A, %add3A_32 : i32
    "tpu.region"() ({
      %run_scoped3A = tpu.sem_alloc : memref<!tpu.dma_semaphore, #tpu.memory_space<semaphore_mem>>
      %dma_start3A_135 = arith.constant 0 : i32
      %dma_start3A_136 = tpu.memref_slice %arg11[%add3A_33, %dma_start3A_135] : memref<10240x64xf32, #tpu.memory_space<vmem_shared>> -> memref<128x64xf32, #tpu.memory_space<vmem_shared>>
      %dma_start3A_137 = arith.constant 0 : i32
      %dma_start3A_138 = tpu.memref_slice %arg11[%add3A_33, %dma_start3A_137] : memref<10240x64xf32, #tpu.memory_space<vmem_shared>> -> memref<128x64xf32, #tpu.memory_space<vmem_shared>>
      tpu.enqueue_dma source(%arg7 : memref<128x64xf32, #tpu.memory_space<vmem>>) target(%dma_start3A_138 : memref<128x64xf32, #tpu.memory_space<vmem_shared>>) target_semaphore(%run_scoped3A : memref<!tpu.dma_semaphore, #tpu.memory_space<semaphore_mem>>)
      %dma_wait3A_139 = arith.constant 0 : i32
      %dma_wait3A_140 = tpu.memref_slice %arg11[%add3A_33, %dma_wait3A_139] : memref<10240x64xf32, #tpu.memory_space<vmem_shared>> -> memref<128x64xf32, #tpu.memory_space<vmem_shared>>
      %dma_wait3A_141 = arith.constant 0 : i32
      %dma_wait3A_142 = tpu.memref_slice %arg11[%add3A_33, %dma_wait3A_141] : memref<10240x64xf32, #tpu.memory_space<vmem_shared>> -> memref<128x64xf32, #tpu.memory_space<vmem_shared>>
      tpu.wait_dma2 semaphore(%run_scoped3A : memref<!tpu.dma_semaphore, #tpu.memory_space<semaphore_mem>>) src(%arg7 : memref<128x64xf32, #tpu.memory_space<vmem>>) dst(%dma_wait3A_142 : memref<128x64xf32, #tpu.memory_space<vmem_shared>>)
      tpu.yield
    }) : () -> ()
    %add3A_34 = arith.constant 256 : i32
    %add3A_35 = arith.addi %multiple_of3A, %add3A_34 : i32
    "tpu.region"() ({
      %run_scoped3A = tpu.sem_alloc : memref<!tpu.dma_semaphore, #tpu.memory_space<semaphore_mem>>
      %dma_start3A_135 = arith.constant 0 : i32
      %dma_start3A_136 = tpu.memref_slice %arg11[%add3A_35, %dma_start3A_135] : memref<10240x64xf32, #tpu.memory_space<vmem_shared>> -> memref<128x64xf32, #tpu.memory_space<vmem_shared>>
      %dma_start3A_137 = arith.constant 0 : i32
      %dma_start3A_138 = tpu.memref_slice %arg11[%add3A_35, %dma_start3A_137] : memref<10240x64xf32, #tpu.memory_space<vmem_shared>> -> memref<128x64xf32, #tpu.memory_space<vmem_shared>>
      tpu.enqueue_dma source(%arg7 : memref<128x64xf32, #tpu.memory_space<vmem>>) target(%dma_start3A_138 : memref<128x64xf32, #tpu.memory_space<vmem_shared>>) target_semaphore(%run_scoped3A : memref<!tpu.dma_semaphore, #tpu.memory_space<semaphore_mem>>)
      %dma_wait3A_139 = arith.constant 0 : i32
      %dma_wait3A_140 = tpu.memref_slice %arg11[%add3A_35, %dma_wait3A_139] : memref<10240x64xf32, #tpu.memory_space<vmem_shared>> -> memref<128x64xf32, #tpu.memory_space<vmem_shared>>
      %dma_wait3A_141 = arith.constant 0 : i32
      %dma_wait3A_142 = tpu.memref_slice %arg11[%add3A_35, %dma_wait3A_141] : memref<10240x64xf32, #tpu.memory_space<vmem_shared>> -> memref<128x64xf32, #tpu.memory_space<vmem_shared>>
      tpu.wait_dma2 semaphore(%run_scoped3A : memref<!tpu.dma_semaphore, #tpu.memory_space<semaphore_mem>>) src(%arg7 : memref<128x64xf32, #tpu.memory_space<vmem>>) dst(%dma_wait3A_142 : memref<128x64xf32, #tpu.memory_space<vmem_shared>>)
      tpu.yield
    }) : () -> ()
    %add3A_36 = arith.constant 384 : i32
    %add3A_37 = arith.addi %multiple_of3A, %add3A_36 : i32
    "tpu.region"() ({
      %run_scoped3A = tpu.sem_alloc : memref<!tpu.dma_semaphore, #tpu.memory_space<semaphore_mem>>
      %dma_start3A_135 = arith.constant 0 : i32
      %dma_start3A_136 = tpu.memref_slice %arg11[%add3A_37, %dma_start3A_135] : memref<10240x64xf32, #tpu.memory_space<vmem_shared>> -> memref<128x64xf32, #tpu.memory_space<vmem_shared>>
      %dma_start3A_137 = arith.constant 0 : i32
      %dma_start3A_138 = tpu.memref_slice %arg11[%add3A_37, %dma_start3A_137] : memref<10240x64xf32, #tpu.memory_space<vmem_shared>> -> memref<128x64xf32, #tpu.memory_space<vmem_shared>>
      tpu.enqueue_dma source(%arg7 : memref<128x64xf32, #tpu.memory_space<vmem>>) target(%dma_start3A_138 : memref<128x64xf32, #tpu.memory_space<vmem_shared>>) target_semaphore(%run_scoped3A : memref<!tpu.dma_semaphore, #tpu.memory_space<semaphore_mem>>)
      %dma_wait3A_139 = arith.constant 0 : i32
      %dma_wait3A_140 = tpu.memref_slice %arg11[%add3A_37, %dma_wait3A_139] : memref<10240x64xf32, #tpu.memory_space<vmem_shared>> -> memref<128x64xf32, #tpu.memory_space<vmem_shared>>
      %dma_wait3A_141 = arith.constant 0 : i32
      %dma_wait3A_142 = tpu.memref_slice %arg11[%add3A_37, %dma_wait3A_141] : memref<10240x64xf32, #tpu.memory_space<vmem_shared>> -> memref<128x64xf32, #tpu.memory_space<vmem_shared>>
      tpu.wait_dma2 semaphore(%run_scoped3A : memref<!tpu.dma_semaphore, #tpu.memory_space<semaphore_mem>>) src(%arg7 : memref<128x64xf32, #tpu.memory_space<vmem>>) dst(%dma_wait3A_142 : memref<128x64xf32, #tpu.memory_space<vmem_shared>>)
      tpu.yield
    }) : () -> ()
    %add3A_38 = arith.constant 512 : i32
    %add3A_39 = arith.addi %multiple_of3A, %add3A_38 : i32
    "tpu.region"() ({
      %run_scoped3A = tpu.sem_alloc : memref<!tpu.dma_semaphore, #tpu.memory_space<semaphore_mem>>
      %dma_start3A_135 = arith.constant 0 : i32
      %dma_start3A_136 = tpu.memref_slice %arg11[%add3A_39, %dma_start3A_135] : memref<10240x64xf32, #tpu.memory_space<vmem_shared>> -> memref<128x64xf32, #tpu.memory_space<vmem_shared>>
      %dma_start3A_137 = arith.constant 0 : i32
      %dma_start3A_138 = tpu.memref_slice %arg11[%add3A_39, %dma_start3A_137] : memref<10240x64xf32, #tpu.memory_space<vmem_shared>> -> memref<128x64xf32, #tpu.memory_space<vmem_shared>>
      tpu.enqueue_dma source(%arg7 : memref<128x64xf32, #tpu.memory_space<vmem>>) target(%dma_start3A_138 : memref<128x64xf32, #tpu.memory_space<vmem_shared>>) target_semaphore(%run_scoped3A : memref<!tpu.dma_semaphore, #tpu.memory_space<semaphore_mem>>)
      %dma_wait3A_139 = arith.constant 0 : i32
      %dma_wait3A_140 = tpu.memref_slice %arg11[%add3A_39, %dma_wait3A_139] : memref<10240x64xf32, #tpu.memory_space<vmem_shared>> -> memref<128x64xf32, #tpu.memory_space<vmem_shared>>
      %dma_wait3A_141 = arith.constant 0 : i32
      %dma_wait3A_142 = tpu.memref_slice %arg11[%add3A_39, %dma_wait3A_141] : memref<10240x64xf32, #tpu.memory_space<vmem_shared>> -> memref<128x64xf32, #tpu.memory_space<vmem_shared>>
      tpu.wait_dma2 semaphore(%run_scoped3A : memref<!tpu.dma_semaphore, #tpu.memory_space<semaphore_mem>>) src(%arg7 : memref<128x64xf32, #tpu.memory_space<vmem>>) dst(%dma_wait3A_142 : memref<128x64xf32, #tpu.memory_space<vmem_shared>>)
      tpu.yield
    }) : () -> ()
    %dma_wait3A = arith.constant 0 : i32
    %dma_wait3A_40 = arith.constant 0 : i32
    %dma_wait3A_41 = tpu.memref_slice %arg3[%dma_wait3A, %select_n3A_10, %dma_wait3A_40] : memref<2x1340x128xi32, #tpu.memory_space<hbm>> -> memref<1x60x128xi32, #tpu.memory_space<hbm>>
    %dma_wait3A_42 = tpu.memref_squeeze %dma_wait3A_41 : memref<1x60x128xi32, #tpu.memory_space<hbm>> -> memref<60x128xi32, #tpu.memory_space<hbm>>
    %dma_wait3A_43 = arith.constant 0 : i32
    %dma_wait3A_44 = tpu.memref_slice %arg3[%dma_wait3A, %select_n3A_10, %dma_wait3A_43] : memref<2x1340x128xi32, #tpu.memory_space<hbm>> -> memref<1x60x128xi32, #tpu.memory_space<hbm>>
    %dma_wait3A_45 = tpu.memref_squeeze %dma_wait3A_44 : memref<1x60x128xi32, #tpu.memory_space<hbm>> -> memref<60x128xi32, #tpu.memory_space<hbm>>
    tpu.wait_dma2 semaphore(%arg12 : memref<!tpu.dma_semaphore, #tpu.memory_space<semaphore_mem>>) src(%dma_wait3A_45 : memref<60x128xi32, #tpu.memory_space<hbm>>) dst(%arg5 : memref<60x128xi32, #tpu.memory_space<vmem>>)
    %dma_wait3A_46 = arith.constant 1 : i32
    %dma_wait3A_47 = arith.constant 0 : i32
    %dma_wait3A_48 = tpu.memref_slice %arg3[%dma_wait3A_46, %select_n3A_10, %dma_wait3A_47] : memref<2x1340x128xi32, #tpu.memory_space<hbm>> -> memref<1x60x128xi32, #tpu.memory_space<hbm>>
    %dma_wait3A_49 = tpu.memref_squeeze %dma_wait3A_48 : memref<1x60x128xi32, #tpu.memory_space<hbm>> -> memref<60x128xi32, #tpu.memory_space<hbm>>
    %dma_wait3A_50 = arith.constant 0 : i32
    %dma_wait3A_51 = tpu.memref_slice %arg3[%dma_wait3A_46, %select_n3A_10, %dma_wait3A_50] : memref<2x1340x128xi32, #tpu.memory_space<hbm>> -> memref<1x60x128xi32, #tpu.memory_space<hbm>>
    %dma_wait3A_52 = tpu.memref_squeeze %dma_wait3A_51 : memref<1x60x128xi32, #tpu.memory_space<hbm>> -> memref<60x128xi32, #tpu.memory_space<hbm>>
    tpu.wait_dma2 semaphore(%arg13 : memref<!tpu.dma_semaphore, #tpu.memory_space<semaphore_mem>>) src(%dma_wait3A_52 : memref<60x128xi32, #tpu.memory_space<hbm>>) dst(%arg6 : memref<60x128xi32, #tpu.memory_space<vmem>>)
    %barrier3A = arith.constant 0 : index
    tpu.barrier barrier_id(%barrier3A)
    %dma_start3A_53 = arith.constant 0 : i32
    %dma_start3A_54 = arith.constant 0 : i32
    %dma_start3A_55 = tpu.memref_slice %arg5[%dma_start3A_53, %dma_start3A_54] : memref<60x128xi32, #tpu.memory_space<vmem>> -> memref<1x128xi32, #tpu.memory_space<vmem>>
    %dma_start3A_56 = tpu.memref_squeeze %dma_start3A_55 : memref<1x128xi32, #tpu.memory_space<vmem>> -> memref<128xi32, #tpu.memory_space<vmem>>
    %dma_start3A_57 = arith.constant 0 : i32
    %dma_start3A_58 = arith.constant 0 : i32
    %dma_start3A_59 = tpu.memref_slice %arg2[%dma_start3A_57, %dma_start3A_58] : memref<10016x64xf32, #tpu.memory_space<hbm>> -> memref<10016x64xf32, #tpu.memory_space<hbm>>
    tpu.enqueue_indirect_dma source(%dma_start3A_59 : memref<10016x64xf32, #tpu.memory_space<hbm>>) target(%arg7 : memref<128x64xf32, #tpu.memory_space<vmem>>) offsets(%dma_start3A_56 : memref<128xi32, #tpu.memory_space<vmem>>) semaphore(%arg12 : memref<!tpu.dma_semaphore, #tpu.memory_space<semaphore_mem>>)
    %dma_start3A_60 = arith.constant 1 : i32
    %dma_start3A_61 = arith.constant 0 : i32
    %dma_start3A_62 = tpu.memref_slice %arg5[%dma_start3A_60, %dma_start3A_61] : memref<60x128xi32, #tpu.memory_space<vmem>> -> memref<1x128xi32, #tpu.memory_space<vmem>>
    %dma_start3A_63 = tpu.memref_squeeze %dma_start3A_62 : memref<1x128xi32, #tpu.memory_space<vmem>> -> memref<128xi32, #tpu.memory_space<vmem>>
    %dma_start3A_64 = arith.constant 0 : i32
    %dma_start3A_65 = arith.constant 0 : i32
    %dma_start3A_66 = tpu.memref_slice %arg2[%dma_start3A_64, %dma_start3A_65] : memref<10016x64xf32, #tpu.memory_space<hbm>> -> memref<10016x64xf32, #tpu.memory_space<hbm>>
    tpu.enqueue_indirect_dma source(%dma_start3A_66 : memref<10016x64xf32, #tpu.memory_space<hbm>>) target(%arg8 : memref<128x64xf32, #tpu.memory_space<vmem>>) offsets(%dma_start3A_63 : memref<128xi32, #tpu.memory_space<vmem>>) semaphore(%arg13 : memref<!tpu.dma_semaphore, #tpu.memory_space<semaphore_mem>>)
    %jit3A_67 = arith.constant 4 : i32
    %div3A = arith.divsi %select_n3A, %jit3A_67 : i32
    %sign3A = arith.constant 0 : i32
    %sign3A_68 = arith.cmpi sgt, %select_n3A, %sign3A : i32
    %sign3A_69 = arith.extui %sign3A_68 : i1 to i32
    %sign3A_70 = arith.constant 0 : i32
    %sign3A_71 = arith.cmpi slt, %select_n3A, %sign3A_70 : i32
    %sign3A_72 = arith.extui %sign3A_71 : i1 to i32
    %sign3A_73 = arith.subi %sign3A_69, %sign3A_72 : i32
    %sign3A_74 = arith.constant 0 : i32
    %sign3A_75 = arith.cmpi sgt, %jit3A_67, %sign3A_74 : i32
    %sign3A_76 = arith.extui %sign3A_75 : i1 to i32
    %sign3A_77 = arith.constant 0 : i32
    %sign3A_78 = arith.cmpi slt, %jit3A_67, %sign3A_77 : i32
    %sign3A_79 = arith.extui %sign3A_78 : i1 to i32
    %sign3A_80 = arith.subi %sign3A_76, %sign3A_79 : i32
    %ne3A = arith.cmpi ne, %sign3A_73, %sign3A_80 : i32
    %rem3A = arith.remsi %select_n3A, %jit3A_67 : i32
    %ne3A_81 = arith.constant 0 : i32
    %ne3A_82 = arith.cmpi ne, %rem3A, %ne3A_81 : i32
    %and3A = arith.andi %ne3A, %ne3A_82 : i1
    %sub3A = arith.constant 1 : i32
    %sub3A_83 = arith.subi %div3A, %sub3A : i32
    %select_n3A_84 = arith.select %and3A, %sub3A_83, %div3A : i32
    %while3A = arith.constant 0 : i32
    %while3A_85 = arith.constant 0 : i32
    %while3A_86 = arith.subi %select_n3A_84, %while3A_85 : i32
    %while3A_87 = arith.addi %while3A_85, %while3A_86 : i32
    %while3A_88 = arith.constant 1 : i32
    %while3A_89 = arith.divsi %while3A_86, %while3A_88 : i32
    %while3A_90 = arith.muli %while3A_89, %while3A_88 : i32
    %while3A_91 = arith.addi %while3A_85, %while3A_90 : i32
    %while3A_92 = arith.constant 1 : i32
    scf.for %while3A_135 = %while3A_85 to %while3A_91 step %while3A_92  : i32 {
      %mul3A_136 = arith.constant 4 : i32
      %mul3A_137 = arith.muli %mul3A_136, %while3A_135 : i32
      %add3A_138 = arith.constant 0 : i32
      %add3A_139 = arith.addi %mul3A_137, %add3A_138 : i32
      %dma_wait3A_140 = arith.constant 0 : i32
      %dma_wait3A_141 = tpu.memref_slice %arg5[%add3A_139, %dma_wait3A_140] : memref<60x128xi32, #tpu.memory_space<vmem>> -> memref<1x128xi32, #tpu.memory_space<vmem>>
      %dma_wait3A_142 = tpu.memref_squeeze %dma_wait3A_141 : memref<1x128xi32, #tpu.memory_space<vmem>> -> memref<128xi32, #tpu.memory_space<vmem>>
      %dma_wait3A_143 = arith.constant 0 : i32
      %dma_wait3A_144 = arith.constant 0 : i32
      %dma_wait3A_145 = tpu.memref_slice %arg2[%dma_wait3A_143, %dma_wait3A_144] : memref<10016x64xf32, #tpu.memory_space<hbm>> -> memref<10016x64xf32, #tpu.memory_space<hbm>>
      tpu.wait_indirect_dma semaphore(%arg12 : memref<!tpu.dma_semaphore, #tpu.memory_space<semaphore_mem>>) src(%dma_wait3A_145 : memref<10016x64xf32, #tpu.memory_space<hbm>>) dst(%arg7 : memref<128x64xf32, #tpu.memory_space<vmem>>)
      %dma_start3A_146 = arith.constant 0 : i32
      %dma_start3A_147 = tpu.memref_slice %arg6[%add3A_139, %dma_start3A_146] : memref<60x128xi32, #tpu.memory_space<vmem>> -> memref<1x128xi32, #tpu.memory_space<vmem>>
      %dma_start3A_148 = tpu.memref_squeeze %dma_start3A_147 : memref<1x128xi32, #tpu.memory_space<vmem>> -> memref<128xi32, #tpu.memory_space<vmem>>
      %dma_start3A_149 = arith.constant 0 : i32
      %dma_start3A_150 = arith.constant 0 : i32
      %dma_start3A_151 = tpu.memref_slice %arg11[%dma_start3A_149, %dma_start3A_150] : memref<10240x64xf32, #tpu.memory_space<vmem_shared>> -> memref<10240x64xf32, #tpu.memory_space<vmem_shared>>
      tpu.enqueue_indirect_dma source(%arg7 : memref<128x64xf32, #tpu.memory_space<vmem>>) target(%dma_start3A_151 : memref<10240x64xf32, #tpu.memory_space<vmem_shared>>) offsets(%dma_start3A_148 : memref<128xi32, #tpu.memory_space<vmem>>) semaphore(%arg16 : memref<!tpu.dma_semaphore, #tpu.memory_space<semaphore_mem>>) {add = true}
      %sub3A_152 = arith.constant 2 : i32
      %sub3A_153 = arith.subi %select_n3A, %sub3A_152 : i32
      %lt3A = arith.cmpi slt, %add3A_139, %sub3A_153 : i32
      %convert_element_type3A = arith.extui %lt3A : i1 to i32
      %cond3A = arith.constant 0 : i32
      %cond3A_154 = arith.cmpi ne, %convert_element_type3A, %cond3A : i32
      scf.if %cond3A_154 {
        %ge3A = arith.constant 2 : i32
        %ge3A_221 = arith.cmpi sge, %add3A_139, %ge3A : i32
        %convert_element_type3A_222 = arith.extui %ge3A_221 : i1 to i32
        %cond3A_223 = arith.constant 0 : i32
        %cond3A_224 = arith.cmpi ne, %convert_element_type3A_222, %cond3A_223 : i32
        scf.if %cond3A_224 {
          %sub3A_233 = arith.constant 2 : i32
          %sub3A_234 = arith.subi %add3A_139, %sub3A_233 : i32
          %dma_wait3A_235 = arith.constant 0 : i32
          %dma_wait3A_236 = tpu.memref_slice %arg6[%sub3A_234, %dma_wait3A_235] : memref<60x128xi32, #tpu.memory_space<vmem>> -> memref<1x128xi32, #tpu.memory_space<vmem>>
          %dma_wait3A_237 = tpu.memref_squeeze %dma_wait3A_236 : memref<1x128xi32, #tpu.memory_space<vmem>> -> memref<128xi32, #tpu.memory_space<vmem>>
          %dma_wait3A_238 = arith.constant 0 : i32
          %dma_wait3A_239 = arith.constant 0 : i32
          %dma_wait3A_240 = tpu.memref_slice %arg11[%dma_wait3A_238, %dma_wait3A_239] : memref<10240x64xf32, #tpu.memory_space<vmem_shared>> -> memref<10240x64xf32, #tpu.memory_space<vmem_shared>>
          tpu.wait_indirect_dma semaphore(%arg18 : memref<!tpu.dma_semaphore, #tpu.memory_space<semaphore_mem>>) src(%arg9 : memref<128x64xf32, #tpu.memory_space<vmem>>) dst(%dma_wait3A_240 : memref<10240x64xf32, #tpu.memory_space<vmem_shared>>)
        } else {
        }
        %add3A_225 = arith.constant 2 : i32
        %add3A_226 = arith.addi %add3A_139, %add3A_225 : i32
        %dma_start3A_227 = arith.constant 0 : i32
        %dma_start3A_228 = tpu.memref_slice %arg5[%add3A_226, %dma_start3A_227] : memref<60x128xi32, #tpu.memory_space<vmem>> -> memref<1x128xi32, #tpu.memory_space<vmem>>
        %dma_start3A_229 = tpu.memref_squeeze %dma_start3A_228 : memref<1x128xi32, #tpu.memory_space<vmem>> -> memref<128xi32, #tpu.memory_space<vmem>>
        %dma_start3A_230 = arith.constant 0 : i32
        %dma_start3A_231 = arith.constant 0 : i32
        %dma_start3A_232 = tpu.memref_slice %arg2[%dma_start3A_230, %dma_start3A_231] : memref<10016x64xf32, #tpu.memory_space<hbm>> -> memref<10016x64xf32, #tpu.memory_space<hbm>>
        tpu.enqueue_indirect_dma source(%dma_start3A_232 : memref<10016x64xf32, #tpu.memory_space<hbm>>) target(%arg9 : memref<128x64xf32, #tpu.memory_space<vmem>>) offsets(%dma_start3A_229 : memref<128xi32, #tpu.memory_space<vmem>>) semaphore(%arg14 : memref<!tpu.dma_semaphore, #tpu.memory_space<semaphore_mem>>)
      } else {
      }
      %mul3A_155 = arith.constant 4 : i32
      %mul3A_156 = arith.muli %mul3A_155, %while3A_135 : i32
      %add3A_157 = arith.constant 1 : i32
      %add3A_158 = arith.addi %mul3A_156, %add3A_157 : i32
      %dma_wait3A_159 = arith.constant 0 : i32
      %dma_wait3A_160 = tpu.memref_slice %arg5[%add3A_158, %dma_wait3A_159] : memref<60x128xi32, #tpu.memory_space<vmem>> -> memref<1x128xi32, #tpu.memory_space<vmem>>
      %dma_wait3A_161 = tpu.memref_squeeze %dma_wait3A_160 : memref<1x128xi32, #tpu.memory_space<vmem>> -> memref<128xi32, #tpu.memory_space<vmem>>
      %dma_wait3A_162 = arith.constant 0 : i32
      %dma_wait3A_163 = arith.constant 0 : i32
      %dma_wait3A_164 = tpu.memref_slice %arg2[%dma_wait3A_162, %dma_wait3A_163] : memref<10016x64xf32, #tpu.memory_space<hbm>> -> memref<10016x64xf32, #tpu.memory_space<hbm>>
      tpu.wait_indirect_dma semaphore(%arg13 : memref<!tpu.dma_semaphore, #tpu.memory_space<semaphore_mem>>) src(%dma_wait3A_164 : memref<10016x64xf32, #tpu.memory_space<hbm>>) dst(%arg8 : memref<128x64xf32, #tpu.memory_space<vmem>>)
      %dma_start3A_165 = arith.constant 0 : i32
      %dma_start3A_166 = tpu.memref_slice %arg6[%add3A_158, %dma_start3A_165] : memref<60x128xi32, #tpu.memory_space<vmem>> -> memref<1x128xi32, #tpu.memory_space<vmem>>
      %dma_start3A_167 = tpu.memref_squeeze %dma_start3A_166 : memref<1x128xi32, #tpu.memory_space<vmem>> -> memref<128xi32, #tpu.memory_space<vmem>>
      %dma_start3A_168 = arith.constant 0 : i32
      %dma_start3A_169 = arith.constant 0 : i32
      %dma_start3A_170 = tpu.memref_slice %arg11[%dma_start3A_168, %dma_start3A_169] : memref<10240x64xf32, #tpu.memory_space<vmem_shared>> -> memref<10240x64xf32, #tpu.memory_space<vmem_shared>>
      tpu.enqueue_indirect_dma source(%arg8 : memref<128x64xf32, #tpu.memory_space<vmem>>) target(%dma_start3A_170 : memref<10240x64xf32, #tpu.memory_space<vmem_shared>>) offsets(%dma_start3A_167 : memref<128xi32, #tpu.memory_space<vmem>>) semaphore(%arg17 : memref<!tpu.dma_semaphore, #tpu.memory_space<semaphore_mem>>) {add = true}
      %sub3A_171 = arith.constant 2 : i32
      %sub3A_172 = arith.subi %select_n3A, %sub3A_171 : i32
      %lt3A_173 = arith.cmpi slt, %add3A_158, %sub3A_172 : i32
      %convert_element_type3A_174 = arith.extui %lt3A_173 : i1 to i32
      %cond3A_175 = arith.constant 0 : i32
      %cond3A_176 = arith.cmpi ne, %convert_element_type3A_174, %cond3A_175 : i32
      scf.if %cond3A_176 {
        %ge3A = arith.constant 2 : i32
        %ge3A_221 = arith.cmpi sge, %add3A_158, %ge3A : i32
        %convert_element_type3A_222 = arith.extui %ge3A_221 : i1 to i32
        %cond3A_223 = arith.constant 0 : i32
        %cond3A_224 = arith.cmpi ne, %convert_element_type3A_222, %cond3A_223 : i32
        scf.if %cond3A_224 {
          %sub3A_233 = arith.constant 2 : i32
          %sub3A_234 = arith.subi %add3A_158, %sub3A_233 : i32
          %dma_wait3A_235 = arith.constant 0 : i32
          %dma_wait3A_236 = tpu.memref_slice %arg6[%sub3A_234, %dma_wait3A_235] : memref<60x128xi32, #tpu.memory_space<vmem>> -> memref<1x128xi32, #tpu.memory_space<vmem>>
          %dma_wait3A_237 = tpu.memref_squeeze %dma_wait3A_236 : memref<1x128xi32, #tpu.memory_space<vmem>> -> memref<128xi32, #tpu.memory_space<vmem>>
          %dma_wait3A_238 = arith.constant 0 : i32
          %dma_wait3A_239 = arith.constant 0 : i32
          %dma_wait3A_240 = tpu.memref_slice %arg11[%dma_wait3A_238, %dma_wait3A_239] : memref<10240x64xf32, #tpu.memory_space<vmem_shared>> -> memref<10240x64xf32, #tpu.memory_space<vmem_shared>>
          tpu.wait_indirect_dma semaphore(%arg19 : memref<!tpu.dma_semaphore, #tpu.memory_space<semaphore_mem>>) src(%arg10 : memref<128x64xf32, #tpu.memory_space<vmem>>) dst(%dma_wait3A_240 : memref<10240x64xf32, #tpu.memory_space<vmem_shared>>)
        } else {
        }
        %add3A_225 = arith.constant 2 : i32
        %add3A_226 = arith.addi %add3A_158, %add3A_225 : i32
        %dma_start3A_227 = arith.constant 0 : i32
        %dma_start3A_228 = tpu.memref_slice %arg5[%add3A_226, %dma_start3A_227] : memref<60x128xi32, #tpu.memory_space<vmem>> -> memref<1x128xi32, #tpu.memory_space<vmem>>
        %dma_start3A_229 = tpu.memref_squeeze %dma_start3A_228 : memref<1x128xi32, #tpu.memory_space<vmem>> -> memref<128xi32, #tpu.memory_space<vmem>>
        %dma_start3A_230 = arith.constant 0 : i32
        %dma_start3A_231 = arith.constant 0 : i32
        %dma_start3A_232 = tpu.memref_slice %arg2[%dma_start3A_230, %dma_start3A_231] : memref<10016x64xf32, #tpu.memory_space<hbm>> -> memref<10016x64xf32, #tpu.memory_space<hbm>>
        tpu.enqueue_indirect_dma source(%dma_start3A_232 : memref<10016x64xf32, #tpu.memory_space<hbm>>) target(%arg10 : memref<128x64xf32, #tpu.memory_space<vmem>>) offsets(%dma_start3A_229 : memref<128xi32, #tpu.memory_space<vmem>>) semaphore(%arg15 : memref<!tpu.dma_semaphore, #tpu.memory_space<semaphore_mem>>)
      } else {
      }
      %mul3A_177 = arith.constant 4 : i32
      %mul3A_178 = arith.muli %mul3A_177, %while3A_135 : i32
      %add3A_179 = arith.constant 2 : i32
      %add3A_180 = arith.addi %mul3A_178, %add3A_179 : i32
      %dma_wait3A_181 = arith.constant 0 : i32
      %dma_wait3A_182 = tpu.memref_slice %arg5[%add3A_180, %dma_wait3A_181] : memref<60x128xi32, #tpu.memory_space<vmem>> -> memref<1x128xi32, #tpu.memory_space<vmem>>
      %dma_wait3A_183 = tpu.memref_squeeze %dma_wait3A_182 : memref<1x128xi32, #tpu.memory_space<vmem>> -> memref<128xi32, #tpu.memory_space<vmem>>
      %dma_wait3A_184 = arith.constant 0 : i32
      %dma_wait3A_185 = arith.constant 0 : i32
      %dma_wait3A_186 = tpu.memref_slice %arg2[%dma_wait3A_184, %dma_wait3A_185] : memref<10016x64xf32, #tpu.memory_space<hbm>> -> memref<10016x64xf32, #tpu.memory_space<hbm>>
      tpu.wait_indirect_dma semaphore(%arg14 : memref<!tpu.dma_semaphore, #tpu.memory_space<semaphore_mem>>) src(%dma_wait3A_186 : memref<10016x64xf32, #tpu.memory_space<hbm>>) dst(%arg9 : memref<128x64xf32, #tpu.memory_space<vmem>>)
      %dma_start3A_187 = arith.constant 0 : i32
      %dma_start3A_188 = tpu.memref_slice %arg6[%add3A_180, %dma_start3A_187] : memref<60x128xi32, #tpu.memory_space<vmem>> -> memref<1x128xi32, #tpu.memory_space<vmem>>
      %dma_start3A_189 = tpu.memref_squeeze %dma_start3A_188 : memref<1x128xi32, #tpu.memory_space<vmem>> -> memref<128xi32, #tpu.memory_space<vmem>>
      %dma_start3A_190 = arith.constant 0 : i32
      %dma_start3A_191 = arith.constant 0 : i32
      %dma_start3A_192 = tpu.memref_slice %arg11[%dma_start3A_190, %dma_start3A_191] : memref<10240x64xf32, #tpu.memory_space<vmem_shared>> -> memref<10240x64xf32, #tpu.memory_space<vmem_shared>>
      tpu.enqueue_indirect_dma source(%arg9 : memref<128x64xf32, #tpu.memory_space<vmem>>) target(%dma_start3A_192 : memref<10240x64xf32, #tpu.memory_space<vmem_shared>>) offsets(%dma_start3A_189 : memref<128xi32, #tpu.memory_space<vmem>>) semaphore(%arg18 : memref<!tpu.dma_semaphore, #tpu.memory_space<semaphore_mem>>) {add = true}
      %sub3A_193 = arith.constant 2 : i32
      %sub3A_194 = arith.subi %select_n3A, %sub3A_193 : i32
      %lt3A_195 = arith.cmpi slt, %add3A_180, %sub3A_194 : i32
      %convert_element_type3A_196 = arith.extui %lt3A_195 : i1 to i32
      %cond3A_197 = arith.constant 0 : i32
      %cond3A_198 = arith.cmpi ne, %convert_element_type3A_196, %cond3A_197 : i32
      scf.if %cond3A_198 {
        %ge3A = arith.constant 2 : i32
        %ge3A_221 = arith.cmpi sge, %add3A_180, %ge3A : i32
        %convert_element_type3A_222 = arith.extui %ge3A_221 : i1 to i32
        %cond3A_223 = arith.constant 0 : i32
        %cond3A_224 = arith.cmpi ne, %convert_element_type3A_222, %cond3A_223 : i32
        scf.if %cond3A_224 {
          %sub3A_233 = arith.constant 2 : i32
          %sub3A_234 = arith.subi %add3A_180, %sub3A_233 : i32
          %dma_wait3A_235 = arith.constant 0 : i32
          %dma_wait3A_236 = tpu.memref_slice %arg6[%sub3A_234, %dma_wait3A_235] : memref<60x128xi32, #tpu.memory_space<vmem>> -> memref<1x128xi32, #tpu.memory_space<vmem>>
          %dma_wait3A_237 = tpu.memref_squeeze %dma_wait3A_236 : memref<1x128xi32, #tpu.memory_space<vmem>> -> memref<128xi32, #tpu.memory_space<vmem>>
          %dma_wait3A_238 = arith.constant 0 : i32
          %dma_wait3A_239 = arith.constant 0 : i32
          %dma_wait3A_240 = tpu.memref_slice %arg11[%dma_wait3A_238, %dma_wait3A_239] : memref<10240x64xf32, #tpu.memory_space<vmem_shared>> -> memref<10240x64xf32, #tpu.memory_space<vmem_shared>>
          tpu.wait_indirect_dma semaphore(%arg16 : memref<!tpu.dma_semaphore, #tpu.memory_space<semaphore_mem>>) src(%arg7 : memref<128x64xf32, #tpu.memory_space<vmem>>) dst(%dma_wait3A_240 : memref<10240x64xf32, #tpu.memory_space<vmem_shared>>)
        } else {
        }
        %add3A_225 = arith.constant 2 : i32
        %add3A_226 = arith.addi %add3A_180, %add3A_225 : i32
        %dma_start3A_227 = arith.constant 0 : i32
        %dma_start3A_228 = tpu.memref_slice %arg5[%add3A_226, %dma_start3A_227] : memref<60x128xi32, #tpu.memory_space<vmem>> -> memref<1x128xi32, #tpu.memory_space<vmem>>
        %dma_start3A_229 = tpu.memref_squeeze %dma_start3A_228 : memref<1x128xi32, #tpu.memory_space<vmem>> -> memref<128xi32, #tpu.memory_space<vmem>>
        %dma_start3A_230 = arith.constant 0 : i32
        %dma_start3A_231 = arith.constant 0 : i32
        %dma_start3A_232 = tpu.memref_slice %arg2[%dma_start3A_230, %dma_start3A_231] : memref<10016x64xf32, #tpu.memory_space<hbm>> -> memref<10016x64xf32, #tpu.memory_space<hbm>>
        tpu.enqueue_indirect_dma source(%dma_start3A_232 : memref<10016x64xf32, #tpu.memory_space<hbm>>) target(%arg7 : memref<128x64xf32, #tpu.memory_space<vmem>>) offsets(%dma_start3A_229 : memref<128xi32, #tpu.memory_space<vmem>>) semaphore(%arg12 : memref<!tpu.dma_semaphore, #tpu.memory_space<semaphore_mem>>)
      } else {
      }
      %mul3A_199 = arith.constant 4 : i32
      %mul3A_200 = arith.muli %mul3A_199, %while3A_135 : i32
      %add3A_201 = arith.constant 3 : i32
      %add3A_202 = arith.addi %mul3A_200, %add3A_201 : i32
      %dma_wait3A_203 = arith.constant 0 : i32
      %dma_wait3A_204 = tpu.memref_slice %arg5[%add3A_202, %dma_wait3A_203] : memref<60x128xi32, #tpu.memory_space<vmem>> -> memref<1x128xi32, #tpu.memory_space<vmem>>
      %dma_wait3A_205 = tpu.memref_squeeze %dma_wait3A_204 : memref<1x128xi32, #tpu.memory_space<vmem>> -> memref<128xi32, #tpu.memory_space<vmem>>
      %dma_wait3A_206 = arith.constant 0 : i32
      %dma_wait3A_207 = arith.constant 0 : i32
      %dma_wait3A_208 = tpu.memref_slice %arg2[%dma_wait3A_206, %dma_wait3A_207] : memref<10016x64xf32, #tpu.memory_space<hbm>> -> memref<10016x64xf32, #tpu.memory_space<hbm>>
      tpu.wait_indirect_dma semaphore(%arg15 : memref<!tpu.dma_semaphore, #tpu.memory_space<semaphore_mem>>) src(%dma_wait3A_208 : memref<10016x64xf32, #tpu.memory_space<hbm>>) dst(%arg10 : memref<128x64xf32, #tpu.memory_space<vmem>>)
      %dma_start3A_209 = arith.constant 0 : i32
      %dma_start3A_210 = tpu.memref_slice %arg6[%add3A_202, %dma_start3A_209] : memref<60x128xi32, #tpu.memory_space<vmem>> -> memref<1x128xi32, #tpu.memory_space<vmem>>
      %dma_start3A_211 = tpu.memref_squeeze %dma_start3A_210 : memref<1x128xi32, #tpu.memory_space<vmem>> -> memref<128xi32, #tpu.memory_space<vmem>>
      %dma_start3A_212 = arith.constant 0 : i32
      %dma_start3A_213 = arith.constant 0 : i32
      %dma_start3A_214 = tpu.memref_slice %arg11[%dma_start3A_212, %dma_start3A_213] : memref<10240x64xf32, #tpu.memory_space<vmem_shared>> -> memref<10240x64xf32, #tpu.memory_space<vmem_shared>>
      tpu.enqueue_indirect_dma source(%arg10 : memref<128x64xf32, #tpu.memory_space<vmem>>) target(%dma_start3A_214 : memref<10240x64xf32, #tpu.memory_space<vmem_shared>>) offsets(%dma_start3A_211 : memref<128xi32, #tpu.memory_space<vmem>>) semaphore(%arg19 : memref<!tpu.dma_semaphore, #tpu.memory_space<semaphore_mem>>) {add = true}
      %sub3A_215 = arith.constant 2 : i32
      %sub3A_216 = arith.subi %select_n3A, %sub3A_215 : i32
      %lt3A_217 = arith.cmpi slt, %add3A_202, %sub3A_216 : i32
      %convert_element_type3A_218 = arith.extui %lt3A_217 : i1 to i32
      %cond3A_219 = arith.constant 0 : i32
      %cond3A_220 = arith.cmpi ne, %convert_element_type3A_218, %cond3A_219 : i32
      scf.if %cond3A_220 {
        %ge3A = arith.constant 2 : i32
        %ge3A_221 = arith.cmpi sge, %add3A_202, %ge3A : i32
        %convert_element_type3A_222 = arith.extui %ge3A_221 : i1 to i32
        %cond3A_223 = arith.constant 0 : i32
        %cond3A_224 = arith.cmpi ne, %convert_element_type3A_222, %cond3A_223 : i32
        scf.if %cond3A_224 {
          %sub3A_233 = arith.constant 2 : i32
          %sub3A_234 = arith.subi %add3A_202, %sub3A_233 : i32
          %dma_wait3A_235 = arith.constant 0 : i32
          %dma_wait3A_236 = tpu.memref_slice %arg6[%sub3A_234, %dma_wait3A_235] : memref<60x128xi32, #tpu.memory_space<vmem>> -> memref<1x128xi32, #tpu.memory_space<vmem>>
          %dma_wait3A_237 = tpu.memref_squeeze %dma_wait3A_236 : memref<1x128xi32, #tpu.memory_space<vmem>> -> memref<128xi32, #tpu.memory_space<vmem>>
          %dma_wait3A_238 = arith.constant 0 : i32
          %dma_wait3A_239 = arith.constant 0 : i32
          %dma_wait3A_240 = tpu.memref_slice %arg11[%dma_wait3A_238, %dma_wait3A_239] : memref<10240x64xf32, #tpu.memory_space<vmem_shared>> -> memref<10240x64xf32, #tpu.memory_space<vmem_shared>>
          tpu.wait_indirect_dma semaphore(%arg17 : memref<!tpu.dma_semaphore, #tpu.memory_space<semaphore_mem>>) src(%arg8 : memref<128x64xf32, #tpu.memory_space<vmem>>) dst(%dma_wait3A_240 : memref<10240x64xf32, #tpu.memory_space<vmem_shared>>)
        } else {
        }
        %add3A_225 = arith.constant 2 : i32
        %add3A_226 = arith.addi %add3A_202, %add3A_225 : i32
        %dma_start3A_227 = arith.constant 0 : i32
        %dma_start3A_228 = tpu.memref_slice %arg5[%add3A_226, %dma_start3A_227] : memref<60x128xi32, #tpu.memory_space<vmem>> -> memref<1x128xi32, #tpu.memory_space<vmem>>
        %dma_start3A_229 = tpu.memref_squeeze %dma_start3A_228 : memref<1x128xi32, #tpu.memory_space<vmem>> -> memref<128xi32, #tpu.memory_space<vmem>>
        %dma_start3A_230 = arith.constant 0 : i32
        %dma_start3A_231 = arith.constant 0 : i32
        %dma_start3A_232 = tpu.memref_slice %arg2[%dma_start3A_230, %dma_start3A_231] : memref<10016x64xf32, #tpu.memory_space<hbm>> -> memref<10016x64xf32, #tpu.memory_space<hbm>>
        tpu.enqueue_indirect_dma source(%dma_start3A_232 : memref<10016x64xf32, #tpu.memory_space<hbm>>) target(%arg8 : memref<128x64xf32, #tpu.memory_space<vmem>>) offsets(%dma_start3A_229 : memref<128xi32, #tpu.memory_space<vmem>>) semaphore(%arg13 : memref<!tpu.dma_semaphore, #tpu.memory_space<semaphore_mem>>)
      } else {
      }
    }
    %while3A_93 = arith.constant 1 : i32
    scf.for %while3A_135 = %while3A_91 to %while3A_87 step %while3A_93  : i32 {
      %mul3A_136 = arith.constant 4 : i32
      %mul3A_137 = arith.muli %mul3A_136, %while3A_135 : i32
      %add3A_138 = arith.constant 0 : i32
      %add3A_139 = arith.addi %mul3A_137, %add3A_138 : i32
      %dma_wait3A_140 = arith.constant 0 : i32
      %dma_wait3A_141 = tpu.memref_slice %arg5[%add3A_139, %dma_wait3A_140] : memref<60x128xi32, #tpu.memory_space<vmem>> -> memref<1x128xi32, #tpu.memory_space<vmem>>
      %dma_wait3A_142 = tpu.memref_squeeze %dma_wait3A_141 : memref<1x128xi32, #tpu.memory_space<vmem>> -> memref<128xi32, #tpu.memory_space<vmem>>
      %dma_wait3A_143 = arith.constant 0 : i32
      %dma_wait3A_144 = arith.constant 0 : i32
      %dma_wait3A_145 = tpu.memref_slice %arg2[%dma_wait3A_143, %dma_wait3A_144] : memref<10016x64xf32, #tpu.memory_space<hbm>> -> memref<10016x64xf32, #tpu.memory_space<hbm>>
      tpu.wait_indirect_dma semaphore(%arg12 : memref<!tpu.dma_semaphore, #tpu.memory_space<semaphore_mem>>) src(%dma_wait3A_145 : memref<10016x64xf32, #tpu.memory_space<hbm>>) dst(%arg7 : memref<128x64xf32, #tpu.memory_space<vmem>>)
      %dma_start3A_146 = arith.constant 0 : i32
      %dma_start3A_147 = tpu.memref_slice %arg6[%add3A_139, %dma_start3A_146] : memref<60x128xi32, #tpu.memory_space<vmem>> -> memref<1x128xi32, #tpu.memory_space<vmem>>
      %dma_start3A_148 = tpu.memref_squeeze %dma_start3A_147 : memref<1x128xi32, #tpu.memory_space<vmem>> -> memref<128xi32, #tpu.memory_space<vmem>>
      %dma_start3A_149 = arith.constant 0 : i32
      %dma_start3A_150 = arith.constant 0 : i32
      %dma_start3A_151 = tpu.memref_slice %arg11[%dma_start3A_149, %dma_start3A_150] : memref<10240x64xf32, #tpu.memory_space<vmem_shared>> -> memref<10240x64xf32, #tpu.memory_space<vmem_shared>>
      tpu.enqueue_indirect_dma source(%arg7 : memref<128x64xf32, #tpu.memory_space<vmem>>) target(%dma_start3A_151 : memref<10240x64xf32, #tpu.memory_space<vmem_shared>>) offsets(%dma_start3A_148 : memref<128xi32, #tpu.memory_space<vmem>>) semaphore(%arg16 : memref<!tpu.dma_semaphore, #tpu.memory_space<semaphore_mem>>) {add = true}
      %sub3A_152 = arith.constant 2 : i32
      %sub3A_153 = arith.subi %select_n3A, %sub3A_152 : i32
      %lt3A = arith.cmpi slt, %add3A_139, %sub3A_153 : i32
      %convert_element_type3A = arith.extui %lt3A : i1 to i32
      %cond3A = arith.constant 0 : i32
      %cond3A_154 = arith.cmpi ne, %convert_element_type3A, %cond3A : i32
      scf.if %cond3A_154 {
        %ge3A = arith.constant 2 : i32
        %ge3A_221 = arith.cmpi sge, %add3A_139, %ge3A : i32
        %convert_element_type3A_222 = arith.extui %ge3A_221 : i1 to i32
        %cond3A_223 = arith.constant 0 : i32
        %cond3A_224 = arith.cmpi ne, %convert_element_type3A_222, %cond3A_223 : i32
        scf.if %cond3A_224 {
          %sub3A_233 = arith.constant 2 : i32
          %sub3A_234 = arith.subi %add3A_139, %sub3A_233 : i32
          %dma_wait3A_235 = arith.constant 0 : i32
          %dma_wait3A_236 = tpu.memref_slice %arg6[%sub3A_234, %dma_wait3A_235] : memref<60x128xi32, #tpu.memory_space<vmem>> -> memref<1x128xi32, #tpu.memory_space<vmem>>
          %dma_wait3A_237 = tpu.memref_squeeze %dma_wait3A_236 : memref<1x128xi32, #tpu.memory_space<vmem>> -> memref<128xi32, #tpu.memory_space<vmem>>
          %dma_wait3A_238 = arith.constant 0 : i32
          %dma_wait3A_239 = arith.constant 0 : i32
          %dma_wait3A_240 = tpu.memref_slice %arg11[%dma_wait3A_238, %dma_wait3A_239] : memref<10240x64xf32, #tpu.memory_space<vmem_shared>> -> memref<10240x64xf32, #tpu.memory_space<vmem_shared>>
          tpu.wait_indirect_dma semaphore(%arg18 : memref<!tpu.dma_semaphore, #tpu.memory_space<semaphore_mem>>) src(%arg9 : memref<128x64xf32, #tpu.memory_space<vmem>>) dst(%dma_wait3A_240 : memref<10240x64xf32, #tpu.memory_space<vmem_shared>>)
        } else {
        }
        %add3A_225 = arith.constant 2 : i32
        %add3A_226 = arith.addi %add3A_139, %add3A_225 : i32
        %dma_start3A_227 = arith.constant 0 : i32
        %dma_start3A_228 = tpu.memref_slice %arg5[%add3A_226, %dma_start3A_227] : memref<60x128xi32, #tpu.memory_space<vmem>> -> memref<1x128xi32, #tpu.memory_space<vmem>>
        %dma_start3A_229 = tpu.memref_squeeze %dma_start3A_228 : memref<1x128xi32, #tpu.memory_space<vmem>> -> memref<128xi32, #tpu.memory_space<vmem>>
        %dma_start3A_230 = arith.constant 0 : i32
        %dma_start3A_231 = arith.constant 0 : i32
        %dma_start3A_232 = tpu.memref_slice %arg2[%dma_start3A_230, %dma_start3A_231] : memref<10016x64xf32, #tpu.memory_space<hbm>> -> memref<10016x64xf32, #tpu.memory_space<hbm>>
        tpu.enqueue_indirect_dma source(%dma_start3A_232 : memref<10016x64xf32, #tpu.memory_space<hbm>>) target(%arg9 : memref<128x64xf32, #tpu.memory_space<vmem>>) offsets(%dma_start3A_229 : memref<128xi32, #tpu.memory_space<vmem>>) semaphore(%arg14 : memref<!tpu.dma_semaphore, #tpu.memory_space<semaphore_mem>>)
      } else {
      }
      %mul3A_155 = arith.constant 4 : i32
      %mul3A_156 = arith.muli %mul3A_155, %while3A_135 : i32
      %add3A_157 = arith.constant 1 : i32
      %add3A_158 = arith.addi %mul3A_156, %add3A_157 : i32
      %dma_wait3A_159 = arith.constant 0 : i32
      %dma_wait3A_160 = tpu.memref_slice %arg5[%add3A_158, %dma_wait3A_159] : memref<60x128xi32, #tpu.memory_space<vmem>> -> memref<1x128xi32, #tpu.memory_space<vmem>>
      %dma_wait3A_161 = tpu.memref_squeeze %dma_wait3A_160 : memref<1x128xi32, #tpu.memory_space<vmem>> -> memref<128xi32, #tpu.memory_space<vmem>>
      %dma_wait3A_162 = arith.constant 0 : i32
      %dma_wait3A_163 = arith.constant 0 : i32
      %dma_wait3A_164 = tpu.memref_slice %arg2[%dma_wait3A_162, %dma_wait3A_163] : memref<10016x64xf32, #tpu.memory_space<hbm>> -> memref<10016x64xf32, #tpu.memory_space<hbm>>
      tpu.wait_indirect_dma semaphore(%arg13 : memref<!tpu.dma_semaphore, #tpu.memory_space<semaphore_mem>>) src(%dma_wait3A_164 : memref<10016x64xf32, #tpu.memory_space<hbm>>) dst(%arg8 : memref<128x64xf32, #tpu.memory_space<vmem>>)
      %dma_start3A_165 = arith.constant 0 : i32
      %dma_start3A_166 = tpu.memref_slice %arg6[%add3A_158, %dma_start3A_165] : memref<60x128xi32, #tpu.memory_space<vmem>> -> memref<1x128xi32, #tpu.memory_space<vmem>>
      %dma_start3A_167 = tpu.memref_squeeze %dma_start3A_166 : memref<1x128xi32, #tpu.memory_space<vmem>> -> memref<128xi32, #tpu.memory_space<vmem>>
      %dma_start3A_168 = arith.constant 0 : i32
      %dma_start3A_169 = arith.constant 0 : i32
      %dma_start3A_170 = tpu.memref_slice %arg11[%dma_start3A_168, %dma_start3A_169] : memref<10240x64xf32, #tpu.memory_space<vmem_shared>> -> memref<10240x64xf32, #tpu.memory_space<vmem_shared>>
      tpu.enqueue_indirect_dma source(%arg8 : memref<128x64xf32, #tpu.memory_space<vmem>>) target(%dma_start3A_170 : memref<10240x64xf32, #tpu.memory_space<vmem_shared>>) offsets(%dma_start3A_167 : memref<128xi32, #tpu.memory_space<vmem>>) semaphore(%arg17 : memref<!tpu.dma_semaphore, #tpu.memory_space<semaphore_mem>>) {add = true}
      %sub3A_171 = arith.constant 2 : i32
      %sub3A_172 = arith.subi %select_n3A, %sub3A_171 : i32
      %lt3A_173 = arith.cmpi slt, %add3A_158, %sub3A_172 : i32
      %convert_element_type3A_174 = arith.extui %lt3A_173 : i1 to i32
      %cond3A_175 = arith.constant 0 : i32
      %cond3A_176 = arith.cmpi ne, %convert_element_type3A_174, %cond3A_175 : i32
      scf.if %cond3A_176 {
        %ge3A = arith.constant 2 : i32
        %ge3A_221 = arith.cmpi sge, %add3A_158, %ge3A : i32
        %convert_element_type3A_222 = arith.extui %ge3A_221 : i1 to i32
        %cond3A_223 = arith.constant 0 : i32
        %cond3A_224 = arith.cmpi ne, %convert_element_type3A_222, %cond3A_223 : i32
        scf.if %cond3A_224 {
          %sub3A_233 = arith.constant 2 : i32
          %sub3A_234 = arith.subi %add3A_158, %sub3A_233 : i32
          %dma_wait3A_235 = arith.constant 0 : i32
          %dma_wait3A_236 = tpu.memref_slice %arg6[%sub3A_234, %dma_wait3A_235] : memref<60x128xi32, #tpu.memory_space<vmem>> -> memref<1x128xi32, #tpu.memory_space<vmem>>
          %dma_wait3A_237 = tpu.memref_squeeze %dma_wait3A_236 : memref<1x128xi32, #tpu.memory_space<vmem>> -> memref<128xi32, #tpu.memory_space<vmem>>
          %dma_wait3A_238 = arith.constant 0 : i32
          %dma_wait3A_239 = arith.constant 0 : i32
          %dma_wait3A_240 = tpu.memref_slice %arg11[%dma_wait3A_238, %dma_wait3A_239] : memref<10240x64xf32, #tpu.memory_space<vmem_shared>> -> memref<10240x64xf32, #tpu.memory_space<vmem_shared>>
          tpu.wait_indirect_dma semaphore(%arg19 : memref<!tpu.dma_semaphore, #tpu.memory_space<semaphore_mem>>) src(%arg10 : memref<128x64xf32, #tpu.memory_space<vmem>>) dst(%dma_wait3A_240 : memref<10240x64xf32, #tpu.memory_space<vmem_shared>>)
        } else {
        }
        %add3A_225 = arith.constant 2 : i32
        %add3A_226 = arith.addi %add3A_158, %add3A_225 : i32
        %dma_start3A_227 = arith.constant 0 : i32
        %dma_start3A_228 = tpu.memref_slice %arg5[%add3A_226, %dma_start3A_227] : memref<60x128xi32, #tpu.memory_space<vmem>> -> memref<1x128xi32, #tpu.memory_space<vmem>>
        %dma_start3A_229 = tpu.memref_squeeze %dma_start3A_228 : memref<1x128xi32, #tpu.memory_space<vmem>> -> memref<128xi32, #tpu.memory_space<vmem>>
        %dma_start3A_230 = arith.constant 0 : i32
        %dma_start3A_231 = arith.constant 0 : i32
        %dma_start3A_232 = tpu.memref_slice %arg2[%dma_start3A_230, %dma_start3A_231] : memref<10016x64xf32, #tpu.memory_space<hbm>> -> memref<10016x64xf32, #tpu.memory_space<hbm>>
        tpu.enqueue_indirect_dma source(%dma_start3A_232 : memref<10016x64xf32, #tpu.memory_space<hbm>>) target(%arg10 : memref<128x64xf32, #tpu.memory_space<vmem>>) offsets(%dma_start3A_229 : memref<128xi32, #tpu.memory_space<vmem>>) semaphore(%arg15 : memref<!tpu.dma_semaphore, #tpu.memory_space<semaphore_mem>>)
      } else {
      }
      %mul3A_177 = arith.constant 4 : i32
      %mul3A_178 = arith.muli %mul3A_177, %while3A_135 : i32
      %add3A_179 = arith.constant 2 : i32
      %add3A_180 = arith.addi %mul3A_178, %add3A_179 : i32
      %dma_wait3A_181 = arith.constant 0 : i32
      %dma_wait3A_182 = tpu.memref_slice %arg5[%add3A_180, %dma_wait3A_181] : memref<60x128xi32, #tpu.memory_space<vmem>> -> memref<1x128xi32, #tpu.memory_space<vmem>>
      %dma_wait3A_183 = tpu.memref_squeeze %dma_wait3A_182 : memref<1x128xi32, #tpu.memory_space<vmem>> -> memref<128xi32, #tpu.memory_space<vmem>>
      %dma_wait3A_184 = arith.constant 0 : i32
      %dma_wait3A_185 = arith.constant 0 : i32
      %dma_wait3A_186 = tpu.memref_slice %arg2[%dma_wait3A_184, %dma_wait3A_185] : memref<10016x64xf32, #tpu.memory_space<hbm>> -> memref<10016x64xf32, #tpu.memory_space<hbm>>
      tpu.wait_indirect_dma semaphore(%arg14 : memref<!tpu.dma_semaphore, #tpu.memory_space<semaphore_mem>>) src(%dma_wait3A_186 : memref<10016x64xf32, #tpu.memory_space<hbm>>) dst(%arg9 : memref<128x64xf32, #tpu.memory_space<vmem>>)
      %dma_start3A_187 = arith.constant 0 : i32
      %dma_start3A_188 = tpu.memref_slice %arg6[%add3A_180, %dma_start3A_187] : memref<60x128xi32, #tpu.memory_space<vmem>> -> memref<1x128xi32, #tpu.memory_space<vmem>>
      %dma_start3A_189 = tpu.memref_squeeze %dma_start3A_188 : memref<1x128xi32, #tpu.memory_space<vmem>> -> memref<128xi32, #tpu.memory_space<vmem>>
      %dma_start3A_190 = arith.constant 0 : i32
      %dma_start3A_191 = arith.constant 0 : i32
      %dma_start3A_192 = tpu.memref_slice %arg11[%dma_start3A_190, %dma_start3A_191] : memref<10240x64xf32, #tpu.memory_space<vmem_shared>> -> memref<10240x64xf32, #tpu.memory_space<vmem_shared>>
      tpu.enqueue_indirect_dma source(%arg9 : memref<128x64xf32, #tpu.memory_space<vmem>>) target(%dma_start3A_192 : memref<10240x64xf32, #tpu.memory_space<vmem_shared>>) offsets(%dma_start3A_189 : memref<128xi32, #tpu.memory_space<vmem>>) semaphore(%arg18 : memref<!tpu.dma_semaphore, #tpu.memory_space<semaphore_mem>>) {add = true}
      %sub3A_193 = arith.constant 2 : i32
      %sub3A_194 = arith.subi %select_n3A, %sub3A_193 : i32
      %lt3A_195 = arith.cmpi slt, %add3A_180, %sub3A_194 : i32
      %convert_element_type3A_196 = arith.extui %lt3A_195 : i1 to i32
      %cond3A_197 = arith.constant 0 : i32
      %cond3A_198 = arith.cmpi ne, %convert_element_type3A_196, %cond3A_197 : i32
      scf.if %cond3A_198 {
        %ge3A = arith.constant 2 : i32
        %ge3A_221 = arith.cmpi sge, %add3A_180, %ge3A : i32
        %convert_element_type3A_222 = arith.extui %ge3A_221 : i1 to i32
        %cond3A_223 = arith.constant 0 : i32
        %cond3A_224 = arith.cmpi ne, %convert_element_type3A_222, %cond3A_223 : i32
        scf.if %cond3A_224 {
          %sub3A_233 = arith.constant 2 : i32
          %sub3A_234 = arith.subi %add3A_180, %sub3A_233 : i32
          %dma_wait3A_235 = arith.constant 0 : i32
          %dma_wait3A_236 = tpu.memref_slice %arg6[%sub3A_234, %dma_wait3A_235] : memref<60x128xi32, #tpu.memory_space<vmem>> -> memref<1x128xi32, #tpu.memory_space<vmem>>
          %dma_wait3A_237 = tpu.memref_squeeze %dma_wait3A_236 : memref<1x128xi32, #tpu.memory_space<vmem>> -> memref<128xi32, #tpu.memory_space<vmem>>
          %dma_wait3A_238 = arith.constant 0 : i32
          %dma_wait3A_239 = arith.constant 0 : i32
          %dma_wait3A_240 = tpu.memref_slice %arg11[%dma_wait3A_238, %dma_wait3A_239] : memref<10240x64xf32, #tpu.memory_space<vmem_shared>> -> memref<10240x64xf32, #tpu.memory_space<vmem_shared>>
          tpu.wait_indirect_dma semaphore(%arg16 : memref<!tpu.dma_semaphore, #tpu.memory_space<semaphore_mem>>) src(%arg7 : memref<128x64xf32, #tpu.memory_space<vmem>>) dst(%dma_wait3A_240 : memref<10240x64xf32, #tpu.memory_space<vmem_shared>>)
        } else {
        }
        %add3A_225 = arith.constant 2 : i32
        %add3A_226 = arith.addi %add3A_180, %add3A_225 : i32
        %dma_start3A_227 = arith.constant 0 : i32
        %dma_start3A_228 = tpu.memref_slice %arg5[%add3A_226, %dma_start3A_227] : memref<60x128xi32, #tpu.memory_space<vmem>> -> memref<1x128xi32, #tpu.memory_space<vmem>>
        %dma_start3A_229 = tpu.memref_squeeze %dma_start3A_228 : memref<1x128xi32, #tpu.memory_space<vmem>> -> memref<128xi32, #tpu.memory_space<vmem>>
        %dma_start3A_230 = arith.constant 0 : i32
        %dma_start3A_231 = arith.constant 0 : i32
        %dma_start3A_232 = tpu.memref_slice %arg2[%dma_start3A_230, %dma_start3A_231] : memref<10016x64xf32, #tpu.memory_space<hbm>> -> memref<10016x64xf32, #tpu.memory_space<hbm>>
        tpu.enqueue_indirect_dma source(%dma_start3A_232 : memref<10016x64xf32, #tpu.memory_space<hbm>>) target(%arg7 : memref<128x64xf32, #tpu.memory_space<vmem>>) offsets(%dma_start3A_229 : memref<128xi32, #tpu.memory_space<vmem>>) semaphore(%arg12 : memref<!tpu.dma_semaphore, #tpu.memory_space<semaphore_mem>>)
      } else {
      }
      %mul3A_199 = arith.constant 4 : i32
      %mul3A_200 = arith.muli %mul3A_199, %while3A_135 : i32
      %add3A_201 = arith.constant 3 : i32
      %add3A_202 = arith.addi %mul3A_200, %add3A_201 : i32
      %dma_wait3A_203 = arith.constant 0 : i32
      %dma_wait3A_204 = tpu.memref_slice %arg5[%add3A_202, %dma_wait3A_203] : memref<60x128xi32, #tpu.memory_space<vmem>> -> memref<1x128xi32, #tpu.memory_space<vmem>>
      %dma_wait3A_205 = tpu.memref_squeeze %dma_wait3A_204 : memref<1x128xi32, #tpu.memory_space<vmem>> -> memref<128xi32, #tpu.memory_space<vmem>>
      %dma_wait3A_206 = arith.constant 0 : i32
      %dma_wait3A_207 = arith.constant 0 : i32
      %dma_wait3A_208 = tpu.memref_slice %arg2[%dma_wait3A_206, %dma_wait3A_207] : memref<10016x64xf32, #tpu.memory_space<hbm>> -> memref<10016x64xf32, #tpu.memory_space<hbm>>
      tpu.wait_indirect_dma semaphore(%arg15 : memref<!tpu.dma_semaphore, #tpu.memory_space<semaphore_mem>>) src(%dma_wait3A_208 : memref<10016x64xf32, #tpu.memory_space<hbm>>) dst(%arg10 : memref<128x64xf32, #tpu.memory_space<vmem>>)
      %dma_start3A_209 = arith.constant 0 : i32
      %dma_start3A_210 = tpu.memref_slice %arg6[%add3A_202, %dma_start3A_209] : memref<60x128xi32, #tpu.memory_space<vmem>> -> memref<1x128xi32, #tpu.memory_space<vmem>>
      %dma_start3A_211 = tpu.memref_squeeze %dma_start3A_210 : memref<1x128xi32, #tpu.memory_space<vmem>> -> memref<128xi32, #tpu.memory_space<vmem>>
      %dma_start3A_212 = arith.constant 0 : i32
      %dma_start3A_213 = arith.constant 0 : i32
      %dma_start3A_214 = tpu.memref_slice %arg11[%dma_start3A_212, %dma_start3A_213] : memref<10240x64xf32, #tpu.memory_space<vmem_shared>> -> memref<10240x64xf32, #tpu.memory_space<vmem_shared>>
      tpu.enqueue_indirect_dma source(%arg10 : memref<128x64xf32, #tpu.memory_space<vmem>>) target(%dma_start3A_214 : memref<10240x64xf32, #tpu.memory_space<vmem_shared>>) offsets(%dma_start3A_211 : memref<128xi32, #tpu.memory_space<vmem>>) semaphore(%arg19 : memref<!tpu.dma_semaphore, #tpu.memory_space<semaphore_mem>>) {add = true}
      %sub3A_215 = arith.constant 2 : i32
      %sub3A_216 = arith.subi %select_n3A, %sub3A_215 : i32
      %lt3A_217 = arith.cmpi slt, %add3A_202, %sub3A_216 : i32
      %convert_element_type3A_218 = arith.extui %lt3A_217 : i1 to i32
      %cond3A_219 = arith.constant 0 : i32
      %cond3A_220 = arith.cmpi ne, %convert_element_type3A_218, %cond3A_219 : i32
      scf.if %cond3A_220 {
        %ge3A = arith.constant 2 : i32
        %ge3A_221 = arith.cmpi sge, %add3A_202, %ge3A : i32
        %convert_element_type3A_222 = arith.extui %ge3A_221 : i1 to i32
        %cond3A_223 = arith.constant 0 : i32
        %cond3A_224 = arith.cmpi ne, %convert_element_type3A_222, %cond3A_223 : i32
        scf.if %cond3A_224 {
          %sub3A_233 = arith.constant 2 : i32
          %sub3A_234 = arith.subi %add3A_202, %sub3A_233 : i32
          %dma_wait3A_235 = arith.constant 0 : i32
          %dma_wait3A_236 = tpu.memref_slice %arg6[%sub3A_234, %dma_wait3A_235] : memref<60x128xi32, #tpu.memory_space<vmem>> -> memref<1x128xi32, #tpu.memory_space<vmem>>
          %dma_wait3A_237 = tpu.memref_squeeze %dma_wait3A_236 : memref<1x128xi32, #tpu.memory_space<vmem>> -> memref<128xi32, #tpu.memory_space<vmem>>
          %dma_wait3A_238 = arith.constant 0 : i32
          %dma_wait3A_239 = arith.constant 0 : i32
          %dma_wait3A_240 = tpu.memref_slice %arg11[%dma_wait3A_238, %dma_wait3A_239] : memref<10240x64xf32, #tpu.memory_space<vmem_shared>> -> memref<10240x64xf32, #tpu.memory_space<vmem_shared>>
          tpu.wait_indirect_dma semaphore(%arg17 : memref<!tpu.dma_semaphore, #tpu.memory_space<semaphore_mem>>) src(%arg8 : memref<128x64xf32, #tpu.memory_space<vmem>>) dst(%dma_wait3A_240 : memref<10240x64xf32, #tpu.memory_space<vmem_shared>>)
        } else {
        }
        %add3A_225 = arith.constant 2 : i32
        %add3A_226 = arith.addi %add3A_202, %add3A_225 : i32
        %dma_start3A_227 = arith.constant 0 : i32
        %dma_start3A_228 = tpu.memref_slice %arg5[%add3A_226, %dma_start3A_227] : memref<60x128xi32, #tpu.memory_space<vmem>> -> memref<1x128xi32, #tpu.memory_space<vmem>>
        %dma_start3A_229 = tpu.memref_squeeze %dma_start3A_228 : memref<1x128xi32, #tpu.memory_space<vmem>> -> memref<128xi32, #tpu.memory_space<vmem>>
        %dma_start3A_230 = arith.constant 0 : i32
        %dma_start3A_231 = arith.constant 0 : i32
        %dma_start3A_232 = tpu.memref_slice %arg2[%dma_start3A_230, %dma_start3A_231] : memref<10016x64xf32, #tpu.memory_space<hbm>> -> memref<10016x64xf32, #tpu.memory_space<hbm>>
        tpu.enqueue_indirect_dma source(%dma_start3A_232 : memref<10016x64xf32, #tpu.memory_space<hbm>>) target(%arg8 : memref<128x64xf32, #tpu.memory_space<vmem>>) offsets(%dma_start3A_229 : memref<128xi32, #tpu.memory_space<vmem>>) semaphore(%arg13 : memref<!tpu.dma_semaphore, #tpu.memory_space<semaphore_mem>>)
      } else {
      }
    }
    %sub3A_94 = arith.constant 4 : i32
    %sub3A_95 = arith.subi %select_n3A, %sub3A_94 : i32
    %add3A_96 = arith.constant 0 : i32
    %add3A_97 = arith.addi %sub3A_95, %add3A_96 : i32
    %dma_wait3A_98 = arith.constant 0 : i32
    %dma_wait3A_99 = tpu.memref_slice %arg6[%add3A_97, %dma_wait3A_98] : memref<60x128xi32, #tpu.memory_space<vmem>> -> memref<1x128xi32, #tpu.memory_space<vmem>>
    %dma_wait3A_100 = tpu.memref_squeeze %dma_wait3A_99 : memref<1x128xi32, #tpu.memory_space<vmem>> -> memref<128xi32, #tpu.memory_space<vmem>>
    %dma_wait3A_101 = arith.constant 0 : i32
    %dma_wait3A_102 = arith.constant 0 : i32
    %dma_wait3A_103 = tpu.memref_slice %arg11[%dma_wait3A_101, %dma_wait3A_102] : memref<10240x64xf32, #tpu.memory_space<vmem_shared>> -> memref<10240x64xf32, #tpu.memory_space<vmem_shared>>
    tpu.wait_indirect_dma semaphore(%arg16 : memref<!tpu.dma_semaphore, #tpu.memory_space<semaphore_mem>>) src(%arg7 : memref<128x64xf32, #tpu.memory_space<vmem>>) dst(%dma_wait3A_103 : memref<10240x64xf32, #tpu.memory_space<vmem_shared>>)
    %sub3A_104 = arith.constant 4 : i32
    %sub3A_105 = arith.subi %select_n3A, %sub3A_104 : i32
    %add3A_106 = arith.constant 1 : i32
    %add3A_107 = arith.addi %sub3A_105, %add3A_106 : i32
    %dma_wait3A_108 = arith.constant 0 : i32
    %dma_wait3A_109 = tpu.memref_slice %arg6[%add3A_107, %dma_wait3A_108] : memref<60x128xi32, #tpu.memory_space<vmem>> -> memref<1x128xi32, #tpu.memory_space<vmem>>
    %dma_wait3A_110 = tpu.memref_squeeze %dma_wait3A_109 : memref<1x128xi32, #tpu.memory_space<vmem>> -> memref<128xi32, #tpu.memory_space<vmem>>
    %dma_wait3A_111 = arith.constant 0 : i32
    %dma_wait3A_112 = arith.constant 0 : i32
    %dma_wait3A_113 = tpu.memref_slice %arg11[%dma_wait3A_111, %dma_wait3A_112] : memref<10240x64xf32, #tpu.memory_space<vmem_shared>> -> memref<10240x64xf32, #tpu.memory_space<vmem_shared>>
    tpu.wait_indirect_dma semaphore(%arg17 : memref<!tpu.dma_semaphore, #tpu.memory_space<semaphore_mem>>) src(%arg8 : memref<128x64xf32, #tpu.memory_space<vmem>>) dst(%dma_wait3A_113 : memref<10240x64xf32, #tpu.memory_space<vmem_shared>>)
    %sub3A_114 = arith.constant 4 : i32
    %sub3A_115 = arith.subi %select_n3A, %sub3A_114 : i32
    %add3A_116 = arith.constant 2 : i32
    %add3A_117 = arith.addi %sub3A_115, %add3A_116 : i32
    %dma_wait3A_118 = arith.constant 0 : i32
    %dma_wait3A_119 = tpu.memref_slice %arg6[%add3A_117, %dma_wait3A_118] : memref<60x128xi32, #tpu.memory_space<vmem>> -> memref<1x128xi32, #tpu.memory_space<vmem>>
    %dma_wait3A_120 = tpu.memref_squeeze %dma_wait3A_119 : memref<1x128xi32, #tpu.memory_space<vmem>> -> memref<128xi32, #tpu.memory_space<vmem>>
    %dma_wait3A_121 = arith.constant 0 : i32
    %dma_wait3A_122 = arith.constant 0 : i32
    %dma_wait3A_123 = tpu.memref_slice %arg11[%dma_wait3A_121, %dma_wait3A_122] : memref<10240x64xf32, #tpu.memory_space<vmem_shared>> -> memref<10240x64xf32, #tpu.memory_space<vmem_shared>>
    tpu.wait_indirect_dma semaphore(%arg18 : memref<!tpu.dma_semaphore, #tpu.memory_space<semaphore_mem>>) src(%arg9 : memref<128x64xf32, #tpu.memory_space<vmem>>) dst(%dma_wait3A_123 : memref<10240x64xf32, #tpu.memory_space<vmem_shared>>)
    %sub3A_124 = arith.constant 4 : i32
    %sub3A_125 = arith.subi %select_n3A, %sub3A_124 : i32
    %add3A_126 = arith.constant 3 : i32
    %add3A_127 = arith.addi %sub3A_125, %add3A_126 : i32
    %dma_wait3A_128 = arith.constant 0 : i32
    %dma_wait3A_129 = tpu.memref_slice %arg6[%add3A_127, %dma_wait3A_128] : memref<60x128xi32, #tpu.memory_space<vmem>> -> memref<1x128xi32, #tpu.memory_space<vmem>>
    %dma_wait3A_130 = tpu.memref_squeeze %dma_wait3A_129 : memref<1x128xi32, #tpu.memory_space<vmem>> -> memref<128xi32, #tpu.memory_space<vmem>>
    %dma_wait3A_131 = arith.constant 0 : i32
    %dma_wait3A_132 = arith.constant 0 : i32
    %dma_wait3A_133 = tpu.memref_slice %arg11[%dma_wait3A_131, %dma_wait3A_132] : memref<10240x64xf32, #tpu.memory_space<vmem_shared>> -> memref<10240x64xf32, #tpu.memory_space<vmem_shared>>
    tpu.wait_indirect_dma semaphore(%arg19 : memref<!tpu.dma_semaphore, #tpu.memory_space<semaphore_mem>>) src(%arg10 : memref<128x64xf32, #tpu.memory_space<vmem>>) dst(%dma_wait3A_133 : memref<10240x64xf32, #tpu.memory_space<vmem_shared>>)
    %barrier3A_134 = arith.constant 0 : index
    tpu.barrier barrier_id(%barrier3A_134)
    "tpu.region"() ({
      %run_scoped3A = tpu.sem_alloc : memref<!tpu.dma_semaphore, #tpu.memory_space<semaphore_mem>>
      %dma_start3A_135 = arith.constant 0 : i32
      %dma_start3A_136 = tpu.memref_slice %arg4[%arg0, %multiple_of3A, %dma_start3A_135] : memref<2x10240x64xf32, #tpu.memory_space<hbm>> -> memref<1x640x64xf32, #tpu.memory_space<hbm>>
      %dma_start3A_137 = tpu.memref_squeeze %dma_start3A_136 : memref<1x640x64xf32, #tpu.memory_space<hbm>> -> memref<640x64xf32, #tpu.memory_space<hbm>>
      %dma_start3A_138 = arith.constant 0 : i32
      %dma_start3A_139 = tpu.memref_slice %arg11[%multiple_of3A, %dma_start3A_138] : memref<10240x64xf32, #tpu.memory_space<vmem_shared>> -> memref<640x64xf32, #tpu.memory_space<vmem_shared>>
      tpu.enqueue_dma source(%dma_start3A_139 : memref<640x64xf32, #tpu.memory_space<vmem_shared>>) target(%dma_start3A_137 : memref<640x64xf32, #tpu.memory_space<hbm>>) target_semaphore(%run_scoped3A : memref<!tpu.dma_semaphore, #tpu.memory_space<semaphore_mem>>)
      %dma_wait3A_140 = arith.constant 0 : i32
      %dma_wait3A_141 = tpu.memref_slice %arg4[%arg0, %multiple_of3A, %dma_wait3A_140] : memref<2x10240x64xf32, #tpu.memory_space<hbm>> -> memref<1x640x64xf32, #tpu.memory_space<hbm>>
      %dma_wait3A_142 = tpu.memref_squeeze %dma_wait3A_141 : memref<1x640x64xf32, #tpu.memory_space<hbm>> -> memref<640x64xf32, #tpu.memory_space<hbm>>
      %dma_wait3A_143 = arith.constant 0 : i32
      %dma_wait3A_144 = tpu.memref_slice %arg11[%multiple_of3A, %dma_wait3A_143] : memref<10240x64xf32, #tpu.memory_space<vmem_shared>> -> memref<640x64xf32, #tpu.memory_space<vmem_shared>>
      tpu.wait_dma2 semaphore(%run_scoped3A : memref<!tpu.dma_semaphore, #tpu.memory_space<semaphore_mem>>) src(%dma_wait3A_144 : memref<640x64xf32, #tpu.memory_space<vmem_shared>>) dst(%dma_wait3A_142 : memref<640x64xf32, #tpu.memory_space<hbm>>)
      tpu.yield
    }) : () -> ()
    return
  }
}

module attributes {stable_mosaic.version = 14 : i64} {
  func.func @_tc_in_body(%arg0: memref<10000x256xf32, #tpu.memory_space<vmem>>, %arg1: memref<256x64xf32, #tpu.memory_space<vmem>>, %arg2: memref<1x64xf32, #tpu.memory_space<vmem>>, %arg3: memref<1x64xf32, #tpu.memory_space<vmem>>, %arg4: memref<1x64xf32, #tpu.memory_space<vmem>>, %arg5: memref<10016x64xf32, #tpu.memory_space<vmem>>) attributes {dimension_semantics = [], scalar_prefetch = 0 : i64, scratch_operands = 0 : i64, tpu.core_type = #tpu.core_type<tc>} {
    %get3A = arith.constant 0 : index
    %get3A_0 = arith.constant 0 : index
    %get3A_1 = vector.load %arg0[%get3A, %get3A_0] : memref<10000x256xf32, #tpu.memory_space<vmem>>, vector<10000x256xf32>
    %get3A_2 = arith.constant 0 : index
    %get3A_3 = arith.constant 0 : index
    %get3A_4 = vector.load %arg1[%get3A_2, %get3A_3] : memref<256x64xf32, #tpu.memory_space<vmem>>, vector<256x64xf32>
    %dot_general3A = arith.constant dense<0.000000e+00> : vector<10000x64xf32>
    %dot_general3A_5 = tpu.matmul %get3A_1, %get3A_4, %dot_general3A {dimension_numbers = #tpu.dot_dimension_numbers<[1], [0], [0], [1], [0, 0, 1, 1], [], []>, transpose_lhs_hint = false} : vector<10000x256xf32>, vector<256x64xf32>, vector<10000x64xf32> -> vector<10000x64xf32>
    %get3A_6 = arith.constant 0 : index
    %get3A_7 = arith.constant 0 : index
    %get3A_8 = vector.load %arg2[%get3A_6, %get3A_7] : memref<1x64xf32, #tpu.memory_space<vmem>>, vector<1x64xf32>
    %add3A = vector.broadcast %get3A_8 : vector<1x64xf32> to vector<10000x64xf32>
    %add3A_9 = arith.addf %dot_general3A_5, %add3A : vector<10000x64xf32>
    %max3A = arith.constant 0.000000e+00 : f32
    %max3A_10 = vector.broadcast %max3A : f32 to vector<10000x64xf32>
    %max3A_11 = arith.maximumf %add3A_9, %max3A_10 : vector<10000x64xf32>
    %get3A_12 = arith.constant 0 : index
    %get3A_13 = arith.constant 0 : index
    %get3A_14 = vector.load %arg3[%get3A_12, %get3A_13] : memref<1x64xf32, #tpu.memory_space<vmem>>, vector<1x64xf32>
    %get3A_15 = arith.constant 0 : index
    %get3A_16 = arith.constant 0 : index
    %get3A_17 = vector.load %arg4[%get3A_15, %get3A_16] : memref<1x64xf32, #tpu.memory_space<vmem>>, vector<1x64xf32>
    %reduce_sum3A = arith.constant dense<0.000000e+00> : vector<64xf32>
    %reduce_sum3A_18 = vector.multi_reduction <add>, %max3A_11, %reduce_sum3A [0] : vector<10000x64xf32> to vector<64xf32>
    %div3A = arith.constant 1.000000e+04 : f32
    %div3A_19 = vector.broadcast %div3A : f32 to vector<64xf32>
    %div3A_20 = arith.divf %reduce_sum3A_18, %div3A_19 : vector<64xf32>
    %jit3A = arith.constant 0 : i32
    %reduce_sum3A_21 = arith.constant dense<0.000000e+00> : vector<64xf32>
    %reduce_sum3A_22 = vector.multi_reduction <add>, %max3A_11, %reduce_sum3A_21 [0] : vector<10000x64xf32> to vector<64xf32>
    %broadcast_in_dim3A = vector.shape_cast %reduce_sum3A_22 : vector<64xf32> to vector<1x64xf32>
    %div3A_23 = arith.constant 1.000000e+04 : f32
    %div3A_24 = vector.broadcast %div3A_23 : f32 to vector<1x64xf32>
    %div3A_25 = arith.divf %broadcast_in_dim3A, %div3A_24 : vector<1x64xf32>
    %sub3A = vector.broadcast %div3A_25 : vector<1x64xf32> to vector<10000x64xf32>
    %sub3A_26 = arith.subf %max3A_11, %sub3A : vector<10000x64xf32>
    %square3A = arith.mulf %sub3A_26, %sub3A_26 : vector<10000x64xf32>
    %convert_element_type3A = arith.sitofp %jit3A : i32 to f32
    %sub3A_27 = arith.constant 1.000000e+04 : f32
    %sub3A_28 = arith.subf %sub3A_27, %convert_element_type3A : f32
    %reduce_sum3A_29 = arith.constant dense<0.000000e+00> : vector<64xf32>
    %reduce_sum3A_30 = vector.multi_reduction <add>, %square3A, %reduce_sum3A_29 [0] : vector<10000x64xf32> to vector<64xf32>
    %div3A_31 = vector.broadcast %sub3A_28 : f32 to vector<64xf32>
    %div3A_32 = arith.divf %reduce_sum3A_30, %div3A_31 : vector<64xf32>
    %gt3A = arith.constant 0.000000e+00 : f32
    %gt3A_33 = arith.cmpf ogt, %sub3A_28, %gt3A : f32
    %jit3A_34 = arith.constant 0x7FC00000 : f32
    %broadcast_in_dim3A_35 = vector.broadcast %jit3A_34 : f32 to vector<64xf32>
    %select_n3A = arith.select %gt3A_33, %div3A_32, %broadcast_in_dim3A_35 : vector<64xf32>
    %broadcast_in_dim3A_36 = vector.shape_cast %div3A_20 : vector<64xf32> to vector<1x64xf32>
    %sub3A_37 = vector.broadcast %broadcast_in_dim3A_36 : vector<1x64xf32> to vector<10000x64xf32>
    %sub3A_38 = arith.subf %max3A_11, %sub3A_37 : vector<10000x64xf32>
    %mul3A = vector.broadcast %get3A_14 : vector<1x64xf32> to vector<10000x64xf32>
    %mul3A_39 = arith.mulf %mul3A, %sub3A_38 : vector<10000x64xf32>
    %add3A_40 = arith.constant 9.99999974E-6 : f32
    %add3A_41 = vector.broadcast %add3A_40 : f32 to vector<64xf32>
    %add3A_42 = arith.addf %select_n3A, %add3A_41 : vector<64xf32>
    %sqrt3A = math.sqrt %add3A_42 : vector<64xf32>
    %broadcast_in_dim3A_43 = vector.shape_cast %sqrt3A : vector<64xf32> to vector<1x64xf32>
    %div3A_44 = vector.broadcast %broadcast_in_dim3A_43 : vector<1x64xf32> to vector<10000x64xf32>
    %div3A_45 = arith.divf %mul3A_39, %div3A_44 : vector<10000x64xf32>
    %add3A_46 = vector.broadcast %get3A_17 : vector<1x64xf32> to vector<10000x64xf32>
    %add3A_47 = arith.addf %div3A_45, %add3A_46 : vector<10000x64xf32>
    %broadcast_in_dim3A_48 = arith.constant 0.000000e+00 : f32
    %broadcast_in_dim3A_49 = vector.broadcast %broadcast_in_dim3A_48 : f32 to vector<16x64xf32>
    %concatenate3A = tpu.concatenate %add3A_47, %broadcast_in_dim3A_49 in 0 : vector<10000x64xf32>, vector<16x64xf32> -> vector<10016x64xf32>
    %swap3A = arith.constant 0 : index
    %swap3A_50 = arith.constant 0 : index
    %swap3A_51 = vector.load %arg5[%swap3A, %swap3A_50] : memref<10016x64xf32, #tpu.memory_space<vmem>>, vector<10016x64xf32>
    tpu.vector_store %arg5[%swap3A, %swap3A_50], %concatenate3A {strides = array<i32>} : memref<10016x64xf32, #tpu.memory_space<vmem>>, vector<10016x64xf32>,
    return
  }
}

module attributes {stable_mosaic.version = 14 : i64} {
  func.func @_tc_mid_body(%arg0: memref<10016x64xf32, #tpu.memory_space<vmem>>, %arg1: memref<2x10240x64xf32, #tpu.memory_space<vmem>>, %arg2: memref<2x10240x16xf32, #tpu.memory_space<vmem>>, %arg3: memref<128x64xf32, #tpu.memory_space<vmem>>, %arg4: memref<1x64xf32, #tpu.memory_space<vmem>>, %arg5: memref<1x64xf32, #tpu.memory_space<vmem>>, %arg6: memref<1x64xf32, #tpu.memory_space<vmem>>, %arg7: memref<64x64xf32, #tpu.memory_space<vmem>>, %arg8: memref<1x64xf32, #tpu.memory_space<vmem>>, %arg9: memref<1x64xf32, #tpu.memory_space<vmem>>, %arg10: memref<1x64xf32, #tpu.memory_space<vmem>>, %arg11: memref<10016x64xf32, #tpu.memory_space<vmem>>) attributes {dimension_semantics = [], scalar_prefetch = 0 : i64, scratch_operands = 0 : i64, tpu.core_type = #tpu.core_type<tc>} {
    %get3A = arith.constant 0 : index
    %get3A_0 = arith.constant 0 : index
    %get3A_1 = vector.load %arg0[%get3A, %get3A_0] : memref<10016x64xf32, #tpu.memory_space<vmem>>, vector<10000x64xf32>
    %get3A_2 = arith.constant 0 : index
    %get3A_3 = arith.constant 0 : index
    %get3A_4 = arith.constant 0 : index
    %get3A_5 = vector.load %arg1[%get3A_2, %get3A_3, %get3A_4] : memref<2x10240x64xf32, #tpu.memory_space<vmem>>, vector<1x10000x64xf32>
    %get3A_6 = vector.shape_cast %get3A_5 : vector<1x10000x64xf32> to vector<10000x64xf32>
    %get3A_7 = arith.constant 1 : index
    %get3A_8 = arith.constant 0 : index
    %get3A_9 = arith.constant 0 : index
    %get3A_10 = vector.load %arg1[%get3A_7, %get3A_8, %get3A_9] : memref<2x10240x64xf32, #tpu.memory_space<vmem>>, vector<1x10000x64xf32>
    %get3A_11 = vector.shape_cast %get3A_10 : vector<1x10000x64xf32> to vector<10000x64xf32>
    %add3A = arith.addf %get3A_6, %get3A_11 : vector<10000x64xf32>
    %get3A_12 = arith.constant 0 : index
    %get3A_13 = arith.constant 0 : index
    %get3A_14 = arith.constant 0 : index
    %get3A_15 = vector.load %arg2[%get3A_12, %get3A_13, %get3A_14] : memref<2x10240x16xf32, #tpu.memory_space<vmem>>, vector<1x10000x1xf32>
    %get3A_16 = vector.shape_cast %get3A_15 : vector<1x10000x1xf32> to vector<10000x1xf32>
    %get3A_17 = arith.constant 1 : index
    %get3A_18 = arith.constant 0 : index
    %get3A_19 = arith.constant 0 : index
    %get3A_20 = vector.load %arg2[%get3A_17, %get3A_18, %get3A_19] : memref<2x10240x16xf32, #tpu.memory_space<vmem>>, vector<1x10000x1xf32>
    %get3A_21 = vector.shape_cast %get3A_20 : vector<1x10000x1xf32> to vector<10000x1xf32>
    %add3A_22 = arith.addf %get3A_16, %get3A_21 : vector<10000x1xf32>
    %mul3A = vector.broadcast %add3A_22 : vector<10000x1xf32> to vector<10000x64xf32>
    %mul3A_23 = arith.mulf %mul3A, %get3A_1 : vector<10000x64xf32>
    %get3A_24 = arith.constant 0 : index
    %get3A_25 = arith.constant 0 : index
    %get3A_26 = vector.load %arg3[%get3A_24, %get3A_25] : memref<128x64xf32, #tpu.memory_space<vmem>>, vector<64x64xf32>
    %dot_general3A = arith.constant dense<0.000000e+00> : vector<10000x64xf32>
    %dot_general3A_27 = tpu.matmul %mul3A_23, %get3A_26, %dot_general3A {dimension_numbers = #tpu.dot_dimension_numbers<[1], [0], [0], [1], [0, 0, 1, 1], [], []>, transpose_lhs_hint = false} : vector<10000x64xf32>, vector<64x64xf32>, vector<10000x64xf32> -> vector<10000x64xf32>
    %get3A_28 = arith.constant 64 : index
    %get3A_29 = arith.constant 0 : index
    %get3A_30 = vector.load %arg3[%get3A_28, %get3A_29] : memref<128x64xf32, #tpu.memory_space<vmem>>, vector<64x64xf32>
    %dot_general3A_31 = arith.constant dense<0.000000e+00> : vector<10000x64xf32>
    %dot_general3A_32 = tpu.matmul %add3A, %get3A_30, %dot_general3A_31 {dimension_numbers = #tpu.dot_dimension_numbers<[1], [0], [0], [1], [0, 0, 1, 1], [], []>, transpose_lhs_hint = false} : vector<10000x64xf32>, vector<64x64xf32>, vector<10000x64xf32> -> vector<10000x64xf32>
    %add3A_33 = arith.addf %dot_general3A_27, %dot_general3A_32 : vector<10000x64xf32>
    %get3A_34 = arith.constant 0 : index
    %get3A_35 = arith.constant 0 : index
    %get3A_36 = vector.load %arg4[%get3A_34, %get3A_35] : memref<1x64xf32, #tpu.memory_space<vmem>>, vector<1x64xf32>
    %add3A_37 = vector.broadcast %get3A_36 : vector<1x64xf32> to vector<10000x64xf32>
    %add3A_38 = arith.addf %add3A_33, %add3A_37 : vector<10000x64xf32>
    %max3A = arith.constant 0.000000e+00 : f32
    %max3A_39 = vector.broadcast %max3A : f32 to vector<10000x64xf32>
    %max3A_40 = arith.maximumf %add3A_38, %max3A_39 : vector<10000x64xf32>
    %get3A_41 = arith.constant 0 : index
    %get3A_42 = arith.constant 0 : index
    %get3A_43 = vector.load %arg5[%get3A_41, %get3A_42] : memref<1x64xf32, #tpu.memory_space<vmem>>, vector<1x64xf32>
    %get3A_44 = arith.constant 0 : index
    %get3A_45 = arith.constant 0 : index
    %get3A_46 = vector.load %arg6[%get3A_44, %get3A_45] : memref<1x64xf32, #tpu.memory_space<vmem>>, vector<1x64xf32>
    %reduce_sum3A = arith.constant dense<0.000000e+00> : vector<64xf32>
    %reduce_sum3A_47 = vector.multi_reduction <add>, %max3A_40, %reduce_sum3A [0] : vector<10000x64xf32> to vector<64xf32>
    %div3A = arith.constant 1.000000e+04 : f32
    %div3A_48 = vector.broadcast %div3A : f32 to vector<64xf32>
    %div3A_49 = arith.divf %reduce_sum3A_47, %div3A_48 : vector<64xf32>
    %jit3A = arith.constant 0 : i32
    %reduce_sum3A_50 = arith.constant dense<0.000000e+00> : vector<64xf32>
    %reduce_sum3A_51 = vector.multi_reduction <add>, %max3A_40, %reduce_sum3A_50 [0] : vector<10000x64xf32> to vector<64xf32>
    %broadcast_in_dim3A = vector.shape_cast %reduce_sum3A_51 : vector<64xf32> to vector<1x64xf32>
    %div3A_52 = arith.constant 1.000000e+04 : f32
    %div3A_53 = vector.broadcast %div3A_52 : f32 to vector<1x64xf32>
    %div3A_54 = arith.divf %broadcast_in_dim3A, %div3A_53 : vector<1x64xf32>
    %sub3A = vector.broadcast %div3A_54 : vector<1x64xf32> to vector<10000x64xf32>
    %sub3A_55 = arith.subf %max3A_40, %sub3A : vector<10000x64xf32>
    %square3A = arith.mulf %sub3A_55, %sub3A_55 : vector<10000x64xf32>
    %convert_element_type3A = arith.sitofp %jit3A : i32 to f32
    %sub3A_56 = arith.constant 1.000000e+04 : f32
    %sub3A_57 = arith.subf %sub3A_56, %convert_element_type3A : f32
    %reduce_sum3A_58 = arith.constant dense<0.000000e+00> : vector<64xf32>
    %reduce_sum3A_59 = vector.multi_reduction <add>, %square3A, %reduce_sum3A_58 [0] : vector<10000x64xf32> to vector<64xf32>
    %div3A_60 = vector.broadcast %sub3A_57 : f32 to vector<64xf32>
    %div3A_61 = arith.divf %reduce_sum3A_59, %div3A_60 : vector<64xf32>
    %gt3A = arith.constant 0.000000e+00 : f32
    %gt3A_62 = arith.cmpf ogt, %sub3A_57, %gt3A : f32
    %jit3A_63 = arith.constant 0x7FC00000 : f32
    %broadcast_in_dim3A_64 = vector.broadcast %jit3A_63 : f32 to vector<64xf32>
    %select_n3A = arith.select %gt3A_62, %div3A_61, %broadcast_in_dim3A_64 : vector<64xf32>
    %broadcast_in_dim3A_65 = vector.shape_cast %div3A_49 : vector<64xf32> to vector<1x64xf32>
    %sub3A_66 = vector.broadcast %broadcast_in_dim3A_65 : vector<1x64xf32> to vector<10000x64xf32>
    %sub3A_67 = arith.subf %max3A_40, %sub3A_66 : vector<10000x64xf32>
    %mul3A_68 = vector.broadcast %get3A_43 : vector<1x64xf32> to vector<10000x64xf32>
    %mul3A_69 = arith.mulf %mul3A_68, %sub3A_67 : vector<10000x64xf32>
    %add3A_70 = arith.constant 9.99999974E-6 : f32
    %add3A_71 = vector.broadcast %add3A_70 : f32 to vector<64xf32>
    %add3A_72 = arith.addf %select_n3A, %add3A_71 : vector<64xf32>
    %sqrt3A = math.sqrt %add3A_72 : vector<64xf32>
    %broadcast_in_dim3A_73 = vector.shape_cast %sqrt3A : vector<64xf32> to vector<1x64xf32>
    %div3A_74 = vector.broadcast %broadcast_in_dim3A_73 : vector<1x64xf32> to vector<10000x64xf32>
    %div3A_75 = arith.divf %mul3A_69, %div3A_74 : vector<10000x64xf32>
    %add3A_76 = vector.broadcast %get3A_46 : vector<1x64xf32> to vector<10000x64xf32>
    %add3A_77 = arith.addf %div3A_75, %add3A_76 : vector<10000x64xf32>
    %max3A_78 = arith.constant 0.000000e+00 : f32
    %max3A_79 = vector.broadcast %max3A_78 : f32 to vector<10000x64xf32>
    %max3A_80 = arith.maximumf %add3A_77, %max3A_79 : vector<10000x64xf32>
    %get3A_81 = arith.constant 0 : index
    %get3A_82 = arith.constant 0 : index
    %get3A_83 = vector.load %arg7[%get3A_81, %get3A_82] : memref<64x64xf32, #tpu.memory_space<vmem>>, vector<64x64xf32>
    %dot_general3A_84 = arith.constant dense<0.000000e+00> : vector<10000x64xf32>
    %dot_general3A_85 = tpu.matmul %max3A_80, %get3A_83, %dot_general3A_84 {dimension_numbers = #tpu.dot_dimension_numbers<[1], [0], [0], [1], [0, 0, 1, 1], [], []>, transpose_lhs_hint = false} : vector<10000x64xf32>, vector<64x64xf32>, vector<10000x64xf32> -> vector<10000x64xf32>
    %get3A_86 = arith.constant 0 : index
    %get3A_87 = arith.constant 0 : index
    %get3A_88 = vector.load %arg8[%get3A_86, %get3A_87] : memref<1x64xf32, #tpu.memory_space<vmem>>, vector<1x64xf32>
    %add3A_89 = vector.broadcast %get3A_88 : vector<1x64xf32> to vector<10000x64xf32>
    %add3A_90 = arith.addf %dot_general3A_85, %add3A_89 : vector<10000x64xf32>
    %max3A_91 = arith.constant 0.000000e+00 : f32
    %max3A_92 = vector.broadcast %max3A_91 : f32 to vector<10000x64xf32>
    %max3A_93 = arith.maximumf %add3A_90, %max3A_92 : vector<10000x64xf32>
    %get3A_94 = arith.constant 0 : index
    %get3A_95 = arith.constant 0 : index
    %get3A_96 = vector.load %arg9[%get3A_94, %get3A_95] : memref<1x64xf32, #tpu.memory_space<vmem>>, vector<1x64xf32>
    %get3A_97 = arith.constant 0 : index
    %get3A_98 = arith.constant 0 : index
    %get3A_99 = vector.load %arg10[%get3A_97, %get3A_98] : memref<1x64xf32, #tpu.memory_space<vmem>>, vector<1x64xf32>
    %reduce_sum3A_100 = arith.constant dense<0.000000e+00> : vector<64xf32>
    %reduce_sum3A_101 = vector.multi_reduction <add>, %max3A_93, %reduce_sum3A_100 [0] : vector<10000x64xf32> to vector<64xf32>
    %div3A_102 = arith.constant 1.000000e+04 : f32
    %div3A_103 = vector.broadcast %div3A_102 : f32 to vector<64xf32>
    %div3A_104 = arith.divf %reduce_sum3A_101, %div3A_103 : vector<64xf32>
    %jit3A_105 = arith.constant 0 : i32
    %reduce_sum3A_106 = arith.constant dense<0.000000e+00> : vector<64xf32>
    %reduce_sum3A_107 = vector.multi_reduction <add>, %max3A_93, %reduce_sum3A_106 [0] : vector<10000x64xf32> to vector<64xf32>
    %broadcast_in_dim3A_108 = vector.shape_cast %reduce_sum3A_107 : vector<64xf32> to vector<1x64xf32>
    %div3A_109 = arith.constant 1.000000e+04 : f32
    %div3A_110 = vector.broadcast %div3A_109 : f32 to vector<1x64xf32>
    %div3A_111 = arith.divf %broadcast_in_dim3A_108, %div3A_110 : vector<1x64xf32>
    %sub3A_112 = vector.broadcast %div3A_111 : vector<1x64xf32> to vector<10000x64xf32>
    %sub3A_113 = arith.subf %max3A_93, %sub3A_112 : vector<10000x64xf32>
    %square3A_114 = arith.mulf %sub3A_113, %sub3A_113 : vector<10000x64xf32>
    %convert_element_type3A_115 = arith.sitofp %jit3A_105 : i32 to f32
    %sub3A_116 = arith.constant 1.000000e+04 : f32
    %sub3A_117 = arith.subf %sub3A_116, %convert_element_type3A_115 : f32
    %reduce_sum3A_118 = arith.constant dense<0.000000e+00> : vector<64xf32>
    %reduce_sum3A_119 = vector.multi_reduction <add>, %square3A_114, %reduce_sum3A_118 [0] : vector<10000x64xf32> to vector<64xf32>
    %div3A_120 = vector.broadcast %sub3A_117 : f32 to vector<64xf32>
    %div3A_121 = arith.divf %reduce_sum3A_119, %div3A_120 : vector<64xf32>
    %gt3A_122 = arith.constant 0.000000e+00 : f32
    %gt3A_123 = arith.cmpf ogt, %sub3A_117, %gt3A_122 : f32
    %jit3A_124 = arith.constant 0x7FC00000 : f32
    %broadcast_in_dim3A_125 = vector.broadcast %jit3A_124 : f32 to vector<64xf32>
    %select_n3A_126 = arith.select %gt3A_123, %div3A_121, %broadcast_in_dim3A_125 : vector<64xf32>
    %broadcast_in_dim3A_127 = vector.shape_cast %div3A_104 : vector<64xf32> to vector<1x64xf32>
    %sub3A_128 = vector.broadcast %broadcast_in_dim3A_127 : vector<1x64xf32> to vector<10000x64xf32>
    %sub3A_129 = arith.subf %max3A_93, %sub3A_128 : vector<10000x64xf32>
    %mul3A_130 = vector.broadcast %get3A_96 : vector<1x64xf32> to vector<10000x64xf32>
    %mul3A_131 = arith.mulf %mul3A_130, %sub3A_129 : vector<10000x64xf32>
    %add3A_132 = arith.constant 9.99999974E-6 : f32
    %add3A_133 = vector.broadcast %add3A_132 : f32 to vector<64xf32>
    %add3A_134 = arith.addf %select_n3A_126, %add3A_133 : vector<64xf32>
    %sqrt3A_135 = math.sqrt %add3A_134 : vector<64xf32>
    %broadcast_in_dim3A_136 = vector.shape_cast %sqrt3A_135 : vector<64xf32> to vector<1x64xf32>
    %div3A_137 = vector.broadcast %broadcast_in_dim3A_136 : vector<1x64xf32> to vector<10000x64xf32>
    %div3A_138 = arith.divf %mul3A_131, %div3A_137 : vector<10000x64xf32>
    %add3A_139 = vector.broadcast %get3A_99 : vector<1x64xf32> to vector<10000x64xf32>
    %add3A_140 = arith.addf %div3A_138, %add3A_139 : vector<10000x64xf32>
    %broadcast_in_dim3A_141 = arith.constant 0.000000e+00 : f32
    %broadcast_in_dim3A_142 = vector.broadcast %broadcast_in_dim3A_141 : f32 to vector<16x64xf32>
    %concatenate3A = tpu.concatenate %add3A_140, %broadcast_in_dim3A_142 in 0 : vector<10000x64xf32>, vector<16x64xf32> -> vector<10016x64xf32>
    %swap3A = arith.constant 0 : index
    %swap3A_143 = arith.constant 0 : index
    %swap3A_144 = vector.load %arg11[%swap3A, %swap3A_143] : memref<10016x64xf32, #tpu.memory_space<vmem>>, vector<10016x64xf32>
    tpu.vector_store %arg11[%swap3A, %swap3A_143], %concatenate3A {strides = array<i32>} : memref<10016x64xf32, #tpu.memory_space<vmem>>, vector<10016x64xf32>,
    return
  }
}

module attributes {stable_mosaic.version = 14 : i64} {
  func.func @_tc_tail_body(%arg0: memref<10016x64xf32, #tpu.memory_space<vmem>>, %arg1: memref<2x10240x64xf32, #tpu.memory_space<vmem>>, %arg2: memref<2x10240x16xf32, #tpu.memory_space<vmem>>, %arg3: memref<128x64xf32, #tpu.memory_space<vmem>>, %arg4: memref<1x64xf32, #tpu.memory_space<vmem>>, %arg5: memref<1x64xf32, #tpu.memory_space<vmem>>, %arg6: memref<1x64xf32, #tpu.memory_space<vmem>>, %arg7: memref<1x10000xi32, #tpu.memory_space<vmem>>, %arg8: memref<64x64xf32, #tpu.memory_space<vmem>>, %arg9: memref<1x64xf32, #tpu.memory_space<vmem>>, %arg10: memref<1x64xf32, #tpu.memory_space<vmem>>, %arg11: memref<1x64xf32, #tpu.memory_space<vmem>>, %arg12: memref<64x10xf32, #tpu.memory_space<vmem>>, %arg13: memref<1x10xf32, #tpu.memory_space<vmem>>, %arg14: memref<64x10xf32, #tpu.memory_space<vmem>>) attributes {dimension_semantics = [], scalar_prefetch = 0 : i64, scratch_operands = 0 : i64, tpu.core_type = #tpu.core_type<tc>} {
    %get3A = arith.constant 0 : index
    %get3A_0 = arith.constant 0 : index
    %get3A_1 = vector.load %arg0[%get3A, %get3A_0] : memref<10016x64xf32, #tpu.memory_space<vmem>>, vector<10000x64xf32>
    %get3A_2 = arith.constant 0 : index
    %get3A_3 = arith.constant 0 : index
    %get3A_4 = arith.constant 0 : index
    %get3A_5 = vector.load %arg1[%get3A_2, %get3A_3, %get3A_4] : memref<2x10240x64xf32, #tpu.memory_space<vmem>>, vector<1x10000x64xf32>
    %get3A_6 = vector.shape_cast %get3A_5 : vector<1x10000x64xf32> to vector<10000x64xf32>
    %get3A_7 = arith.constant 1 : index
    %get3A_8 = arith.constant 0 : index
    %get3A_9 = arith.constant 0 : index
    %get3A_10 = vector.load %arg1[%get3A_7, %get3A_8, %get3A_9] : memref<2x10240x64xf32, #tpu.memory_space<vmem>>, vector<1x10000x64xf32>
    %get3A_11 = vector.shape_cast %get3A_10 : vector<1x10000x64xf32> to vector<10000x64xf32>
    %add3A = arith.addf %get3A_6, %get3A_11 : vector<10000x64xf32>
    %get3A_12 = arith.constant 0 : index
    %get3A_13 = arith.constant 0 : index
    %get3A_14 = arith.constant 0 : index
    %get3A_15 = vector.load %arg2[%get3A_12, %get3A_13, %get3A_14] : memref<2x10240x16xf32, #tpu.memory_space<vmem>>, vector<1x10000x1xf32>
    %get3A_16 = vector.shape_cast %get3A_15 : vector<1x10000x1xf32> to vector<10000x1xf32>
    %get3A_17 = arith.constant 1 : index
    %get3A_18 = arith.constant 0 : index
    %get3A_19 = arith.constant 0 : index
    %get3A_20 = vector.load %arg2[%get3A_17, %get3A_18, %get3A_19] : memref<2x10240x16xf32, #tpu.memory_space<vmem>>, vector<1x10000x1xf32>
    %get3A_21 = vector.shape_cast %get3A_20 : vector<1x10000x1xf32> to vector<10000x1xf32>
    %add3A_22 = arith.addf %get3A_16, %get3A_21 : vector<10000x1xf32>
    %mul3A = vector.broadcast %add3A_22 : vector<10000x1xf32> to vector<10000x64xf32>
    %mul3A_23 = arith.mulf %mul3A, %get3A_1 : vector<10000x64xf32>
    %get3A_24 = arith.constant 0 : index
    %get3A_25 = arith.constant 0 : index
    %get3A_26 = vector.load %arg3[%get3A_24, %get3A_25] : memref<128x64xf32, #tpu.memory_space<vmem>>, vector<64x64xf32>
    %dot_general3A = arith.constant dense<0.000000e+00> : vector<10000x64xf32>
    %dot_general3A_27 = tpu.matmul %mul3A_23, %get3A_26, %dot_general3A {dimension_numbers = #tpu.dot_dimension_numbers<[1], [0], [0], [1], [0, 0, 1, 1], [], []>, transpose_lhs_hint = false} : vector<10000x64xf32>, vector<64x64xf32>, vector<10000x64xf32> -> vector<10000x64xf32>
    %get3A_28 = arith.constant 64 : index
    %get3A_29 = arith.constant 0 : index
    %get3A_30 = vector.load %arg3[%get3A_28, %get3A_29] : memref<128x64xf32, #tpu.memory_space<vmem>>, vector<64x64xf32>
    %dot_general3A_31 = arith.constant dense<0.000000e+00> : vector<10000x64xf32>
    %dot_general3A_32 = tpu.matmul %add3A, %get3A_30, %dot_general3A_31 {dimension_numbers = #tpu.dot_dimension_numbers<[1], [0], [0], [1], [0, 0, 1, 1], [], []>, transpose_lhs_hint = false} : vector<10000x64xf32>, vector<64x64xf32>, vector<10000x64xf32> -> vector<10000x64xf32>
    %add3A_33 = arith.addf %dot_general3A_27, %dot_general3A_32 : vector<10000x64xf32>
    %get3A_34 = arith.constant 0 : index
    %get3A_35 = arith.constant 0 : index
    %get3A_36 = vector.load %arg4[%get3A_34, %get3A_35] : memref<1x64xf32, #tpu.memory_space<vmem>>, vector<1x64xf32>
    %add3A_37 = vector.broadcast %get3A_36 : vector<1x64xf32> to vector<10000x64xf32>
    %add3A_38 = arith.addf %add3A_33, %add3A_37 : vector<10000x64xf32>
    %max3A = arith.constant 0.000000e+00 : f32
    %max3A_39 = vector.broadcast %max3A : f32 to vector<10000x64xf32>
    %max3A_40 = arith.maximumf %add3A_38, %max3A_39 : vector<10000x64xf32>
    %get3A_41 = arith.constant 0 : index
    %get3A_42 = arith.constant 0 : index
    %get3A_43 = vector.load %arg5[%get3A_41, %get3A_42] : memref<1x64xf32, #tpu.memory_space<vmem>>, vector<1x64xf32>
    %get3A_44 = arith.constant 0 : index
    %get3A_45 = arith.constant 0 : index
    %get3A_46 = vector.load %arg6[%get3A_44, %get3A_45] : memref<1x64xf32, #tpu.memory_space<vmem>>, vector<1x64xf32>
    %reduce_sum3A = arith.constant dense<0.000000e+00> : vector<64xf32>
    %reduce_sum3A_47 = vector.multi_reduction <add>, %max3A_40, %reduce_sum3A [0] : vector<10000x64xf32> to vector<64xf32>
    %div3A = arith.constant 1.000000e+04 : f32
    %div3A_48 = vector.broadcast %div3A : f32 to vector<64xf32>
    %div3A_49 = arith.divf %reduce_sum3A_47, %div3A_48 : vector<64xf32>
    %jit3A = arith.constant 0 : i32
    %reduce_sum3A_50 = arith.constant dense<0.000000e+00> : vector<64xf32>
    %reduce_sum3A_51 = vector.multi_reduction <add>, %max3A_40, %reduce_sum3A_50 [0] : vector<10000x64xf32> to vector<64xf32>
    %broadcast_in_dim3A = vector.shape_cast %reduce_sum3A_51 : vector<64xf32> to vector<1x64xf32>
    %div3A_52 = arith.constant 1.000000e+04 : f32
    %div3A_53 = vector.broadcast %div3A_52 : f32 to vector<1x64xf32>
    %div3A_54 = arith.divf %broadcast_in_dim3A, %div3A_53 : vector<1x64xf32>
    %sub3A = vector.broadcast %div3A_54 : vector<1x64xf32> to vector<10000x64xf32>
    %sub3A_55 = arith.subf %max3A_40, %sub3A : vector<10000x64xf32>
    %square3A = arith.mulf %sub3A_55, %sub3A_55 : vector<10000x64xf32>
    %convert_element_type3A = arith.sitofp %jit3A : i32 to f32
    %sub3A_56 = arith.constant 1.000000e+04 : f32
    %sub3A_57 = arith.subf %sub3A_56, %convert_element_type3A : f32
    %reduce_sum3A_58 = arith.constant dense<0.000000e+00> : vector<64xf32>
    %reduce_sum3A_59 = vector.multi_reduction <add>, %square3A, %reduce_sum3A_58 [0] : vector<10000x64xf32> to vector<64xf32>
    %div3A_60 = vector.broadcast %sub3A_57 : f32 to vector<64xf32>
    %div3A_61 = arith.divf %reduce_sum3A_59, %div3A_60 : vector<64xf32>
    %gt3A = arith.constant 0.000000e+00 : f32
    %gt3A_62 = arith.cmpf ogt, %sub3A_57, %gt3A : f32
    %jit3A_63 = arith.constant 0x7FC00000 : f32
    %broadcast_in_dim3A_64 = vector.broadcast %jit3A_63 : f32 to vector<64xf32>
    %select_n3A = arith.select %gt3A_62, %div3A_61, %broadcast_in_dim3A_64 : vector<64xf32>
    %broadcast_in_dim3A_65 = vector.shape_cast %div3A_49 : vector<64xf32> to vector<1x64xf32>
    %sub3A_66 = vector.broadcast %broadcast_in_dim3A_65 : vector<1x64xf32> to vector<10000x64xf32>
    %sub3A_67 = arith.subf %max3A_40, %sub3A_66 : vector<10000x64xf32>
    %mul3A_68 = vector.broadcast %get3A_43 : vector<1x64xf32> to vector<10000x64xf32>
    %mul3A_69 = arith.mulf %mul3A_68, %sub3A_67 : vector<10000x64xf32>
    %add3A_70 = arith.constant 9.99999974E-6 : f32
    %add3A_71 = vector.broadcast %add3A_70 : f32 to vector<64xf32>
    %add3A_72 = arith.addf %select_n3A, %add3A_71 : vector<64xf32>
    %sqrt3A = math.sqrt %add3A_72 : vector<64xf32>
    %broadcast_in_dim3A_73 = vector.shape_cast %sqrt3A : vector<64xf32> to vector<1x64xf32>
    %div3A_74 = vector.broadcast %broadcast_in_dim3A_73 : vector<1x64xf32> to vector<10000x64xf32>
    %div3A_75 = arith.divf %mul3A_69, %div3A_74 : vector<10000x64xf32>
    %add3A_76 = vector.broadcast %get3A_46 : vector<1x64xf32> to vector<10000x64xf32>
    %add3A_77 = arith.addf %div3A_75, %add3A_76 : vector<10000x64xf32>
    %get3A_78 = arith.constant 0 : index
    %get3A_79 = arith.constant 0 : index
    %get3A_80 = vector.load %arg7[%get3A_78, %get3A_79] : memref<1x10000xi32, #tpu.memory_space<vmem>>, vector<1x10000xi32>
    %iota3A = tpu.iota {dimensions = array<i32: 0>} : vector<64x10000xi32>
    %eq3A = vector.broadcast %get3A_80 : vector<1x10000xi32> to vector<64x10000xi32>
    %eq3A_81 = arith.cmpi eq, %iota3A, %eq3A : vector<64x10000xi32>
    %convert_element_type3A_82 = arith.extui %eq3A_81 : vector<64x10000xi1> to vector<64x10000xi32>
    %convert_element_type3A_83 = arith.sitofp %convert_element_type3A_82 : vector<64x10000xi32> to vector<64x10000xf32>
    %dot_general3A_84 = arith.constant dense<0.000000e+00> : vector<64x64xf32>
    %dot_general3A_85 = tpu.matmul %convert_element_type3A_83, %add3A_77, %dot_general3A_84 {dimension_numbers = #tpu.dot_dimension_numbers<[1], [0], [0], [1], [0, 0, 1, 1], [], []>, transpose_lhs_hint = false} : vector<64x10000xf32>, vector<10000x64xf32>, vector<64x64xf32> -> vector<64x64xf32>
    %reduce_sum3A_86 = arith.constant dense<0.000000e+00> : vector<64xf32>
    %reduce_sum3A_87 = vector.multi_reduction <add>, %convert_element_type3A_83, %reduce_sum3A_86 [1] : vector<64x10000xf32> to vector<64xf32>
    %broadcast_in_dim3A_88 = vector.shape_cast %reduce_sum3A_87 : vector<64xf32> to vector<64x1xf32>
    %max3A_89 = arith.constant 1.000000e+00 : f32
    %max3A_90 = vector.broadcast %max3A_89 : f32 to vector<64x1xf32>
    %max3A_91 = arith.maximumf %broadcast_in_dim3A_88, %max3A_90 : vector<64x1xf32>
    %div3A_92 = vector.broadcast %max3A_91 : vector<64x1xf32> to vector<64x64xf32>
    %div3A_93 = arith.divf %dot_general3A_85, %div3A_92 : vector<64x64xf32>
    %get3A_94 = arith.constant 0 : index
    %get3A_95 = arith.constant 0 : index
    %get3A_96 = vector.load %arg8[%get3A_94, %get3A_95] : memref<64x64xf32, #tpu.memory_space<vmem>>, vector<64x64xf32>
    %dot_general3A_97 = arith.constant dense<0.000000e+00> : vector<64x64xf32>
    %dot_general3A_98 = tpu.matmul %div3A_93, %get3A_96, %dot_general3A_97 {dimension_numbers = #tpu.dot_dimension_numbers<[1], [0], [0], [1], [0, 0, 1, 1], [], []>, transpose_lhs_hint = false} : vector<64x64xf32>, vector<64x64xf32>, vector<64x64xf32> -> vector<64x64xf32>
    %get3A_99 = arith.constant 0 : index
    %get3A_100 = arith.constant 0 : index
    %get3A_101 = vector.load %arg9[%get3A_99, %get3A_100] : memref<1x64xf32, #tpu.memory_space<vmem>>, vector<1x64xf32>
    %add3A_102 = vector.broadcast %get3A_101 : vector<1x64xf32> to vector<64x64xf32>
    %add3A_103 = arith.addf %dot_general3A_98, %add3A_102 : vector<64x64xf32>
    %max3A_104 = arith.constant 0.000000e+00 : f32
    %max3A_105 = vector.broadcast %max3A_104 : f32 to vector<64x64xf32>
    %max3A_106 = arith.maximumf %add3A_103, %max3A_105 : vector<64x64xf32>
    %get3A_107 = arith.constant 0 : index
    %get3A_108 = arith.constant 0 : index
    %get3A_109 = vector.load %arg10[%get3A_107, %get3A_108] : memref<1x64xf32, #tpu.memory_space<vmem>>, vector<1x64xf32>
    %get3A_110 = arith.constant 0 : index
    %get3A_111 = arith.constant 0 : index
    %get3A_112 = vector.load %arg11[%get3A_110, %get3A_111] : memref<1x64xf32, #tpu.memory_space<vmem>>, vector<1x64xf32>
    %reduce_sum3A_113 = arith.constant dense<0.000000e+00> : vector<64xf32>
    %reduce_sum3A_114 = vector.multi_reduction <add>, %max3A_106, %reduce_sum3A_113 [0] : vector<64x64xf32> to vector<64xf32>
    %div3A_115 = arith.constant 6.400000e+01 : f32
    %div3A_116 = vector.broadcast %div3A_115 : f32 to vector<64xf32>
    %div3A_117 = arith.divf %reduce_sum3A_114, %div3A_116 : vector<64xf32>
    %jit3A_118 = arith.constant 0 : i32
    %reduce_sum3A_119 = arith.constant dense<0.000000e+00> : vector<64xf32>
    %reduce_sum3A_120 = vector.multi_reduction <add>, %max3A_106, %reduce_sum3A_119 [0] : vector<64x64xf32> to vector<64xf32>
    %broadcast_in_dim3A_121 = vector.shape_cast %reduce_sum3A_120 : vector<64xf32> to vector<1x64xf32>
    %div3A_122 = arith.constant 6.400000e+01 : f32
    %div3A_123 = vector.broadcast %div3A_122 : f32 to vector<1x64xf32>
    %div3A_124 = arith.divf %broadcast_in_dim3A_121, %div3A_123 : vector<1x64xf32>
    %sub3A_125 = vector.broadcast %div3A_124 : vector<1x64xf32> to vector<64x64xf32>
    %sub3A_126 = arith.subf %max3A_106, %sub3A_125 : vector<64x64xf32>
    %square3A_127 = arith.mulf %sub3A_126, %sub3A_126 : vector<64x64xf32>
    %convert_element_type3A_128 = arith.sitofp %jit3A_118 : i32 to f32
    %sub3A_129 = arith.constant 6.400000e+01 : f32
    %sub3A_130 = arith.subf %sub3A_129, %convert_element_type3A_128 : f32
    %reduce_sum3A_131 = arith.constant dense<0.000000e+00> : vector<64xf32>
    %reduce_sum3A_132 = vector.multi_reduction <add>, %square3A_127, %reduce_sum3A_131 [0] : vector<64x64xf32> to vector<64xf32>
    %div3A_133 = vector.broadcast %sub3A_130 : f32 to vector<64xf32>
    %div3A_134 = arith.divf %reduce_sum3A_132, %div3A_133 : vector<64xf32>
    %gt3A_135 = arith.constant 0.000000e+00 : f32
    %gt3A_136 = arith.cmpf ogt, %sub3A_130, %gt3A_135 : f32
    %jit3A_137 = arith.constant 0x7FC00000 : f32
    %broadcast_in_dim3A_138 = vector.broadcast %jit3A_137 : f32 to vector<64xf32>
    %select_n3A_139 = arith.select %gt3A_136, %div3A_134, %broadcast_in_dim3A_138 : vector<64xf32>
    %broadcast_in_dim3A_140 = vector.shape_cast %div3A_117 : vector<64xf32> to vector<1x64xf32>
    %sub3A_141 = vector.broadcast %broadcast_in_dim3A_140 : vector<1x64xf32> to vector<64x64xf32>
    %sub3A_142 = arith.subf %max3A_106, %sub3A_141 : vector<64x64xf32>
    %mul3A_143 = vector.broadcast %get3A_109 : vector<1x64xf32> to vector<64x64xf32>
    %mul3A_144 = arith.mulf %mul3A_143, %sub3A_142 : vector<64x64xf32>
    %add3A_145 = arith.constant 9.99999974E-6 : f32
    %add3A_146 = vector.broadcast %add3A_145 : f32 to vector<64xf32>
    %add3A_147 = arith.addf %select_n3A_139, %add3A_146 : vector<64xf32>
    %sqrt3A_148 = math.sqrt %add3A_147 : vector<64xf32>
    %broadcast_in_dim3A_149 = vector.shape_cast %sqrt3A_148 : vector<64xf32> to vector<1x64xf32>
    %div3A_150 = vector.broadcast %broadcast_in_dim3A_149 : vector<1x64xf32> to vector<64x64xf32>
    %div3A_151 = arith.divf %mul3A_144, %div3A_150 : vector<64x64xf32>
    %add3A_152 = vector.broadcast %get3A_112 : vector<1x64xf32> to vector<64x64xf32>
    %add3A_153 = arith.addf %div3A_151, %add3A_152 : vector<64x64xf32>
    %get3A_154 = arith.constant 0 : index
    %get3A_155 = arith.constant 0 : index
    %get3A_156 = vector.load %arg12[%get3A_154, %get3A_155] : memref<64x10xf32, #tpu.memory_space<vmem>>, vector<64x10xf32>
    %dot_general3A_157 = arith.constant dense<0.000000e+00> : vector<64x10xf32>
    %dot_general3A_158 = tpu.matmul %add3A_153, %get3A_156, %dot_general3A_157 {dimension_numbers = #tpu.dot_dimension_numbers<[1], [0], [0], [1], [0, 0, 1, 1], [], []>, transpose_lhs_hint = false} : vector<64x64xf32>, vector<64x10xf32>, vector<64x10xf32> -> vector<64x10xf32>
    %get3A_159 = arith.constant 0 : index
    %get3A_160 = arith.constant 0 : index
    %get3A_161 = vector.load %arg13[%get3A_159, %get3A_160] : memref<1x10xf32, #tpu.memory_space<vmem>>, vector<1x10xf32>
    %add3A_162 = vector.broadcast %get3A_161 : vector<1x10xf32> to vector<64x10xf32>
    %add3A_163 = arith.addf %dot_general3A_158, %add3A_162 : vector<64x10xf32>
    %reduce_max3A = arith.constant dense<0xFF800000> : vector<64xf32>
    %reduce_max3A_164 = vector.multi_reduction <maximumf>, %add3A_163, %reduce_max3A [1] : vector<64x10xf32> to vector<64xf32>
    %broadcast_in_dim3A_165 = vector.shape_cast %reduce_max3A_164 : vector<64xf32> to vector<64x1xf32>
    %sub3A_166 = vector.broadcast %broadcast_in_dim3A_165 : vector<64x1xf32> to vector<64x10xf32>
    %sub3A_167 = arith.subf %add3A_163, %sub3A_166 : vector<64x10xf32>
    %exp3A = math.exp %sub3A_167 : vector<64x10xf32>
    %reduce_sum3A_168 = arith.constant dense<0.000000e+00> : vector<64xf32>
    %reduce_sum3A_169 = vector.multi_reduction <add>, %exp3A, %reduce_sum3A_168 [1] : vector<64x10xf32> to vector<64xf32>
    %broadcast_in_dim3A_170 = vector.shape_cast %reduce_sum3A_169 : vector<64xf32> to vector<64x1xf32>
    %log3A = math.log %broadcast_in_dim3A_170 : vector<64x1xf32>
    %add3A_171 = arith.addf %log3A, %broadcast_in_dim3A_165 : vector<64x1xf32>
    %sub3A_172 = vector.broadcast %add3A_171 : vector<64x1xf32> to vector<64x10xf32>
    %sub3A_173 = arith.subf %add3A_163, %sub3A_172 : vector<64x10xf32>
    %swap3A = arith.constant 0 : index
    %swap3A_174 = arith.constant 0 : index
    %swap3A_175 = vector.load %arg14[%swap3A, %swap3A_174] : memref<64x10xf32, #tpu.memory_space<vmem>>, vector<64x10xf32>
    tpu.vector_store %arg14[%swap3A, %swap3A_174], %sub3A_173 {strides = array<i32>} : memref<64x10xf32, #tpu.memory_space<vmem>>, vector<64x10xf32>,
    return
  }
}

</mosaic_0001>

<sc_bundles>
// kernel: kernel.12.cloned.1.call-start
scs
__scs_entry_jumppad:
0x0: {  	(pc) =	sbr.rel $0x88, $3  }
0x1: {  	(tag) =	ssettag $0x0;
	lr =	simm.s32 $0x1  }
0x2: {  	[smem:$0x3F80] =	sst lr;
	_ =	strace $0xD0000000  }
0x3: {  	_ = 	snop  }
0x4: {  	_ = 	snop  }
0x5: {  	_ = 	snop  }
0x6: {  	_ = 	snop  }
0x7: {  	_ = 	snop  }
__scs_overlays_trampoline_lowered:
0x8: {  	[smem:$0x3F8F] =	sst s0  }
0x9: {  	[smem:$0x3F90] =	sst s1  }
0xa: {  	[smem:$0x3F91] =	sst s2  }
0xb: {  	[smem:$0x3F92] =	sst s3  }
0xc: {  	[smem:$0x3F93] =	sst s4  }
0xd: {  	[smem:$0x3F94] =	sst s5  }
0xe: {  	[smem:$0x3F95] =	sst s6  }
0xf: {  	[smem:$0x3F96] =	sst s7  }
0x10: {  	[smem:$0x3F97] =	sst s8  }
0x11: {  	[smem:$0x3F98] =	sst s9;
	s0 =	simm.s32 @!p0 $0x0  }
0x12: {  	s1 =	sld [smem:$0x3F7E];
	s0 =	simm.s32 @p0 $0x1  }
0x13: {  	[smem:$0x3F99] =	sst s0;
	s0 =	simm.s32 @!p1 $0x0  }
0x14: {  	s2 =	sld [smem:$0x3F7D];
	s0 =	simm.s32 @p1 $0x1  }
0x15: {  	[smem:$0x3F9A] =	sst s0;
	s0 =	simm.s32 @!p2 $0x0  }
0x16: {  	s3 =	sld [smem:$0x3FDB];
	s0 =	simm.s32 @p2 $0x1  }
0x17: {  	s4 =	simm.s32 $0x1BF5;
	[smem:$0x3F9C] =	sst s0  }
0x18: {  	s0 =	sld [smem:$0x3F7F];
	_ =	swait.ge [sflag:s4], $0x0  }
0x19: {  	s7 =	sld [smem:$0x3F80]  }
0x1a: {  	s8 =	sadd.s32 $0xFFFFE003, lr  }
0x1b: {  	s9 =	sadd.s32 $0xFFFFFEF7, lr;
	s5 =	simm.s32 $0xFFFFFFFF;
	p2 =	slt.u32 s8, $0xFFFFF086  }
0x1c: {  	p1 =	slt.u32 s9, $0xF7A;
	s5 =	simm.s32 @!p2 $0x0  }
0x1d: {  	s5 =	simm.s32 @p1 $0x1;
	p0 =	seq.s32 s7, s2  }
0x1e: {  	s7 =	smul.u32 @!p0 $0xF7A, s2;
	p2 =	seq.s32 @!p0 s5, $0x0  }
0x1f: {  	s9 =	smul.u32 $0xF7A, s1;
	s8 =	simm.s32 @!p0 $0x1BF5;
	p2 =	por !p2, p0  }
0x20: {  	[sflag:s8] =	ssyncset.s32 @!p0 $0xFFFFF086;
	s6 =	sadd.s32 @!p0 s3, s7;
	s7 =	simm.s32 @!p0 $0x108  }
0x21: {  	s3 =	sadd.s32 s3, s9;
	s6 =	sadd.s32 @!p0 $0x88, s6;
	s7 =	simm.s32 @p2 $0x1082  }
0x22: {  	[simem:s7], [sflag:s8] =	dma.local @!p0 [hbm:s6], $0xF7A  }
0x23: {  	s9 =	sor.u32 $0xD0000000, s2;
	s6 =	simm.s32 $0x108;
	_ =	swait.ge @!p0 [sflag:s8], $0x0  }
0x24: {  	s3 =	sadd.s32 $0x88, s3;
	s6 =	simm.s32 @!p1 $0x1082;
	[sflag:s4] =	ssyncset.s32 $0xFFFFF086  }
0x25: {  	[simem:s6], [sflag:s4] =	dma.local [hbm:s3], $0xF7A  }
0x26: {  	[smem:$0x3F80] =	sst s1;
	(tag) =	ssettag s2;
	_ =	strace s9  }
0x27: {  	s1 =	sld [smem:$0x3F90]  }
0x28: {  	s2 =	sld [smem:$0x3F91]  }
0x29: {  	s4 =	sld [smem:$0x3F93]  }
0x2a: {  	p0 =	seq.s32 s5, $0x0;
	s5 =	sld [smem:$0x3F94]  }
0x2b: {  	s6 =	sld [smem:$0x3F95]  }
0x2c: {  	s7 =	sld [smem:$0x3F96]  }
0x2d: {  	s3 =	simm.s32 $0x108;
	s8 =	sld [smem:$0x3F97]  }
0x2e: {  	s3 =	simm.s32 @!p0 $0x1082;
	s9 =	sld [smem:$0x3F98]  }
0x2f: {  	lr =	sadd.s32 s0, s3;
	s0 =	sld [smem:$0x3F8F]  }
0x30: {  	s3 =	sld [smem:$0x3F92]  }
0x31: {  	[smem:$0x3F9B] =	sst s10  }
0x32: {  	s10 =	sld [smem:$0x3F99];
	_ =	sdelay $0x3  }
0x33: {  	p0 =	seq.s32 s10, $0x1;
	s10 =	sld [smem:$0x3F9B];
	_ =	sdelay $0x3  }
0x34: {  	[smem:$0x3F9B] =	sst s10  }
0x35: {  	s10 =	sld [smem:$0x3F9A];
	_ =	sdelay $0x3  }
0x36: {  	p1 =	seq.s32 s10, $0x1;
	s10 =	sld [smem:$0x3F9B];
	_ =	sdelay $0x3  }
0x37: {  	[smem:$0x3F9B] =	sst s10  }
0x38: {  	s10 =	sld [smem:$0x3F9C]  }
0x39: {  	_ = 	snop;
	(pc) =	sbr.ind lr, $3  }
0x3a: {  	_ = 	snop  }
0x3b: {  	_ = 	snop  }
0x3c: {  	p2 =	seq.s32 s10, $0x1;
	s10 =	sld [smem:$0x3F9B]  }
0x3d: {  	_ =	shalt  }
0x3e: {  	_ =	shalt  }
0x3f: {  	_ =	shalt  }
0x40: {  	_ =	shalt  }
0x41: {  	_ =	shalt  }
0x42: {  	_ =	shalt  }
0x43: {  	_ =	shalt  }
0x44: {  	_ =	shalt  }
0x45: {  	_ =	shalt  }
0x46: {  	_ =	shalt  }
0x47: {  	_ =	shalt  }
0x48: {  	_ =	shalt  }
0x49: {  	_ =	shalt  }
0x4a: {  	_ =	shalt  }
0x4b: {  	_ =	shalt  }
0x4c: {  	_ =	shalt  }
0x4d: {  	_ =	shalt  }
0x4e: {  	_ =	shalt  }
0x4f: {  	_ =	shalt  }
0x50: {  	_ =	shalt  }
0x51: {  	_ =	shalt  }
0x52: {  	_ =	shalt  }
0x53: {  	_ =	shalt  }
0x54: {  	_ =	shalt  }
0x55: {  	_ =	shalt  }
0x56: {  	_ =	shalt  }
0x57: {  	_ =	shalt  }
0x58: {  	_ =	shalt  }
0x59: {  	_ =	shalt  }
0x5a: {  	_ =	shalt  }
0x5b: {  	_ =	shalt  }
0x5c: {  	_ =	shalt  }
0x5d: {  	_ =	shalt  }
0x5e: {  	_ =	shalt  }
0x5f: {  	_ =	shalt  }
0x60: {  	_ =	shalt  }
0x61: {  	_ =	shalt  }
0x62: {  	_ =	shalt  }
0x63: {  	_ =	shalt  }
0x64: {  	_ =	shalt  }
0x65: {  	_ =	shalt  }
0x66: {  	_ =	shalt  }
0x67: {  	_ =	shalt  }
0x68: {  	_ =	shalt  }
0x69: {  	_ =	shalt  }
0x6a: {  	_ =	shalt  }
0x6b: {  	_ =	shalt  }
0x6c: {  	_ =	shalt  }
0x6d: {  	_ =	shalt  }
0x6e: {  	_ =	shalt  }
0x6f: {  	_ =	shalt  }
0x70: {  	_ =	shalt  }
0x71: {  	_ =	shalt  }
0x72: {  	_ =	shalt  }
0x73: {  	_ =	shalt  }
0x74: {  	_ =	shalt  }
0x75: {  	_ =	shalt  }
0x76: {  	_ =	shalt  }
0x77: {  	_ =	shalt  }
0x78: {  	_ =	shalt  }
0x79: {  	_ =	shalt  }
0x7a: {  	_ =	shalt  }
0x7b: {  	_ =	shalt  }
0x7c: {  	_ =	shalt  }
0x7d: {  	_ =	shalt  }
0x7e: {  	_ =	shalt  }
0x7f: {  	_ =	shalt  }
0x80: {  	_ =	shalt  }
0x81: {  	_ =	shalt  }
0x82: {  	_ =	shalt  }
0x83: {  	_ =	shalt  }
0x84: {  	_ =	shalt  }
0x85: {  	_ =	shalt  }
0x86: {  	_ =	shalt  }
0x87: {  	_ =	shalt  }
.Lfunc_end0:
.L_simem_size_0:
called_computation.1_lowered:
.L_overlay_start_0:
0x88: {  	s2 =	sld [smem:$0x3FD9]  }
0x89: {  	s3 =	sld [smem:$0x3FFE];
	_ =	sdelay $0x1  }
0x8a: {  	s1 =	srdreg.scid  }
0x8b: {  	s0 =	sand.u32 $0x1, s1  }
0x8c: {  	s16 =	sshll.u32 s0, $0xA;
	s2 =	sadd.s32 s3, s2  }
0x8d: {  	s2 =	sadd.s32 s2, s16  }
0x8e: {  	[smem:$0x3FA7] =	sst s2  }
0x8f: {  	_ = 	snop  }
0x90: {  	(tm) =	ssettm $0x1  }
0x91: {  	s17 =	sld [smem:$0x3FFB];
	_ =	sdelay $0x3  }
0x92: {  	_ =	strace s17  }
0x93: {  	s2 =	sld [smem:$0x3FFC];
	_ =	sdelay $0x3  }
0x94: {  	_ =	strace s2  }
0x95: {  	s2 =	sld [smem:$0x3FFD];
	_ =	sdelay $0x3  }
0x96: {  	_ =	strace s2  }
0x97: {  	_ =	strace $0x8FFFFFFF  }
0x98: {  	s18 =	sld [smem:$0x3FDB];
	_ =	sdelay $0x1  }
0x99: {  	s19 =	simm.s32 $_scs_section_size  }
0x9a: {  	s4 =	simm.s32 $_size__tile_overlayer_lowered;
	s5 =	simm.s32 $_tile_overlayer_lowered  }
0x9b: {  	s22 =	simm.s32 $0x1BFF;
	s21 =	sshll.u32 s5, $0x1;
	s2 =	sadd.s32 s19, s18  }
0x9c: {  	s6 =	simm.s32 $0x0;
	s20 =	sshll.u32 s4, $0x1;
	s4 =	sadd.s32 s21, s2  }
0x9d: {  	[timem:s6], [sflag:s22] =	dma.local [hbm:s4], s20  }
0x9e: {  	_ =	swait.ge [sflag:s22], s20  }
0x9f: {  	s3 =	ssub.s32 $0x0, s20;
	[sflag:s22] =	ssyncset.done $0x0  }
0xa0: {  	[sflag:s22] =	ssyncadd.s32 s3;
	_ =	sdelay $0x1  }
0xa1: {  	s23 =	simm.s32 $0x1B8B  }
0xa2: {  	_ =	swait.ge [sflag:s23], $0x1  }
0xa3: {  	[sflag:s23] =	ssyncset.done $0x0  }
0xa4: {  	s25 =	simm.s32 $0x1B8E;
	s24 =	sld [smem:$0x3FFE];
	[sflag:s23] =	ssyncadd.s32 $0xFFFFFFFF  }
0xa5: {  	s26 =	simm.s32 $execute0_lowered;
	[smem:$0x3FD2] =	sst s25  }
0xa6: {  	s4 =	sshll.u32 s26, $0x1;
	_ =	strace $0x80000049;
	[dreg:$0x1] =	wrdreg $0xFFFFFFFF  }
0xa7: {  	s28 =	simm.s32 $_size_execute0_lowered;
	s2 =	sadd.s32 s2, s4;
	[dreg:$0x0] =	wrdreg $0x0  }
0xa8: {  	s4 =	sshll.u32 s28, $0x1;
	[dreg:$0x2] =	wrdreg s2  }
0xa9: {  	[dreg:$0x3] =	wrdreg s4  }
0xaa: {  	[dreg:$0x4] =	wrdreg $0xC0  }
0xab: {  	_ =	task [dreg:s6], $0x5FFFF  }
0xac: {  	[dreg:$0x1] =	wrdreg $0xFFFFFFFF  }
0xad: {  	[dreg:$0x0] =	wrdreg $0x60  }
0xae: {  	[dreg:$0x2] =	wrdreg s24  }
0xaf: {  	[dreg:$0x3] =	wrdreg $0xBC000  }
0xb0: {  	[dreg:$0x4] =	wrdreg $0x9  }
0xb1: {  	_ =	task.clear_ibuf [dreg:s6], $0x5FFFF;
	_ =	strace $0x90000049  }
0xb2: {  	s29 =	simm.s32 $0x9;
	_ =	strace $0x8000004B  }
0xb3: {  	_ =	swait.ge [sflag:s29], $0x1  }
0xb4: {  	[sflag:s29] =	ssyncadd.s32 $0xFFFFFFFF  }
0xb5: {  	_ =	strace $0x9000004B  }
0xb6: {  	_ =	sfence  }
0xb7: {  	s30 =	sld [smem:$0x0];
	_ =	sdelay $0x2  }
0xb8: {  	s31 =	sshll.u32 s1, $0xD;
	s1 =	sshrl.u32 s1, $0x2  }
0xb9: {  	s3 =	sand.u32 $0x4000, s31;
	s1 =	sadd.s32 s1, s30  }
0xba: {  	s0 =	sor.u32 s3, s0;
	s1 =	sshll.u32 s1, $0x11  }
0xbb: {  	s0 =	sor.u32 s1, s0  }
0xbc: {  	s0 =	sadd.s32 $0x8F2B, s0  }
0xbd: {  	[sflag:s0] =	ssyncadd.remote.s32 $0x1  }
0xbe: {  	_ =	sfence.sel $0xFFFF  }
0xbf: {  	[dreg:$0x0] =	wrdreg $0xFFFFFFFF;
	(pc) =	sbr.abs _section_cstart, $3  }
0xc0: {  	[dreg:$0x1] =	wrdreg $0xFFFFFFFF  }
0xc1: {  	_ =	task.clear_ibuf [dreg:s6], $0x2FFFF;
	_ =	strace $0x9FFFFFFF  }
0xc2: {  	(tm) =	ssettm $0x7FFFFFFF  }
0xc3: {  	_ =	shalt  }
tec
execute0_lowered:
.L_overlay_start_1:
0x0: {  	(tag) =	ssettag $0x1  }
0x1: {  	s0 =	rddreg [dreg:$0x0]  }
0x2: {  	s2 =	rddreg [dreg:$0x1];
	s3 =	stileid.u32;
	s5 =	simm.s32 $0x0  }
0x3: {  	s1 =	srdreg.scid;
	s13 =	simm.s32 $0x3C;
	s16 =	simm.s32 $0x3C00  }
0x4: {  	s17 =	simm.s32 $0x9;
	s18 =	simm.s32 $0x1;
	s19 =	simm.s32 $0x2  }
0x5: {  	s20 =	simm.s32 $0x80;
	s28 =	simm.s32 $0x3;
	s4 =	smul.u32 $0x14, s3  }
0x6: {  	s30 =	simm.s32 $0x5;
	[smem:$0x7FF] =	sst s5;
	s5 =	smul.u32 $0x3C, s3  }
0x7: {  	s29 =	simm.s32 $0x8;
	s1 =	sand.u32 $0x1, s1;
	s7 =	smul.u32 $0xA000, s3  }
0x8: {  	s31 =	simm.s32 $0x0;
	s9 =	smul.u32 $0x28000, s3;
	p0 =	seq.s32 s1, $0x0  }
0x9: {  	s21 =	smul.u32 $0xA0000, s1;
	_ =	strace $0x8000004A;
	s1 =	ssub.s32 $0x2, s1  }
0xa: {  	s6 =	sadd.s32 $0x3C0, s4;
	s4 =	sadd.s32 $0xFA00, s0;
	s8 =	sshrl.u32 s1, $0x1  }
0xb: {  	s13 =	simm.s32 @!p0 $0x14;
	s23 =	sshrl.u32 s9, $0x2;
	s6 =	smov.u32 @p0 s5  }
0xc: {  	s5 =	sadd.s32 s7, s21;
	s1 =	ssub.s32 s1, s8;
	s7 =	sadd.s32 s7, s2  }
0xd: {  	s11 =	sadd.s32 s23, s2;
	s12 =	sadd.s32 $0xFFFFFFFE, s13;
	s15 =	sshll.u32 s13, $0x9  }
0xe: {  	s21 =	simm.s32 $0x5C00;
	s23 =	simm.s32 $0x7C00;
	s6 =	sshll.u32 s6, $0x4  }
0xf: {  	s5 =	sshrl.u32 s5, $0x3;
	s25 =	sadd.s32 $0x2000, s11;
	s9 =	sadd.s32 $0x4000, s11  }
0x10: {  	s10 =	sadd.s32 $0x6000, s11;
	s11 =	sadd.s32 $0x8000, s11;
	s14 =	smax.u32 s1, $0x1  }
0x11: {  	s26 =	sadd.s32 $0xFFFFF000, s15;
	s15 =	simm.s32 $0x1E00;
	[dreg:$0x6] =	wrdreg s25  }
0x12: {  	s6 =	sadd.s32 s6, s0;
	s0 =	sadd.s32 s5, s0;
	[dreg:$0x3] =	wrdreg s26  }
0x13: {  	s26 =	simm.s32 $0x9C00;
	s25 =	simm.s32 $0x7;
	s22 =	sadd.s32 $0x5200, s6  }
0x14: {  	s24 =	sadd.s32 $0xA5C0, s6;
	s13 =	sadd.s32 $0x23400, s0;
	[dreg:$0x4] =	wrdreg s22  }
0x15: {  	v0 =	vimm.f32 $0.0e+00;
	s0 =	simm.s32 $0x4;
	[dreg:$0x5] =	wrdreg s24;
	s22 =	simm.s32 $0x6  }
.LBB2_1:
0x16: {  	s1 =	simm.s32 $0x0;
	s3 =	rddreg [dreg:$0x4]  }
0x17: {  	[tilespmem:s1], [sflag:$0x1] =	stream.linear.gather [hbm4b:s3+s1], $0x1E00, $0x38;
	[tilespmem:$0x15C00] =	vst v63  }
0x18: {  	s24 =	rddreg [dreg:$0x5]  }
0x19: {  	[tilespmem:s15], [sflag:$0x2] =	stream.linear.gather [hbm4b:s24+s1], $0x1E00, $0x38;
	[tilespmem:$0x15C00] =	vst v63  }
0x1a: {  	s24 =	simm.s32 $0x100;
	s1 =	simm.s32 $0x0  }
.LBB2_2:
0x1b: {  	p0 =	sne.s32 s24, $0x7F00;
	[tilespmem:s1+$0x3C30] =	vst v0;
	s3 =	smov.u32 s24;
	s24 =	sadd.s32 $0x100, s24  }
.Ltmp0:
0x1c: {  	[tilespmem:s1+$0x3C20] =	vst v0;
	(pc) =	sbr.rel @p0 .LBB2_2-.Ltmp0, $3  }
0x1d: {  	[tilespmem:s1+$0x3C00] =	vst v0  }
0x1e: {  	[tilespmem:s1+$0x3C10] =	vst v0;
	_ =	sdelay $0x1  }
0x1f: {  	s1 =	sshra.s32 s3, $0x2  }
0x20: {  	[tilespmem:s1+$0x3C30] =	vst v0  }
0x21: {  	[tilespmem:s1+$0x3C20] =	vst v0  }
0x22: {  	[tilespmem:s1+$0x3C00] =	vst v0  }
0x23: {  	[tilespmem:s1+$0x3C10] =	vst v0  }
0x24: {  	[spmem:s7] =	stream.linear.scatter [tilespmem:s16], [sflag:$0x9], $0x2000, $0x38;
	[tilespmem:$0x15C00] =	vst v63  }
0x25: {  	_ =	swait.ge [sflag:s17], $0x2000  }
0x26: {  	[sflag:s17] =	ssyncset.done $0x0  }
0x27: {  	s6 =	rddreg [dreg:$0x6];
	[sflag:s17] =	ssyncadd.s32 $0xFFFFE000  }
0x28: {  	[spmem:s6] =	stream.linear.scatter [tilespmem:s16], [sflag:$0x9], $0x2000, $0x38;
	[tilespmem:$0x15C00] =	vst v63  }
0x29: {  	_ =	swait.ge [sflag:s17], $0x2000  }
0x2a: {  	[sflag:s17] =	ssyncset.done $0x0  }
0x2b: {  	[sflag:s17] =	ssyncadd.s32 $0xFFFFE000  }
0x2c: {  	[spmem:s9] =	stream.linear.scatter [tilespmem:s16], [sflag:$0x9], $0x2000, $0x38;
	[tilespmem:$0x15C00] =	vst v63  }
0x2d: {  	_ =	swait.ge [sflag:s17], $0x2000  }
0x2e: {  	[sflag:s17] =	ssyncset.done $0x0  }
0x2f: {  	[sflag:s17] =	ssyncadd.s32 $0xFFFFE000  }
0x30: {  	[spmem:s10] =	stream.linear.scatter [tilespmem:s16], [sflag:$0x9], $0x2000, $0x38;
	[tilespmem:$0x15C00] =	vst v63  }
0x31: {  	_ =	swait.ge [sflag:s17], $0x2000  }
0x32: {  	[sflag:s17] =	ssyncset.done $0x0  }
0x33: {  	[sflag:s17] =	ssyncadd.s32 $0xFFFFE000  }
0x34: {  	[spmem:s11] =	stream.linear.scatter [tilespmem:s16], [sflag:$0x9], $0x2000, $0x38;
	[tilespmem:$0x15C00] =	vst v63  }
0x35: {  	_ =	swait.ge [sflag:s17], $0x2000  }
0x36: {  	[sflag:s17] =	ssyncset.done $0x0  }
0x37: {  	[sflag:s17] =	ssyncadd.s32 $0xFFFFE000  }
0x38: {  	_ =	swait.ge [sflag:s18], $0x1E00  }
0x39: {  	[sflag:s18] =	ssyncset.done $0x0  }
0x3a: {  	[sflag:s18] =	ssyncadd.s32 $0xFFFFE200  }
0x3b: {  	_ =	swait.ge [sflag:s19], $0x1E00  }
0x3c: {  	[sflag:s19] =	ssyncset.done $0x0  }
0x3d: {  	[sflag:s19] =	ssyncadd.s32 $0xFFFFE200  }
0x3e: {  	s1 =	simm.s32 $0x0;
	[bflag:$0x0] =	sbarrier.arrive $0xFFFF  }
0x3f: {  	[tilespmem:s16], [sflag:$0x1] =	stream.indirect.gather [hbm4b:s4+s20], $0x40, s1, s20, $0xb8;
	[tilespmem:$0x15C00] =	vst v63  }
0x40: {  	_ = 	snop  }
0x41: {  	[tilespmem:s21], [sflag:$0x2] =	stream.indirect.gather [hbm4b:s4+s20], $0x40, s20, s20, $0xb8;
	[tilespmem:$0x15C00] =	vst v63  }
0x42: {  	_ =	swait.ge [sflag:s18], $0x2000  }
0x43: {  	[sflag:s18] =	ssyncset.done $0x0  }
0x44: {  	[sflag:s18] =	ssyncadd.s32 $0xFFFFE000  }
0x45: {  	[spmem:s2] =	stream.indirect.scatter.add.f32 [tilespmem:s16], [sflag:$0x5], $0x40, s15, s20, $0xb8;
	[tilespmem:$0x15C00] =	vst v63  }
0x46: {  	s3 =	simm.s32 $0x100  }
0x47: {  	[tilespmem:s23], [sflag:$0x3] =	stream.indirect.gather [hbm4b:s4+s20], $0x40, s3, s20, $0xb8;
	[tilespmem:$0x15C00] =	vst v63  }
0x48: {  	_ =	swait.ge [sflag:s19], $0x2000  }
0x49: {  	[sflag:s19] =	ssyncset.done $0x0  }
0x4a: {  	s8 =	simm.s32 $0x1E80;
	[sflag:s19] =	ssyncadd.s32 $0xFFFFE000  }
0x4b: {  	[spmem:s2] =	stream.indirect.scatter.add.f32 [tilespmem:s21], [sflag:$0x6], $0x40, s8, s20, $0xb8;
	[tilespmem:$0x15C00] =	vst v63  }
0x4c: {  	s24 =	simm.s32 $0x180  }
0x4d: {  	[tilespmem:s26], [sflag:$0x4] =	stream.indirect.gather [hbm4b:s4+s20], $0x40, s24, s20, $0xb8;
	[tilespmem:$0x15C00] =	vst v63  }
0x4e: {  	_ =	swait.ge [sflag:s28], $0x2000  }
0x4f: {  	[sflag:s28] =	ssyncset.done $0x0  }
0x50: {  	s5 =	simm.s32 $0x1F00;
	[sflag:s28] =	ssyncadd.s32 $0xFFFFE000  }
0x51: {  	[spmem:s2] =	stream.indirect.scatter.add.f32 [tilespmem:s23], [sflag:$0x7], $0x40, s5, s20, $0xb8;
	[tilespmem:$0x15C00] =	vst v63  }
0x52: {  	_ =	swait.ge [sflag:s30], $0x2000  }
0x53: {  	[sflag:s30] =	ssyncset.done $0x0  }
0x54: {  	s6 =	simm.s32 $0x200;
	[sflag:s30] =	ssyncadd.s32 $0xFFFFE000  }
0x55: {  	[tilespmem:s16], [sflag:$0x1] =	stream.indirect.gather [hbm4b:s4+s20], $0x40, s6, s20, $0xb8;
	[tilespmem:$0x15C00] =	vst v63  }
0x56: {  	_ =	swait.ge [sflag:s0], $0x2000  }
0x57: {  	[sflag:s0] =	ssyncset.done $0x0  }
0x58: {  	s8 =	simm.s32 $0x1F80;
	[sflag:s0] =	ssyncadd.s32 $0xFFFFE000  }
0x59: {  	[spmem:s2] =	stream.indirect.scatter.add.f32 [tilespmem:s26], [sflag:$0x8], $0x40, s8, s20, $0xb8;
	[tilespmem:$0x15C00] =	vst v63  }
0x5a: {  	_ =	swait.ge [sflag:s22], $0x2000  }
0x5b: {  	[sflag:s22] =	ssyncset.done $0x0  }
0x5c: {  	s24 =	simm.s32 $0x280;
	[sflag:s22] =	ssyncadd.s32 $0xFFFFE000  }
0x5d: {  	[tilespmem:s21], [sflag:$0x2] =	stream.indirect.gather [hbm4b:s4+s20], $0x40, s24, s20, $0xb8;
	[tilespmem:$0x15C00] =	vst v63  }
0x5e: {  	s24 =	simm.s32 $0x7  }
.LBB2_4:
0x5f: {  	_ =	swait.ge [sflag:s18], $0x2000;
	s5 =	sadd.s32 $0xFFFFFFFD, s24  }
0x60: {  	s3 =	sshra.s32 s1, $0x2;
	[sflag:s18] =	ssyncset.done $0x0;
	p0 =	sge.u32 s5, s12  }
0x61: {  	s6 =	sadd.s32 $0x2000, s3;
	[sflag:s18] =	ssyncadd.s32 $0xFFFFE000;
	s5 =	simm.s32 @!p0 $0x7  }
0x62: {  	[spmem:s2] =	stream.indirect.scatter.add.f32 [tilespmem:s16], [sflag:$0x5], $0x40, s6, s20, $0xb8;
	[tilespmem:$0x15C00] =	vst v63  }
0x63: {  	_ =	swait.ge @!p0 [sflag:s5], $0x2000  }
0x64: {  	[sflag:s5] =	ssyncset.done @!p0 $0x0  }
0x65: {  	[sflag:s5] =	ssyncadd.s32 @!p0 $0xFFFFE000;
	s5 =	sshra.s32 @!p0 s1, $0x2  }
0x66: {  	s8 =	simm.s32 @!p0 $0x7C00;
	s6 =	simm.s32 @!p0 $0x80;
	s5 =	sadd.s32 @!p0 $0x300, s5  }
0x67: {  	[tilespmem:s8], [sflag:$0x3] =	stream.indirect.gather @!p0 [hbm4b:s4+s6], $0x40, s5, s6, $0xb8;
	[tilespmem:$0x15C00] =	vst v63  }
0x68: {  	s5 =	sadd.s32 $0xFFFFFFFE, s24;
	_ =	swait.ge [sflag:s19], $0x2000  }
0x69: {  	p0 =	sge.u32 s5, s12;
	[sflag:s19] =	ssyncset.done $0x0  }
0x6a: {  	s8 =	sadd.s32 $0x2080, s3;
	s5 =	simm.s32 @!p0 $0x8;
	[sflag:s19] =	ssyncadd.s32 $0xFFFFE000  }
0x6b: {  	[spmem:s2] =	stream.indirect.scatter.add.f32 [tilespmem:s21], [sflag:$0x6], $0x40, s8, s20, $0xb8;
	[tilespmem:$0x15C00] =	vst v63  }
0x6c: {  	_ =	swait.ge @!p0 [sflag:s5], $0x2000  }
0x6d: {  	[sflag:s5] =	ssyncset.done @!p0 $0x0  }
0x6e: {  	[sflag:s5] =	ssyncadd.s32 @!p0 $0xFFFFE000;
	s5 =	sshra.s32 @!p0 s1, $0x2  }
0x6f: {  	s6 =	simm.s32 @!p0 $0x80;
	s8 =	simm.s32 @!p0 $0x9C00;
	s5 =	sadd.s32 @!p0 $0x380, s5  }
0x70: {  	[tilespmem:s8], [sflag:$0x4] =	stream.indirect.gather @!p0 [hbm4b:s4+s6], $0x40, s5, s6, $0xb8;
	[tilespmem:$0x15C00] =	vst v63  }
0x71: {  	s5 =	sadd.s32 $0xFFFFFFFF, s24;
	_ =	swait.ge [sflag:s28], $0x2000  }
0x72: {  	p0 =	sge.u32 s5, s12;
	[sflag:s28] =	ssyncset.done $0x0  }
0x73: {  	s8 =	sadd.s32 $0x2100, s3;
	s5 =	simm.s32 @!p0 $0x5;
	[sflag:s28] =	ssyncadd.s32 $0xFFFFE000  }
0x74: {  	[spmem:s2] =	stream.indirect.scatter.add.f32 [tilespmem:s23], [sflag:$0x7], $0x40, s8, s20, $0xb8;
	[tilespmem:$0x15C00] =	vst v63  }
0x75: {  	_ =	swait.ge @!p0 [sflag:s5], $0x2000  }
0x76: {  	[sflag:s5] =	ssyncset.done @!p0 $0x0  }
0x77: {  	[sflag:s5] =	ssyncadd.s32 @!p0 $0xFFFFE000;
	s5 =	sshra.s32 @!p0 s1, $0x2  }
0x78: {  	s6 =	simm.s32 @!p0 $0x80;
	s8 =	simm.s32 @!p0 $0x3C00;
	s5 =	sadd.s32 @!p0 $0x400, s5  }
0x79: {  	[tilespmem:s8], [sflag:$0x1] =	stream.indirect.gather @!p0 [hbm4b:s4+s6], $0x40, s5, s6, $0xb8;
	[tilespmem:$0x15C00] =	vst v63  }
0x7a: {  	_ =	swait.ge [sflag:s0], $0x2000  }
0x7b: {  	[sflag:s0] =	ssyncset.done $0x0  }
0x7c: {  	s3 =	sadd.s32 $0x2180, s3;
	p0 =	sge.u32 s24, s12;
	[sflag:s0] =	ssyncadd.s32 $0xFFFFE000  }
0x7d: {  	[spmem:s2] =	stream.indirect.scatter.add.f32 [tilespmem:s26], [sflag:$0x8], $0x40, s3, s20, $0xb8;
	[tilespmem:$0x15C00] =	vst v63  }
0x7e: {  	s3 =	simm.s32 @!p0 $0x6  }
0x7f: {  	s5 =	sshra.s32 @!p0 s1, $0x2;
	s6 =	simm.s32 @!p0 $0x5C00;
	_ =	swait.ge @!p0 [sflag:s3], $0x2000  }
0x80: {  	s1 =	sadd.s32 $0x800, s1;
	[sflag:s3] =	ssyncset.done @!p0 $0x0;
	s8 =	rddreg [dreg:$0x3]  }
0x81: {  	[sflag:s3] =	ssyncadd.s32 @!p0 $0xFFFFE000;
	s3 =	sadd.s32 @!p0 $0x480, s5;
	s5 =	simm.s32 @!p0 $0x80  }
0x82: {  	[tilespmem:s6], [sflag:$0x2] =	stream.indirect.gather @!p0 [hbm4b:s4+s5], $0x40, s3, s5, $0xb8;
	[tilespmem:$0x15C00] =	vst v63  }
0x83: {  	p0 =	sne.s32 s8, s1  }
.Ltmp1:
0x84: {  	_ = 	snop;
	(pc) =	sbr.rel @p0 .LBB2_4-.Ltmp1, $2  }
0x85: {  	_ =	sdelay $0x2  }
0x86: {  	s24 =	sadd.s32 $0x4, s24  }
0x87: {  	_ =	swait.ge [sflag:s18], $0x2000;
	s5 =	sadd.s32 $0xFFFFFFFD, s24  }
0x88: {  	s3 =	sshra.s32 s1, $0x2;
	[sflag:s18] =	ssyncset.done $0x0;
	p0 =	sge.u32 s5, s12  }
0x89: {  	s6 =	sadd.s32 $0x2000, s3;
	[sflag:s18] =	ssyncadd.s32 $0xFFFFE000;
	s5 =	simm.s32 @!p0 $0x7  }
0x8a: {  	[spmem:s2] =	stream.indirect.scatter.add.f32 [tilespmem:s16], [sflag:$0x5], $0x40, s6, s20, $0xb8;
	[tilespmem:$0x15C00] =	vst v63  }
0x8b: {  	_ =	swait.ge @!p0 [sflag:s5], $0x2000  }
0x8c: {  	[sflag:s5] =	ssyncset.done @!p0 $0x0  }
0x8d: {  	[sflag:s5] =	ssyncadd.s32 @!p0 $0xFFFFE000;
	s5 =	sshra.s32 @!p0 s1, $0x2  }
0x8e: {  	s8 =	simm.s32 @!p0 $0x7C00;
	s6 =	simm.s32 @!p0 $0x80;
	s5 =	sadd.s32 @!p0 $0x300, s5  }
0x8f: {  	[tilespmem:s8], [sflag:$0x3] =	stream.indirect.gather @!p0 [hbm4b:s4+s6], $0x40, s5, s6, $0xb8;
	[tilespmem:$0x15C00] =	vst v63  }
0x90: {  	s5 =	sadd.s32 $0xFFFFFFFE, s24;
	_ =	swait.ge [sflag:s19], $0x2000  }
0x91: {  	p0 =	sge.u32 s5, s12;
	[sflag:s19] =	ssyncset.done $0x0  }
0x92: {  	s8 =	sadd.s32 $0x2080, s3;
	s5 =	simm.s32 @!p0 $0x8;
	[sflag:s19] =	ssyncadd.s32 $0xFFFFE000  }
0x93: {  	[spmem:s2] =	stream.indirect.scatter.add.f32 [tilespmem:s21], [sflag:$0x6], $0x40, s8, s20, $0xb8;
	[tilespmem:$0x15C00] =	vst v63  }
0x94: {  	_ =	swait.ge @!p0 [sflag:s5], $0x2000  }
0x95: {  	[sflag:s5] =	ssyncset.done @!p0 $0x0  }
0x96: {  	[sflag:s5] =	ssyncadd.s32 @!p0 $0xFFFFE000;
	s5 =	sshra.s32 @!p0 s1, $0x2  }
0x97: {  	s6 =	simm.s32 @!p0 $0x80;
	s8 =	simm.s32 @!p0 $0x9C00;
	s5 =	sadd.s32 @!p0 $0x380, s5  }
0x98: {  	[tilespmem:s8], [sflag:$0x4] =	stream.indirect.gather @!p0 [hbm4b:s4+s6], $0x40, s5, s6, $0xb8;
	[tilespmem:$0x15C00] =	vst v63  }
0x99: {  	s5 =	sadd.s32 $0xFFFFFFFF, s24;
	_ =	swait.ge [sflag:s28], $0x2000  }
0x9a: {  	p0 =	sge.u32 s5, s12;
	[sflag:s28] =	ssyncset.done $0x0  }
0x9b: {  	s8 =	sadd.s32 $0x2100, s3;
	s5 =	simm.s32 @!p0 $0x5;
	[sflag:s28] =	ssyncadd.s32 $0xFFFFE000  }
0x9c: {  	[spmem:s2] =	stream.indirect.scatter.add.f32 [tilespmem:s23], [sflag:$0x7], $0x40, s8, s20, $0xb8;
	[tilespmem:$0x15C00] =	vst v63  }
0x9d: {  	_ =	swait.ge @!p0 [sflag:s5], $0x2000  }
0x9e: {  	[sflag:s5] =	ssyncset.done @!p0 $0x0  }
0x9f: {  	[sflag:s5] =	ssyncadd.s32 @!p0 $0xFFFFE000;
	s5 =	sshra.s32 @!p0 s1, $0x2  }
0xa0: {  	s6 =	simm.s32 @!p0 $0x80;
	s8 =	simm.s32 @!p0 $0x3C00;
	s5 =	sadd.s32 @!p0 $0x400, s5  }
0xa1: {  	[tilespmem:s8], [sflag:$0x1] =	stream.indirect.gather @!p0 [hbm4b:s4+s6], $0x40, s5, s6, $0xb8;
	[tilespmem:$0x15C00] =	vst v63  }
0xa2: {  	_ =	swait.ge [sflag:s0], $0x2000  }
0xa3: {  	[sflag:s0] =	ssyncset.done $0x0  }
0xa4: {  	s3 =	sadd.s32 $0x2180, s3;
	p0 =	sge.u32 s24, s12;
	[sflag:s0] =	ssyncadd.s32 $0xFFFFE000  }
0xa5: {  	[spmem:s2] =	stream.indirect.scatter.add.f32 [tilespmem:s26], [sflag:$0x8], $0x40, s3, s20, $0xb8;
	[tilespmem:$0x15C00] =	vst v63  }
0xa6: {  	s3 =	simm.s32 @!p0 $0x6  }
0xa7: {  	_ =	swait.ge @!p0 [sflag:s3], $0x2000  }
0xa8: {  	s1 =	sshra.s32 @!p0 s1, $0x2;
	s5 =	simm.s32 @!p0 $0x5C00;
	[sflag:s3] =	ssyncset.done @!p0 $0x0  }
0xa9: {  	s1 =	sadd.s32 @!p0 $0x480, s1;
	[sflag:s3] =	ssyncadd.s32 @!p0 $0xFFFFE000;
	s3 =	simm.s32 @!p0 $0x80  }
0xaa: {  	[tilespmem:s5], [sflag:$0x2] =	stream.indirect.gather @!p0 [hbm4b:s4+s3], $0x40, s1, s3, $0xb8;
	[tilespmem:$0x15C00] =	vst v63  }
0xab: {  	_ =	swait.ge [sflag:s30], $0x2000  }
0xac: {  	[sflag:s30] =	ssyncset.done $0x0  }
0xad: {  	[sflag:s30] =	ssyncadd.s32 $0xFFFFE000  }
0xae: {  	_ =	swait.ge [sflag:s22], $0x2000  }
0xaf: {  	[sflag:s22] =	ssyncset.done $0x0  }
0xb0: {  	[sflag:s22] =	ssyncadd.s32 $0xFFFFE000  }
0xb1: {  	_ =	swait.ge [sflag:s25], $0x2000  }
0xb2: {  	[sflag:s25] =	ssyncset.done $0x0  }
0xb3: {  	[sflag:s25] =	ssyncadd.s32 $0xFFFFE000  }
0xb4: {  	s31 =	sadd.s32 $0x1, s31;
	_ =	swait.ge [sflag:s29], $0x2000  }
0xb5: {  	s8 =	stileid.u32;
	s24 =	sshrl.u32 s7, $0x3;
	[sflag:s29] =	ssyncset.done $0x0  }
0xb6: {  	s1 =	sshll.u32 s8, $0x6;
	p0 =	sne.s32 s31, s14;
	[sflag:s29] =	ssyncadd.s32 $0xFFFFE000  }
.Ltmp2:
0xb7: {  	s1 =	sor.u32 $0x1C09, s1;
	[bflag:$0x0] =	sbarrier.arrive $0xFFFF;
	(pc) =	sbr.rel @p0 .LBB2_1-.Ltmp2, $4  }
0xb8: {  	[hbm:s13], [sflag:s1] =	dma.local [spmem:s24], $0x1400  }
0xb9: {  	_ =	swait.ge [sflag:s17], $0x1400  }
0xba: {  	[sflag:s17] =	ssyncset.done $0x0  }
0xbb: {  	[sflag:s17] =	ssyncadd.s32 $0xFFFFEC00  }
0xbc: {  	_ =	sfence.sel $0x180000  }
0xbd: {  	[bflag:$0x0] =	sbarrier.arrive $0xFFFF  }
0xbe: {  	_ =	strace $0x9000004A  }
0xbf: {  	s0 =	stileid.u32;
	[bflag:$0x2] =	sbarrier.arrive $0xFFFF  }
0xc0: {  	p0 =	sne.s32 s0, $0x0;
	s0 =	rddreg [dreg:$0x2]  }
0xc1: {  	s0 =	sadd.s32 @!p0 $0x100000, s0  }
0xc2: {  	[sflag:s0] =	ssyncadd.tile.s32 @!p0 $0x1;
	_ =	shalt  }
.Lfunc_end2:
_tile_overlayer_lowered:
.L_overlay_start_2:
0xc3: {  	(tag) =	ssettag $0x2  }
0xc4: {  	s0 =	rddreg [dreg:$0x0];
	s2 =	stileid.u32  }
0xc5: {  	s1 =	rddreg [dreg:$0x1];
	p0 =	sne.s32 s2, $0x0  }
0xc6: {  	s3 =	rddreg [dreg:$0x2];
	[bflag:$0x3] =	sbarrier.arrive $0xFFFF;
	s2 =	simm.s32 @!p0 $0x1C09  }
0xc7: {  	[timem:s3], [sflag:s2] =	dma.local @!p0 [hbm:s0], s1  }
0xc8: {  	s0 =	simm.s32 @!p0 $0x9  }
0xc9: {  	_ =	swait.ge @!p0 [sflag:s0], s1  }
0xca: {  	s1 =	ssub.s32 @!p0 $0x0, s1;
	[sflag:s0] =	ssyncset.done @!p0 $0x0  }
0xcb: {  	[sflag:s0] =	ssyncadd.s32 @!p0 s1  }
0xcc: {  	[bflag:$0x3] =	sbarrier.arrive $0xFFFF  }
0xcd: {  	_ =	shalt  }

// kernel: kernel.15.cloned.1.call-start
scs
__scs_entry_jumppad:
0x0: {  	(pc) =	sbr.rel $0x88, $3  }
0x1: {  	(tag) =	ssettag $0x0;
	lr =	simm.s32 $0x1  }
0x2: {  	[smem:$0x3F80] =	sst lr;
	_ =	strace $0xD0000000  }
0x3: {  	_ = 	snop  }
0x4: {  	_ = 	snop  }
0x5: {  	_ = 	snop  }
0x6: {  	_ = 	snop  }
0x7: {  	_ = 	snop  }
__scs_overlays_trampoline_lowered:
0x8: {  	[smem:$0x3F8F] =	sst s0  }
0x9: {  	[smem:$0x3F90] =	sst s1  }
0xa: {  	[smem:$0x3F91] =	sst s2  }
0xb: {  	[smem:$0x3F92] =	sst s3  }
0xc: {  	[smem:$0x3F93] =	sst s4  }
0xd: {  	[smem:$0x3F94] =	sst s5  }
0xe: {  	[smem:$0x3F95] =	sst s6  }
0xf: {  	[smem:$0x3F96] =	sst s7  }
0x10: {  	[smem:$0x3F97] =	sst s8  }
0x11: {  	[smem:$0x3F98] =	sst s9;
	s0 =	simm.s32 @!p0 $0x0  }
0x12: {  	s1 =	sld [smem:$0x3F7E];
	s0 =	simm.s32 @p0 $0x1  }
0x13: {  	[smem:$0x3F99] =	sst s0;
	s0 =	simm.s32 @!p1 $0x0  }
0x14: {  	s2 =	sld [smem:$0x3F7D];
	s0 =	simm.s32 @p1 $0x1  }
0x15: {  	[smem:$0x3F9A] =	sst s0;
	s0 =	simm.s32 @!p2 $0x0  }
0x16: {  	s3 =	sld [smem:$0x3FDB];
	s0 =	simm.s32 @p2 $0x1  }
0x17: {  	s4 =	simm.s32 $0x1BF5;
	[smem:$0x3F9C] =	sst s0  }
0x18: {  	s0 =	sld [smem:$0x3F7F];
	_ =	swait.ge [sflag:s4], $0x0  }
0x19: {  	s7 =	sld [smem:$0x3F80]  }
0x1a: {  	s8 =	sadd.s32 $0xFFFFE003, lr  }
0x1b: {  	s9 =	sadd.s32 $0xFFFFFEF7, lr;
	s5 =	simm.s32 $0xFFFFFFFF;
	p2 =	slt.u32 s8, $0xFFFFF086  }
0x1c: {  	p1 =	slt.u32 s9, $0xF7A;
	s5 =	simm.s32 @!p2 $0x0  }
0x1d: {  	s5 =	simm.s32 @p1 $0x1;
	p0 =	seq.s32 s7, s2  }
0x1e: {  	s7 =	smul.u32 @!p0 $0xF7A, s2;
	p2 =	seq.s32 @!p0 s5, $0x0  }
0x1f: {  	s9 =	smul.u32 $0xF7A, s1;
	s8 =	simm.s32 @!p0 $0x1BF5;
	p2 =	por !p2, p0  }
0x20: {  	[sflag:s8] =	ssyncset.s32 @!p0 $0xFFFFF086;
	s6 =	sadd.s32 @!p0 s3, s7;
	s7 =	simm.s32 @!p0 $0x108  }
0x21: {  	s3 =	sadd.s32 s3, s9;
	s6 =	sadd.s32 @!p0 $0x88, s6;
	s7 =	simm.s32 @p2 $0x1082  }
0x22: {  	[simem:s7], [sflag:s8] =	dma.local @!p0 [hbm:s6], $0xF7A  }
0x23: {  	s9 =	sor.u32 $0xD0000000, s2;
	s6 =	simm.s32 $0x108;
	_ =	swait.ge @!p0 [sflag:s8], $0x0  }
0x24: {  	s3 =	sadd.s32 $0x88, s3;
	s6 =	simm.s32 @!p1 $0x1082;
	[sflag:s4] =	ssyncset.s32 $0xFFFFF086  }
0x25: {  	[simem:s6], [sflag:s4] =	dma.local [hbm:s3], $0xF7A  }
0x26: {  	[smem:$0x3F80] =	sst s1;
	(tag) =	ssettag s2;
	_ =	strace s9  }
0x27: {  	s1 =	sld [smem:$0x3F90]  }
0x28: {  	s2 =	sld [smem:$0x3F91]  }
0x29: {  	s4 =	sld [smem:$0x3F93]  }
0x2a: {  	p0 =	seq.s32 s5, $0x0;
	s5 =	sld [smem:$0x3F94]  }
0x2b: {  	s6 =	sld [smem:$0x3F95]  }
0x2c: {  	s7 =	sld [smem:$0x3F96]  }
0x2d: {  	s3 =	simm.s32 $0x108;
	s8 =	sld [smem:$0x3F97]  }
0x2e: {  	s3 =	simm.s32 @!p0 $0x1082;
	s9 =	sld [smem:$0x3F98]  }
0x2f: {  	lr =	sadd.s32 s0, s3;
	s0 =	sld [smem:$0x3F8F]  }
0x30: {  	s3 =	sld [smem:$0x3F92]  }
0x31: {  	[smem:$0x3F9B] =	sst s10  }
0x32: {  	s10 =	sld [smem:$0x3F99];
	_ =	sdelay $0x3  }
0x33: {  	p0 =	seq.s32 s10, $0x1;
	s10 =	sld [smem:$0x3F9B];
	_ =	sdelay $0x3  }
0x34: {  	[smem:$0x3F9B] =	sst s10  }
0x35: {  	s10 =	sld [smem:$0x3F9A];
	_ =	sdelay $0x3  }
0x36: {  	p1 =	seq.s32 s10, $0x1;
	s10 =	sld [smem:$0x3F9B];
	_ =	sdelay $0x3  }
0x37: {  	[smem:$0x3F9B] =	sst s10  }
0x38: {  	s10 =	sld [smem:$0x3F9C]  }
0x39: {  	_ = 	snop;
	(pc) =	sbr.ind lr, $3  }
0x3a: {  	_ = 	snop  }
0x3b: {  	_ = 	snop  }
0x3c: {  	p2 =	seq.s32 s10, $0x1;
	s10 =	sld [smem:$0x3F9B]  }
0x3d: {  	_ =	shalt  }
0x3e: {  	_ =	shalt  }
0x3f: {  	_ =	shalt  }
0x40: {  	_ =	shalt  }
0x41: {  	_ =	shalt  }
0x42: {  	_ =	shalt  }
0x43: {  	_ =	shalt  }
0x44: {  	_ =	shalt  }
0x45: {  	_ =	shalt  }
0x46: {  	_ =	shalt  }
0x47: {  	_ =	shalt  }
0x48: {  	_ =	shalt  }
0x49: {  	_ =	shalt  }
0x4a: {  	_ =	shalt  }
0x4b: {  	_ =	shalt  }
0x4c: {  	_ =	shalt  }
0x4d: {  	_ =	shalt  }
0x4e: {  	_ =	shalt  }
0x4f: {  	_ =	shalt  }
0x50: {  	_ =	shalt  }
0x51: {  	_ =	shalt  }
0x52: {  	_ =	shalt  }
0x53: {  	_ =	shalt  }
0x54: {  	_ =	shalt  }
0x55: {  	_ =	shalt  }
0x56: {  	_ =	shalt  }
0x57: {  	_ =	shalt  }
0x58: {  	_ =	shalt  }
0x59: {  	_ =	shalt  }
0x5a: {  	_ =	shalt  }
0x5b: {  	_ =	shalt  }
0x5c: {  	_ =	shalt  }
0x5d: {  	_ =	shalt  }
0x5e: {  	_ =	shalt  }
0x5f: {  	_ =	shalt  }
0x60: {  	_ =	shalt  }
0x61: {  	_ =	shalt  }
0x62: {  	_ =	shalt  }
0x63: {  	_ =	shalt  }
0x64: {  	_ =	shalt  }
0x65: {  	_ =	shalt  }
0x66: {  	_ =	shalt  }
0x67: {  	_ =	shalt  }
0x68: {  	_ =	shalt  }
0x69: {  	_ =	shalt  }
0x6a: {  	_ =	shalt  }
0x6b: {  	_ =	shalt  }
0x6c: {  	_ =	shalt  }
0x6d: {  	_ =	shalt  }
0x6e: {  	_ =	shalt  }
0x6f: {  	_ =	shalt  }
0x70: {  	_ =	shalt  }
0x71: {  	_ =	shalt  }
0x72: {  	_ =	shalt  }
0x73: {  	_ =	shalt  }
0x74: {  	_ =	shalt  }
0x75: {  	_ =	shalt  }
0x76: {  	_ =	shalt  }
0x77: {  	_ =	shalt  }
0x78: {  	_ =	shalt  }
0x79: {  	_ =	shalt  }
0x7a: {  	_ =	shalt  }
0x7b: {  	_ =	shalt  }
0x7c: {  	_ =	shalt  }
0x7d: {  	_ =	shalt  }
0x7e: {  	_ =	shalt  }
0x7f: {  	_ =	shalt  }
0x80: {  	_ =	shalt  }
0x81: {  	_ =	shalt  }
0x82: {  	_ =	shalt  }
0x83: {  	_ =	shalt  }
0x84: {  	_ =	shalt  }
0x85: {  	_ =	shalt  }
0x86: {  	_ =	shalt  }
0x87: {  	_ =	shalt  }
.Lfunc_end0:
.L_simem_size_0:
called_computation.2_lowered:
.L_overlay_start_0:
0x88: {  	s2 =	sld [smem:$0x3FD9]  }
0x89: {  	s3 =	sld [smem:$0x3FFE];
	_ =	sdelay $0x1  }
0x8a: {  	s1 =	srdreg.scid  }
0x8b: {  	s0 =	sand.u32 $0x1, s1  }
0x8c: {  	s16 =	sshll.u32 s0, $0xA;
	s2 =	sadd.s32 s3, s2  }
0x8d: {  	s2 =	sadd.s32 s2, s16  }
0x8e: {  	[smem:$0x3FA7] =	sst s2  }
0x8f: {  	_ = 	snop  }
0x90: {  	(tm) =	ssettm $0x1  }
0x91: {  	s17 =	sld [smem:$0x3FFB];
	_ =	sdelay $0x3  }
0x92: {  	_ =	strace s17  }
0x93: {  	s2 =	sld [smem:$0x3FFC];
	_ =	sdelay $0x3  }
0x94: {  	_ =	strace s2  }
0x95: {  	s2 =	sld [smem:$0x3FFD];
	_ =	sdelay $0x3  }
0x96: {  	_ =	strace s2  }
0x97: {  	_ =	strace $0x8FFFFFFF  }
0x98: {  	s18 =	sld [smem:$0x3FDB];
	_ =	sdelay $0x1  }
0x99: {  	s19 =	simm.s32 $_scs_section_size  }
0x9a: {  	s4 =	simm.s32 $_size__tile_overlayer_lowered;
	s5 =	simm.s32 $_tile_overlayer_lowered  }
0x9b: {  	s22 =	simm.s32 $0x1BFF;
	s21 =	sshll.u32 s5, $0x1;
	s2 =	sadd.s32 s19, s18  }
0x9c: {  	s6 =	simm.s32 $0x0;
	s20 =	sshll.u32 s4, $0x1;
	s4 =	sadd.s32 s21, s2  }
0x9d: {  	[timem:s6], [sflag:s22] =	dma.local [hbm:s4], s20  }
0x9e: {  	_ =	swait.ge [sflag:s22], s20  }
0x9f: {  	s3 =	ssub.s32 $0x0, s20;
	[sflag:s22] =	ssyncset.done $0x0  }
0xa0: {  	[sflag:s22] =	ssyncadd.s32 s3;
	_ =	sdelay $0x1  }
0xa1: {  	s23 =	simm.s32 $0x1B8B  }
0xa2: {  	_ =	swait.ge [sflag:s23], $0x1  }
0xa3: {  	[sflag:s23] =	ssyncset.done $0x0  }
0xa4: {  	s25 =	simm.s32 $0x1B8E;
	s24 =	sld [smem:$0x3FFE];
	[sflag:s23] =	ssyncadd.s32 $0xFFFFFFFF  }
0xa5: {  	s26 =	simm.s32 $execute0_lowered;
	[smem:$0x3FD2] =	sst s25  }
0xa6: {  	s4 =	sshll.u32 s26, $0x1;
	_ =	strace $0x8000004C;
	[dreg:$0x1] =	wrdreg $0xFFFFFFFF  }
0xa7: {  	s28 =	simm.s32 $_size_execute0_lowered;
	s2 =	sadd.s32 s2, s4;
	[dreg:$0x0] =	wrdreg $0x0  }
0xa8: {  	s4 =	sshll.u32 s28, $0x1;
	[dreg:$0x2] =	wrdreg s2  }
0xa9: {  	[dreg:$0x3] =	wrdreg s4  }
0xaa: {  	[dreg:$0x4] =	wrdreg $0xC0  }
0xab: {  	_ =	task [dreg:s6], $0x5FFFF  }
0xac: {  	[dreg:$0x1] =	wrdreg $0xFFFFFFFF  }
0xad: {  	[dreg:$0x0] =	wrdreg $0x60  }
0xae: {  	[dreg:$0x2] =	wrdreg s24  }
0xaf: {  	[dreg:$0x3] =	wrdreg $0xBC000  }
0xb0: {  	[dreg:$0x4] =	wrdreg $0x9  }
0xb1: {  	_ =	task.clear_ibuf [dreg:s6], $0x5FFFF;
	_ =	strace $0x9000004C  }
0xb2: {  	s29 =	simm.s32 $0x9;
	_ =	strace $0x8000004E  }
0xb3: {  	_ =	swait.ge [sflag:s29], $0x1  }
0xb4: {  	[sflag:s29] =	ssyncadd.s32 $0xFFFFFFFF  }
0xb5: {  	_ =	strace $0x9000004E  }
0xb6: {  	_ =	sfence  }
0xb7: {  	s30 =	sld [smem:$0x0];
	_ =	sdelay $0x2  }
0xb8: {  	s31 =	sshll.u32 s1, $0xD;
	s1 =	sshrl.u32 s1, $0x2  }
0xb9: {  	s3 =	sand.u32 $0x4000, s31;
	s1 =	sadd.s32 s1, s30  }
0xba: {  	s0 =	sor.u32 s3, s0;
	s1 =	sshll.u32 s1, $0x11  }
0xbb: {  	s0 =	sor.u32 s1, s0  }
0xbc: {  	s0 =	sadd.s32 $0x8F2B, s0  }
0xbd: {  	[sflag:s0] =	ssyncadd.remote.s32 $0x1  }
0xbe: {  	_ =	sfence.sel $0xFFFF  }
0xbf: {  	[dreg:$0x0] =	wrdreg $0xFFFFFFFF;
	(pc) =	sbr.abs _section_cstart, $3  }
0xc0: {  	[dreg:$0x1] =	wrdreg $0xFFFFFFFF  }
0xc1: {  	_ =	task.clear_ibuf [dreg:s6], $0x2FFFF;
	_ =	strace $0x9FFFFFFF  }
0xc2: {  	(tm) =	ssettm $0x7FFFFFFF  }
0xc3: {  	_ =	shalt  }
tec
execute0_lowered:
.L_overlay_start_1:
0x0: {  	(tag) =	ssettag $0x1  }
0x1: {  	s0 =	rddreg [dreg:$0x0]  }
0x2: {  	s2 =	rddreg [dreg:$0x1];
	s3 =	stileid.u32;
	s5 =	simm.s32 $0x0  }
0x3: {  	s1 =	srdreg.scid;
	s13 =	simm.s32 $0x3C;
	s16 =	simm.s32 $0x3C00  }
0x4: {  	s17 =	simm.s32 $0x9;
	s18 =	simm.s32 $0x1;
	s19 =	simm.s32 $0x2  }
0x5: {  	s20 =	simm.s32 $0x80;
	s28 =	simm.s32 $0x3;
	s4 =	smul.u32 $0x14, s3  }
0x6: {  	s30 =	simm.s32 $0x5;
	[smem:$0x7FF] =	sst s5;
	s5 =	smul.u32 $0x3C, s3  }
0x7: {  	s29 =	simm.s32 $0x8;
	s1 =	sand.u32 $0x1, s1;
	s7 =	smul.u32 $0xA000, s3  }
0x8: {  	s31 =	simm.s32 $0x0;
	s9 =	smul.u32 $0x28000, s3;
	p0 =	seq.s32 s1, $0x0  }
0x9: {  	s21 =	smul.u32 $0xA0000, s1;
	_ =	strace $0x8000004D;
	s1 =	ssub.s32 $0x2, s1  }
0xa: {  	s6 =	sadd.s32 $0x3C0, s4;
	s4 =	sadd.s32 $0xFA00, s0;
	s8 =	sshrl.u32 s1, $0x1  }
0xb: {  	s13 =	simm.s32 @!p0 $0x14;
	s23 =	sshrl.u32 s9, $0x2;
	s6 =	smov.u32 @p0 s5  }
0xc: {  	s5 =	sadd.s32 s7, s21;
	s1 =	ssub.s32 s1, s8;
	s7 =	sadd.s32 s7, s2  }
0xd: {  	s11 =	sadd.s32 s23, s2;
	s12 =	sadd.s32 $0xFFFFFFFE, s13;
	s15 =	sshll.u32 s13, $0x9  }
0xe: {  	s21 =	simm.s32 $0x5C00;
	s23 =	simm.s32 $0x7C00;
	s6 =	sshll.u32 s6, $0x4  }
0xf: {  	s5 =	sshrl.u32 s5, $0x3;
	s25 =	sadd.s32 $0x2000, s11;
	s9 =	sadd.s32 $0x4000, s11  }
0x10: {  	s10 =	sadd.s32 $0x6000, s11;
	s11 =	sadd.s32 $0x8000, s11;
	s14 =	smax.u32 s1, $0x1  }
0x11: {  	s26 =	sadd.s32 $0xFFFFF000, s15;
	s15 =	simm.s32 $0x1E00;
	[dreg:$0x6] =	wrdreg s25  }
0x12: {  	s6 =	sadd.s32 s6, s0;
	s0 =	sadd.s32 s5, s0;
	[dreg:$0x3] =	wrdreg s26  }
0x13: {  	s26 =	simm.s32 $0x9C00;
	s25 =	simm.s32 $0x7;
	s22 =	sadd.s32 $0x5200, s6  }
0x14: {  	s24 =	sadd.s32 $0xA5C0, s6;
	s13 =	sadd.s32 $0x23400, s0;
	[dreg:$0x4] =	wrdreg s22  }
0x15: {  	v0 =	vimm.f32 $0.0e+00;
	s0 =	simm.s32 $0x4;
	[dreg:$0x5] =	wrdreg s24;
	s22 =	simm.s32 $0x6  }
.LBB2_1:
0x16: {  	s1 =	simm.s32 $0x0;
	s3 =	rddreg [dreg:$0x4]  }
0x17: {  	[tilespmem:s1], [sflag:$0x1] =	stream.linear.gather [hbm4b:s3+s1], $0x1E00, $0x38;
	[tilespmem:$0x15C00] =	vst v63  }
0x18: {  	s24 =	rddreg [dreg:$0x5]  }
0x19: {  	[tilespmem:s15], [sflag:$0x2] =	stream.linear.gather [hbm4b:s24+s1], $0x1E00, $0x38;
	[tilespmem:$0x15C00] =	vst v63  }
0x1a: {  	s24 =	simm.s32 $0x100;
	s1 =	simm.s32 $0x0  }
.LBB2_2:
0x1b: {  	p0 =	sne.s32 s24, $0x7F00;
	[tilespmem:s1+$0x3C30] =	vst v0;
	s3 =	smov.u32 s24;
	s24 =	sadd.s32 $0x100, s24  }
.Ltmp0:
0x1c: {  	[tilespmem:s1+$0x3C20] =	vst v0;
	(pc) =	sbr.rel @p0 .LBB2_2-.Ltmp0, $3  }
0x1d: {  	[tilespmem:s1+$0x3C00] =	vst v0  }
0x1e: {  	[tilespmem:s1+$0x3C10] =	vst v0;
	_ =	sdelay $0x1  }
0x1f: {  	s1 =	sshra.s32 s3, $0x2  }
0x20: {  	[tilespmem:s1+$0x3C30] =	vst v0  }
0x21: {  	[tilespmem:s1+$0x3C20] =	vst v0  }
0x22: {  	[tilespmem:s1+$0x3C00] =	vst v0  }
0x23: {  	[tilespmem:s1+$0x3C10] =	vst v0  }
0x24: {  	[spmem:s7] =	stream.linear.scatter [tilespmem:s16], [sflag:$0x9], $0x2000, $0x38;
	[tilespmem:$0x15C00] =	vst v63  }
0x25: {  	_ =	swait.ge [sflag:s17], $0x2000  }
0x26: {  	[sflag:s17] =	ssyncset.done $0x0  }
0x27: {  	s6 =	rddreg [dreg:$0x6];
	[sflag:s17] =	ssyncadd.s32 $0xFFFFE000  }
0x28: {  	[spmem:s6] =	stream.linear.scatter [tilespmem:s16], [sflag:$0x9], $0x2000, $0x38;
	[tilespmem:$0x15C00] =	vst v63  }
0x29: {  	_ =	swait.ge [sflag:s17], $0x2000  }
0x2a: {  	[sflag:s17] =	ssyncset.done $0x0  }
0x2b: {  	[sflag:s17] =	ssyncadd.s32 $0xFFFFE000  }
0x2c: {  	[spmem:s9] =	stream.linear.scatter [tilespmem:s16], [sflag:$0x9], $0x2000, $0x38;
	[tilespmem:$0x15C00] =	vst v63  }
0x2d: {  	_ =	swait.ge [sflag:s17], $0x2000  }
0x2e: {  	[sflag:s17] =	ssyncset.done $0x0  }
0x2f: {  	[sflag:s17] =	ssyncadd.s32 $0xFFFFE000  }
0x30: {  	[spmem:s10] =	stream.linear.scatter [tilespmem:s16], [sflag:$0x9], $0x2000, $0x38;
	[tilespmem:$0x15C00] =	vst v63  }
0x31: {  	_ =	swait.ge [sflag:s17], $0x2000  }
0x32: {  	[sflag:s17] =	ssyncset.done $0x0  }
0x33: {  	[sflag:s17] =	ssyncadd.s32 $0xFFFFE000  }
0x34: {  	[spmem:s11] =	stream.linear.scatter [tilespmem:s16], [sflag:$0x9], $0x2000, $0x38;
	[tilespmem:$0x15C00] =	vst v63  }
0x35: {  	_ =	swait.ge [sflag:s17], $0x2000  }
0x36: {  	[sflag:s17] =	ssyncset.done $0x0  }
0x37: {  	[sflag:s17] =	ssyncadd.s32 $0xFFFFE000  }
0x38: {  	_ =	swait.ge [sflag:s18], $0x1E00  }
0x39: {  	[sflag:s18] =	ssyncset.done $0x0  }
0x3a: {  	[sflag:s18] =	ssyncadd.s32 $0xFFFFE200  }
0x3b: {  	_ =	swait.ge [sflag:s19], $0x1E00  }
0x3c: {  	[sflag:s19] =	ssyncset.done $0x0  }
0x3d: {  	[sflag:s19] =	ssyncadd.s32 $0xFFFFE200  }
0x3e: {  	s1 =	simm.s32 $0x0;
	[bflag:$0x0] =	sbarrier.arrive $0xFFFF  }
0x3f: {  	[tilespmem:s16], [sflag:$0x1] =	stream.indirect.gather [hbm4b:s4+s20], $0x40, s1, s20, $0xb8;
	[tilespmem:$0x15C00] =	vst v63  }
0x40: {  	_ = 	snop  }
0x41: {  	[tilespmem:s21], [sflag:$0x2] =	stream.indirect.gather [hbm4b:s4+s20], $0x40, s20, s20, $0xb8;
	[tilespmem:$0x15C00] =	vst v63  }
0x42: {  	_ =	swait.ge [sflag:s18], $0x2000  }
0x43: {  	[sflag:s18] =	ssyncset.done $0x0  }
0x44: {  	[sflag:s18] =	ssyncadd.s32 $0xFFFFE000  }
0x45: {  	[spmem:s2] =	stream.indirect.scatter.add.f32 [tilespmem:s16], [sflag:$0x5], $0x40, s15, s20, $0xb8;
	[tilespmem:$0x15C00] =	vst v63  }
0x46: {  	s3 =	simm.s32 $0x100  }
0x47: {  	[tilespmem:s23], [sflag:$0x3] =	stream.indirect.gather [hbm4b:s4+s20], $0x40, s3, s20, $0xb8;
	[tilespmem:$0x15C00] =	vst v63  }
0x48: {  	_ =	swait.ge [sflag:s19], $0x2000  }
0x49: {  	[sflag:s19] =	ssyncset.done $0x0  }
0x4a: {  	s8 =	simm.s32 $0x1E80;
	[sflag:s19] =	ssyncadd.s32 $0xFFFFE000  }
0x4b: {  	[spmem:s2] =	stream.indirect.scatter.add.f32 [tilespmem:s21], [sflag:$0x6], $0x40, s8, s20, $0xb8;
	[tilespmem:$0x15C00] =	vst v63  }
0x4c: {  	s24 =	simm.s32 $0x180  }
0x4d: {  	[tilespmem:s26], [sflag:$0x4] =	stream.indirect.gather [hbm4b:s4+s20], $0x40, s24, s20, $0xb8;
	[tilespmem:$0x15C00] =	vst v63  }
0x4e: {  	_ =	swait.ge [sflag:s28], $0x2000  }
0x4f: {  	[sflag:s28] =	ssyncset.done $0x0  }
0x50: {  	s5 =	simm.s32 $0x1F00;
	[sflag:s28] =	ssyncadd.s32 $0xFFFFE000  }
0x51: {  	[spmem:s2] =	stream.indirect.scatter.add.f32 [tilespmem:s23], [sflag:$0x7], $0x40, s5, s20, $0xb8;
	[tilespmem:$0x15C00] =	vst v63  }
0x52: {  	_ =	swait.ge [sflag:s30], $0x2000  }
0x53: {  	[sflag:s30] =	ssyncset.done $0x0  }
0x54: {  	s6 =	simm.s32 $0x200;
	[sflag:s30] =	ssyncadd.s32 $0xFFFFE000  }
0x55: {  	[tilespmem:s16], [sflag:$0x1] =	stream.indirect.gather [hbm4b:s4+s20], $0x40, s6, s20, $0xb8;
	[tilespmem:$0x15C00] =	vst v63  }
0x56: {  	_ =	swait.ge [sflag:s0], $0x2000  }
0x57: {  	[sflag:s0] =	ssyncset.done $0x0  }
0x58: {  	s8 =	simm.s32 $0x1F80;
	[sflag:s0] =	ssyncadd.s32 $0xFFFFE000  }
0x59: {  	[spmem:s2] =	stream.indirect.scatter.add.f32 [tilespmem:s26], [sflag:$0x8], $0x40, s8, s20, $0xb8;
	[tilespmem:$0x15C00] =	vst v63  }
0x5a: {  	_ =	swait.ge [sflag:s22], $0x2000  }
0x5b: {  	[sflag:s22] =	ssyncset.done $0x0  }
0x5c: {  	s24 =	simm.s32 $0x280;
	[sflag:s22] =	ssyncadd.s32 $0xFFFFE000  }
0x5d: {  	[tilespmem:s21], [sflag:$0x2] =	stream.indirect.gather [hbm4b:s4+s20], $0x40, s24, s20, $0xb8;
	[tilespmem:$0x15C00] =	vst v63  }
0x5e: {  	s24 =	simm.s32 $0x7  }
.LBB2_4:
0x5f: {  	_ =	swait.ge [sflag:s18], $0x2000;
	s5 =	sadd.s32 $0xFFFFFFFD, s24  }
0x60: {  	s3 =	sshra.s32 s1, $0x2;
	[sflag:s18] =	ssyncset.done $0x0;
	p0 =	sge.u32 s5, s12  }
0x61: {  	s6 =	sadd.s32 $0x2000, s3;
	[sflag:s18] =	ssyncadd.s32 $0xFFFFE000;
	s5 =	simm.s32 @!p0 $0x7  }
0x62: {  	[spmem:s2] =	stream.indirect.scatter.add.f32 [tilespmem:s16], [sflag:$0x5], $0x40, s6, s20, $0xb8;
	[tilespmem:$0x15C00] =	vst v63  }
0x63: {  	_ =	swait.ge @!p0 [sflag:s5], $0x2000  }
0x64: {  	[sflag:s5] =	ssyncset.done @!p0 $0x0  }
0x65: {  	[sflag:s5] =	ssyncadd.s32 @!p0 $0xFFFFE000;
	s5 =	sshra.s32 @!p0 s1, $0x2  }
0x66: {  	s8 =	simm.s32 @!p0 $0x7C00;
	s6 =	simm.s32 @!p0 $0x80;
	s5 =	sadd.s32 @!p0 $0x300, s5  }
0x67: {  	[tilespmem:s8], [sflag:$0x3] =	stream.indirect.gather @!p0 [hbm4b:s4+s6], $0x40, s5, s6, $0xb8;
	[tilespmem:$0x15C00] =	vst v63  }
0x68: {  	s5 =	sadd.s32 $0xFFFFFFFE, s24;
	_ =	swait.ge [sflag:s19], $0x2000  }
0x69: {  	p0 =	sge.u32 s5, s12;
	[sflag:s19] =	ssyncset.done $0x0  }
0x6a: {  	s8 =	sadd.s32 $0x2080, s3;
	s5 =	simm.s32 @!p0 $0x8;
	[sflag:s19] =	ssyncadd.s32 $0xFFFFE000  }
0x6b: {  	[spmem:s2] =	stream.indirect.scatter.add.f32 [tilespmem:s21], [sflag:$0x6], $0x40, s8, s20, $0xb8;
	[tilespmem:$0x15C00] =	vst v63  }
0x6c: {  	_ =	swait.ge @!p0 [sflag:s5], $0x2000  }
0x6d: {  	[sflag:s5] =	ssyncset.done @!p0 $0x0  }
0x6e: {  	[sflag:s5] =	ssyncadd.s32 @!p0 $0xFFFFE000;
	s5 =	sshra.s32 @!p0 s1, $0x2  }
0x6f: {  	s6 =	simm.s32 @!p0 $0x80;
	s8 =	simm.s32 @!p0 $0x9C00;
	s5 =	sadd.s32 @!p0 $0x380, s5  }
0x70: {  	[tilespmem:s8], [sflag:$0x4] =	stream.indirect.gather @!p0 [hbm4b:s4+s6], $0x40, s5, s6, $0xb8;
	[tilespmem:$0x15C00] =	vst v63  }
0x71: {  	s5 =	sadd.s32 $0xFFFFFFFF, s24;
	_ =	swait.ge [sflag:s28], $0x2000  }
0x72: {  	p0 =	sge.u32 s5, s12;
	[sflag:s28] =	ssyncset.done $0x0  }
0x73: {  	s8 =	sadd.s32 $0x2100, s3;
	s5 =	simm.s32 @!p0 $0x5;
	[sflag:s28] =	ssyncadd.s32 $0xFFFFE000  }
0x74: {  	[spmem:s2] =	stream.indirect.scatter.add.f32 [tilespmem:s23], [sflag:$0x7], $0x40, s8, s20, $0xb8;
	[tilespmem:$0x15C00] =	vst v63  }
0x75: {  	_ =	swait.ge @!p0 [sflag:s5], $0x2000  }
0x76: {  	[sflag:s5] =	ssyncset.done @!p0 $0x0  }
0x77: {  	[sflag:s5] =	ssyncadd.s32 @!p0 $0xFFFFE000;
	s5 =	sshra.s32 @!p0 s1, $0x2  }
0x78: {  	s6 =	simm.s32 @!p0 $0x80;
	s8 =	simm.s32 @!p0 $0x3C00;
	s5 =	sadd.s32 @!p0 $0x400, s5  }
0x79: {  	[tilespmem:s8], [sflag:$0x1] =	stream.indirect.gather @!p0 [hbm4b:s4+s6], $0x40, s5, s6, $0xb8;
	[tilespmem:$0x15C00] =	vst v63  }
0x7a: {  	_ =	swait.ge [sflag:s0], $0x2000  }
0x7b: {  	[sflag:s0] =	ssyncset.done $0x0  }
0x7c: {  	s3 =	sadd.s32 $0x2180, s3;
	p0 =	sge.u32 s24, s12;
	[sflag:s0] =	ssyncadd.s32 $0xFFFFE000  }
0x7d: {  	[spmem:s2] =	stream.indirect.scatter.add.f32 [tilespmem:s26], [sflag:$0x8], $0x40, s3, s20, $0xb8;
	[tilespmem:$0x15C00] =	vst v63  }
0x7e: {  	s3 =	simm.s32 @!p0 $0x6  }
0x7f: {  	s5 =	sshra.s32 @!p0 s1, $0x2;
	s6 =	simm.s32 @!p0 $0x5C00;
	_ =	swait.ge @!p0 [sflag:s3], $0x2000  }
0x80: {  	s1 =	sadd.s32 $0x800, s1;
	[sflag:s3] =	ssyncset.done @!p0 $0x0;
	s8 =	rddreg [dreg:$0x3]  }
0x81: {  	[sflag:s3] =	ssyncadd.s32 @!p0 $0xFFFFE000;
	s3 =	sadd.s32 @!p0 $0x480, s5;
	s5 =	simm.s32 @!p0 $0x80  }
0x82: {  	[tilespmem:s6], [sflag:$0x2] =	stream.indirect.gather @!p0 [hbm4b:s4+s5], $0x40, s3, s5, $0xb8;
	[tilespmem:$0x15C00] =	vst v63  }
0x83: {  	p0 =	sne.s32 s8, s1  }
.Ltmp1:
0x84: {  	_ = 	snop;
	(pc) =	sbr.rel @p0 .LBB2_4-.Ltmp1, $2  }
0x85: {  	_ =	sdelay $0x2  }
0x86: {  	s24 =	sadd.s32 $0x4, s24  }
0x87: {  	_ =	swait.ge [sflag:s18], $0x2000;
	s5 =	sadd.s32 $0xFFFFFFFD, s24  }
0x88: {  	s3 =	sshra.s32 s1, $0x2;
	[sflag:s18] =	ssyncset.done $0x0;
	p0 =	sge.u32 s5, s12  }
0x89: {  	s6 =	sadd.s32 $0x2000, s3;
	[sflag:s18] =	ssyncadd.s32 $0xFFFFE000;
	s5 =	simm.s32 @!p0 $0x7  }
0x8a: {  	[spmem:s2] =	stream.indirect.scatter.add.f32 [tilespmem:s16], [sflag:$0x5], $0x40, s6, s20, $0xb8;
	[tilespmem:$0x15C00] =	vst v63  }
0x8b: {  	_ =	swait.ge @!p0 [sflag:s5], $0x2000  }
0x8c: {  	[sflag:s5] =	ssyncset.done @!p0 $0x0  }
0x8d: {  	[sflag:s5] =	ssyncadd.s32 @!p0 $0xFFFFE000;
	s5 =	sshra.s32 @!p0 s1, $0x2  }
0x8e: {  	s8 =	simm.s32 @!p0 $0x7C00;
	s6 =	simm.s32 @!p0 $0x80;
	s5 =	sadd.s32 @!p0 $0x300, s5  }
0x8f: {  	[tilespmem:s8], [sflag:$0x3] =	stream.indirect.gather @!p0 [hbm4b:s4+s6], $0x40, s5, s6, $0xb8;
	[tilespmem:$0x15C00] =	vst v63  }
0x90: {  	s5 =	sadd.s32 $0xFFFFFFFE, s24;
	_ =	swait.ge [sflag:s19], $0x2000  }
0x91: {  	p0 =	sge.u32 s5, s12;
	[sflag:s19] =	ssyncset.done $0x0  }
0x92: {  	s8 =	sadd.s32 $0x2080, s3;
	s5 =	simm.s32 @!p0 $0x8;
	[sflag:s19] =	ssyncadd.s32 $0xFFFFE000  }
0x93: {  	[spmem:s2] =	stream.indirect.scatter.add.f32 [tilespmem:s21], [sflag:$0x6], $0x40, s8, s20, $0xb8;
	[tilespmem:$0x15C00] =	vst v63  }
0x94: {  	_ =	swait.ge @!p0 [sflag:s5], $0x2000  }
0x95: {  	[sflag:s5] =	ssyncset.done @!p0 $0x0  }
0x96: {  	[sflag:s5] =	ssyncadd.s32 @!p0 $0xFFFFE000;
	s5 =	sshra.s32 @!p0 s1, $0x2  }
0x97: {  	s6 =	simm.s32 @!p0 $0x80;
	s8 =	simm.s32 @!p0 $0x9C00;
	s5 =	sadd.s32 @!p0 $0x380, s5  }
0x98: {  	[tilespmem:s8], [sflag:$0x4] =	stream.indirect.gather @!p0 [hbm4b:s4+s6], $0x40, s5, s6, $0xb8;
	[tilespmem:$0x15C00] =	vst v63  }
0x99: {  	s5 =	sadd.s32 $0xFFFFFFFF, s24;
	_ =	swait.ge [sflag:s28], $0x2000  }
0x9a: {  	p0 =	sge.u32 s5, s12;
	[sflag:s28] =	ssyncset.done $0x0  }
0x9b: {  	s8 =	sadd.s32 $0x2100, s3;
	s5 =	simm.s32 @!p0 $0x5;
	[sflag:s28] =	ssyncadd.s32 $0xFFFFE000  }
0x9c: {  	[spmem:s2] =	stream.indirect.scatter.add.f32 [tilespmem:s23], [sflag:$0x7], $0x40, s8, s20, $0xb8;
	[tilespmem:$0x15C00] =	vst v63  }
0x9d: {  	_ =	swait.ge @!p0 [sflag:s5], $0x2000  }
0x9e: {  	[sflag:s5] =	ssyncset.done @!p0 $0x0  }
0x9f: {  	[sflag:s5] =	ssyncadd.s32 @!p0 $0xFFFFE000;
	s5 =	sshra.s32 @!p0 s1, $0x2  }
0xa0: {  	s6 =	simm.s32 @!p0 $0x80;
	s8 =	simm.s32 @!p0 $0x3C00;
	s5 =	sadd.s32 @!p0 $0x400, s5  }
0xa1: {  	[tilespmem:s8], [sflag:$0x1] =	stream.indirect.gather @!p0 [hbm4b:s4+s6], $0x40, s5, s6, $0xb8;
	[tilespmem:$0x15C00] =	vst v63  }
0xa2: {  	_ =	swait.ge [sflag:s0], $0x2000  }
0xa3: {  	[sflag:s0] =	ssyncset.done $0x0  }
0xa4: {  	s3 =	sadd.s32 $0x2180, s3;
	p0 =	sge.u32 s24, s12;
	[sflag:s0] =	ssyncadd.s32 $0xFFFFE000  }
0xa5: {  	[spmem:s2] =	stream.indirect.scatter.add.f32 [tilespmem:s26], [sflag:$0x8], $0x40, s3, s20, $0xb8;
	[tilespmem:$0x15C00] =	vst v63  }
0xa6: {  	s3 =	simm.s32 @!p0 $0x6  }
0xa7: {  	_ =	swait.ge @!p0 [sflag:s3], $0x2000  }
0xa8: {  	s1 =	sshra.s32 @!p0 s1, $0x2;
	s5 =	simm.s32 @!p0 $0x5C00;
	[sflag:s3] =	ssyncset.done @!p0 $0x0  }
0xa9: {  	s1 =	sadd.s32 @!p0 $0x480, s1;
	[sflag:s3] =	ssyncadd.s32 @!p0 $0xFFFFE000;
	s3 =	simm.s32 @!p0 $0x80  }
0xaa: {  	[tilespmem:s5], [sflag:$0x2] =	stream.indirect.gather @!p0 [hbm4b:s4+s3], $0x40, s1, s3, $0xb8;
	[tilespmem:$0x15C00] =	vst v63  }
0xab: {  	_ =	swait.ge [sflag:s30], $0x2000  }
0xac: {  	[sflag:s30] =	ssyncset.done $0x0  }
0xad: {  	[sflag:s30] =	ssyncadd.s32 $0xFFFFE000  }
0xae: {  	_ =	swait.ge [sflag:s22], $0x2000  }
0xaf: {  	[sflag:s22] =	ssyncset.done $0x0  }
0xb0: {  	[sflag:s22] =	ssyncadd.s32 $0xFFFFE000  }
0xb1: {  	_ =	swait.ge [sflag:s25], $0x2000  }
0xb2: {  	[sflag:s25] =	ssyncset.done $0x0  }
0xb3: {  	[sflag:s25] =	ssyncadd.s32 $0xFFFFE000  }
0xb4: {  	s31 =	sadd.s32 $0x1, s31;
	_ =	swait.ge [sflag:s29], $0x2000  }
0xb5: {  	s8 =	stileid.u32;
	s24 =	sshrl.u32 s7, $0x3;
	[sflag:s29] =	ssyncset.done $0x0  }
0xb6: {  	s1 =	sshll.u32 s8, $0x6;
	p0 =	sne.s32 s31, s14;
	[sflag:s29] =	ssyncadd.s32 $0xFFFFE000  }
.Ltmp2:
0xb7: {  	s1 =	sor.u32 $0x1C09, s1;
	[bflag:$0x0] =	sbarrier.arrive $0xFFFF;
	(pc) =	sbr.rel @p0 .LBB2_1-.Ltmp2, $4  }
0xb8: {  	[hbm:s13], [sflag:s1] =	dma.local [spmem:s24], $0x1400  }
0xb9: {  	_ =	swait.ge [sflag:s17], $0x1400  }
0xba: {  	[sflag:s17] =	ssyncset.done $0x0  }
0xbb: {  	[sflag:s17] =	ssyncadd.s32 $0xFFFFEC00  }
0xbc: {  	_ =	sfence.sel $0x180000  }
0xbd: {  	[bflag:$0x0] =	sbarrier.arrive $0xFFFF  }
0xbe: {  	_ =	strace $0x9000004D  }
0xbf: {  	s0 =	stileid.u32;
	[bflag:$0x2] =	sbarrier.arrive $0xFFFF  }
0xc0: {  	p0 =	sne.s32 s0, $0x0;
	s0 =	rddreg [dreg:$0x2]  }
0xc1: {  	s0 =	sadd.s32 @!p0 $0x100000, s0  }
0xc2: {  	[sflag:s0] =	ssyncadd.tile.s32 @!p0 $0x1;
	_ =	shalt  }
.Lfunc_end2:
_tile_overlayer_lowered:
.L_overlay_start_2:
0xc3: {  	(tag) =	ssettag $0x2  }
0xc4: {  	s0 =	rddreg [dreg:$0x0];
	s2 =	stileid.u32  }
0xc5: {  	s1 =	rddreg [dreg:$0x1];
	p0 =	sne.s32 s2, $0x0  }
0xc6: {  	s3 =	rddreg [dreg:$0x2];
	[bflag:$0x3] =	sbarrier.arrive $0xFFFF;
	s2 =	simm.s32 @!p0 $0x1C09  }
0xc7: {  	[timem:s3], [sflag:s2] =	dma.local @!p0 [hbm:s0], s1  }
0xc8: {  	s0 =	simm.s32 @!p0 $0x9  }
0xc9: {  	_ =	swait.ge @!p0 [sflag:s0], s1  }
0xca: {  	s1 =	ssub.s32 @!p0 $0x0, s1;
	[sflag:s0] =	ssyncset.done @!p0 $0x0  }
0xcb: {  	[sflag:s0] =	ssyncadd.s32 @!p0 s1  }
0xcc: {  	[bflag:$0x3] =	sbarrier.arrive $0xFFFF  }
0xcd: {  	_ =	shalt  }

// kernel: kernel.9.cloned.1.call-start
scs
__scs_entry_jumppad:
0x0: {  	(pc) =	sbr.rel $0x88, $3  }
0x1: {  	(tag) =	ssettag $0x0;
	lr =	simm.s32 $0x1  }
0x2: {  	[smem:$0x3F80] =	sst lr;
	_ =	strace $0xD0000000  }
0x3: {  	_ = 	snop  }
0x4: {  	_ = 	snop  }
0x5: {  	_ = 	snop  }
0x6: {  	_ = 	snop  }
0x7: {  	_ = 	snop  }
__scs_overlays_trampoline_lowered:
0x8: {  	[smem:$0x3F8F] =	sst s0  }
0x9: {  	[smem:$0x3F90] =	sst s1  }
0xa: {  	[smem:$0x3F91] =	sst s2  }
0xb: {  	[smem:$0x3F92] =	sst s3  }
0xc: {  	[smem:$0x3F93] =	sst s4  }
0xd: {  	[smem:$0x3F94] =	sst s5  }
0xe: {  	[smem:$0x3F95] =	sst s6  }
0xf: {  	[smem:$0x3F96] =	sst s7  }
0x10: {  	[smem:$0x3F97] =	sst s8  }
0x11: {  	[smem:$0x3F98] =	sst s9;
	s0 =	simm.s32 @!p0 $0x0  }
0x12: {  	s1 =	sld [smem:$0x3F7E];
	s0 =	simm.s32 @p0 $0x1  }
0x13: {  	[smem:$0x3F99] =	sst s0;
	s0 =	simm.s32 @!p1 $0x0  }
0x14: {  	s2 =	sld [smem:$0x3F7D];
	s0 =	simm.s32 @p1 $0x1  }
0x15: {  	[smem:$0x3F9A] =	sst s0;
	s0 =	simm.s32 @!p2 $0x0  }
0x16: {  	s3 =	sld [smem:$0x3FDB];
	s0 =	simm.s32 @p2 $0x1  }
0x17: {  	s4 =	simm.s32 $0x1BF5;
	[smem:$0x3F9C] =	sst s0  }
0x18: {  	s0 =	sld [smem:$0x3F7F];
	_ =	swait.ge [sflag:s4], $0x0  }
0x19: {  	s7 =	sld [smem:$0x3F80]  }
0x1a: {  	s8 =	sadd.s32 $0xFFFFE003, lr  }
0x1b: {  	s9 =	sadd.s32 $0xFFFFFEF7, lr;
	s5 =	simm.s32 $0xFFFFFFFF;
	p2 =	slt.u32 s8, $0xFFFFF086  }
0x1c: {  	p1 =	slt.u32 s9, $0xF7A;
	s5 =	simm.s32 @!p2 $0x0  }
0x1d: {  	s5 =	simm.s32 @p1 $0x1;
	p0 =	seq.s32 s7, s2  }
0x1e: {  	s7 =	smul.u32 @!p0 $0xF7A, s2;
	p2 =	seq.s32 @!p0 s5, $0x0  }
0x1f: {  	s9 =	smul.u32 $0xF7A, s1;
	s8 =	simm.s32 @!p0 $0x1BF5;
	p2 =	por !p2, p0  }
0x20: {  	[sflag:s8] =	ssyncset.s32 @!p0 $0xFFFFF086;
	s6 =	sadd.s32 @!p0 s3, s7;
	s7 =	simm.s32 @!p0 $0x108  }
0x21: {  	s3 =	sadd.s32 s3, s9;
	s6 =	sadd.s32 @!p0 $0x88, s6;
	s7 =	simm.s32 @p2 $0x1082  }
0x22: {  	[simem:s7], [sflag:s8] =	dma.local @!p0 [hbm:s6], $0xF7A  }
0x23: {  	s9 =	sor.u32 $0xD0000000, s2;
	s6 =	simm.s32 $0x108;
	_ =	swait.ge @!p0 [sflag:s8], $0x0  }
0x24: {  	s3 =	sadd.s32 $0x88, s3;
	s6 =	simm.s32 @!p1 $0x1082;
	[sflag:s4] =	ssyncset.s32 $0xFFFFF086  }
0x25: {  	[simem:s6], [sflag:s4] =	dma.local [hbm:s3], $0xF7A  }
0x26: {  	[smem:$0x3F80] =	sst s1;
	(tag) =	ssettag s2;
	_ =	strace s9  }
0x27: {  	s1 =	sld [smem:$0x3F90]  }
0x28: {  	s2 =	sld [smem:$0x3F91]  }
0x29: {  	s4 =	sld [smem:$0x3F93]  }
0x2a: {  	p0 =	seq.s32 s5, $0x0;
	s5 =	sld [smem:$0x3F94]  }
0x2b: {  	s6 =	sld [smem:$0x3F95]  }
0x2c: {  	s7 =	sld [smem:$0x3F96]  }
0x2d: {  	s3 =	simm.s32 $0x108;
	s8 =	sld [smem:$0x3F97]  }
0x2e: {  	s3 =	simm.s32 @!p0 $0x1082;
	s9 =	sld [smem:$0x3F98]  }
0x2f: {  	lr =	sadd.s32 s0, s3;
	s0 =	sld [smem:$0x3F8F]  }
0x30: {  	s3 =	sld [smem:$0x3F92]  }
0x31: {  	[smem:$0x3F9B] =	sst s10  }
0x32: {  	s10 =	sld [smem:$0x3F99];
	_ =	sdelay $0x3  }
0x33: {  	p0 =	seq.s32 s10, $0x1;
	s10 =	sld [smem:$0x3F9B];
	_ =	sdelay $0x3  }
0x34: {  	[smem:$0x3F9B] =	sst s10  }
0x35: {  	s10 =	sld [smem:$0x3F9A];
	_ =	sdelay $0x3  }
0x36: {  	p1 =	seq.s32 s10, $0x1;
	s10 =	sld [smem:$0x3F9B];
	_ =	sdelay $0x3  }
0x37: {  	[smem:$0x3F9B] =	sst s10  }
0x38: {  	s10 =	sld [smem:$0x3F9C]  }
0x39: {  	_ = 	snop;
	(pc) =	sbr.ind lr, $3  }
0x3a: {  	_ = 	snop  }
0x3b: {  	_ = 	snop  }
0x3c: {  	p2 =	seq.s32 s10, $0x1;
	s10 =	sld [smem:$0x3F9B]  }
0x3d: {  	_ =	shalt  }
0x3e: {  	_ =	shalt  }
0x3f: {  	_ =	shalt  }
0x40: {  	_ =	shalt  }
0x41: {  	_ =	shalt  }
0x42: {  	_ =	shalt  }
0x43: {  	_ =	shalt  }
0x44: {  	_ =	shalt  }
0x45: {  	_ =	shalt  }
0x46: {  	_ =	shalt  }
0x47: {  	_ =	shalt  }
0x48: {  	_ =	shalt  }
0x49: {  	_ =	shalt  }
0x4a: {  	_ =	shalt  }
0x4b: {  	_ =	shalt  }
0x4c: {  	_ =	shalt  }
0x4d: {  	_ =	shalt  }
0x4e: {  	_ =	shalt  }
0x4f: {  	_ =	shalt  }
0x50: {  	_ =	shalt  }
0x51: {  	_ =	shalt  }
0x52: {  	_ =	shalt  }
0x53: {  	_ =	shalt  }
0x54: {  	_ =	shalt  }
0x55: {  	_ =	shalt  }
0x56: {  	_ =	shalt  }
0x57: {  	_ =	shalt  }
0x58: {  	_ =	shalt  }
0x59: {  	_ =	shalt  }
0x5a: {  	_ =	shalt  }
0x5b: {  	_ =	shalt  }
0x5c: {  	_ =	shalt  }
0x5d: {  	_ =	shalt  }
0x5e: {  	_ =	shalt  }
0x5f: {  	_ =	shalt  }
0x60: {  	_ =	shalt  }
0x61: {  	_ =	shalt  }
0x62: {  	_ =	shalt  }
0x63: {  	_ =	shalt  }
0x64: {  	_ =	shalt  }
0x65: {  	_ =	shalt  }
0x66: {  	_ =	shalt  }
0x67: {  	_ =	shalt  }
0x68: {  	_ =	shalt  }
0x69: {  	_ =	shalt  }
0x6a: {  	_ =	shalt  }
0x6b: {  	_ =	shalt  }
0x6c: {  	_ =	shalt  }
0x6d: {  	_ =	shalt  }
0x6e: {  	_ =	shalt  }
0x6f: {  	_ =	shalt  }
0x70: {  	_ =	shalt  }
0x71: {  	_ =	shalt  }
0x72: {  	_ =	shalt  }
0x73: {  	_ =	shalt  }
0x74: {  	_ =	shalt  }
0x75: {  	_ =	shalt  }
0x76: {  	_ =	shalt  }
0x77: {  	_ =	shalt  }
0x78: {  	_ =	shalt  }
0x79: {  	_ =	shalt  }
0x7a: {  	_ =	shalt  }
0x7b: {  	_ =	shalt  }
0x7c: {  	_ =	shalt  }
0x7d: {  	_ =	shalt  }
0x7e: {  	_ =	shalt  }
0x7f: {  	_ =	shalt  }
0x80: {  	_ =	shalt  }
0x81: {  	_ =	shalt  }
0x82: {  	_ =	shalt  }
0x83: {  	_ =	shalt  }
0x84: {  	_ =	shalt  }
0x85: {  	_ =	shalt  }
0x86: {  	_ =	shalt  }
0x87: {  	_ =	shalt  }
.Lfunc_end0:
.L_simem_size_0:
called_computation_lowered:
.L_overlay_start_0:
0x88: {  	s2 =	sld [smem:$0x3FD9]  }
0x89: {  	s3 =	sld [smem:$0x3FFE];
	_ =	sdelay $0x1  }
0x8a: {  	s1 =	srdreg.scid  }
0x8b: {  	s0 =	sand.u32 $0x1, s1  }
0x8c: {  	s16 =	sshll.u32 s0, $0xA;
	s2 =	sadd.s32 s3, s2  }
0x8d: {  	s2 =	sadd.s32 s2, s16  }
0x8e: {  	[smem:$0x3FA7] =	sst s2  }
0x8f: {  	_ = 	snop  }
0x90: {  	(tm) =	ssettm $0x1  }
0x91: {  	s17 =	sld [smem:$0x3FFB];
	_ =	sdelay $0x3  }
0x92: {  	_ =	strace s17  }
0x93: {  	s2 =	sld [smem:$0x3FFC];
	_ =	sdelay $0x3  }
0x94: {  	_ =	strace s2  }
0x95: {  	s2 =	sld [smem:$0x3FFD];
	_ =	sdelay $0x3  }
0x96: {  	_ =	strace s2  }
0x97: {  	_ =	strace $0x8FFFFFFF  }
0x98: {  	s18 =	sld [smem:$0x3FDB];
	_ =	sdelay $0x1  }
0x99: {  	s19 =	simm.s32 $_scs_section_size  }
0x9a: {  	s4 =	simm.s32 $_size__tile_overlayer_lowered;
	s5 =	simm.s32 $_tile_overlayer_lowered  }
0x9b: {  	s22 =	simm.s32 $0x1BFF;
	s21 =	sshll.u32 s5, $0x1;
	s2 =	sadd.s32 s19, s18  }
0x9c: {  	s6 =	simm.s32 $0x0;
	s20 =	sshll.u32 s4, $0x1;
	s4 =	sadd.s32 s21, s2  }
0x9d: {  	[timem:s6], [sflag:s22] =	dma.local [hbm:s4], s20  }
0x9e: {  	_ =	swait.ge [sflag:s22], s20  }
0x9f: {  	s3 =	ssub.s32 $0x0, s20;
	[sflag:s22] =	ssyncset.done $0x0  }
0xa0: {  	[sflag:s22] =	ssyncadd.s32 s3;
	_ =	sdelay $0x1  }
0xa1: {  	s23 =	simm.s32 $0x1B8B  }
0xa2: {  	_ =	swait.ge [sflag:s23], $0x1  }
0xa3: {  	[sflag:s23] =	ssyncset.done $0x0  }
0xa4: {  	s25 =	simm.s32 $0x1B8E;
	s24 =	sld [smem:$0x3FFE];
	[sflag:s23] =	ssyncadd.s32 $0xFFFFFFFF  }
0xa5: {  	s26 =	simm.s32 $execute0_lowered;
	[smem:$0x3FD2] =	sst s25  }
0xa6: {  	s4 =	sshll.u32 s26, $0x1;
	_ =	strace $0x80000046;
	[dreg:$0x1] =	wrdreg $0xFFFFFFFF  }
0xa7: {  	s28 =	simm.s32 $_size_execute0_lowered;
	s2 =	sadd.s32 s2, s4;
	[dreg:$0x0] =	wrdreg $0x0  }
0xa8: {  	s4 =	sshll.u32 s28, $0x1;
	[dreg:$0x2] =	wrdreg s2  }
0xa9: {  	[dreg:$0x3] =	wrdreg s4  }
0xaa: {  	[dreg:$0x4] =	wrdreg $0xC0  }
0xab: {  	_ =	task [dreg:s6], $0x5FFFF  }
0xac: {  	[dreg:$0x1] =	wrdreg $0xFFFFFFFF  }
0xad: {  	[dreg:$0x0] =	wrdreg $0x60  }
0xae: {  	[dreg:$0x2] =	wrdreg s24  }
0xaf: {  	[dreg:$0x3] =	wrdreg $0xBC000  }
0xb0: {  	[dreg:$0x4] =	wrdreg $0x164000  }
0xb1: {  	[dreg:$0x5] =	wrdreg $0x9  }
0xb2: {  	_ =	task.clear_ibuf [dreg:s6], $0x6FFFF;
	_ =	strace $0x90000046  }
0xb3: {  	s29 =	simm.s32 $0x9;
	_ =	strace $0x80000048  }
0xb4: {  	_ =	swait.ge [sflag:s29], $0x1  }
0xb5: {  	[sflag:s29] =	ssyncadd.s32 $0xFFFFFFFF  }
0xb6: {  	_ =	strace $0x90000048  }
0xb7: {  	_ =	sfence  }
0xb8: {  	s30 =	sld [smem:$0x0];
	_ =	sdelay $0x2  }
0xb9: {  	s31 =	sshll.u32 s1, $0xD;
	s1 =	sshrl.u32 s1, $0x2  }
0xba: {  	s3 =	sand.u32 $0x4000, s31;
	s1 =	sadd.s32 s1, s30  }
0xbb: {  	s0 =	sor.u32 s3, s0;
	s1 =	sshll.u32 s1, $0x11  }
0xbc: {  	s0 =	sor.u32 s1, s0  }
0xbd: {  	s0 =	sadd.s32 $0x8F2B, s0  }
0xbe: {  	[sflag:s0] =	ssyncadd.remote.s32 $0x1  }
0xbf: {  	_ =	sfence.sel $0xFFFF  }
0xc0: {  	[dreg:$0x0] =	wrdreg $0xFFFFFFFF;
	(pc) =	sbr.abs _section_cstart, $3  }
0xc1: {  	[dreg:$0x1] =	wrdreg $0xFFFFFFFF  }
0xc2: {  	_ =	task.clear_ibuf [dreg:s6], $0x2FFFF;
	_ =	strace $0x9FFFFFFF  }
0xc3: {  	(tm) =	ssettm $0x7FFFFFFF  }
tec
execute0_lowered:
.L_overlay_start_1:
0x0: {  	(tag) =	ssettag $0x1  }
0x1: {  	s0 =	rddreg [dreg:$0x0]  }
0x2: {  	s11 =	stileid.u32;
	s1 =	rddreg [dreg:$0x1]  }
0x3: {  	s4 =	srdreg.scid;
	s2 =	smul.u32 $0x3C, s11  }
0x4: {  	s3 =	rddreg [dreg:$0x2];
	s8 =	simm.s32 $0x0;
	s5 =	smul.u32 $0x14, s11  }
0x5: {  	s12 =	simm.s32 $0x3C;
	s28 =	simm.s32 $0x3C00;
	s6 =	smul.u32 $0xA000, s11  }
0x6: {  	s29 =	simm.s32 $0x5C00;
	s30 =	simm.s32 $0x15C00;
	s9 =	smul.u32 $0x2800, s11  }
0x7: {  	s31 =	simm.s32 $0x3;
	s4 =	sand.u32 $0x1, s4;
	s26 =	smul.u32 $0x280, s11  }
0x8: {  	[smem:$0x7FF] =	sst s8;
	s7 =	smul.u32 $0xA0000, s4;
	p0 =	seq.s32 s4, $0x0  }
0x9: {  	s10 =	smul.u32 $0x28000, s4;
	_ =	strace $0x80000047;
	s4 =	ssub.s32 $0x2, s4  }
0xa: {  	s8 =	sadd.s32 $0x3C0, s5;
	s5 =	sadd.s32 $0xFA00, s0;
	s25 =	sshrl.u32 s4, $0x1  }
0xb: {  	s12 =	simm.s32 @!p0 $0x14;
	s15 =	sadd.s32 $0x80, s26;
	s17 =	sadd.s32 $0x100, s26  }
0xc: {  	s21 =	sadd.s32 $0x200, s26;
	s8 =	smov.u32 @p0 s2;
	s7 =	sadd.s32 s6, s7  }
0xd: {  	s24 =	sadd.s32 s9, s10;
	s4 =	ssub.s32 s4, s25;
	s9 =	sadd.s32 s9, s3  }
0xe: {  	s16 =	sshll.u32 s15, $0x6;
	s18 =	sshll.u32 s17, $0x6;
	s22 =	sshll.u32 s21, $0x6  }
0xf: {  	s25 =	simm.s32 $0x7C00;
	s2 =	sshll.u32 s8, $0x4;
	s7 =	sshrl.u32 s7, $0x3  }
0x10: {  	s8 =	sshrl.u32 s24, $0x3;
	s24 =	sshll.u32 s12, $0x9;
	[dreg:$0x4] =	wrdreg s25  }
0x11: {  	s2 =	sadd.s32 s2, s0;
	s7 =	sadd.s32 s7, s0;
	s0 =	sadd.s32 s8, s0  }
0x12: {  	s8 =	sadd.s32 s6, s1;
	s6 =	sadd.s32 s16, s1;
	[dreg:$0x6] =	wrdreg s24  }
0x13: {  	s25 =	simm.s32 $0x2;
	s14 =	sadd.s32 $0x5200, s2;
	[dreg:$0x9] =	wrdreg s6  }
0x14: {  	s24 =	simm.s32 $0x1;
	s2 =	sadd.s32 $0xA5C0, s2;
	[dreg:$0x7] =	wrdreg s14  }
0x15: {  	s6 =	sadd.s32 s18, s1;
	s18 =	sadd.s32 $0xFFFFFFFE, s12;
	[dreg:$0x8] =	wrdreg s2  }
0x16: {  	s23 =	sadd.s32 $0x2D400, s7;
	s0 =	sadd.s32 $0x23400, s0;
	[dreg:$0xa] =	wrdreg s6  }
0x17: {  	s7 =	simm.s32 $0x0;
	s2 =	sshll.u32 s15, $0x4;
	[dreg:$0xd] =	wrdreg s23  }
0x18: {  	s14 =	sadd.s32 $0x180, s26;
	s6 =	sshll.u32 s21, $0x4;
	[dreg:$0xe] =	wrdreg s0  }
0x19: {  	s21 =	smax.u32 s4, $0x1;
	s26 =	simm.s32 $0x9C00;
	s23 =	simm.s32 $0x9  }
0x1a: {  	s0 =	simm.s32 $0x5;
	s4 =	simm.s32 $0x7;
	s11 =	sadd.s32 s2, s3  }
0x1b: {  	s2 =	sshll.u32 s17, $0x4;
	s19 =	sshll.u32 s14, $0x6;
	s20 =	sshll.u32 s14, $0x4  }
0x1c: {  	s17 =	sadd.s32 s6, s3;
	[dreg:$0x5] =	wrdreg s26;
	s26 =	simm.s32 $0x80  }
0x1d: {  	s6 =	simm.s32 $0x8;
	s13 =	sadd.s32 s2, s3;
	s2 =	sadd.s32 s19, s1  }
0x1e: {  	s15 =	sadd.s32 s20, s3;
	[dreg:$0xb] =	wrdreg s2;
	s2 =	sadd.s32 s22, s1  }
0x1f: {  	v0 =	vimm.f32 $0.0e+00;
	v1 =	vimm.f32 $1.000000000e+00;
	s22 =	simm.s32 $0x6;
	[dreg:$0xc] =	wrdreg s2;
	s2 =	simm.s32 $0x4  }
.LBB2_1:
0x20: {  	s10 =	simm.s32 $0x0;
	s12 =	rddreg [dreg:$0x7]  }
0x21: {  	[tilespmem:s10], [sflag:$0x1] =	stream.linear.gather [hbm4b:s12+s10], $0x1E00, $0x38;
	[tilespmem:$0x18C00] =	vst v63  }
0x22: {  	s20 =	rddreg [dreg:$0x8];
	s14 =	simm.s32 $0x1E00  }
0x23: {  	[tilespmem:s14], [sflag:$0x2] =	stream.linear.gather [hbm4b:s20+s10], $0x1E00, $0x38;
	[tilespmem:$0x18C00] =	vst v63  }
0x24: {  	s10 =	simm.s32 $0x3C20  }
0x25: {  	[tilespmem:s10+$0x0] =	vst v0  }
0x26: {  	[tilespmem:s10+$0xFFFFFFE0] =	vst v0  }
0x27: {  	[tilespmem:s10+$0x10] =	vst v0  }
0x28: {  	s12 =	simm.s32 $0x40;
	s14 =	simm.s32 $0x0;
	[tilespmem:s10+$0xFFFFFFF0] =	vst v0  }
.LBB2_2:
0x29: {  	p0 =	sne.s32 s12, $0x1FC0  }
0x2a: {  	[tilespmem:s14+$0x15C00] =	vst v1;
	s10 =	sadd.s32 $0x40, s10;
	s14 =	smov.u32 s12;
	s12 =	sadd.s32 $0x40, s12  }
.Ltmp0:
0x2b: {  	[tilespmem:s10+$0x0] =	vst v0;
	(pc) =	sbr.rel @p0 .LBB2_2-.Ltmp0, $4  }
0x2c: {  	_ = 	snop  }
0x2d: {  	[tilespmem:s10+$0xFFFFFFE0] =	vst v0  }
0x2e: {  	[tilespmem:s10+$0x10] =	vst v0  }
0x2f: {  	s14 =	sshra.s32 s14, $0x2;
	[tilespmem:s10+$0xFFFFFFF0] =	vst v0  }
0x30: {  	[tilespmem:s14+$0x15C00] =	vst v1;
	s10 =	simm.s32 $0x3C00  }
0x31: {  	[spmem:s8] =	stream.linear.scatter [tilespmem:s10], [sflag:$0x9], $0x2000, $0x38;
	[tilespmem:$0x18C00] =	vst v63  }
0x32: {  	_ =	swait.ge [sflag:s23], $0x2000  }
0x33: {  	[sflag:s23] =	ssyncset.done $0x0  }
0x34: {  	s12 =	sadd.s32 $0x0, s9;
	[sflag:s23] =	ssyncadd.s32 $0xFFFFE000  }
0x35: {  	[spmem:s12] =	stream.linear.scatter [tilespmem:s10], [sflag:$0x9], $0x10, $0x38;
	[tilespmem:$0x18C00] =	vst v63  }
0x36: {  	s12 =	simm.s32 $0x40  }
.LBB2_4:
0x37: {  	p0 =	sne.s32 s12, $0x1FC0  }
.Ltmp1:
0x38: {  	_ = 	snop;
	(pc) =	sbr.rel @p0 .LBB2_4-.Ltmp1, $4  }
0x39: {  	_ = 	snop  }
0x3a: {  	s14 =	sshra.s32 s12, $0x2;
	s12 =	sadd.s32 $0x40, s12  }
0x3b: {  	s10 =	sadd.s32 $0x40, s10;
	s14 =	sadd.s32 s14, s9  }
0x3c: {  	[spmem:s14] =	stream.linear.scatter [tilespmem:s10], [sflag:$0x9], $0x10, $0x38;
	[tilespmem:$0x18C00] =	vst v63  }
0x3d: {  	_ =	swait.ge [sflag:s23], $0x800  }
0x3e: {  	[sflag:s23] =	ssyncset.done $0x0  }
0x3f: {  	s10 =	simm.s32 $0x3C00;
	s12 =	rddreg [dreg:$0x9];
	[sflag:s23] =	ssyncadd.s32 $0xFFFFF800  }
0x40: {  	[spmem:s12] =	stream.linear.scatter [tilespmem:s10], [sflag:$0x9], $0x2000, $0x38;
	[tilespmem:$0x18C00] =	vst v63  }
0x41: {  	_ =	swait.ge [sflag:s23], $0x2000  }
0x42: {  	[sflag:s23] =	ssyncset.done $0x0  }
0x43: {  	s20 =	sadd.s32 $0x0, s11;
	s12 =	simm.s32 $0x40;
	[sflag:s23] =	ssyncadd.s32 $0xFFFFE000  }
0x44: {  	[spmem:s20] =	stream.linear.scatter [tilespmem:s10], [sflag:$0x9], $0x10, $0x38;
	[tilespmem:$0x18C00] =	vst v63  }
.LBB2_6:
0x45: {  	p0 =	sne.s32 s12, $0x1FC0  }
.Ltmp2:
0x46: {  	_ = 	snop;
	(pc) =	sbr.rel @p0 .LBB2_6-.Ltmp2, $4  }
0x47: {  	_ = 	snop  }
0x48: {  	s14 =	sshra.s32 s12, $0x2;
	s12 =	sadd.s32 $0x40, s12  }
0x49: {  	s10 =	sadd.s32 $0x40, s10;
	s14 =	sadd.s32 s14, s11  }
0x4a: {  	[spmem:s14] =	stream.linear.scatter [tilespmem:s10], [sflag:$0x9], $0x10, $0x38;
	[tilespmem:$0x18C00] =	vst v63  }
0x4b: {  	_ =	swait.ge [sflag:s23], $0x800  }
0x4c: {  	[sflag:s23] =	ssyncset.done $0x0  }
0x4d: {  	s10 =	simm.s32 $0x3C00;
	s12 =	rddreg [dreg:$0xa];
	[sflag:s23] =	ssyncadd.s32 $0xFFFFF800  }
0x4e: {  	[spmem:s12] =	stream.linear.scatter [tilespmem:s10], [sflag:$0x9], $0x2000, $0x38;
	[tilespmem:$0x18C00] =	vst v63  }
0x4f: {  	_ =	swait.ge [sflag:s23], $0x2000  }
0x50: {  	[sflag:s23] =	ssyncset.done $0x0  }
0x51: {  	s20 =	sadd.s32 $0x0, s13;
	s12 =	simm.s32 $0x40;
	[sflag:s23] =	ssyncadd.s32 $0xFFFFE000  }
0x52: {  	[spmem:s20] =	stream.linear.scatter [tilespmem:s10], [sflag:$0x9], $0x10, $0x38;
	[tilespmem:$0x18C00] =	vst v63  }
.LBB2_8:
0x53: {  	p0 =	sne.s32 s12, $0x1FC0  }
.Ltmp3:
0x54: {  	_ = 	snop;
	(pc) =	sbr.rel @p0 .LBB2_8-.Ltmp3, $4  }
0x55: {  	_ = 	snop  }
0x56: {  	s14 =	sshra.s32 s12, $0x2;
	s12 =	sadd.s32 $0x40, s12  }
0x57: {  	s10 =	sadd.s32 $0x40, s10;
	s14 =	sadd.s32 s14, s13  }
0x58: {  	[spmem:s14] =	stream.linear.scatter [tilespmem:s10], [sflag:$0x9], $0x10, $0x38;
	[tilespmem:$0x18C00] =	vst v63  }
0x59: {  	_ =	swait.ge [sflag:s23], $0x800  }
0x5a: {  	[sflag:s23] =	ssyncset.done $0x0  }
0x5b: {  	s10 =	simm.s32 $0x3C00;
	s12 =	rddreg [dreg:$0xb];
	[sflag:s23] =	ssyncadd.s32 $0xFFFFF800  }
0x5c: {  	[spmem:s12] =	stream.linear.scatter [tilespmem:s10], [sflag:$0x9], $0x2000, $0x38;
	[tilespmem:$0x18C00] =	vst v63  }
0x5d: {  	_ =	swait.ge [sflag:s23], $0x2000  }
0x5e: {  	[sflag:s23] =	ssyncset.done $0x0  }
0x5f: {  	s20 =	sadd.s32 $0x0, s15;
	s12 =	simm.s32 $0x40;
	[sflag:s23] =	ssyncadd.s32 $0xFFFFE000  }
0x60: {  	[spmem:s20] =	stream.linear.scatter [tilespmem:s10], [sflag:$0x9], $0x10, $0x38;
	[tilespmem:$0x18C00] =	vst v63  }
.LBB2_10:
0x61: {  	p0 =	sne.s32 s12, $0x1FC0  }
.Ltmp4:
0x62: {  	_ = 	snop;
	(pc) =	sbr.rel @p0 .LBB2_10-.Ltmp4, $4  }
0x63: {  	_ = 	snop  }
0x64: {  	s14 =	sshra.s32 s12, $0x2;
	s12 =	sadd.s32 $0x40, s12  }
0x65: {  	s10 =	sadd.s32 $0x40, s10;
	s14 =	sadd.s32 s14, s15  }
0x66: {  	[spmem:s14] =	stream.linear.scatter [tilespmem:s10], [sflag:$0x9], $0x10, $0x38;
	[tilespmem:$0x18C00] =	vst v63  }
0x67: {  	_ =	swait.ge [sflag:s23], $0x800  }
0x68: {  	[sflag:s23] =	ssyncset.done $0x0  }
0x69: {  	s10 =	simm.s32 $0x3C00;
	s12 =	rddreg [dreg:$0xc];
	[sflag:s23] =	ssyncadd.s32 $0xFFFFF800  }
0x6a: {  	[spmem:s12] =	stream.linear.scatter [tilespmem:s10], [sflag:$0x9], $0x2000, $0x38;
	[tilespmem:$0x18C00] =	vst v63  }
0x6b: {  	_ =	swait.ge [sflag:s23], $0x2000  }
0x6c: {  	[sflag:s23] =	ssyncset.done $0x0  }
0x6d: {  	s20 =	sadd.s32 $0x0, s17;
	s12 =	simm.s32 $0x40;
	[sflag:s23] =	ssyncadd.s32 $0xFFFFE000  }
0x6e: {  	[spmem:s20] =	stream.linear.scatter [tilespmem:s10], [sflag:$0x9], $0x10, $0x38;
	[tilespmem:$0x18C00] =	vst v63  }
.LBB2_12:
0x6f: {  	p0 =	sne.s32 s12, $0x1FC0  }
.Ltmp5:
0x70: {  	_ = 	snop;
	(pc) =	sbr.rel @p0 .LBB2_12-.Ltmp5, $4  }
0x71: {  	_ = 	snop  }
0x72: {  	s14 =	sshra.s32 s12, $0x2;
	s12 =	sadd.s32 $0x40, s12  }
0x73: {  	s10 =	sadd.s32 $0x40, s10;
	s14 =	sadd.s32 s14, s17  }
0x74: {  	[spmem:s14] =	stream.linear.scatter [tilespmem:s10], [sflag:$0x9], $0x10, $0x38;
	[tilespmem:$0x18C00] =	vst v63  }
0x75: {  	_ =	swait.ge [sflag:s23], $0x800  }
0x76: {  	[sflag:s23] =	ssyncset.done $0x0  }
0x77: {  	[sflag:s23] =	ssyncadd.s32 $0xFFFFF800  }
0x78: {  	_ =	swait.ge [sflag:s24], $0x1E00  }
0x79: {  	[sflag:s24] =	ssyncset.done $0x0  }
0x7a: {  	[sflag:s24] =	ssyncadd.s32 $0xFFFFE200  }
0x7b: {  	_ =	swait.ge [sflag:s25], $0x1E00  }
0x7c: {  	[sflag:s25] =	ssyncset.done $0x0  }
0x7d: {  	[sflag:s25] =	ssyncadd.s32 $0xFFFFE200  }
0x7e: {  	s10 =	simm.s32 $0x0;
	[bflag:$0x0] =	sbarrier.arrive $0xFFFF  }
0x7f: {  	[tilespmem:s28], [sflag:$0x1] =	stream.indirect.gather [hbm4b:s5+s26], $0x40, s10, s26, $0xb8;
	[tilespmem:$0x18C00] =	vst v63  }
0x80: {  	s12 =	simm.s32 $0x3  }
0x81: {  	[tilespmem:s29], [sflag:$0x2] =	stream.indirect.gather [hbm4b:s5+s26], $0x40, s26, s26, $0xb8;
	[tilespmem:$0x18C00] =	vst v63  }
.LBB2_14:
0x82: {  	_ =	swait.ge [sflag:s24], $0x2000  }
0x83: {  	s14 =	sshra.s32 s10, $0x2;
	[sflag:s24] =	ssyncset.done $0x0  }
0x84: {  	s19 =	sadd.s32 $0xFFFFFFFD, s12;
	s16 =	sadd.s32 $0x1E00, s14;
	[sflag:s24] =	ssyncadd.s32 $0xFFFFE000  }
0x85: {  	[spmem:s1] =	stream.indirect.scatter.add.f32 [tilespmem:s28], [sflag:$0x5], $0x40, s16, s26, $0xb8;
	[tilespmem:$0x18C00] =	vst v63  }
0x86: {  	p0 =	sge.u32 s19, s18  }
0x87: {  	[spmem:s3] =	stream.indirect.scatter.add.f32 [tilespmem:s30], [sflag:$0x9], $0x10, s16, s26, $0xb8;
	[tilespmem:$0x18C00] =	vst v63  }
0x88: {  	p1 =	seq.s32 @!p0 s10, $0x0;
	_ =	swait.ge [sflag:s23], $0x800  }
0x89: {  	p1 =	por p1, p0;
	[sflag:s23] =	ssyncset.done $0x0  }
0x8a: {  	s16 =	simm.s32 @!p1 $0x7;
	[sflag:s23] =	ssyncadd.s32 $0xFFFFF800  }
0x8b: {  	_ =	swait.ge @!p1 [sflag:s16], $0x2000  }
0x8c: {  	[sflag:s16] =	ssyncset.done @!p1 $0x0  }
0x8d: {  	[sflag:s16] =	ssyncadd.s32 @!p1 $0xFFFFE000;
	s16 =	sshra.s32 @!p0 s10, $0x2  }
0x8e: {  	s19 =	simm.s32 @!p0 $0x80;
	s20 =	simm.s32 @!p0 $0x7C00;
	s16 =	sadd.s32 @!p0 $0x100, s16  }
0x8f: {  	[tilespmem:s20], [sflag:$0x3] =	stream.indirect.gather @!p0 [hbm4b:s5+s19], $0x40, s16, s19, $0xb8;
	[tilespmem:$0x18C00] =	vst v63  }
0x90: {  	_ =	swait.ge [sflag:s25], $0x2000  }
0x91: {  	[sflag:s25] =	ssyncset.done $0x0  }
0x92: {  	s19 =	sadd.s32 $0x1E80, s14;
	s20 =	sadd.s32 $0xFFFFFFFE, s12;
	[sflag:s25] =	ssyncadd.s32 $0xFFFFE000  }
0x93: {  	[spmem:s1] =	stream.indirect.scatter.add.f32 [tilespmem:s29], [sflag:$0x6], $0x40, s19, s26, $0xb8;
	[tilespmem:$0x18C00] =	vst v63  }
0x94: {  	p0 =	sge.u32 s20, s18  }
0x95: {  	[spmem:s3] =	stream.indirect.scatter.add.f32 [tilespmem:s30], [sflag:$0x9], $0x10, s19, s26, $0xb8;
	[tilespmem:$0x18C00] =	vst v63  }
0x96: {  	p1 =	seq.s32 @!p0 s10, $0x0;
	_ =	swait.ge [sflag:s23], $0x800  }
0x97: {  	p1 =	por p1, p0;
	[sflag:s23] =	ssyncset.done $0x0  }
0x98: {  	s16 =	simm.s32 @!p1 $0x8;
	[sflag:s23] =	ssyncadd.s32 $0xFFFFF800  }
0x99: {  	_ =	swait.ge @!p1 [sflag:s16], $0x2000  }
0x9a: {  	[sflag:s16] =	ssyncset.done @!p1 $0x0  }
0x9b: {  	[sflag:s16] =	ssyncadd.s32 @!p1 $0xFFFFE000;
	s16 =	sshra.s32 @!p0 s10, $0x2  }
0x9c: {  	s20 =	simm.s32 @!p0 $0x9C00;
	s19 =	simm.s32 @!p0 $0x80;
	s16 =	sadd.s32 @!p0 $0x180, s16  }
0x9d: {  	[tilespmem:s20], [sflag:$0x4] =	stream.indirect.gather @!p0 [hbm4b:s5+s19], $0x40, s16, s19, $0xb8;
	[tilespmem:$0x18C00] =	vst v63  }
0x9e: {  	_ =	swait.ge [sflag:s31], $0x2000  }
0x9f: {  	[sflag:s31] =	ssyncset.done $0x0  }
0xa0: {  	s20 =	sadd.s32 $0x1F00, s14;
	s19 =	rddreg [dreg:$0x4];
	[sflag:s31] =	ssyncadd.s32 $0xFFFFE000  }
0xa1: {  	[spmem:s1] =	stream.indirect.scatter.add.f32 [tilespmem:s19], [sflag:$0x7], $0x40, s20, s26, $0xb8;
	[tilespmem:$0x18C00] =	vst v63  }
0xa2: {  	_ = 	snop  }
0xa3: {  	[spmem:s3] =	stream.indirect.scatter.add.f32 [tilespmem:s30], [sflag:$0x9], $0x10, s20, s26, $0xb8;
	[tilespmem:$0x18C00] =	vst v63  }
0xa4: {  	s19 =	sadd.s32 $0xFFFFFFFF, s12;
	_ =	swait.ge [sflag:s23], $0x800  }
0xa5: {  	p0 =	sge.u32 s19, s18;
	[sflag:s23] =	ssyncset.done $0x0  }
0xa6: {  	s16 =	simm.s32 @!p0 $0x5;
	[sflag:s23] =	ssyncadd.s32 $0xFFFFF800  }
0xa7: {  	_ =	swait.ge @!p0 [sflag:s16], $0x2000  }
0xa8: {  	[sflag:s16] =	ssyncset.done @!p0 $0x0  }
0xa9: {  	[sflag:s16] =	ssyncadd.s32 @!p0 $0xFFFFE000;
	s16 =	sshra.s32 @!p0 s10, $0x2  }
0xaa: {  	s19 =	simm.s32 @!p0 $0x80;
	s20 =	simm.s32 @!p0 $0x3C00;
	s16 =	sadd.s32 @!p0 $0x200, s16  }
0xab: {  	[tilespmem:s20], [sflag:$0x1] =	stream.indirect.gather @!p0 [hbm4b:s5+s19], $0x40, s16, s19, $0xb8;
	[tilespmem:$0x18C00] =	vst v63  }
0xac: {  	_ =	swait.ge [sflag:s2], $0x2000  }
0xad: {  	[sflag:s2] =	ssyncset.done $0x0  }
0xae: {  	s14 =	sadd.s32 $0x1F80, s14;
	s20 =	rddreg [dreg:$0x5];
	[sflag:s2] =	ssyncadd.s32 $0xFFFFE000  }
0xaf: {  	[spmem:s1] =	stream.indirect.scatter.add.f32 [tilespmem:s20], [sflag:$0x8], $0x40, s14, s26, $0xb8;
	[tilespmem:$0x18C00] =	vst v63  }
0xb0: {  	_ = 	snop  }
0xb1: {  	[spmem:s3] =	stream.indirect.scatter.add.f32 [tilespmem:s30], [sflag:$0x9], $0x10, s14, s26, $0xb8;
	[tilespmem:$0x18C00] =	vst v63  }
0xb2: {  	_ =	swait.ge [sflag:s23], $0x800  }
0xb3: {  	p0 =	sge.u32 s12, s18;
	[sflag:s23] =	ssyncset.done $0x0  }
0xb4: {  	s14 =	simm.s32 @!p0 $0x6;
	[sflag:s23] =	ssyncadd.s32 $0xFFFFF800  }
0xb5: {  	s16 =	sshra.s32 @!p0 s10, $0x2;
	s19 =	simm.s32 @!p0 $0x5C00;
	_ =	swait.ge @!p0 [sflag:s14], $0x2000  }
0xb6: {  	s10 =	sadd.s32 $0x800, s10;
	[sflag:s14] =	ssyncset.done @!p0 $0x0;
	s20 =	rddreg [dreg:$0x6]  }
0xb7: {  	[sflag:s14] =	ssyncadd.s32 @!p0 $0xFFFFE000;
	s14 =	sadd.s32 @!p0 $0x280, s16;
	s16 =	simm.s32 @!p0 $0x80  }
0xb8: {  	[tilespmem:s19], [sflag:$0x2] =	stream.indirect.gather @!p0 [hbm4b:s5+s16], $0x40, s14, s16, $0xb8;
	[tilespmem:$0x18C00] =	vst v63  }
0xb9: {  	p0 =	sne.s32 s20, s10  }
.Ltmp6:
0xba: {  	_ = 	snop;
	(pc) =	sbr.rel @p0 .LBB2_14-.Ltmp6, $2  }
0xbb: {  	_ =	sdelay $0x2  }
0xbc: {  	s12 =	sadd.s32 $0x4, s12  }
0xbd: {  	_ =	swait.ge [sflag:s0], $0x2000  }
0xbe: {  	[sflag:s0] =	ssyncset.done $0x0  }
0xbf: {  	[sflag:s0] =	ssyncadd.s32 $0xFFFFE000  }
0xc0: {  	_ =	swait.ge [sflag:s22], $0x2000  }
0xc1: {  	[sflag:s22] =	ssyncset.done $0x0  }
0xc2: {  	[sflag:s22] =	ssyncadd.s32 $0xFFFFE000  }
0xc3: {  	_ =	swait.ge [sflag:s4], $0x2000  }
0xc4: {  	[sflag:s4] =	ssyncset.done $0x0  }
0xc5: {  	[sflag:s4] =	ssyncadd.s32 $0xFFFFE000  }
0xc6: {  	_ =	swait.ge [sflag:s6], $0x2000  }
0xc7: {  	[sflag:s6] =	ssyncset.done $0x0  }
0xc8: {  	s10 =	stileid.u32;
	[sflag:s6] =	ssyncadd.s32 $0xFFFFE000  }
0xc9: {  	s10 =	sshll.u32 s10, $0x6;
	[bflag:$0x0] =	sbarrier.arrive $0xFFFF  }
0xca: {  	s12 =	sshrl.u32 s8, $0x3;
	s10 =	sor.u32 $0x1C09, s10;
	s14 =	rddreg [dreg:$0xd]  }
0xcb: {  	[hbm:s14], [sflag:s10] =	dma.local [spmem:s12], $0x1400  }
0xcc: {  	s7 =	sadd.s32 $0x1, s7;
	_ =	swait.ge [sflag:s23], $0x1400  }
0xcd: {  	s19 =	sshrl.u32 s9, $0x3;
	p0 =	sne.s32 s7, s21;
	[sflag:s23] =	ssyncset.done $0x0  }
.Ltmp7:
0xce: {  	s20 =	rddreg [dreg:$0xe];
	[sflag:s23] =	ssyncadd.s32 $0xFFFFEC00;
	(pc) =	sbr.rel @p0 .LBB2_1-.Ltmp7, $4  }
0xcf: {  	[hbm:s20], [sflag:s10] =	dma.local [spmem:s19], $0x500  }
0xd0: {  	_ =	swait.ge [sflag:s23], $0x500  }
0xd1: {  	[sflag:s23] =	ssyncset.done $0x0  }
0xd2: {  	[sflag:s23] =	ssyncadd.s32 $0xFFFFFB00  }
0xd3: {  	_ =	sfence.sel $0x180000  }
0xd4: {  	[bflag:$0x0] =	sbarrier.arrive $0xFFFF  }
0xd5: {  	_ =	strace $0x90000047  }
0xd6: {  	s0 =	stileid.u32;
	[bflag:$0x2] =	sbarrier.arrive $0xFFFF  }
0xd7: {  	p0 =	sne.s32 s0, $0x0;
	s0 =	rddreg [dreg:$0x3]  }
0xd8: {  	s0 =	sadd.s32 @!p0 $0x100000, s0  }
0xd9: {  	[sflag:s0] =	ssyncadd.tile.s32 @!p0 $0x1;
	_ =	shalt  }
.Lfunc_end2:
_tile_overlayer_lowered:
.L_overlay_start_2:
0xda: {  	(tag) =	ssettag $0x2  }
0xdb: {  	s0 =	rddreg [dreg:$0x0];
	s2 =	stileid.u32  }
0xdc: {  	s1 =	rddreg [dreg:$0x1];
	p0 =	sne.s32 s2, $0x0  }
0xdd: {  	s3 =	rddreg [dreg:$0x2];
	[bflag:$0x3] =	sbarrier.arrive $0xFFFF;
	s2 =	simm.s32 @!p0 $0x1C09  }
0xde: {  	[timem:s3], [sflag:s2] =	dma.local @!p0 [hbm:s0], s1  }
0xdf: {  	s0 =	simm.s32 @!p0 $0x9  }
0xe0: {  	_ =	swait.ge @!p0 [sflag:s0], s1  }
0xe1: {  	s1 =	ssub.s32 @!p0 $0x0, s1;
	[sflag:s0] =	ssyncset.done @!p0 $0x0  }
0xe2: {  	[sflag:s0] =	ssyncadd.s32 @!p0 s1  }
0xe3: {  	[bflag:$0x3] =	sbarrier.arrive $0xFFFF  }
0xe4: {  	_ =	shalt  }

</sc_bundles>
